<compile_context>
chip_gen: v7x
topology: tpu7x:2x2x1
jax: 0.10.2.dev20260603
libtpu: 0.0.44.dev20260713+nightly
codegen_flags: <defaults>
</compile_context>

<pallas_src>
import jax
import jax.numpy as jnp
from jax import lax
from jax.experimental import pallas as pl
from jax.experimental.pallas import tpu as pltpu
from jax.experimental.pallas import tpu_sc as plsc

EMB_DIM = 64
BATCH = 4096
LCTX = 20
NNEG = 5
NWORK = 32
LANES = 16

P_TOT = BATCH * LCTX
P_PER_W = P_TOT // NWORK
R_STEP = 8
P_CHUNK = R_STEP * LCTX
P_STEPS = P_PER_W // P_CHUNK

B_PER_W = BATCH // NWORK
N_STEPS = B_PER_W // R_STEP
NV_CHUNK = R_STEP * NNEG

LUT_PAD = 1232

OFF_GU = 0
OFF_GV = P_TOT
OFF_GNU = 2 * P_TOT
OFF_GNV = 3 * P_TOT
OUT_ROWS = 3 * P_TOT + BATCH * NNEG


def _lane_sum(v):
    for sh in (8, 4, 2, 1):
        v = v + jnp.take(v, lax.iota(jnp.int32, LANES) ^ sh)
    return v


def _score_to_idx(score):
    s = jnp.minimum(jnp.maximum(score, -6.0), 6.0)
    return ((s + 6.01) * 100.0).astype(jnp.int32)


def _fetch_idx_rows(idx_h, rb, width, dst_v, sem):
    def cp(r, c):
        pltpu.async_copy(idx_h.at[rb + r, :], dst_v.at[r, pl.ds(0, width)],
                         sem)
        return c
    lax.fori_loop(0, R_STEP, cp, 0)


def _drain_words(hbm_1d, vmem_1d, nwords, sem):
    pltpu.make_async_copy(hbm_1d.at[pl.ds(0, nwords)],
                          vmem_1d.at[pl.ds(0, nwords)], sem).wait()


def _issue_20(table, i20_v, dst_v, sem):
    def issue(r, c):
        iv0 = i20_v[r, pl.ds(0, LANES)]
        iv1 = i20_v[r, pl.ds(LANES, LANES)]
        base = r * LCTX
        for j in range(LANES):
            pltpu.async_copy(table.at[iv0[j]], dst_v.at[base + j], sem)
        for j in range(LCTX - LANES):
            pltpu.async_copy(table.at[iv1[j]], dst_v.at[base + LANES + j],
                             sem)
        return c
    lax.fori_loop(0, R_STEP, issue, 0)


def _sc_body(u_w, v_w, lutp, lutn, pos_u, pos_v, neg_u, neg_v, out,
             lutp_v, lutn_v, iu_v, iv_v, embu_v, embv_v, gu_v, gv_v,
             inv_v, embnv_v, gnv_v, sem, isem, osem):
    wid = lax.axis_index("s") * 2 + lax.axis_index("c")

    pltpu.sync_copy(lutp, lutp_v)
    pltpu.sync_copy(lutn, lutn_v)

    def _drain_g160():
        pltpu.make_async_copy(u_w.at[pl.ds(0, P_CHUNK), :], gu_v,
                              osem).wait()

    def _drain_g40():
        pltpu.make_async_copy(u_w.at[pl.ds(0, NV_CHUNK), :], gnv_v,
                              osem).wait()

    def pos_step(s, carry):
        rb = wid * (B_PER_W) + s * R_STEP
        off = wid * P_PER_W + s * P_CHUNK

        @pl.when(s > 0)
        def _():
            _drain_g160()
            _drain_g160()

        _fetch_idx_rows(pos_u, rb, LCTX, iu_v, isem)
        _fetch_idx_rows(pos_v, rb, LCTX, iv_v, isem)
        _drain_words(lutp, lutp_v, 2 * R_STEP * LCTX, isem)
        _issue_20(u_w, iu_v, embu_v, sem)
        _issue_20(v_w, iv_v, embv_v, sem)
        pltpu.make_async_copy(u_w.at[pl.ds(0, P_CHUNK), :], embu_v,
                              sem).wait()
        pltpu.make_async_copy(u_w.at[pl.ds(0, P_CHUNK), :], embv_v,
                              sem).wait()

        def prow(r2, carry2):
            for r in (r2 * 2, r2 * 2 + 1):
                uu = [embu_v[r, pl.ds(k * LANES, LANES)] for k in range(4)]
                vv = [embv_v[r, pl.ds(k * LANES, LANES)] for k in range(4)]
                prod = uu[0] * vv[0]
                for k in range(1, 4):
                    prod = prod + uu[k] * vv[k]
                score = _lane_sum(prod)[0]
                coef = lutp_v[pl.ds(_score_to_idx(score), LANES)][0]
                for k in range(4):
                    gv_v[r, pl.ds(k * LANES, LANES)] = coef * uu[k]
                    gu_v[r, pl.ds(k * LANES, LANES)] = coef * vv[k]
            return carry2

        lax.fori_loop(0, P_CHUNK // 2, prow, 0)
        pltpu.async_copy(gu_v, out.at[pl.ds(OFF_GU + off, P_CHUNK)], osem)
        pltpu.async_copy(gv_v, out.at[pl.ds(OFF_GV + off, P_CHUNK)], osem)
        return carry

    lax.fori_loop(0, P_STEPS, pos_step, 0)

    def neg_step(s, carry):
        rb = wid * B_PER_W + s * R_STEP
        offu = rb * LCTX
        offv = rb * NNEG

        @pl.when(s == 0)
        def _():
            _drain_g160()
            _drain_g160()

        @pl.when(s > 0)
        def _():
            _drain_g160()
            _drain_g40()

        _fetch_idx_rows(neg_u, rb, LCTX, iu_v, isem)
        _fetch_idx_rows(neg_v, rb, NNEG, inv_v, isem)
        _drain_words(lutp, lutp_v, R_STEP * (LCTX + NNEG), isem)
        _issue_20(u_w, iu_v, embu_v, sem)

        def issue5(r, c):
            iv5 = inv_v[r, pl.ds(0, LANES)]
            for j in range(NNEG):
                pltpu.async_copy(v_w.at[iv5[j]], embnv_v.at[r * NNEG + j],
                                 sem)
            return c
        lax.fori_loop(0, R_STEP, issue5, 0)
        pltpu.make_async_copy(u_w.at[pl.ds(0, P_CHUNK), :], embu_v,
                              sem).wait()
        pltpu.make_async_copy(u_w.at[pl.ds(0, NV_CHUNK), :], embnv_v,
                              sem).wait()

        def item(b, carry2):
            urow0 = b * LCTX
            vrow0 = b * NNEG
            vv = [[embnv_v[vrow0 + n, pl.ds(k * LANES, LANES)]
                   for k in range(4)] for n in range(NNEG)]

            def lrow(l, gnv_acc):
                uu = [embu_v[urow0 + l, pl.ds(k * LANES, LANES)]
                      for k in range(4)]
                gnu_row = None
                new_acc = []
                for n in range(NNEG):
                    prod = uu[0] * vv[n][0]
                    for k in range(1, 4):
                        prod = prod + uu[k] * vv[n][k]
                    score = _lane_sum(prod)[0]
                    coef = lutn_v[pl.ds(_score_to_idx(score), LANES)][0]
                    if gnu_row is None:
                        gnu_row = [coef * vv[n][k] for k in range(4)]
                    else:
                        gnu_row = [gnu_row[k] + coef * vv[n][k]
                                   for k in range(4)]
                    new_acc.append(tuple(gnv_acc[n][k] + coef * uu[k]
                                         for k in range(4)))
                for k in range(4):
                    gu_v[urow0 + l, pl.ds(k * LANES, LANES)] = gnu_row[k]
                return tuple(new_acc)

            zeros = jnp.zeros((LANES,), jnp.float32)
            init = tuple(tuple(zeros for _ in range(4)) for _ in range(NNEG))
            gnv_acc = lax.fori_loop(0, LCTX, lrow, init)
            for n in range(NNEG):
                for k in range(4):
                    gnv_v[vrow0 + n, pl.ds(k * LANES, LANES)] = gnv_acc[n][k]
            return carry2

        lax.fori_loop(0, R_STEP, item, 0)
        pltpu.async_copy(gu_v, out.at[pl.ds(OFF_GNU + offu, P_CHUNK)], osem)
        pltpu.async_copy(gnv_v, out.at[pl.ds(OFF_GNV + offv, NV_CHUNK)],
                         osem)
        return carry

    lax.fori_loop(0, N_STEPS, neg_step, 0)
    _drain_g160()
    _drain_g40()


@jax.jit
def _run(u_weight, v_weight, lutp, lutn, pos_u, pos_v, neg_u, neg_v):
    mesh = plsc.VectorSubcoreMesh(core_axis_name="c", subcore_axis_name="s",
                                  num_cores=2, num_subcores=16)
    f = pl.kernel(
        _sc_body,
        out_type=jax.ShapeDtypeStruct((OUT_ROWS, EMB_DIM), jnp.float32),
        mesh=mesh,
        scratch_types=[
            pltpu.VMEM((LUT_PAD,), jnp.float32),
            pltpu.VMEM((LUT_PAD,), jnp.float32),
            pltpu.VMEM((R_STEP, 2 * LANES), jnp.int32),
            pltpu.VMEM((R_STEP, 2 * LANES), jnp.int32),
            pltpu.VMEM((P_CHUNK, EMB_DIM), jnp.float32),
            pltpu.VMEM((P_CHUNK, EMB_DIM), jnp.float32),
            pltpu.VMEM((P_CHUNK, EMB_DIM), jnp.float32),
            pltpu.VMEM((P_CHUNK, EMB_DIM), jnp.float32),
            pltpu.VMEM((R_STEP, LANES), jnp.int32),
            pltpu.VMEM((NV_CHUNK, EMB_DIM), jnp.float32),
            pltpu.VMEM((NV_CHUNK, EMB_DIM), jnp.float32),
            pltpu.SemaphoreType.DMA,
            pltpu.SemaphoreType.DMA,
            pltpu.SemaphoreType.DMA,
        ],
    )
    return f(u_weight, v_weight, lutp, lutn, pos_u, pos_v, neg_u, neg_v)


def kernel(u_weight, v_weight, lookup_table, pos_u, pos_v, neg_u, neg_v, lr):
    lutp = (1.0 - lookup_table) * lr
    lutn = -lookup_table * (1.0 * lr)
    pad = LUT_PAD - lutp.shape[0]
    lutp = jnp.pad(lutp.astype(jnp.float32), (0, pad))
    lutn = jnp.pad(lutn.astype(jnp.float32), (0, pad))
    return _run(
        u_weight, v_weight, lutp, lutn,
        pos_u.astype(jnp.int32),
        pos_v.astype(jnp.int32),
        neg_u.astype(jnp.int32),
        neg_v.astype(jnp.int32),
    )

# --- scband reference (transcript-rebuilt; emitter-appended) ---
"""Pipeline reference for scband-skip-gram-model-76536317215155 (READ-ONLY COPY).

The authoritative reference and input builder live on the scoring server;
editing this copy changes nothing except your own understanding.
"""

import jax, jax.numpy as jnp
import numpy as np

EMB_SIZE = 1000000
EMB_DIM = 64
B = 4096
L = 20
NNEG = 5
NEG_WEIGHT = 1.0


def setup_inputs(seed: int = 0) -> dict:
    key = jax.random.key(seed)
    k1, k2, k3, k4, k5, k6 = jax.random.split(key, 6)
    pos_u = jax.random.randint(k1, (B, L), 0, EMB_SIZE, dtype=jnp.int64) if jax.config.jax_enable_x64 else jax.random.randint(k1, (B, L), 0, EMB_SIZE)
    pos_v = jax.random.randint(k2, (B, L), 0, EMB_SIZE)
    neg_u = jax.random.randint(k3, (B, L), 0, EMB_SIZE)
    neg_v = jax.random.randint(k4, (B, NNEG), 0, EMB_SIZE)
    initrange = 1.0 / EMB_DIM
    u_weight = jax.random.uniform(k5, (EMB_SIZE, EMB_DIM), minval=-initrange, maxval=initrange, dtype=jnp.float32)
    # original inits v to zeros; use small random values so scores are non-degenerate
    v_weight = jax.random.uniform(k6, (EMB_SIZE, EMB_DIM), minval=-initrange, maxval=initrange, dtype=jnp.float32)
    lookup_table = jax.nn.sigmoid(jnp.arange(-6.01, 6.01, 0.01, dtype=jnp.float32))
    lookup_table = lookup_table.at[0].set(0.0)
    lookup_table = lookup_table.at[-1].set(1.0)
    return {
        "u_weight": u_weight,
        "v_weight": v_weight,
        "lookup_table": lookup_table,
        "pos_u": pos_u,
        "pos_v": pos_v,
        "neg_u": neg_u,
        "neg_v": neg_v,
        "lr": 0.01,
    }


def reference(u_weight, v_weight, lookup_table, pos_u, pos_v, neg_u, neg_v, lr):
    # Faithful translation of SkipGramModel.fast_learn_multi (grad computation via
    # sigmoid lookup table; returns the computed sparse-gradient blocks).
    emb_dim = u_weight.shape[1]
    emb_u = jnp.take(u_weight, pos_u, axis=0)        # [B, L, D]
    emb_v = jnp.take(v_weight, pos_v, axis=0)        # [B, L, D]
    emb_neg_u = jnp.take(u_weight, neg_u, axis=0)    # [B, L, D]
    emb_neg_v = jnp.take(v_weight, neg_v, axis=0)    # [B, N, D]

    pos_score = jnp.sum(emb_u * emb_v, axis=2)
    pos_score = jnp.clip(pos_score, -6.0, 6.0)
    idx = jnp.floor((pos_score + 6.01) / 0.01).astype(jnp.int32)
    sigmoid_score = jnp.take(lookup_table, idx, axis=0)
    sigmoid_score = (1.0 - sigmoid_score)[..., None]
    grad_v = (sigmoid_score * emb_u).reshape(-1, emb_dim)
    grad_u = (sigmoid_score * emb_v).reshape(-1, emb_dim)

    neg_score = jnp.einsum('bld,bnd->bln', emb_neg_u, emb_neg_v)
    neg_score = jnp.clip(neg_score, -6.0, 6.0)
    idx_n = jnp.floor((neg_score + 6.01) / 0.01).astype(jnp.int32)
    sig_n = -jnp.take(lookup_table, idx_n, axis=0)   # [B, L, N]
    grad_neg_v = jnp.einsum('bnl,bld->bnd', jnp.transpose(sig_n, (0, 2, 1)), emb_neg_u).reshape(-1, emb_dim)
    grad_neg_u = jnp.einsum('bln,bnd->bld', sig_n, emb_neg_v).reshape(-1, emb_dim)

    grad_v = grad_v * lr
    grad_u = grad_u * lr
    grad_neg_v = grad_neg_v * (NEG_WEIGHT * lr)
    grad_neg_u = grad_neg_u * (NEG_WEIGHT * lr)
    return jnp.concatenate([grad_u, grad_v, grad_neg_u, grad_neg_v], axis=0)

if __name__ == "__main__":
    import jax
    _d = setup_inputs()
    print(jax.jit(kernel)(*tuple(_d.values())))

</pallas_src>

<mosaic_0001>
#map = affine_map<(d0, d1) -> (0, 0)>
#map1 = affine_map<(d0, d1) -> (0)>
module attributes {stable_mosaic.version = 14 : i64} {
  func.func @_sc_body(%arg0: i32, %arg1: i32, %arg2: memref<1000000x64xf32, #tpu.memory_space<hbm>>, %arg3: memref<1000000x64xf32, #tpu.memory_space<hbm>>, %arg4: memref<1232xf32, #tpu.memory_space<hbm>>, %arg5: memref<1232xf32, #tpu.memory_space<hbm>>, %arg6: memref<4096x20xi32, #tpu.memory_space<hbm>>, %arg7: memref<4096x20xi32, #tpu.memory_space<hbm>>, %arg8: memref<4096x20xi32, #tpu.memory_space<hbm>>, %arg9: memref<4096x5xi32, #tpu.memory_space<hbm>>, %arg10: memref<266240x64xf32, #tpu.memory_space<hbm>>, %arg11: memref<1232xf32, #tpu.memory_space<vmem>>, %arg12: memref<1232xf32, #tpu.memory_space<vmem>>, %arg13: memref<8x32xi32, #tpu.memory_space<vmem>>, %arg14: memref<8x32xi32, #tpu.memory_space<vmem>>, %arg15: memref<160x64xf32, #tpu.memory_space<vmem>>, %arg16: memref<160x64xf32, #tpu.memory_space<vmem>>, %arg17: memref<160x64xf32, #tpu.memory_space<vmem>>, %arg18: memref<160x64xf32, #tpu.memory_space<vmem>>, %arg19: memref<8x16xi32, #tpu.memory_space<vmem>>, %arg20: memref<40x64xf32, #tpu.memory_space<vmem>>, %arg21: memref<40x64xf32, #tpu.memory_space<vmem>>, %arg22: memref<!tpu.dma_semaphore, #tpu.memory_space<semaphore_mem>>, %arg23: memref<!tpu.dma_semaphore, #tpu.memory_space<semaphore_mem>>, %arg24: memref<!tpu.dma_semaphore, #tpu.memory_space<semaphore_mem>>) attributes {dimension_semantics = [#tpu.dimension_semantics<core_parallel>, #tpu.dimension_semantics<subcore_parallel>], iteration_bounds = array<i64: 2, 16>, scalar_prefetch = 0 : i64, scratch_operands = 14 : i64, tpu.core_type = #tpu.core_type<sc_vector_subcore>, window_params = [{transform_indices = #map}, {transform_indices = #map}, {transform_indices = #map1}, {transform_indices = #map1}, {transform_indices = #map}, {transform_indices = #map}, {transform_indices = #map}, {transform_indices = #map}, {transform_indices = #map}]} {
    %mul3A = arith.constant 2 : i32
    %mul3A_0 = arith.muli %arg1, %mul3A : i32
    %add3A = arith.addi %mul3A_0, %arg0 : i32
    "tpu.region"() ({
      %run_scoped3A = tpu.sem_alloc : memref<!tpu.dma_semaphore, #tpu.memory_space<semaphore_mem>>
      tpu.enqueue_dma source(%arg4 : memref<1232xf32, #tpu.memory_space<hbm>>) target(%arg11 : memref<1232xf32, #tpu.memory_space<vmem>>) target_semaphore(%run_scoped3A : memref<!tpu.dma_semaphore, #tpu.memory_space<semaphore_mem>>)
      tpu.wait_dma2 semaphore(%run_scoped3A : memref<!tpu.dma_semaphore, #tpu.memory_space<semaphore_mem>>) src(%arg4 : memref<1232xf32, #tpu.memory_space<hbm>>) dst(%arg11 : memref<1232xf32, #tpu.memory_space<vmem>>)
      tpu.yield
    }) : () -> ()
    "tpu.region"() ({
      %run_scoped3A = tpu.sem_alloc : memref<!tpu.dma_semaphore, #tpu.memory_space<semaphore_mem>>
      tpu.enqueue_dma source(%arg5 : memref<1232xf32, #tpu.memory_space<hbm>>) target(%arg12 : memref<1232xf32, #tpu.memory_space<vmem>>) target_semaphore(%run_scoped3A : memref<!tpu.dma_semaphore, #tpu.memory_space<semaphore_mem>>)
      tpu.wait_dma2 semaphore(%run_scoped3A : memref<!tpu.dma_semaphore, #tpu.memory_space<semaphore_mem>>) src(%arg5 : memref<1232xf32, #tpu.memory_space<hbm>>) dst(%arg12 : memref<1232xf32, #tpu.memory_space<vmem>>)
      tpu.yield
    }) : () -> ()
    %scan3A = arith.constant 0 : i32
    %scan3A_1 = arith.constant 0 : i32
    %scan3A_2 = arith.constant 16 : i32
    %scan3A_3 = arith.addi %scan3A_1, %scan3A_2 : i32
    %scan3A_4 = arith.constant 1 : i32
    scf.for %scan3A_23 = %scan3A_1 to %scan3A_3 step %scan3A_4  : i32 {
      %mul3A_24 = arith.constant 128 : i32
      %mul3A_25 = arith.muli %add3A, %mul3A_24 : i32
      %mul3A_26 = arith.constant 8 : i32
      %mul3A_27 = arith.muli %scan3A_23, %mul3A_26 : i32
      %add3A_28 = arith.addi %mul3A_25, %mul3A_27 : i32
      %mul3A_29 = arith.constant 2560 : i32
      %mul3A_30 = arith.muli %add3A, %mul3A_29 : i32
      %mul3A_31 = arith.constant 160 : i32
      %mul3A_32 = arith.muli %scan3A_23, %mul3A_31 : i32
      %add3A_33 = arith.addi %mul3A_30, %mul3A_32 : i32
      %gt3A = arith.constant 0 : i32
      %gt3A_34 = arith.cmpi sgt, %scan3A_23, %gt3A : i32
      %convert_element_type3A = arith.extui %gt3A_34 : i1 to i32
      %cond3A = arith.constant 0 : i32
      %cond3A_35 = arith.cmpi ne, %convert_element_type3A, %cond3A : i32
      scf.if %cond3A_35 {
        %dma_wait3A_97 = arith.constant 0 : i32
        %dma_wait3A_98 = arith.constant 0 : i32
        %dma_wait3A_99 = tpu.memref_slice %arg2[%dma_wait3A_97, %dma_wait3A_98] : memref<1000000x64xf32, #tpu.memory_space<hbm>> -> memref<160x64xf32, #tpu.memory_space<hbm>>
        %dma_wait3A_100 = arith.constant 0 : i32
        %dma_wait3A_101 = arith.constant 0 : i32
        %dma_wait3A_102 = tpu.memref_slice %arg2[%dma_wait3A_100, %dma_wait3A_101] : memref<1000000x64xf32, #tpu.memory_space<hbm>> -> memref<160x64xf32, #tpu.memory_space<hbm>>
        tpu.wait_dma2 semaphore(%arg24 : memref<!tpu.dma_semaphore, #tpu.memory_space<semaphore_mem>>) src(%dma_wait3A_102 : memref<160x64xf32, #tpu.memory_space<hbm>>) dst(%arg17 : memref<160x64xf32, #tpu.memory_space<vmem>>)
        %dma_wait3A_103 = arith.constant 0 : i32
        %dma_wait3A_104 = arith.constant 0 : i32
        %dma_wait3A_105 = tpu.memref_slice %arg2[%dma_wait3A_103, %dma_wait3A_104] : memref<1000000x64xf32, #tpu.memory_space<hbm>> -> memref<160x64xf32, #tpu.memory_space<hbm>>
        %dma_wait3A_106 = arith.constant 0 : i32
        %dma_wait3A_107 = arith.constant 0 : i32
        %dma_wait3A_108 = tpu.memref_slice %arg2[%dma_wait3A_106, %dma_wait3A_107] : memref<1000000x64xf32, #tpu.memory_space<hbm>> -> memref<160x64xf32, #tpu.memory_space<hbm>>
        tpu.wait_dma2 semaphore(%arg24 : memref<!tpu.dma_semaphore, #tpu.memory_space<semaphore_mem>>) src(%dma_wait3A_108 : memref<160x64xf32, #tpu.memory_space<hbm>>) dst(%arg17 : memref<160x64xf32, #tpu.memory_space<vmem>>)
      } else {
      }
      %scan3A_36 = arith.constant 0 : i32
      %scan3A_37 = arith.constant 0 : i32
      %scan3A_38 = arith.constant 8 : i32
      %scan3A_39 = arith.addi %scan3A_37, %scan3A_38 : i32
      %scan3A_40 = arith.constant 1 : i32
      scf.for %scan3A_97 = %scan3A_37 to %scan3A_39 step %scan3A_40  : i32 {
        %add3A_98 = arith.addi %add3A_28, %scan3A_97 : i32
        %dma_start3A_99 = arith.constant 0 : i32
        %dma_start3A_100 = tpu.memref_slice %arg13[%scan3A_97, %dma_start3A_99] : memref<8x32xi32, #tpu.memory_space<vmem>> -> memref<1x20xi32, #tpu.memory_space<vmem>>
        %dma_start3A_101 = tpu.memref_squeeze %dma_start3A_100 : memref<1x20xi32, #tpu.memory_space<vmem>> -> memref<20xi32, #tpu.memory_space<vmem>>
        %dma_start3A_102 = arith.constant 0 : i32
        %dma_start3A_103 = tpu.memref_slice %arg6[%add3A_98, %dma_start3A_102] : memref<4096x20xi32, #tpu.memory_space<hbm>> -> memref<1x20xi32, #tpu.memory_space<hbm>>
        %dma_start3A_104 = tpu.memref_squeeze %dma_start3A_103 : memref<1x20xi32, #tpu.memory_space<hbm>> -> memref<20xi32, #tpu.memory_space<hbm>>
        %dma_start3A_105 = arith.constant 0 : i32
        %dma_start3A_106 = tpu.memref_slice %arg13[%scan3A_97, %dma_start3A_105] : memref<8x32xi32, #tpu.memory_space<vmem>> -> memref<1x20xi32, #tpu.memory_space<vmem>>
        %dma_start3A_107 = tpu.memref_squeeze %dma_start3A_106 : memref<1x20xi32, #tpu.memory_space<vmem>> -> memref<20xi32, #tpu.memory_space<vmem>>
        %dma_start3A_108 = arith.constant 0 : i32
        %dma_start3A_109 = tpu.memref_slice %arg6[%add3A_98, %dma_start3A_108] : memref<4096x20xi32, #tpu.memory_space<hbm>> -> memref<1x20xi32, #tpu.memory_space<hbm>>
        %dma_start3A_110 = tpu.memref_squeeze %dma_start3A_109 : memref<1x20xi32, #tpu.memory_space<hbm>> -> memref<20xi32, #tpu.memory_space<hbm>>
        tpu.enqueue_dma source(%dma_start3A_110 : memref<20xi32, #tpu.memory_space<hbm>>) target(%dma_start3A_107 : memref<20xi32, #tpu.memory_space<vmem>>) target_semaphore(%arg23 : memref<!tpu.dma_semaphore, #tpu.memory_space<semaphore_mem>>)
      }
      %scan3A_41 = arith.constant 8 : i32
      %scan3A_42 = arith.constant 0 : i32
      %scan3A_43 = arith.constant 0 : i32
      %scan3A_44 = arith.constant 8 : i32
      %scan3A_45 = arith.addi %scan3A_43, %scan3A_44 : i32
      %scan3A_46 = arith.constant 1 : i32
      scf.for %scan3A_97 = %scan3A_43 to %scan3A_45 step %scan3A_46  : i32 {
        %add3A_98 = arith.addi %add3A_28, %scan3A_97 : i32
        %dma_start3A_99 = arith.constant 0 : i32
        %dma_start3A_100 = tpu.memref_slice %arg14[%scan3A_97, %dma_start3A_99] : memref<8x32xi32, #tpu.memory_space<vmem>> -> memref<1x20xi32, #tpu.memory_space<vmem>>
        %dma_start3A_101 = tpu.memref_squeeze %dma_start3A_100 : memref<1x20xi32, #tpu.memory_space<vmem>> -> memref<20xi32, #tpu.memory_space<vmem>>
        %dma_start3A_102 = arith.constant 0 : i32
        %dma_start3A_103 = tpu.memref_slice %arg7[%add3A_98, %dma_start3A_102] : memref<4096x20xi32, #tpu.memory_space<hbm>> -> memref<1x20xi32, #tpu.memory_space<hbm>>
        %dma_start3A_104 = tpu.memref_squeeze %dma_start3A_103 : memref<1x20xi32, #tpu.memory_space<hbm>> -> memref<20xi32, #tpu.memory_space<hbm>>
        %dma_start3A_105 = arith.constant 0 : i32
        %dma_start3A_106 = tpu.memref_slice %arg14[%scan3A_97, %dma_start3A_105] : memref<8x32xi32, #tpu.memory_space<vmem>> -> memref<1x20xi32, #tpu.memory_space<vmem>>
        %dma_start3A_107 = tpu.memref_squeeze %dma_start3A_106 : memref<1x20xi32, #tpu.memory_space<vmem>> -> memref<20xi32, #tpu.memory_space<vmem>>
        %dma_start3A_108 = arith.constant 0 : i32
        %dma_start3A_109 = tpu.memref_slice %arg7[%add3A_98, %dma_start3A_108] : memref<4096x20xi32, #tpu.memory_space<hbm>> -> memref<1x20xi32, #tpu.memory_space<hbm>>
        %dma_start3A_110 = tpu.memref_squeeze %dma_start3A_109 : memref<1x20xi32, #tpu.memory_space<hbm>> -> memref<20xi32, #tpu.memory_space<hbm>>
        tpu.enqueue_dma source(%dma_start3A_110 : memref<20xi32, #tpu.memory_space<hbm>>) target(%dma_start3A_107 : memref<20xi32, #tpu.memory_space<vmem>>) target_semaphore(%arg23 : memref<!tpu.dma_semaphore, #tpu.memory_space<semaphore_mem>>)
      }
      %scan3A_47 = arith.constant 8 : i32
      %dma_wait3A_48 = arith.constant 0 : i32
      %dma_wait3A_49 = tpu.memref_slice %arg11[%dma_wait3A_48] : memref<1232xf32, #tpu.memory_space<vmem>> -> memref<320xf32, #tpu.memory_space<vmem>>
      %dma_wait3A_50 = arith.constant 0 : i32
      %dma_wait3A_51 = tpu.memref_slice %arg4[%dma_wait3A_50] : memref<1232xf32, #tpu.memory_space<hbm>> -> memref<320xf32, #tpu.memory_space<hbm>>
      %dma_wait3A_52 = arith.constant 0 : i32
      %dma_wait3A_53 = tpu.memref_slice %arg11[%dma_wait3A_52] : memref<1232xf32, #tpu.memory_space<vmem>> -> memref<320xf32, #tpu.memory_space<vmem>>
      %dma_wait3A_54 = arith.constant 0 : i32
      %dma_wait3A_55 = tpu.memref_slice %arg4[%dma_wait3A_54] : memref<1232xf32, #tpu.memory_space<hbm>> -> memref<320xf32, #tpu.memory_space<hbm>>
      tpu.wait_dma2 semaphore(%arg23 : memref<!tpu.dma_semaphore, #tpu.memory_space<semaphore_mem>>) src(%dma_wait3A_55 : memref<320xf32, #tpu.memory_space<hbm>>) dst(%dma_wait3A_53 : memref<320xf32, #tpu.memory_space<vmem>>)
      %scan3A_56 = arith.constant 0 : i32
      %scan3A_57 = arith.constant 0 : i32
      %scan3A_58 = arith.constant 8 : i32
      %scan3A_59 = arith.addi %scan3A_57, %scan3A_58 : i32
      %scan3A_60 = arith.constant 1 : i32
      scf.for %scan3A_97 = %scan3A_57 to %scan3A_59 step %scan3A_60  : i32 {
        %get3A = arith.index_cast %scan3A_97 : i32 to index
        %get3A_98 = arith.constant 0 : index
        %get3A_99 = tpu.vector_load %arg13[%get3A, %get3A_98] {strides = array<i32>} : memref<8x32xi32, #tpu.memory_space<vmem>>, vector<1x16xi32>,
        %get3A_100 = vector.shape_cast %get3A_99 : vector<1x16xi32> to vector<16xi32>
        %get3A_101 = arith.index_cast %scan3A_97 : i32 to index
        %get3A_102 = arith.constant 16 : index
        %get3A_103 = tpu.vector_load %arg13[%get3A_101, %get3A_102] {strides = array<i32>} : memref<8x32xi32, #tpu.memory_space<vmem>>, vector<1x16xi32>,
        %get3A_104 = vector.shape_cast %get3A_103 : vector<1x16xi32> to vector<16xi32>
        %mul3A_105 = arith.constant 20 : i32
        %mul3A_106 = arith.muli %scan3A_97, %mul3A_105 : i32
        %slice3A = vector.extract_strided_slice %get3A_100 {offsets = [0], sizes = [1], strides = [1]} : vector<16xi32> to vector<1xi32>
        %squeeze3A = vector.extract %slice3A[0] : i32 from vector<1xi32>
        %add3A_107 = arith.constant 0 : i32
        %add3A_108 = arith.addi %mul3A_106, %add3A_107 : i32
        %dma_start3A_109 = arith.constant 0 : i32
        %dma_start3A_110 = tpu.memref_slice %arg15[%add3A_108, %dma_start3A_109] : memref<160x64xf32, #tpu.memory_space<vmem>> -> memref<1x64xf32, #tpu.memory_space<vmem>>
        %dma_start3A_111 = tpu.memref_squeeze %dma_start3A_110 : memref<1x64xf32, #tpu.memory_space<vmem>> -> memref<64xf32, #tpu.memory_space<vmem>>
        %dma_start3A_112 = arith.constant 0 : i32
        %dma_start3A_113 = tpu.memref_slice %arg2[%squeeze3A, %dma_start3A_112] : memref<1000000x64xf32, #tpu.memory_space<hbm>> -> memref<1x64xf32, #tpu.memory_space<hbm>>
        %dma_start3A_114 = tpu.memref_squeeze %dma_start3A_113 : memref<1x64xf32, #tpu.memory_space<hbm>> -> memref<64xf32, #tpu.memory_space<hbm>>
        %dma_start3A_115 = arith.constant 0 : i32
        %dma_start3A_116 = tpu.memref_slice %arg15[%add3A_108, %dma_start3A_115] : memref<160x64xf32, #tpu.memory_space<vmem>> -> memref<1x64xf32, #tpu.memory_space<vmem>>
        %dma_start3A_117 = tpu.memref_squeeze %dma_start3A_116 : memref<1x64xf32, #tpu.memory_space<vmem>> -> memref<64xf32, #tpu.memory_space<vmem>>
        %dma_start3A_118 = arith.constant 0 : i32
        %dma_start3A_119 = tpu.memref_slice %arg2[%squeeze3A, %dma_start3A_118] : memref<1000000x64xf32, #tpu.memory_space<hbm>> -> memref<1x64xf32, #tpu.memory_space<hbm>>
        %dma_start3A_120 = tpu.memref_squeeze %dma_start3A_119 : memref<1x64xf32, #tpu.memory_space<hbm>> -> memref<64xf32, #tpu.memory_space<hbm>>
        tpu.enqueue_dma source(%dma_start3A_120 : memref<64xf32, #tpu.memory_space<hbm>>) target(%dma_start3A_117 : memref<64xf32, #tpu.memory_space<vmem>>) target_semaphore(%arg22 : memref<!tpu.dma_semaphore, #tpu.memory_space<semaphore_mem>>)
        %slice3A_121 = vector.extract_strided_slice %get3A_100 {offsets = [1], sizes = [1], strides = [1]} : vector<16xi32> to vector<1xi32>
        %squeeze3A_122 = vector.extract %slice3A_121[0] : i32 from vector<1xi32>
        %add3A_123 = arith.constant 1 : i32
        %add3A_124 = arith.addi %mul3A_106, %add3A_123 : i32
        %dma_start3A_125 = arith.constant 0 : i32
        %dma_start3A_126 = tpu.memref_slice %arg15[%add3A_124, %dma_start3A_125] : memref<160x64xf32, #tpu.memory_space<vmem>> -> memref<1x64xf32, #tpu.memory_space<vmem>>
        %dma_start3A_127 = tpu.memref_squeeze %dma_start3A_126 : memref<1x64xf32, #tpu.memory_space<vmem>> -> memref<64xf32, #tpu.memory_space<vmem>>
        %dma_start3A_128 = arith.constant 0 : i32
        %dma_start3A_129 = tpu.memref_slice %arg2[%squeeze3A_122, %dma_start3A_128] : memref<1000000x64xf32, #tpu.memory_space<hbm>> -> memref<1x64xf32, #tpu.memory_space<hbm>>
        %dma_start3A_130 = tpu.memref_squeeze %dma_start3A_129 : memref<1x64xf32, #tpu.memory_space<hbm>> -> memref<64xf32, #tpu.memory_space<hbm>>
        %dma_start3A_131 = arith.constant 0 : i32
        %dma_start3A_132 = tpu.memref_slice %arg15[%add3A_124, %dma_start3A_131] : memref<160x64xf32, #tpu.memory_space<vmem>> -> memref<1x64xf32, #tpu.memory_space<vmem>>
        %dma_start3A_133 = tpu.memref_squeeze %dma_start3A_132 : memref<1x64xf32, #tpu.memory_space<vmem>> -> memref<64xf32, #tpu.memory_space<vmem>>
        %dma_start3A_134 = arith.constant 0 : i32
        %dma_start3A_135 = tpu.memref_slice %arg2[%squeeze3A_122, %dma_start3A_134] : memref<1000000x64xf32, #tpu.memory_space<hbm>> -> memref<1x64xf32, #tpu.memory_space<hbm>>
        %dma_start3A_136 = tpu.memref_squeeze %dma_start3A_135 : memref<1x64xf32, #tpu.memory_space<hbm>> -> memref<64xf32, #tpu.memory_space<hbm>>
        tpu.enqueue_dma source(%dma_start3A_136 : memref<64xf32, #tpu.memory_space<hbm>>) target(%dma_start3A_133 : memref<64xf32, #tpu.memory_space<vmem>>) target_semaphore(%arg22 : memref<!tpu.dma_semaphore, #tpu.memory_space<semaphore_mem>>)
        %slice3A_137 = vector.extract_strided_slice %get3A_100 {offsets = [2], sizes = [1], strides = [1]} : vector<16xi32> to vector<1xi32>
        %squeeze3A_138 = vector.extract %slice3A_137[0] : i32 from vector<1xi32>
        %add3A_139 = arith.constant 2 : i32
        %add3A_140 = arith.addi %mul3A_106, %add3A_139 : i32
        %dma_start3A_141 = arith.constant 0 : i32
        %dma_start3A_142 = tpu.memref_slice %arg15[%add3A_140, %dma_start3A_141] : memref<160x64xf32, #tpu.memory_space<vmem>> -> memref<1x64xf32, #tpu.memory_space<vmem>>
        %dma_start3A_143 = tpu.memref_squeeze %dma_start3A_142 : memref<1x64xf32, #tpu.memory_space<vmem>> -> memref<64xf32, #tpu.memory_space<vmem>>
        %dma_start3A_144 = arith.constant 0 : i32
        %dma_start3A_145 = tpu.memref_slice %arg2[%squeeze3A_138, %dma_start3A_144] : memref<1000000x64xf32, #tpu.memory_space<hbm>> -> memref<1x64xf32, #tpu.memory_space<hbm>>
        %dma_start3A_146 = tpu.memref_squeeze %dma_start3A_145 : memref<1x64xf32, #tpu.memory_space<hbm>> -> memref<64xf32, #tpu.memory_space<hbm>>
        %dma_start3A_147 = arith.constant 0 : i32
        %dma_start3A_148 = tpu.memref_slice %arg15[%add3A_140, %dma_start3A_147] : memref<160x64xf32, #tpu.memory_space<vmem>> -> memref<1x64xf32, #tpu.memory_space<vmem>>
        %dma_start3A_149 = tpu.memref_squeeze %dma_start3A_148 : memref<1x64xf32, #tpu.memory_space<vmem>> -> memref<64xf32, #tpu.memory_space<vmem>>
        %dma_start3A_150 = arith.constant 0 : i32
        %dma_start3A_151 = tpu.memref_slice %arg2[%squeeze3A_138, %dma_start3A_150] : memref<1000000x64xf32, #tpu.memory_space<hbm>> -> memref<1x64xf32, #tpu.memory_space<hbm>>
        %dma_start3A_152 = tpu.memref_squeeze %dma_start3A_151 : memref<1x64xf32, #tpu.memory_space<hbm>> -> memref<64xf32, #tpu.memory_space<hbm>>
        tpu.enqueue_dma source(%dma_start3A_152 : memref<64xf32, #tpu.memory_space<hbm>>) target(%dma_start3A_149 : memref<64xf32, #tpu.memory_space<vmem>>) target_semaphore(%arg22 : memref<!tpu.dma_semaphore, #tpu.memory_space<semaphore_mem>>)
        %slice3A_153 = vector.extract_strided_slice %get3A_100 {offsets = [3], sizes = [1], strides = [1]} : vector<16xi32> to vector<1xi32>
        %squeeze3A_154 = vector.extract %slice3A_153[0] : i32 from vector<1xi32>
        %add3A_155 = arith.constant 3 : i32
        %add3A_156 = arith.addi %mul3A_106, %add3A_155 : i32
        %dma_start3A_157 = arith.constant 0 : i32
        %dma_start3A_158 = tpu.memref_slice %arg15[%add3A_156, %dma_start3A_157] : memref<160x64xf32, #tpu.memory_space<vmem>> -> memref<1x64xf32, #tpu.memory_space<vmem>>
        %dma_start3A_159 = tpu.memref_squeeze %dma_start3A_158 : memref<1x64xf32, #tpu.memory_space<vmem>> -> memref<64xf32, #tpu.memory_space<vmem>>
        %dma_start3A_160 = arith.constant 0 : i32
        %dma_start3A_161 = tpu.memref_slice %arg2[%squeeze3A_154, %dma_start3A_160] : memref<1000000x64xf32, #tpu.memory_space<hbm>> -> memref<1x64xf32, #tpu.memory_space<hbm>>
        %dma_start3A_162 = tpu.memref_squeeze %dma_start3A_161 : memref<1x64xf32, #tpu.memory_space<hbm>> -> memref<64xf32, #tpu.memory_space<hbm>>
        %dma_start3A_163 = arith.constant 0 : i32
        %dma_start3A_164 = tpu.memref_slice %arg15[%add3A_156, %dma_start3A_163] : memref<160x64xf32, #tpu.memory_space<vmem>> -> memref<1x64xf32, #tpu.memory_space<vmem>>
        %dma_start3A_165 = tpu.memref_squeeze %dma_start3A_164 : memref<1x64xf32, #tpu.memory_space<vmem>> -> memref<64xf32, #tpu.memory_space<vmem>>
        %dma_start3A_166 = arith.constant 0 : i32
        %dma_start3A_167 = tpu.memref_slice %arg2[%squeeze3A_154, %dma_start3A_166] : memref<1000000x64xf32, #tpu.memory_space<hbm>> -> memref<1x64xf32, #tpu.memory_space<hbm>>
        %dma_start3A_168 = tpu.memref_squeeze %dma_start3A_167 : memref<1x64xf32, #tpu.memory_space<hbm>> -> memref<64xf32, #tpu.memory_space<hbm>>
        tpu.enqueue_dma source(%dma_start3A_168 : memref<64xf32, #tpu.memory_space<hbm>>) target(%dma_start3A_165 : memref<64xf32, #tpu.memory_space<vmem>>) target_semaphore(%arg22 : memref<!tpu.dma_semaphore, #tpu.memory_space<semaphore_mem>>)
        %slice3A_169 = vector.extract_strided_slice %get3A_100 {offsets = [4], sizes = [1], strides = [1]} : vector<16xi32> to vector<1xi32>
        %squeeze3A_170 = vector.extract %slice3A_169[0] : i32 from vector<1xi32>
        %add3A_171 = arith.constant 4 : i32
        %add3A_172 = arith.addi %mul3A_106, %add3A_171 : i32
        %dma_start3A_173 = arith.constant 0 : i32
        %dma_start3A_174 = tpu.memref_slice %arg15[%add3A_172, %dma_start3A_173] : memref<160x64xf32, #tpu.memory_space<vmem>> -> memref<1x64xf32, #tpu.memory_space<vmem>>
        %dma_start3A_175 = tpu.memref_squeeze %dma_start3A_174 : memref<1x64xf32, #tpu.memory_space<vmem>> -> memref<64xf32, #tpu.memory_space<vmem>>
        %dma_start3A_176 = arith.constant 0 : i32
        %dma_start3A_177 = tpu.memref_slice %arg2[%squeeze3A_170, %dma_start3A_176] : memref<1000000x64xf32, #tpu.memory_space<hbm>> -> memref<1x64xf32, #tpu.memory_space<hbm>>
        %dma_start3A_178 = tpu.memref_squeeze %dma_start3A_177 : memref<1x64xf32, #tpu.memory_space<hbm>> -> memref<64xf32, #tpu.memory_space<hbm>>
        %dma_start3A_179 = arith.constant 0 : i32
        %dma_start3A_180 = tpu.memref_slice %arg15[%add3A_172, %dma_start3A_179] : memref<160x64xf32, #tpu.memory_space<vmem>> -> memref<1x64xf32, #tpu.memory_space<vmem>>
        %dma_start3A_181 = tpu.memref_squeeze %dma_start3A_180 : memref<1x64xf32, #tpu.memory_space<vmem>> -> memref<64xf32, #tpu.memory_space<vmem>>
        %dma_start3A_182 = arith.constant 0 : i32
        %dma_start3A_183 = tpu.memref_slice %arg2[%squeeze3A_170, %dma_start3A_182] : memref<1000000x64xf32, #tpu.memory_space<hbm>> -> memref<1x64xf32, #tpu.memory_space<hbm>>
        %dma_start3A_184 = tpu.memref_squeeze %dma_start3A_183 : memref<1x64xf32, #tpu.memory_space<hbm>> -> memref<64xf32, #tpu.memory_space<hbm>>
        tpu.enqueue_dma source(%dma_start3A_184 : memref<64xf32, #tpu.memory_space<hbm>>) target(%dma_start3A_181 : memref<64xf32, #tpu.memory_space<vmem>>) target_semaphore(%arg22 : memref<!tpu.dma_semaphore, #tpu.memory_space<semaphore_mem>>)
        %slice3A_185 = vector.extract_strided_slice %get3A_100 {offsets = [5], sizes = [1], strides = [1]} : vector<16xi32> to vector<1xi32>
        %squeeze3A_186 = vector.extract %slice3A_185[0] : i32 from vector<1xi32>
        %add3A_187 = arith.constant 5 : i32
        %add3A_188 = arith.addi %mul3A_106, %add3A_187 : i32
        %dma_start3A_189 = arith.constant 0 : i32
        %dma_start3A_190 = tpu.memref_slice %arg15[%add3A_188, %dma_start3A_189] : memref<160x64xf32, #tpu.memory_space<vmem>> -> memref<1x64xf32, #tpu.memory_space<vmem>>
        %dma_start3A_191 = tpu.memref_squeeze %dma_start3A_190 : memref<1x64xf32, #tpu.memory_space<vmem>> -> memref<64xf32, #tpu.memory_space<vmem>>
        %dma_start3A_192 = arith.constant 0 : i32
        %dma_start3A_193 = tpu.memref_slice %arg2[%squeeze3A_186, %dma_start3A_192] : memref<1000000x64xf32, #tpu.memory_space<hbm>> -> memref<1x64xf32, #tpu.memory_space<hbm>>
        %dma_start3A_194 = tpu.memref_squeeze %dma_start3A_193 : memref<1x64xf32, #tpu.memory_space<hbm>> -> memref<64xf32, #tpu.memory_space<hbm>>
        %dma_start3A_195 = arith.constant 0 : i32
        %dma_start3A_196 = tpu.memref_slice %arg15[%add3A_188, %dma_start3A_195] : memref<160x64xf32, #tpu.memory_space<vmem>> -> memref<1x64xf32, #tpu.memory_space<vmem>>
        %dma_start3A_197 = tpu.memref_squeeze %dma_start3A_196 : memref<1x64xf32, #tpu.memory_space<vmem>> -> memref<64xf32, #tpu.memory_space<vmem>>
        %dma_start3A_198 = arith.constant 0 : i32
        %dma_start3A_199 = tpu.memref_slice %arg2[%squeeze3A_186, %dma_start3A_198] : memref<1000000x64xf32, #tpu.memory_space<hbm>> -> memref<1x64xf32, #tpu.memory_space<hbm>>
        %dma_start3A_200 = tpu.memref_squeeze %dma_start3A_199 : memref<1x64xf32, #tpu.memory_space<hbm>> -> memref<64xf32, #tpu.memory_space<hbm>>
        tpu.enqueue_dma source(%dma_start3A_200 : memref<64xf32, #tpu.memory_space<hbm>>) target(%dma_start3A_197 : memref<64xf32, #tpu.memory_space<vmem>>) target_semaphore(%arg22 : memref<!tpu.dma_semaphore, #tpu.memory_space<semaphore_mem>>)
        %slice3A_201 = vector.extract_strided_slice %get3A_100 {offsets = [6], sizes = [1], strides = [1]} : vector<16xi32> to vector<1xi32>
        %squeeze3A_202 = vector.extract %slice3A_201[0] : i32 from vector<1xi32>
        %add3A_203 = arith.constant 6 : i32
        %add3A_204 = arith.addi %mul3A_106, %add3A_203 : i32
        %dma_start3A_205 = arith.constant 0 : i32
        %dma_start3A_206 = tpu.memref_slice %arg15[%add3A_204, %dma_start3A_205] : memref<160x64xf32, #tpu.memory_space<vmem>> -> memref<1x64xf32, #tpu.memory_space<vmem>>
        %dma_start3A_207 = tpu.memref_squeeze %dma_start3A_206 : memref<1x64xf32, #tpu.memory_space<vmem>> -> memref<64xf32, #tpu.memory_space<vmem>>
        %dma_start3A_208 = arith.constant 0 : i32
        %dma_start3A_209 = tpu.memref_slice %arg2[%squeeze3A_202, %dma_start3A_208] : memref<1000000x64xf32, #tpu.memory_space<hbm>> -> memref<1x64xf32, #tpu.memory_space<hbm>>
        %dma_start3A_210 = tpu.memref_squeeze %dma_start3A_209 : memref<1x64xf32, #tpu.memory_space<hbm>> -> memref<64xf32, #tpu.memory_space<hbm>>
        %dma_start3A_211 = arith.constant 0 : i32
        %dma_start3A_212 = tpu.memref_slice %arg15[%add3A_204, %dma_start3A_211] : memref<160x64xf32, #tpu.memory_space<vmem>> -> memref<1x64xf32, #tpu.memory_space<vmem>>
        %dma_start3A_213 = tpu.memref_squeeze %dma_start3A_212 : memref<1x64xf32, #tpu.memory_space<vmem>> -> memref<64xf32, #tpu.memory_space<vmem>>
        %dma_start3A_214 = arith.constant 0 : i32
        %dma_start3A_215 = tpu.memref_slice %arg2[%squeeze3A_202, %dma_start3A_214] : memref<1000000x64xf32, #tpu.memory_space<hbm>> -> memref<1x64xf32, #tpu.memory_space<hbm>>
        %dma_start3A_216 = tpu.memref_squeeze %dma_start3A_215 : memref<1x64xf32, #tpu.memory_space<hbm>> -> memref<64xf32, #tpu.memory_space<hbm>>
        tpu.enqueue_dma source(%dma_start3A_216 : memref<64xf32, #tpu.memory_space<hbm>>) target(%dma_start3A_213 : memref<64xf32, #tpu.memory_space<vmem>>) target_semaphore(%arg22 : memref<!tpu.dma_semaphore, #tpu.memory_space<semaphore_mem>>)
        %slice3A_217 = vector.extract_strided_slice %get3A_100 {offsets = [7], sizes = [1], strides = [1]} : vector<16xi32> to vector<1xi32>
        %squeeze3A_218 = vector.extract %slice3A_217[0] : i32 from vector<1xi32>
        %add3A_219 = arith.constant 7 : i32
        %add3A_220 = arith.addi %mul3A_106, %add3A_219 : i32
        %dma_start3A_221 = arith.constant 0 : i32
        %dma_start3A_222 = tpu.memref_slice %arg15[%add3A_220, %dma_start3A_221] : memref<160x64xf32, #tpu.memory_space<vmem>> -> memref<1x64xf32, #tpu.memory_space<vmem>>
        %dma_start3A_223 = tpu.memref_squeeze %dma_start3A_222 : memref<1x64xf32, #tpu.memory_space<vmem>> -> memref<64xf32, #tpu.memory_space<vmem>>
        %dma_start3A_224 = arith.constant 0 : i32
        %dma_start3A_225 = tpu.memref_slice %arg2[%squeeze3A_218, %dma_start3A_224] : memref<1000000x64xf32, #tpu.memory_space<hbm>> -> memref<1x64xf32, #tpu.memory_space<hbm>>
        %dma_start3A_226 = tpu.memref_squeeze %dma_start3A_225 : memref<1x64xf32, #tpu.memory_space<hbm>> -> memref<64xf32, #tpu.memory_space<hbm>>
        %dma_start3A_227 = arith.constant 0 : i32
        %dma_start3A_228 = tpu.memref_slice %arg15[%add3A_220, %dma_start3A_227] : memref<160x64xf32, #tpu.memory_space<vmem>> -> memref<1x64xf32, #tpu.memory_space<vmem>>
        %dma_start3A_229 = tpu.memref_squeeze %dma_start3A_228 : memref<1x64xf32, #tpu.memory_space<vmem>> -> memref<64xf32, #tpu.memory_space<vmem>>
        %dma_start3A_230 = arith.constant 0 : i32
        %dma_start3A_231 = tpu.memref_slice %arg2[%squeeze3A_218, %dma_start3A_230] : memref<1000000x64xf32, #tpu.memory_space<hbm>> -> memref<1x64xf32, #tpu.memory_space<hbm>>
        %dma_start3A_232 = tpu.memref_squeeze %dma_start3A_231 : memref<1x64xf32, #tpu.memory_space<hbm>> -> memref<64xf32, #tpu.memory_space<hbm>>
        tpu.enqueue_dma source(%dma_start3A_232 : memref<64xf32, #tpu.memory_space<hbm>>) target(%dma_start3A_229 : memref<64xf32, #tpu.memory_space<vmem>>) target_semaphore(%arg22 : memref<!tpu.dma_semaphore, #tpu.memory_space<semaphore_mem>>)
        %slice3A_233 = vector.extract_strided_slice %get3A_100 {offsets = [8], sizes = [1], strides = [1]} : vector<16xi32> to vector<1xi32>
        %squeeze3A_234 = vector.extract %slice3A_233[0] : i32 from vector<1xi32>
        %add3A_235 = arith.constant 8 : i32
        %add3A_236 = arith.addi %mul3A_106, %add3A_235 : i32
        %dma_start3A_237 = arith.constant 0 : i32
        %dma_start3A_238 = tpu.memref_slice %arg15[%add3A_236, %dma_start3A_237] : memref<160x64xf32, #tpu.memory_space<vmem>> -> memref<1x64xf32, #tpu.memory_space<vmem>>
        %dma_start3A_239 = tpu.memref_squeeze %dma_start3A_238 : memref<1x64xf32, #tpu.memory_space<vmem>> -> memref<64xf32, #tpu.memory_space<vmem>>
        %dma_start3A_240 = arith.constant 0 : i32
        %dma_start3A_241 = tpu.memref_slice %arg2[%squeeze3A_234, %dma_start3A_240] : memref<1000000x64xf32, #tpu.memory_space<hbm>> -> memref<1x64xf32, #tpu.memory_space<hbm>>
        %dma_start3A_242 = tpu.memref_squeeze %dma_start3A_241 : memref<1x64xf32, #tpu.memory_space<hbm>> -> memref<64xf32, #tpu.memory_space<hbm>>
        %dma_start3A_243 = arith.constant 0 : i32
        %dma_start3A_244 = tpu.memref_slice %arg15[%add3A_236, %dma_start3A_243] : memref<160x64xf32, #tpu.memory_space<vmem>> -> memref<1x64xf32, #tpu.memory_space<vmem>>
        %dma_start3A_245 = tpu.memref_squeeze %dma_start3A_244 : memref<1x64xf32, #tpu.memory_space<vmem>> -> memref<64xf32, #tpu.memory_space<vmem>>
        %dma_start3A_246 = arith.constant 0 : i32
        %dma_start3A_247 = tpu.memref_slice %arg2[%squeeze3A_234, %dma_start3A_246] : memref<1000000x64xf32, #tpu.memory_space<hbm>> -> memref<1x64xf32, #tpu.memory_space<hbm>>
        %dma_start3A_248 = tpu.memref_squeeze %dma_start3A_247 : memref<1x64xf32, #tpu.memory_space<hbm>> -> memref<64xf32, #tpu.memory_space<hbm>>
        tpu.enqueue_dma source(%dma_start3A_248 : memref<64xf32, #tpu.memory_space<hbm>>) target(%dma_start3A_245 : memref<64xf32, #tpu.memory_space<vmem>>) target_semaphore(%arg22 : memref<!tpu.dma_semaphore, #tpu.memory_space<semaphore_mem>>)
        %slice3A_249 = vector.extract_strided_slice %get3A_100 {offsets = [9], sizes = [1], strides = [1]} : vector<16xi32> to vector<1xi32>
        %squeeze3A_250 = vector.extract %slice3A_249[0] : i32 from vector<1xi32>
        %add3A_251 = arith.constant 9 : i32
        %add3A_252 = arith.addi %mul3A_106, %add3A_251 : i32
        %dma_start3A_253 = arith.constant 0 : i32
        %dma_start3A_254 = tpu.memref_slice %arg15[%add3A_252, %dma_start3A_253] : memref<160x64xf32, #tpu.memory_space<vmem>> -> memref<1x64xf32, #tpu.memory_space<vmem>>
        %dma_start3A_255 = tpu.memref_squeeze %dma_start3A_254 : memref<1x64xf32, #tpu.memory_space<vmem>> -> memref<64xf32, #tpu.memory_space<vmem>>
        %dma_start3A_256 = arith.constant 0 : i32
        %dma_start3A_257 = tpu.memref_slice %arg2[%squeeze3A_250, %dma_start3A_256] : memref<1000000x64xf32, #tpu.memory_space<hbm>> -> memref<1x64xf32, #tpu.memory_space<hbm>>
        %dma_start3A_258 = tpu.memref_squeeze %dma_start3A_257 : memref<1x64xf32, #tpu.memory_space<hbm>> -> memref<64xf32, #tpu.memory_space<hbm>>
        %dma_start3A_259 = arith.constant 0 : i32
        %dma_start3A_260 = tpu.memref_slice %arg15[%add3A_252, %dma_start3A_259] : memref<160x64xf32, #tpu.memory_space<vmem>> -> memref<1x64xf32, #tpu.memory_space<vmem>>
        %dma_start3A_261 = tpu.memref_squeeze %dma_start3A_260 : memref<1x64xf32, #tpu.memory_space<vmem>> -> memref<64xf32, #tpu.memory_space<vmem>>
        %dma_start3A_262 = arith.constant 0 : i32
        %dma_start3A_263 = tpu.memref_slice %arg2[%squeeze3A_250, %dma_start3A_262] : memref<1000000x64xf32, #tpu.memory_space<hbm>> -> memref<1x64xf32, #tpu.memory_space<hbm>>
        %dma_start3A_264 = tpu.memref_squeeze %dma_start3A_263 : memref<1x64xf32, #tpu.memory_space<hbm>> -> memref<64xf32, #tpu.memory_space<hbm>>
        tpu.enqueue_dma source(%dma_start3A_264 : memref<64xf32, #tpu.memory_space<hbm>>) target(%dma_start3A_261 : memref<64xf32, #tpu.memory_space<vmem>>) target_semaphore(%arg22 : memref<!tpu.dma_semaphore, #tpu.memory_space<semaphore_mem>>)
        %slice3A_265 = vector.extract_strided_slice %get3A_100 {offsets = [10], sizes = [1], strides = [1]} : vector<16xi32> to vector<1xi32>
        %squeeze3A_266 = vector.extract %slice3A_265[0] : i32 from vector<1xi32>
        %add3A_267 = arith.constant 10 : i32
        %add3A_268 = arith.addi %mul3A_106, %add3A_267 : i32
        %dma_start3A_269 = arith.constant 0 : i32
        %dma_start3A_270 = tpu.memref_slice %arg15[%add3A_268, %dma_start3A_269] : memref<160x64xf32, #tpu.memory_space<vmem>> -> memref<1x64xf32, #tpu.memory_space<vmem>>
        %dma_start3A_271 = tpu.memref_squeeze %dma_start3A_270 : memref<1x64xf32, #tpu.memory_space<vmem>> -> memref<64xf32, #tpu.memory_space<vmem>>
        %dma_start3A_272 = arith.constant 0 : i32
        %dma_start3A_273 = tpu.memref_slice %arg2[%squeeze3A_266, %dma_start3A_272] : memref<1000000x64xf32, #tpu.memory_space<hbm>> -> memref<1x64xf32, #tpu.memory_space<hbm>>
        %dma_start3A_274 = tpu.memref_squeeze %dma_start3A_273 : memref<1x64xf32, #tpu.memory_space<hbm>> -> memref<64xf32, #tpu.memory_space<hbm>>
        %dma_start3A_275 = arith.constant 0 : i32
        %dma_start3A_276 = tpu.memref_slice %arg15[%add3A_268, %dma_start3A_275] : memref<160x64xf32, #tpu.memory_space<vmem>> -> memref<1x64xf32, #tpu.memory_space<vmem>>
        %dma_start3A_277 = tpu.memref_squeeze %dma_start3A_276 : memref<1x64xf32, #tpu.memory_space<vmem>> -> memref<64xf32, #tpu.memory_space<vmem>>
        %dma_start3A_278 = arith.constant 0 : i32
        %dma_start3A_279 = tpu.memref_slice %arg2[%squeeze3A_266, %dma_start3A_278] : memref<1000000x64xf32, #tpu.memory_space<hbm>> -> memref<1x64xf32, #tpu.memory_space<hbm>>
        %dma_start3A_280 = tpu.memref_squeeze %dma_start3A_279 : memref<1x64xf32, #tpu.memory_space<hbm>> -> memref<64xf32, #tpu.memory_space<hbm>>
        tpu.enqueue_dma source(%dma_start3A_280 : memref<64xf32, #tpu.memory_space<hbm>>) target(%dma_start3A_277 : memref<64xf32, #tpu.memory_space<vmem>>) target_semaphore(%arg22 : memref<!tpu.dma_semaphore, #tpu.memory_space<semaphore_mem>>)
        %slice3A_281 = vector.extract_strided_slice %get3A_100 {offsets = [11], sizes = [1], strides = [1]} : vector<16xi32> to vector<1xi32>
        %squeeze3A_282 = vector.extract %slice3A_281[0] : i32 from vector<1xi32>
        %add3A_283 = arith.constant 11 : i32
        %add3A_284 = arith.addi %mul3A_106, %add3A_283 : i32
        %dma_start3A_285 = arith.constant 0 : i32
        %dma_start3A_286 = tpu.memref_slice %arg15[%add3A_284, %dma_start3A_285] : memref<160x64xf32, #tpu.memory_space<vmem>> -> memref<1x64xf32, #tpu.memory_space<vmem>>
        %dma_start3A_287 = tpu.memref_squeeze %dma_start3A_286 : memref<1x64xf32, #tpu.memory_space<vmem>> -> memref<64xf32, #tpu.memory_space<vmem>>
        %dma_start3A_288 = arith.constant 0 : i32
        %dma_start3A_289 = tpu.memref_slice %arg2[%squeeze3A_282, %dma_start3A_288] : memref<1000000x64xf32, #tpu.memory_space<hbm>> -> memref<1x64xf32, #tpu.memory_space<hbm>>
        %dma_start3A_290 = tpu.memref_squeeze %dma_start3A_289 : memref<1x64xf32, #tpu.memory_space<hbm>> -> memref<64xf32, #tpu.memory_space<hbm>>
        %dma_start3A_291 = arith.constant 0 : i32
        %dma_start3A_292 = tpu.memref_slice %arg15[%add3A_284, %dma_start3A_291] : memref<160x64xf32, #tpu.memory_space<vmem>> -> memref<1x64xf32, #tpu.memory_space<vmem>>
        %dma_start3A_293 = tpu.memref_squeeze %dma_start3A_292 : memref<1x64xf32, #tpu.memory_space<vmem>> -> memref<64xf32, #tpu.memory_space<vmem>>
        %dma_start3A_294 = arith.constant 0 : i32
        %dma_start3A_295 = tpu.memref_slice %arg2[%squeeze3A_282, %dma_start3A_294] : memref<1000000x64xf32, #tpu.memory_space<hbm>> -> memref<1x64xf32, #tpu.memory_space<hbm>>
        %dma_start3A_296 = tpu.memref_squeeze %dma_start3A_295 : memref<1x64xf32, #tpu.memory_space<hbm>> -> memref<64xf32, #tpu.memory_space<hbm>>
        tpu.enqueue_dma source(%dma_start3A_296 : memref<64xf32, #tpu.memory_space<hbm>>) target(%dma_start3A_293 : memref<64xf32, #tpu.memory_space<vmem>>) target_semaphore(%arg22 : memref<!tpu.dma_semaphore, #tpu.memory_space<semaphore_mem>>)
        %slice3A_297 = vector.extract_strided_slice %get3A_100 {offsets = [12], sizes = [1], strides = [1]} : vector<16xi32> to vector<1xi32>
        %squeeze3A_298 = vector.extract %slice3A_297[0] : i32 from vector<1xi32>
        %add3A_299 = arith.constant 12 : i32
        %add3A_300 = arith.addi %mul3A_106, %add3A_299 : i32
        %dma_start3A_301 = arith.constant 0 : i32
        %dma_start3A_302 = tpu.memref_slice %arg15[%add3A_300, %dma_start3A_301] : memref<160x64xf32, #tpu.memory_space<vmem>> -> memref<1x64xf32, #tpu.memory_space<vmem>>
        %dma_start3A_303 = tpu.memref_squeeze %dma_start3A_302 : memref<1x64xf32, #tpu.memory_space<vmem>> -> memref<64xf32, #tpu.memory_space<vmem>>
        %dma_start3A_304 = arith.constant 0 : i32
        %dma_start3A_305 = tpu.memref_slice %arg2[%squeeze3A_298, %dma_start3A_304] : memref<1000000x64xf32, #tpu.memory_space<hbm>> -> memref<1x64xf32, #tpu.memory_space<hbm>>
        %dma_start3A_306 = tpu.memref_squeeze %dma_start3A_305 : memref<1x64xf32, #tpu.memory_space<hbm>> -> memref<64xf32, #tpu.memory_space<hbm>>
        %dma_start3A_307 = arith.constant 0 : i32
        %dma_start3A_308 = tpu.memref_slice %arg15[%add3A_300, %dma_start3A_307] : memref<160x64xf32, #tpu.memory_space<vmem>> -> memref<1x64xf32, #tpu.memory_space<vmem>>
        %dma_start3A_309 = tpu.memref_squeeze %dma_start3A_308 : memref<1x64xf32, #tpu.memory_space<vmem>> -> memref<64xf32, #tpu.memory_space<vmem>>
        %dma_start3A_310 = arith.constant 0 : i32
        %dma_start3A_311 = tpu.memref_slice %arg2[%squeeze3A_298, %dma_start3A_310] : memref<1000000x64xf32, #tpu.memory_space<hbm>> -> memref<1x64xf32, #tpu.memory_space<hbm>>
        %dma_start3A_312 = tpu.memref_squeeze %dma_start3A_311 : memref<1x64xf32, #tpu.memory_space<hbm>> -> memref<64xf32, #tpu.memory_space<hbm>>
        tpu.enqueue_dma source(%dma_start3A_312 : memref<64xf32, #tpu.memory_space<hbm>>) target(%dma_start3A_309 : memref<64xf32, #tpu.memory_space<vmem>>) target_semaphore(%arg22 : memref<!tpu.dma_semaphore, #tpu.memory_space<semaphore_mem>>)
        %slice3A_313 = vector.extract_strided_slice %get3A_100 {offsets = [13], sizes = [1], strides = [1]} : vector<16xi32> to vector<1xi32>
        %squeeze3A_314 = vector.extract %slice3A_313[0] : i32 from vector<1xi32>
        %add3A_315 = arith.constant 13 : i32
        %add3A_316 = arith.addi %mul3A_106, %add3A_315 : i32
        %dma_start3A_317 = arith.constant 0 : i32
        %dma_start3A_318 = tpu.memref_slice %arg15[%add3A_316, %dma_start3A_317] : memref<160x64xf32, #tpu.memory_space<vmem>> -> memref<1x64xf32, #tpu.memory_space<vmem>>
        %dma_start3A_319 = tpu.memref_squeeze %dma_start3A_318 : memref<1x64xf32, #tpu.memory_space<vmem>> -> memref<64xf32, #tpu.memory_space<vmem>>
        %dma_start3A_320 = arith.constant 0 : i32
        %dma_start3A_321 = tpu.memref_slice %arg2[%squeeze3A_314, %dma_start3A_320] : memref<1000000x64xf32, #tpu.memory_space<hbm>> -> memref<1x64xf32, #tpu.memory_space<hbm>>
        %dma_start3A_322 = tpu.memref_squeeze %dma_start3A_321 : memref<1x64xf32, #tpu.memory_space<hbm>> -> memref<64xf32, #tpu.memory_space<hbm>>
        %dma_start3A_323 = arith.constant 0 : i32
        %dma_start3A_324 = tpu.memref_slice %arg15[%add3A_316, %dma_start3A_323] : memref<160x64xf32, #tpu.memory_space<vmem>> -> memref<1x64xf32, #tpu.memory_space<vmem>>
        %dma_start3A_325 = tpu.memref_squeeze %dma_start3A_324 : memref<1x64xf32, #tpu.memory_space<vmem>> -> memref<64xf32, #tpu.memory_space<vmem>>
        %dma_start3A_326 = arith.constant 0 : i32
        %dma_start3A_327 = tpu.memref_slice %arg2[%squeeze3A_314, %dma_start3A_326] : memref<1000000x64xf32, #tpu.memory_space<hbm>> -> memref<1x64xf32, #tpu.memory_space<hbm>>
        %dma_start3A_328 = tpu.memref_squeeze %dma_start3A_327 : memref<1x64xf32, #tpu.memory_space<hbm>> -> memref<64xf32, #tpu.memory_space<hbm>>
        tpu.enqueue_dma source(%dma_start3A_328 : memref<64xf32, #tpu.memory_space<hbm>>) target(%dma_start3A_325 : memref<64xf32, #tpu.memory_space<vmem>>) target_semaphore(%arg22 : memref<!tpu.dma_semaphore, #tpu.memory_space<semaphore_mem>>)
        %slice3A_329 = vector.extract_strided_slice %get3A_100 {offsets = [14], sizes = [1], strides = [1]} : vector<16xi32> to vector<1xi32>
        %squeeze3A_330 = vector.extract %slice3A_329[0] : i32 from vector<1xi32>
        %add3A_331 = arith.constant 14 : i32
        %add3A_332 = arith.addi %mul3A_106, %add3A_331 : i32
        %dma_start3A_333 = arith.constant 0 : i32
        %dma_start3A_334 = tpu.memref_slice %arg15[%add3A_332, %dma_start3A_333] : memref<160x64xf32, #tpu.memory_space<vmem>> -> memref<1x64xf32, #tpu.memory_space<vmem>>
        %dma_start3A_335 = tpu.memref_squeeze %dma_start3A_334 : memref<1x64xf32, #tpu.memory_space<vmem>> -> memref<64xf32, #tpu.memory_space<vmem>>
        %dma_start3A_336 = arith.constant 0 : i32
        %dma_start3A_337 = tpu.memref_slice %arg2[%squeeze3A_330, %dma_start3A_336] : memref<1000000x64xf32, #tpu.memory_space<hbm>> -> memref<1x64xf32, #tpu.memory_space<hbm>>
        %dma_start3A_338 = tpu.memref_squeeze %dma_start3A_337 : memref<1x64xf32, #tpu.memory_space<hbm>> -> memref<64xf32, #tpu.memory_space<hbm>>
        %dma_start3A_339 = arith.constant 0 : i32
        %dma_start3A_340 = tpu.memref_slice %arg15[%add3A_332, %dma_start3A_339] : memref<160x64xf32, #tpu.memory_space<vmem>> -> memref<1x64xf32, #tpu.memory_space<vmem>>
        %dma_start3A_341 = tpu.memref_squeeze %dma_start3A_340 : memref<1x64xf32, #tpu.memory_space<vmem>> -> memref<64xf32, #tpu.memory_space<vmem>>
        %dma_start3A_342 = arith.constant 0 : i32
        %dma_start3A_343 = tpu.memref_slice %arg2[%squeeze3A_330, %dma_start3A_342] : memref<1000000x64xf32, #tpu.memory_space<hbm>> -> memref<1x64xf32, #tpu.memory_space<hbm>>
        %dma_start3A_344 = tpu.memref_squeeze %dma_start3A_343 : memref<1x64xf32, #tpu.memory_space<hbm>> -> memref<64xf32, #tpu.memory_space<hbm>>
        tpu.enqueue_dma source(%dma_start3A_344 : memref<64xf32, #tpu.memory_space<hbm>>) target(%dma_start3A_341 : memref<64xf32, #tpu.memory_space<vmem>>) target_semaphore(%arg22 : memref<!tpu.dma_semaphore, #tpu.memory_space<semaphore_mem>>)
        %slice3A_345 = vector.extract_strided_slice %get3A_100 {offsets = [15], sizes = [1], strides = [1]} : vector<16xi32> to vector<1xi32>
        %squeeze3A_346 = vector.extract %slice3A_345[0] : i32 from vector<1xi32>
        %add3A_347 = arith.constant 15 : i32
        %add3A_348 = arith.addi %mul3A_106, %add3A_347 : i32
        %dma_start3A_349 = arith.constant 0 : i32
        %dma_start3A_350 = tpu.memref_slice %arg15[%add3A_348, %dma_start3A_349] : memref<160x64xf32, #tpu.memory_space<vmem>> -> memref<1x64xf32, #tpu.memory_space<vmem>>
        %dma_start3A_351 = tpu.memref_squeeze %dma_start3A_350 : memref<1x64xf32, #tpu.memory_space<vmem>> -> memref<64xf32, #tpu.memory_space<vmem>>
        %dma_start3A_352 = arith.constant 0 : i32
        %dma_start3A_353 = tpu.memref_slice %arg2[%squeeze3A_346, %dma_start3A_352] : memref<1000000x64xf32, #tpu.memory_space<hbm>> -> memref<1x64xf32, #tpu.memory_space<hbm>>
        %dma_start3A_354 = tpu.memref_squeeze %dma_start3A_353 : memref<1x64xf32, #tpu.memory_space<hbm>> -> memref<64xf32, #tpu.memory_space<hbm>>
        %dma_start3A_355 = arith.constant 0 : i32
        %dma_start3A_356 = tpu.memref_slice %arg15[%add3A_348, %dma_start3A_355] : memref<160x64xf32, #tpu.memory_space<vmem>> -> memref<1x64xf32, #tpu.memory_space<vmem>>
        %dma_start3A_357 = tpu.memref_squeeze %dma_start3A_356 : memref<1x64xf32, #tpu.memory_space<vmem>> -> memref<64xf32, #tpu.memory_space<vmem>>
        %dma_start3A_358 = arith.constant 0 : i32
        %dma_start3A_359 = tpu.memref_slice %arg2[%squeeze3A_346, %dma_start3A_358] : memref<1000000x64xf32, #tpu.memory_space<hbm>> -> memref<1x64xf32, #tpu.memory_space<hbm>>
        %dma_start3A_360 = tpu.memref_squeeze %dma_start3A_359 : memref<1x64xf32, #tpu.memory_space<hbm>> -> memref<64xf32, #tpu.memory_space<hbm>>
        tpu.enqueue_dma source(%dma_start3A_360 : memref<64xf32, #tpu.memory_space<hbm>>) target(%dma_start3A_357 : memref<64xf32, #tpu.memory_space<vmem>>) target_semaphore(%arg22 : memref<!tpu.dma_semaphore, #tpu.memory_space<semaphore_mem>>)
        %slice3A_361 = vector.extract_strided_slice %get3A_104 {offsets = [0], sizes = [1], strides = [1]} : vector<16xi32> to vector<1xi32>
        %squeeze3A_362 = vector.extract %slice3A_361[0] : i32 from vector<1xi32>
        %add3A_363 = arith.constant 16 : i32
        %add3A_364 = arith.addi %mul3A_106, %add3A_363 : i32
        %add3A_365 = arith.constant 0 : i32
        %add3A_366 = arith.addi %add3A_364, %add3A_365 : i32
        %dma_start3A_367 = arith.constant 0 : i32
        %dma_start3A_368 = tpu.memref_slice %arg15[%add3A_366, %dma_start3A_367] : memref<160x64xf32, #tpu.memory_space<vmem>> -> memref<1x64xf32, #tpu.memory_space<vmem>>
        %dma_start3A_369 = tpu.memref_squeeze %dma_start3A_368 : memref<1x64xf32, #tpu.memory_space<vmem>> -> memref<64xf32, #tpu.memory_space<vmem>>
        %dma_start3A_370 = arith.constant 0 : i32
        %dma_start3A_371 = tpu.memref_slice %arg2[%squeeze3A_362, %dma_start3A_370] : memref<1000000x64xf32, #tpu.memory_space<hbm>> -> memref<1x64xf32, #tpu.memory_space<hbm>>
        %dma_start3A_372 = tpu.memref_squeeze %dma_start3A_371 : memref<1x64xf32, #tpu.memory_space<hbm>> -> memref<64xf32, #tpu.memory_space<hbm>>
        %dma_start3A_373 = arith.constant 0 : i32
        %dma_start3A_374 = tpu.memref_slice %arg15[%add3A_366, %dma_start3A_373] : memref<160x64xf32, #tpu.memory_space<vmem>> -> memref<1x64xf32, #tpu.memory_space<vmem>>
        %dma_start3A_375 = tpu.memref_squeeze %dma_start3A_374 : memref<1x64xf32, #tpu.memory_space<vmem>> -> memref<64xf32, #tpu.memory_space<vmem>>
        %dma_start3A_376 = arith.constant 0 : i32
        %dma_start3A_377 = tpu.memref_slice %arg2[%squeeze3A_362, %dma_start3A_376] : memref<1000000x64xf32, #tpu.memory_space<hbm>> -> memref<1x64xf32, #tpu.memory_space<hbm>>
        %dma_start3A_378 = tpu.memref_squeeze %dma_start3A_377 : memref<1x64xf32, #tpu.memory_space<hbm>> -> memref<64xf32, #tpu.memory_space<hbm>>
        tpu.enqueue_dma source(%dma_start3A_378 : memref<64xf32, #tpu.memory_space<hbm>>) target(%dma_start3A_375 : memref<64xf32, #tpu.memory_space<vmem>>) target_semaphore(%arg22 : memref<!tpu.dma_semaphore, #tpu.memory_space<semaphore_mem>>)
        %slice3A_379 = vector.extract_strided_slice %get3A_104 {offsets = [1], sizes = [1], strides = [1]} : vector<16xi32> to vector<1xi32>
        %squeeze3A_380 = vector.extract %slice3A_379[0] : i32 from vector<1xi32>
        %add3A_381 = arith.constant 16 : i32
        %add3A_382 = arith.addi %mul3A_106, %add3A_381 : i32
        %add3A_383 = arith.constant 1 : i32
        %add3A_384 = arith.addi %add3A_382, %add3A_383 : i32
        %dma_start3A_385 = arith.constant 0 : i32
        %dma_start3A_386 = tpu.memref_slice %arg15[%add3A_384, %dma_start3A_385] : memref<160x64xf32, #tpu.memory_space<vmem>> -> memref<1x64xf32, #tpu.memory_space<vmem>>
        %dma_start3A_387 = tpu.memref_squeeze %dma_start3A_386 : memref<1x64xf32, #tpu.memory_space<vmem>> -> memref<64xf32, #tpu.memory_space<vmem>>
        %dma_start3A_388 = arith.constant 0 : i32
        %dma_start3A_389 = tpu.memref_slice %arg2[%squeeze3A_380, %dma_start3A_388] : memref<1000000x64xf32, #tpu.memory_space<hbm>> -> memref<1x64xf32, #tpu.memory_space<hbm>>
        %dma_start3A_390 = tpu.memref_squeeze %dma_start3A_389 : memref<1x64xf32, #tpu.memory_space<hbm>> -> memref<64xf32, #tpu.memory_space<hbm>>
        %dma_start3A_391 = arith.constant 0 : i32
        %dma_start3A_392 = tpu.memref_slice %arg15[%add3A_384, %dma_start3A_391] : memref<160x64xf32, #tpu.memory_space<vmem>> -> memref<1x64xf32, #tpu.memory_space<vmem>>
        %dma_start3A_393 = tpu.memref_squeeze %dma_start3A_392 : memref<1x64xf32, #tpu.memory_space<vmem>> -> memref<64xf32, #tpu.memory_space<vmem>>
        %dma_start3A_394 = arith.constant 0 : i32
        %dma_start3A_395 = tpu.memref_slice %arg2[%squeeze3A_380, %dma_start3A_394] : memref<1000000x64xf32, #tpu.memory_space<hbm>> -> memref<1x64xf32, #tpu.memory_space<hbm>>
        %dma_start3A_396 = tpu.memref_squeeze %dma_start3A_395 : memref<1x64xf32, #tpu.memory_space<hbm>> -> memref<64xf32, #tpu.memory_space<hbm>>
        tpu.enqueue_dma source(%dma_start3A_396 : memref<64xf32, #tpu.memory_space<hbm>>) target(%dma_start3A_393 : memref<64xf32, #tpu.memory_space<vmem>>) target_semaphore(%arg22 : memref<!tpu.dma_semaphore, #tpu.memory_space<semaphore_mem>>)
        %slice3A_397 = vector.extract_strided_slice %get3A_104 {offsets = [2], sizes = [1], strides = [1]} : vector<16xi32> to vector<1xi32>
        %squeeze3A_398 = vector.extract %slice3A_397[0] : i32 from vector<1xi32>
        %add3A_399 = arith.constant 16 : i32
        %add3A_400 = arith.addi %mul3A_106, %add3A_399 : i32
        %add3A_401 = arith.constant 2 : i32
        %add3A_402 = arith.addi %add3A_400, %add3A_401 : i32
        %dma_start3A_403 = arith.constant 0 : i32
        %dma_start3A_404 = tpu.memref_slice %arg15[%add3A_402, %dma_start3A_403] : memref<160x64xf32, #tpu.memory_space<vmem>> -> memref<1x64xf32, #tpu.memory_space<vmem>>
        %dma_start3A_405 = tpu.memref_squeeze %dma_start3A_404 : memref<1x64xf32, #tpu.memory_space<vmem>> -> memref<64xf32, #tpu.memory_space<vmem>>
        %dma_start3A_406 = arith.constant 0 : i32
        %dma_start3A_407 = tpu.memref_slice %arg2[%squeeze3A_398, %dma_start3A_406] : memref<1000000x64xf32, #tpu.memory_space<hbm>> -> memref<1x64xf32, #tpu.memory_space<hbm>>
        %dma_start3A_408 = tpu.memref_squeeze %dma_start3A_407 : memref<1x64xf32, #tpu.memory_space<hbm>> -> memref<64xf32, #tpu.memory_space<hbm>>
        %dma_start3A_409 = arith.constant 0 : i32
        %dma_start3A_410 = tpu.memref_slice %arg15[%add3A_402, %dma_start3A_409] : memref<160x64xf32, #tpu.memory_space<vmem>> -> memref<1x64xf32, #tpu.memory_space<vmem>>
        %dma_start3A_411 = tpu.memref_squeeze %dma_start3A_410 : memref<1x64xf32, #tpu.memory_space<vmem>> -> memref<64xf32, #tpu.memory_space<vmem>>
        %dma_start3A_412 = arith.constant 0 : i32
        %dma_start3A_413 = tpu.memref_slice %arg2[%squeeze3A_398, %dma_start3A_412] : memref<1000000x64xf32, #tpu.memory_space<hbm>> -> memref<1x64xf32, #tpu.memory_space<hbm>>
        %dma_start3A_414 = tpu.memref_squeeze %dma_start3A_413 : memref<1x64xf32, #tpu.memory_space<hbm>> -> memref<64xf32, #tpu.memory_space<hbm>>
        tpu.enqueue_dma source(%dma_start3A_414 : memref<64xf32, #tpu.memory_space<hbm>>) target(%dma_start3A_411 : memref<64xf32, #tpu.memory_space<vmem>>) target_semaphore(%arg22 : memref<!tpu.dma_semaphore, #tpu.memory_space<semaphore_mem>>)
        %slice3A_415 = vector.extract_strided_slice %get3A_104 {offsets = [3], sizes = [1], strides = [1]} : vector<16xi32> to vector<1xi32>
        %squeeze3A_416 = vector.extract %slice3A_415[0] : i32 from vector<1xi32>
        %add3A_417 = arith.constant 16 : i32
        %add3A_418 = arith.addi %mul3A_106, %add3A_417 : i32
        %add3A_419 = arith.constant 3 : i32
        %add3A_420 = arith.addi %add3A_418, %add3A_419 : i32
        %dma_start3A_421 = arith.constant 0 : i32
        %dma_start3A_422 = tpu.memref_slice %arg15[%add3A_420, %dma_start3A_421] : memref<160x64xf32, #tpu.memory_space<vmem>> -> memref<1x64xf32, #tpu.memory_space<vmem>>
        %dma_start3A_423 = tpu.memref_squeeze %dma_start3A_422 : memref<1x64xf32, #tpu.memory_space<vmem>> -> memref<64xf32, #tpu.memory_space<vmem>>
        %dma_start3A_424 = arith.constant 0 : i32
        %dma_start3A_425 = tpu.memref_slice %arg2[%squeeze3A_416, %dma_start3A_424] : memref<1000000x64xf32, #tpu.memory_space<hbm>> -> memref<1x64xf32, #tpu.memory_space<hbm>>
        %dma_start3A_426 = tpu.memref_squeeze %dma_start3A_425 : memref<1x64xf32, #tpu.memory_space<hbm>> -> memref<64xf32, #tpu.memory_space<hbm>>
        %dma_start3A_427 = arith.constant 0 : i32
        %dma_start3A_428 = tpu.memref_slice %arg15[%add3A_420, %dma_start3A_427] : memref<160x64xf32, #tpu.memory_space<vmem>> -> memref<1x64xf32, #tpu.memory_space<vmem>>
        %dma_start3A_429 = tpu.memref_squeeze %dma_start3A_428 : memref<1x64xf32, #tpu.memory_space<vmem>> -> memref<64xf32, #tpu.memory_space<vmem>>
        %dma_start3A_430 = arith.constant 0 : i32
        %dma_start3A_431 = tpu.memref_slice %arg2[%squeeze3A_416, %dma_start3A_430] : memref<1000000x64xf32, #tpu.memory_space<hbm>> -> memref<1x64xf32, #tpu.memory_space<hbm>>
        %dma_start3A_432 = tpu.memref_squeeze %dma_start3A_431 : memref<1x64xf32, #tpu.memory_space<hbm>> -> memref<64xf32, #tpu.memory_space<hbm>>
        tpu.enqueue_dma source(%dma_start3A_432 : memref<64xf32, #tpu.memory_space<hbm>>) target(%dma_start3A_429 : memref<64xf32, #tpu.memory_space<vmem>>) target_semaphore(%arg22 : memref<!tpu.dma_semaphore, #tpu.memory_space<semaphore_mem>>)
      }
      %scan3A_61 = arith.constant 8 : i32
      %scan3A_62 = arith.constant 0 : i32
      %scan3A_63 = arith.constant 0 : i32
      %scan3A_64 = arith.constant 8 : i32
      %scan3A_65 = arith.addi %scan3A_63, %scan3A_64 : i32
      %scan3A_66 = arith.constant 1 : i32
      scf.for %scan3A_97 = %scan3A_63 to %scan3A_65 step %scan3A_66  : i32 {
        %get3A = arith.index_cast %scan3A_97 : i32 to index
        %get3A_98 = arith.constant 0 : index
        %get3A_99 = tpu.vector_load %arg14[%get3A, %get3A_98] {strides = array<i32>} : memref<8x32xi32, #tpu.memory_space<vmem>>, vector<1x16xi32>,
        %get3A_100 = vector.shape_cast %get3A_99 : vector<1x16xi32> to vector<16xi32>
        %get3A_101 = arith.index_cast %scan3A_97 : i32 to index
        %get3A_102 = arith.constant 16 : index
        %get3A_103 = tpu.vector_load %arg14[%get3A_101, %get3A_102] {strides = array<i32>} : memref<8x32xi32, #tpu.memory_space<vmem>>, vector<1x16xi32>,
        %get3A_104 = vector.shape_cast %get3A_103 : vector<1x16xi32> to vector<16xi32>
        %mul3A_105 = arith.constant 20 : i32
        %mul3A_106 = arith.muli %scan3A_97, %mul3A_105 : i32
        %slice3A = vector.extract_strided_slice %get3A_100 {offsets = [0], sizes = [1], strides = [1]} : vector<16xi32> to vector<1xi32>
        %squeeze3A = vector.extract %slice3A[0] : i32 from vector<1xi32>
        %add3A_107 = arith.constant 0 : i32
        %add3A_108 = arith.addi %mul3A_106, %add3A_107 : i32
        %dma_start3A_109 = arith.constant 0 : i32
        %dma_start3A_110 = tpu.memref_slice %arg16[%add3A_108, %dma_start3A_109] : memref<160x64xf32, #tpu.memory_space<vmem>> -> memref<1x64xf32, #tpu.memory_space<vmem>>
        %dma_start3A_111 = tpu.memref_squeeze %dma_start3A_110 : memref<1x64xf32, #tpu.memory_space<vmem>> -> memref<64xf32, #tpu.memory_space<vmem>>
        %dma_start3A_112 = arith.constant 0 : i32
        %dma_start3A_113 = tpu.memref_slice %arg3[%squeeze3A, %dma_start3A_112] : memref<1000000x64xf32, #tpu.memory_space<hbm>> -> memref<1x64xf32, #tpu.memory_space<hbm>>
        %dma_start3A_114 = tpu.memref_squeeze %dma_start3A_113 : memref<1x64xf32, #tpu.memory_space<hbm>> -> memref<64xf32, #tpu.memory_space<hbm>>
        %dma_start3A_115 = arith.constant 0 : i32
        %dma_start3A_116 = tpu.memref_slice %arg16[%add3A_108, %dma_start3A_115] : memref<160x64xf32, #tpu.memory_space<vmem>> -> memref<1x64xf32, #tpu.memory_space<vmem>>
        %dma_start3A_117 = tpu.memref_squeeze %dma_start3A_116 : memref<1x64xf32, #tpu.memory_space<vmem>> -> memref<64xf32, #tpu.memory_space<vmem>>
        %dma_start3A_118 = arith.constant 0 : i32
        %dma_start3A_119 = tpu.memref_slice %arg3[%squeeze3A, %dma_start3A_118] : memref<1000000x64xf32, #tpu.memory_space<hbm>> -> memref<1x64xf32, #tpu.memory_space<hbm>>
        %dma_start3A_120 = tpu.memref_squeeze %dma_start3A_119 : memref<1x64xf32, #tpu.memory_space<hbm>> -> memref<64xf32, #tpu.memory_space<hbm>>
        tpu.enqueue_dma source(%dma_start3A_120 : memref<64xf32, #tpu.memory_space<hbm>>) target(%dma_start3A_117 : memref<64xf32, #tpu.memory_space<vmem>>) target_semaphore(%arg22 : memref<!tpu.dma_semaphore, #tpu.memory_space<semaphore_mem>>)
        %slice3A_121 = vector.extract_strided_slice %get3A_100 {offsets = [1], sizes = [1], strides = [1]} : vector<16xi32> to vector<1xi32>
        %squeeze3A_122 = vector.extract %slice3A_121[0] : i32 from vector<1xi32>
        %add3A_123 = arith.constant 1 : i32
        %add3A_124 = arith.addi %mul3A_106, %add3A_123 : i32
        %dma_start3A_125 = arith.constant 0 : i32
        %dma_start3A_126 = tpu.memref_slice %arg16[%add3A_124, %dma_start3A_125] : memref<160x64xf32, #tpu.memory_space<vmem>> -> memref<1x64xf32, #tpu.memory_space<vmem>>
        %dma_start3A_127 = tpu.memref_squeeze %dma_start3A_126 : memref<1x64xf32, #tpu.memory_space<vmem>> -> memref<64xf32, #tpu.memory_space<vmem>>
        %dma_start3A_128 = arith.constant 0 : i32
        %dma_start3A_129 = tpu.memref_slice %arg3[%squeeze3A_122, %dma_start3A_128] : memref<1000000x64xf32, #tpu.memory_space<hbm>> -> memref<1x64xf32, #tpu.memory_space<hbm>>
        %dma_start3A_130 = tpu.memref_squeeze %dma_start3A_129 : memref<1x64xf32, #tpu.memory_space<hbm>> -> memref<64xf32, #tpu.memory_space<hbm>>
        %dma_start3A_131 = arith.constant 0 : i32
        %dma_start3A_132 = tpu.memref_slice %arg16[%add3A_124, %dma_start3A_131] : memref<160x64xf32, #tpu.memory_space<vmem>> -> memref<1x64xf32, #tpu.memory_space<vmem>>
        %dma_start3A_133 = tpu.memref_squeeze %dma_start3A_132 : memref<1x64xf32, #tpu.memory_space<vmem>> -> memref<64xf32, #tpu.memory_space<vmem>>
        %dma_start3A_134 = arith.constant 0 : i32
        %dma_start3A_135 = tpu.memref_slice %arg3[%squeeze3A_122, %dma_start3A_134] : memref<1000000x64xf32, #tpu.memory_space<hbm>> -> memref<1x64xf32, #tpu.memory_space<hbm>>
        %dma_start3A_136 = tpu.memref_squeeze %dma_start3A_135 : memref<1x64xf32, #tpu.memory_space<hbm>> -> memref<64xf32, #tpu.memory_space<hbm>>
        tpu.enqueue_dma source(%dma_start3A_136 : memref<64xf32, #tpu.memory_space<hbm>>) target(%dma_start3A_133 : memref<64xf32, #tpu.memory_space<vmem>>) target_semaphore(%arg22 : memref<!tpu.dma_semaphore, #tpu.memory_space<semaphore_mem>>)
        %slice3A_137 = vector.extract_strided_slice %get3A_100 {offsets = [2], sizes = [1], strides = [1]} : vector<16xi32> to vector<1xi32>
        %squeeze3A_138 = vector.extract %slice3A_137[0] : i32 from vector<1xi32>
        %add3A_139 = arith.constant 2 : i32
        %add3A_140 = arith.addi %mul3A_106, %add3A_139 : i32
        %dma_start3A_141 = arith.constant 0 : i32
        %dma_start3A_142 = tpu.memref_slice %arg16[%add3A_140, %dma_start3A_141] : memref<160x64xf32, #tpu.memory_space<vmem>> -> memref<1x64xf32, #tpu.memory_space<vmem>>
        %dma_start3A_143 = tpu.memref_squeeze %dma_start3A_142 : memref<1x64xf32, #tpu.memory_space<vmem>> -> memref<64xf32, #tpu.memory_space<vmem>>
        %dma_start3A_144 = arith.constant 0 : i32
        %dma_start3A_145 = tpu.memref_slice %arg3[%squeeze3A_138, %dma_start3A_144] : memref<1000000x64xf32, #tpu.memory_space<hbm>> -> memref<1x64xf32, #tpu.memory_space<hbm>>
        %dma_start3A_146 = tpu.memref_squeeze %dma_start3A_145 : memref<1x64xf32, #tpu.memory_space<hbm>> -> memref<64xf32, #tpu.memory_space<hbm>>
        %dma_start3A_147 = arith.constant 0 : i32
        %dma_start3A_148 = tpu.memref_slice %arg16[%add3A_140, %dma_start3A_147] : memref<160x64xf32, #tpu.memory_space<vmem>> -> memref<1x64xf32, #tpu.memory_space<vmem>>
        %dma_start3A_149 = tpu.memref_squeeze %dma_start3A_148 : memref<1x64xf32, #tpu.memory_space<vmem>> -> memref<64xf32, #tpu.memory_space<vmem>>
        %dma_start3A_150 = arith.constant 0 : i32
        %dma_start3A_151 = tpu.memref_slice %arg3[%squeeze3A_138, %dma_start3A_150] : memref<1000000x64xf32, #tpu.memory_space<hbm>> -> memref<1x64xf32, #tpu.memory_space<hbm>>
        %dma_start3A_152 = tpu.memref_squeeze %dma_start3A_151 : memref<1x64xf32, #tpu.memory_space<hbm>> -> memref<64xf32, #tpu.memory_space<hbm>>
        tpu.enqueue_dma source(%dma_start3A_152 : memref<64xf32, #tpu.memory_space<hbm>>) target(%dma_start3A_149 : memref<64xf32, #tpu.memory_space<vmem>>) target_semaphore(%arg22 : memref<!tpu.dma_semaphore, #tpu.memory_space<semaphore_mem>>)
        %slice3A_153 = vector.extract_strided_slice %get3A_100 {offsets = [3], sizes = [1], strides = [1]} : vector<16xi32> to vector<1xi32>
        %squeeze3A_154 = vector.extract %slice3A_153[0] : i32 from vector<1xi32>
        %add3A_155 = arith.constant 3 : i32
        %add3A_156 = arith.addi %mul3A_106, %add3A_155 : i32
        %dma_start3A_157 = arith.constant 0 : i32
        %dma_start3A_158 = tpu.memref_slice %arg16[%add3A_156, %dma_start3A_157] : memref<160x64xf32, #tpu.memory_space<vmem>> -> memref<1x64xf32, #tpu.memory_space<vmem>>
        %dma_start3A_159 = tpu.memref_squeeze %dma_start3A_158 : memref<1x64xf32, #tpu.memory_space<vmem>> -> memref<64xf32, #tpu.memory_space<vmem>>
        %dma_start3A_160 = arith.constant 0 : i32
        %dma_start3A_161 = tpu.memref_slice %arg3[%squeeze3A_154, %dma_start3A_160] : memref<1000000x64xf32, #tpu.memory_space<hbm>> -> memref<1x64xf32, #tpu.memory_space<hbm>>
        %dma_start3A_162 = tpu.memref_squeeze %dma_start3A_161 : memref<1x64xf32, #tpu.memory_space<hbm>> -> memref<64xf32, #tpu.memory_space<hbm>>
        %dma_start3A_163 = arith.constant 0 : i32
        %dma_start3A_164 = tpu.memref_slice %arg16[%add3A_156, %dma_start3A_163] : memref<160x64xf32, #tpu.memory_space<vmem>> -> memref<1x64xf32, #tpu.memory_space<vmem>>
        %dma_start3A_165 = tpu.memref_squeeze %dma_start3A_164 : memref<1x64xf32, #tpu.memory_space<vmem>> -> memref<64xf32, #tpu.memory_space<vmem>>
        %dma_start3A_166 = arith.constant 0 : i32
        %dma_start3A_167 = tpu.memref_slice %arg3[%squeeze3A_154, %dma_start3A_166] : memref<1000000x64xf32, #tpu.memory_space<hbm>> -> memref<1x64xf32, #tpu.memory_space<hbm>>
        %dma_start3A_168 = tpu.memref_squeeze %dma_start3A_167 : memref<1x64xf32, #tpu.memory_space<hbm>> -> memref<64xf32, #tpu.memory_space<hbm>>
        tpu.enqueue_dma source(%dma_start3A_168 : memref<64xf32, #tpu.memory_space<hbm>>) target(%dma_start3A_165 : memref<64xf32, #tpu.memory_space<vmem>>) target_semaphore(%arg22 : memref<!tpu.dma_semaphore, #tpu.memory_space<semaphore_mem>>)
        %slice3A_169 = vector.extract_strided_slice %get3A_100 {offsets = [4], sizes = [1], strides = [1]} : vector<16xi32> to vector<1xi32>
        %squeeze3A_170 = vector.extract %slice3A_169[0] : i32 from vector<1xi32>
        %add3A_171 = arith.constant 4 : i32
        %add3A_172 = arith.addi %mul3A_106, %add3A_171 : i32
        %dma_start3A_173 = arith.constant 0 : i32
        %dma_start3A_174 = tpu.memref_slice %arg16[%add3A_172, %dma_start3A_173] : memref<160x64xf32, #tpu.memory_space<vmem>> -> memref<1x64xf32, #tpu.memory_space<vmem>>
        %dma_start3A_175 = tpu.memref_squeeze %dma_start3A_174 : memref<1x64xf32, #tpu.memory_space<vmem>> -> memref<64xf32, #tpu.memory_space<vmem>>
        %dma_start3A_176 = arith.constant 0 : i32
        %dma_start3A_177 = tpu.memref_slice %arg3[%squeeze3A_170, %dma_start3A_176] : memref<1000000x64xf32, #tpu.memory_space<hbm>> -> memref<1x64xf32, #tpu.memory_space<hbm>>
        %dma_start3A_178 = tpu.memref_squeeze %dma_start3A_177 : memref<1x64xf32, #tpu.memory_space<hbm>> -> memref<64xf32, #tpu.memory_space<hbm>>
        %dma_start3A_179 = arith.constant 0 : i32
        %dma_start3A_180 = tpu.memref_slice %arg16[%add3A_172, %dma_start3A_179] : memref<160x64xf32, #tpu.memory_space<vmem>> -> memref<1x64xf32, #tpu.memory_space<vmem>>
        %dma_start3A_181 = tpu.memref_squeeze %dma_start3A_180 : memref<1x64xf32, #tpu.memory_space<vmem>> -> memref<64xf32, #tpu.memory_space<vmem>>
        %dma_start3A_182 = arith.constant 0 : i32
        %dma_start3A_183 = tpu.memref_slice %arg3[%squeeze3A_170, %dma_start3A_182] : memref<1000000x64xf32, #tpu.memory_space<hbm>> -> memref<1x64xf32, #tpu.memory_space<hbm>>
        %dma_start3A_184 = tpu.memref_squeeze %dma_start3A_183 : memref<1x64xf32, #tpu.memory_space<hbm>> -> memref<64xf32, #tpu.memory_space<hbm>>
        tpu.enqueue_dma source(%dma_start3A_184 : memref<64xf32, #tpu.memory_space<hbm>>) target(%dma_start3A_181 : memref<64xf32, #tpu.memory_space<vmem>>) target_semaphore(%arg22 : memref<!tpu.dma_semaphore, #tpu.memory_space<semaphore_mem>>)
        %slice3A_185 = vector.extract_strided_slice %get3A_100 {offsets = [5], sizes = [1], strides = [1]} : vector<16xi32> to vector<1xi32>
        %squeeze3A_186 = vector.extract %slice3A_185[0] : i32 from vector<1xi32>
        %add3A_187 = arith.constant 5 : i32
        %add3A_188 = arith.addi %mul3A_106, %add3A_187 : i32
        %dma_start3A_189 = arith.constant 0 : i32
        %dma_start3A_190 = tpu.memref_slice %arg16[%add3A_188, %dma_start3A_189] : memref<160x64xf32, #tpu.memory_space<vmem>> -> memref<1x64xf32, #tpu.memory_space<vmem>>
        %dma_start3A_191 = tpu.memref_squeeze %dma_start3A_190 : memref<1x64xf32, #tpu.memory_space<vmem>> -> memref<64xf32, #tpu.memory_space<vmem>>
        %dma_start3A_192 = arith.constant 0 : i32
        %dma_start3A_193 = tpu.memref_slice %arg3[%squeeze3A_186, %dma_start3A_192] : memref<1000000x64xf32, #tpu.memory_space<hbm>> -> memref<1x64xf32, #tpu.memory_space<hbm>>
        %dma_start3A_194 = tpu.memref_squeeze %dma_start3A_193 : memref<1x64xf32, #tpu.memory_space<hbm>> -> memref<64xf32, #tpu.memory_space<hbm>>
        %dma_start3A_195 = arith.constant 0 : i32
        %dma_start3A_196 = tpu.memref_slice %arg16[%add3A_188, %dma_start3A_195] : memref<160x64xf32, #tpu.memory_space<vmem>> -> memref<1x64xf32, #tpu.memory_space<vmem>>
        %dma_start3A_197 = tpu.memref_squeeze %dma_start3A_196 : memref<1x64xf32, #tpu.memory_space<vmem>> -> memref<64xf32, #tpu.memory_space<vmem>>
        %dma_start3A_198 = arith.constant 0 : i32
        %dma_start3A_199 = tpu.memref_slice %arg3[%squeeze3A_186, %dma_start3A_198] : memref<1000000x64xf32, #tpu.memory_space<hbm>> -> memref<1x64xf32, #tpu.memory_space<hbm>>
        %dma_start3A_200 = tpu.memref_squeeze %dma_start3A_199 : memref<1x64xf32, #tpu.memory_space<hbm>> -> memref<64xf32, #tpu.memory_space<hbm>>
        tpu.enqueue_dma source(%dma_start3A_200 : memref<64xf32, #tpu.memory_space<hbm>>) target(%dma_start3A_197 : memref<64xf32, #tpu.memory_space<vmem>>) target_semaphore(%arg22 : memref<!tpu.dma_semaphore, #tpu.memory_space<semaphore_mem>>)
        %slice3A_201 = vector.extract_strided_slice %get3A_100 {offsets = [6], sizes = [1], strides = [1]} : vector<16xi32> to vector<1xi32>
        %squeeze3A_202 = vector.extract %slice3A_201[0] : i32 from vector<1xi32>
        %add3A_203 = arith.constant 6 : i32
        %add3A_204 = arith.addi %mul3A_106, %add3A_203 : i32
        %dma_start3A_205 = arith.constant 0 : i32
        %dma_start3A_206 = tpu.memref_slice %arg16[%add3A_204, %dma_start3A_205] : memref<160x64xf32, #tpu.memory_space<vmem>> -> memref<1x64xf32, #tpu.memory_space<vmem>>
        %dma_start3A_207 = tpu.memref_squeeze %dma_start3A_206 : memref<1x64xf32, #tpu.memory_space<vmem>> -> memref<64xf32, #tpu.memory_space<vmem>>
        %dma_start3A_208 = arith.constant 0 : i32
        %dma_start3A_209 = tpu.memref_slice %arg3[%squeeze3A_202, %dma_start3A_208] : memref<1000000x64xf32, #tpu.memory_space<hbm>> -> memref<1x64xf32, #tpu.memory_space<hbm>>
        %dma_start3A_210 = tpu.memref_squeeze %dma_start3A_209 : memref<1x64xf32, #tpu.memory_space<hbm>> -> memref<64xf32, #tpu.memory_space<hbm>>
        %dma_start3A_211 = arith.constant 0 : i32
        %dma_start3A_212 = tpu.memref_slice %arg16[%add3A_204, %dma_start3A_211] : memref<160x64xf32, #tpu.memory_space<vmem>> -> memref<1x64xf32, #tpu.memory_space<vmem>>
        %dma_start3A_213 = tpu.memref_squeeze %dma_start3A_212 : memref<1x64xf32, #tpu.memory_space<vmem>> -> memref<64xf32, #tpu.memory_space<vmem>>
        %dma_start3A_214 = arith.constant 0 : i32
        %dma_start3A_215 = tpu.memref_slice %arg3[%squeeze3A_202, %dma_start3A_214] : memref<1000000x64xf32, #tpu.memory_space<hbm>> -> memref<1x64xf32, #tpu.memory_space<hbm>>
        %dma_start3A_216 = tpu.memref_squeeze %dma_start3A_215 : memref<1x64xf32, #tpu.memory_space<hbm>> -> memref<64xf32, #tpu.memory_space<hbm>>
        tpu.enqueue_dma source(%dma_start3A_216 : memref<64xf32, #tpu.memory_space<hbm>>) target(%dma_start3A_213 : memref<64xf32, #tpu.memory_space<vmem>>) target_semaphore(%arg22 : memref<!tpu.dma_semaphore, #tpu.memory_space<semaphore_mem>>)
        %slice3A_217 = vector.extract_strided_slice %get3A_100 {offsets = [7], sizes = [1], strides = [1]} : vector<16xi32> to vector<1xi32>
        %squeeze3A_218 = vector.extract %slice3A_217[0] : i32 from vector<1xi32>
        %add3A_219 = arith.constant 7 : i32
        %add3A_220 = arith.addi %mul3A_106, %add3A_219 : i32
        %dma_start3A_221 = arith.constant 0 : i32
        %dma_start3A_222 = tpu.memref_slice %arg16[%add3A_220, %dma_start3A_221] : memref<160x64xf32, #tpu.memory_space<vmem>> -> memref<1x64xf32, #tpu.memory_space<vmem>>
        %dma_start3A_223 = tpu.memref_squeeze %dma_start3A_222 : memref<1x64xf32, #tpu.memory_space<vmem>> -> memref<64xf32, #tpu.memory_space<vmem>>
        %dma_start3A_224 = arith.constant 0 : i32
        %dma_start3A_225 = tpu.memref_slice %arg3[%squeeze3A_218, %dma_start3A_224] : memref<1000000x64xf32, #tpu.memory_space<hbm>> -> memref<1x64xf32, #tpu.memory_space<hbm>>
        %dma_start3A_226 = tpu.memref_squeeze %dma_start3A_225 : memref<1x64xf32, #tpu.memory_space<hbm>> -> memref<64xf32, #tpu.memory_space<hbm>>
        %dma_start3A_227 = arith.constant 0 : i32
        %dma_start3A_228 = tpu.memref_slice %arg16[%add3A_220, %dma_start3A_227] : memref<160x64xf32, #tpu.memory_space<vmem>> -> memref<1x64xf32, #tpu.memory_space<vmem>>
        %dma_start3A_229 = tpu.memref_squeeze %dma_start3A_228 : memref<1x64xf32, #tpu.memory_space<vmem>> -> memref<64xf32, #tpu.memory_space<vmem>>
        %dma_start3A_230 = arith.constant 0 : i32
        %dma_start3A_231 = tpu.memref_slice %arg3[%squeeze3A_218, %dma_start3A_230] : memref<1000000x64xf32, #tpu.memory_space<hbm>> -> memref<1x64xf32, #tpu.memory_space<hbm>>
        %dma_start3A_232 = tpu.memref_squeeze %dma_start3A_231 : memref<1x64xf32, #tpu.memory_space<hbm>> -> memref<64xf32, #tpu.memory_space<hbm>>
        tpu.enqueue_dma source(%dma_start3A_232 : memref<64xf32, #tpu.memory_space<hbm>>) target(%dma_start3A_229 : memref<64xf32, #tpu.memory_space<vmem>>) target_semaphore(%arg22 : memref<!tpu.dma_semaphore, #tpu.memory_space<semaphore_mem>>)
        %slice3A_233 = vector.extract_strided_slice %get3A_100 {offsets = [8], sizes = [1], strides = [1]} : vector<16xi32> to vector<1xi32>
        %squeeze3A_234 = vector.extract %slice3A_233[0] : i32 from vector<1xi32>
        %add3A_235 = arith.constant 8 : i32
        %add3A_236 = arith.addi %mul3A_106, %add3A_235 : i32
        %dma_start3A_237 = arith.constant 0 : i32
        %dma_start3A_238 = tpu.memref_slice %arg16[%add3A_236, %dma_start3A_237] : memref<160x64xf32, #tpu.memory_space<vmem>> -> memref<1x64xf32, #tpu.memory_space<vmem>>
        %dma_start3A_239 = tpu.memref_squeeze %dma_start3A_238 : memref<1x64xf32, #tpu.memory_space<vmem>> -> memref<64xf32, #tpu.memory_space<vmem>>
        %dma_start3A_240 = arith.constant 0 : i32
        %dma_start3A_241 = tpu.memref_slice %arg3[%squeeze3A_234, %dma_start3A_240] : memref<1000000x64xf32, #tpu.memory_space<hbm>> -> memref<1x64xf32, #tpu.memory_space<hbm>>
        %dma_start3A_242 = tpu.memref_squeeze %dma_start3A_241 : memref<1x64xf32, #tpu.memory_space<hbm>> -> memref<64xf32, #tpu.memory_space<hbm>>
        %dma_start3A_243 = arith.constant 0 : i32
        %dma_start3A_244 = tpu.memref_slice %arg16[%add3A_236, %dma_start3A_243] : memref<160x64xf32, #tpu.memory_space<vmem>> -> memref<1x64xf32, #tpu.memory_space<vmem>>
        %dma_start3A_245 = tpu.memref_squeeze %dma_start3A_244 : memref<1x64xf32, #tpu.memory_space<vmem>> -> memref<64xf32, #tpu.memory_space<vmem>>
        %dma_start3A_246 = arith.constant 0 : i32
        %dma_start3A_247 = tpu.memref_slice %arg3[%squeeze3A_234, %dma_start3A_246] : memref<1000000x64xf32, #tpu.memory_space<hbm>> -> memref<1x64xf32, #tpu.memory_space<hbm>>
        %dma_start3A_248 = tpu.memref_squeeze %dma_start3A_247 : memref<1x64xf32, #tpu.memory_space<hbm>> -> memref<64xf32, #tpu.memory_space<hbm>>
        tpu.enqueue_dma source(%dma_start3A_248 : memref<64xf32, #tpu.memory_space<hbm>>) target(%dma_start3A_245 : memref<64xf32, #tpu.memory_space<vmem>>) target_semaphore(%arg22 : memref<!tpu.dma_semaphore, #tpu.memory_space<semaphore_mem>>)
        %slice3A_249 = vector.extract_strided_slice %get3A_100 {offsets = [9], sizes = [1], strides = [1]} : vector<16xi32> to vector<1xi32>
        %squeeze3A_250 = vector.extract %slice3A_249[0] : i32 from vector<1xi32>
        %add3A_251 = arith.constant 9 : i32
        %add3A_252 = arith.addi %mul3A_106, %add3A_251 : i32
        %dma_start3A_253 = arith.constant 0 : i32
        %dma_start3A_254 = tpu.memref_slice %arg16[%add3A_252, %dma_start3A_253] : memref<160x64xf32, #tpu.memory_space<vmem>> -> memref<1x64xf32, #tpu.memory_space<vmem>>
        %dma_start3A_255 = tpu.memref_squeeze %dma_start3A_254 : memref<1x64xf32, #tpu.memory_space<vmem>> -> memref<64xf32, #tpu.memory_space<vmem>>
        %dma_start3A_256 = arith.constant 0 : i32
        %dma_start3A_257 = tpu.memref_slice %arg3[%squeeze3A_250, %dma_start3A_256] : memref<1000000x64xf32, #tpu.memory_space<hbm>> -> memref<1x64xf32, #tpu.memory_space<hbm>>
        %dma_start3A_258 = tpu.memref_squeeze %dma_start3A_257 : memref<1x64xf32, #tpu.memory_space<hbm>> -> memref<64xf32, #tpu.memory_space<hbm>>
        %dma_start3A_259 = arith.constant 0 : i32
        %dma_start3A_260 = tpu.memref_slice %arg16[%add3A_252, %dma_start3A_259] : memref<160x64xf32, #tpu.memory_space<vmem>> -> memref<1x64xf32, #tpu.memory_space<vmem>>
        %dma_start3A_261 = tpu.memref_squeeze %dma_start3A_260 : memref<1x64xf32, #tpu.memory_space<vmem>> -> memref<64xf32, #tpu.memory_space<vmem>>
        %dma_start3A_262 = arith.constant 0 : i32
        %dma_start3A_263 = tpu.memref_slice %arg3[%squeeze3A_250, %dma_start3A_262] : memref<1000000x64xf32, #tpu.memory_space<hbm>> -> memref<1x64xf32, #tpu.memory_space<hbm>>
        %dma_start3A_264 = tpu.memref_squeeze %dma_start3A_263 : memref<1x64xf32, #tpu.memory_space<hbm>> -> memref<64xf32, #tpu.memory_space<hbm>>
        tpu.enqueue_dma source(%dma_start3A_264 : memref<64xf32, #tpu.memory_space<hbm>>) target(%dma_start3A_261 : memref<64xf32, #tpu.memory_space<vmem>>) target_semaphore(%arg22 : memref<!tpu.dma_semaphore, #tpu.memory_space<semaphore_mem>>)
        %slice3A_265 = vector.extract_strided_slice %get3A_100 {offsets = [10], sizes = [1], strides = [1]} : vector<16xi32> to vector<1xi32>
        %squeeze3A_266 = vector.extract %slice3A_265[0] : i32 from vector<1xi32>
        %add3A_267 = arith.constant 10 : i32
        %add3A_268 = arith.addi %mul3A_106, %add3A_267 : i32
        %dma_start3A_269 = arith.constant 0 : i32
        %dma_start3A_270 = tpu.memref_slice %arg16[%add3A_268, %dma_start3A_269] : memref<160x64xf32, #tpu.memory_space<vmem>> -> memref<1x64xf32, #tpu.memory_space<vmem>>
        %dma_start3A_271 = tpu.memref_squeeze %dma_start3A_270 : memref<1x64xf32, #tpu.memory_space<vmem>> -> memref<64xf32, #tpu.memory_space<vmem>>
        %dma_start3A_272 = arith.constant 0 : i32
        %dma_start3A_273 = tpu.memref_slice %arg3[%squeeze3A_266, %dma_start3A_272] : memref<1000000x64xf32, #tpu.memory_space<hbm>> -> memref<1x64xf32, #tpu.memory_space<hbm>>
        %dma_start3A_274 = tpu.memref_squeeze %dma_start3A_273 : memref<1x64xf32, #tpu.memory_space<hbm>> -> memref<64xf32, #tpu.memory_space<hbm>>
        %dma_start3A_275 = arith.constant 0 : i32
        %dma_start3A_276 = tpu.memref_slice %arg16[%add3A_268, %dma_start3A_275] : memref<160x64xf32, #tpu.memory_space<vmem>> -> memref<1x64xf32, #tpu.memory_space<vmem>>
        %dma_start3A_277 = tpu.memref_squeeze %dma_start3A_276 : memref<1x64xf32, #tpu.memory_space<vmem>> -> memref<64xf32, #tpu.memory_space<vmem>>
        %dma_start3A_278 = arith.constant 0 : i32
        %dma_start3A_279 = tpu.memref_slice %arg3[%squeeze3A_266, %dma_start3A_278] : memref<1000000x64xf32, #tpu.memory_space<hbm>> -> memref<1x64xf32, #tpu.memory_space<hbm>>
        %dma_start3A_280 = tpu.memref_squeeze %dma_start3A_279 : memref<1x64xf32, #tpu.memory_space<hbm>> -> memref<64xf32, #tpu.memory_space<hbm>>
        tpu.enqueue_dma source(%dma_start3A_280 : memref<64xf32, #tpu.memory_space<hbm>>) target(%dma_start3A_277 : memref<64xf32, #tpu.memory_space<vmem>>) target_semaphore(%arg22 : memref<!tpu.dma_semaphore, #tpu.memory_space<semaphore_mem>>)
        %slice3A_281 = vector.extract_strided_slice %get3A_100 {offsets = [11], sizes = [1], strides = [1]} : vector<16xi32> to vector<1xi32>
        %squeeze3A_282 = vector.extract %slice3A_281[0] : i32 from vector<1xi32>
        %add3A_283 = arith.constant 11 : i32
        %add3A_284 = arith.addi %mul3A_106, %add3A_283 : i32
        %dma_start3A_285 = arith.constant 0 : i32
        %dma_start3A_286 = tpu.memref_slice %arg16[%add3A_284, %dma_start3A_285] : memref<160x64xf32, #tpu.memory_space<vmem>> -> memref<1x64xf32, #tpu.memory_space<vmem>>
        %dma_start3A_287 = tpu.memref_squeeze %dma_start3A_286 : memref<1x64xf32, #tpu.memory_space<vmem>> -> memref<64xf32, #tpu.memory_space<vmem>>
        %dma_start3A_288 = arith.constant 0 : i32
        %dma_start3A_289 = tpu.memref_slice %arg3[%squeeze3A_282, %dma_start3A_288] : memref<1000000x64xf32, #tpu.memory_space<hbm>> -> memref<1x64xf32, #tpu.memory_space<hbm>>
        %dma_start3A_290 = tpu.memref_squeeze %dma_start3A_289 : memref<1x64xf32, #tpu.memory_space<hbm>> -> memref<64xf32, #tpu.memory_space<hbm>>
        %dma_start3A_291 = arith.constant 0 : i32
        %dma_start3A_292 = tpu.memref_slice %arg16[%add3A_284, %dma_start3A_291] : memref<160x64xf32, #tpu.memory_space<vmem>> -> memref<1x64xf32, #tpu.memory_space<vmem>>
        %dma_start3A_293 = tpu.memref_squeeze %dma_start3A_292 : memref<1x64xf32, #tpu.memory_space<vmem>> -> memref<64xf32, #tpu.memory_space<vmem>>
        %dma_start3A_294 = arith.constant 0 : i32
        %dma_start3A_295 = tpu.memref_slice %arg3[%squeeze3A_282, %dma_start3A_294] : memref<1000000x64xf32, #tpu.memory_space<hbm>> -> memref<1x64xf32, #tpu.memory_space<hbm>>
        %dma_start3A_296 = tpu.memref_squeeze %dma_start3A_295 : memref<1x64xf32, #tpu.memory_space<hbm>> -> memref<64xf32, #tpu.memory_space<hbm>>
        tpu.enqueue_dma source(%dma_start3A_296 : memref<64xf32, #tpu.memory_space<hbm>>) target(%dma_start3A_293 : memref<64xf32, #tpu.memory_space<vmem>>) target_semaphore(%arg22 : memref<!tpu.dma_semaphore, #tpu.memory_space<semaphore_mem>>)
        %slice3A_297 = vector.extract_strided_slice %get3A_100 {offsets = [12], sizes = [1], strides = [1]} : vector<16xi32> to vector<1xi32>
        %squeeze3A_298 = vector.extract %slice3A_297[0] : i32 from vector<1xi32>
        %add3A_299 = arith.constant 12 : i32
        %add3A_300 = arith.addi %mul3A_106, %add3A_299 : i32
        %dma_start3A_301 = arith.constant 0 : i32
        %dma_start3A_302 = tpu.memref_slice %arg16[%add3A_300, %dma_start3A_301] : memref<160x64xf32, #tpu.memory_space<vmem>> -> memref<1x64xf32, #tpu.memory_space<vmem>>
        %dma_start3A_303 = tpu.memref_squeeze %dma_start3A_302 : memref<1x64xf32, #tpu.memory_space<vmem>> -> memref<64xf32, #tpu.memory_space<vmem>>
        %dma_start3A_304 = arith.constant 0 : i32
        %dma_start3A_305 = tpu.memref_slice %arg3[%squeeze3A_298, %dma_start3A_304] : memref<1000000x64xf32, #tpu.memory_space<hbm>> -> memref<1x64xf32, #tpu.memory_space<hbm>>
        %dma_start3A_306 = tpu.memref_squeeze %dma_start3A_305 : memref<1x64xf32, #tpu.memory_space<hbm>> -> memref<64xf32, #tpu.memory_space<hbm>>
        %dma_start3A_307 = arith.constant 0 : i32
        %dma_start3A_308 = tpu.memref_slice %arg16[%add3A_300, %dma_start3A_307] : memref<160x64xf32, #tpu.memory_space<vmem>> -> memref<1x64xf32, #tpu.memory_space<vmem>>
        %dma_start3A_309 = tpu.memref_squeeze %dma_start3A_308 : memref<1x64xf32, #tpu.memory_space<vmem>> -> memref<64xf32, #tpu.memory_space<vmem>>
        %dma_start3A_310 = arith.constant 0 : i32
        %dma_start3A_311 = tpu.memref_slice %arg3[%squeeze3A_298, %dma_start3A_310] : memref<1000000x64xf32, #tpu.memory_space<hbm>> -> memref<1x64xf32, #tpu.memory_space<hbm>>
        %dma_start3A_312 = tpu.memref_squeeze %dma_start3A_311 : memref<1x64xf32, #tpu.memory_space<hbm>> -> memref<64xf32, #tpu.memory_space<hbm>>
        tpu.enqueue_dma source(%dma_start3A_312 : memref<64xf32, #tpu.memory_space<hbm>>) target(%dma_start3A_309 : memref<64xf32, #tpu.memory_space<vmem>>) target_semaphore(%arg22 : memref<!tpu.dma_semaphore, #tpu.memory_space<semaphore_mem>>)
        %slice3A_313 = vector.extract_strided_slice %get3A_100 {offsets = [13], sizes = [1], strides = [1]} : vector<16xi32> to vector<1xi32>
        %squeeze3A_314 = vector.extract %slice3A_313[0] : i32 from vector<1xi32>
        %add3A_315 = arith.constant 13 : i32
        %add3A_316 = arith.addi %mul3A_106, %add3A_315 : i32
        %dma_start3A_317 = arith.constant 0 : i32
        %dma_start3A_318 = tpu.memref_slice %arg16[%add3A_316, %dma_start3A_317] : memref<160x64xf32, #tpu.memory_space<vmem>> -> memref<1x64xf32, #tpu.memory_space<vmem>>
        %dma_start3A_319 = tpu.memref_squeeze %dma_start3A_318 : memref<1x64xf32, #tpu.memory_space<vmem>> -> memref<64xf32, #tpu.memory_space<vmem>>
        %dma_start3A_320 = arith.constant 0 : i32
        %dma_start3A_321 = tpu.memref_slice %arg3[%squeeze3A_314, %dma_start3A_320] : memref<1000000x64xf32, #tpu.memory_space<hbm>> -> memref<1x64xf32, #tpu.memory_space<hbm>>
        %dma_start3A_322 = tpu.memref_squeeze %dma_start3A_321 : memref<1x64xf32, #tpu.memory_space<hbm>> -> memref<64xf32, #tpu.memory_space<hbm>>
        %dma_start3A_323 = arith.constant 0 : i32
        %dma_start3A_324 = tpu.memref_slice %arg16[%add3A_316, %dma_start3A_323] : memref<160x64xf32, #tpu.memory_space<vmem>> -> memref<1x64xf32, #tpu.memory_space<vmem>>
        %dma_start3A_325 = tpu.memref_squeeze %dma_start3A_324 : memref<1x64xf32, #tpu.memory_space<vmem>> -> memref<64xf32, #tpu.memory_space<vmem>>
        %dma_start3A_326 = arith.constant 0 : i32
        %dma_start3A_327 = tpu.memref_slice %arg3[%squeeze3A_314, %dma_start3A_326] : memref<1000000x64xf32, #tpu.memory_space<hbm>> -> memref<1x64xf32, #tpu.memory_space<hbm>>
        %dma_start3A_328 = tpu.memref_squeeze %dma_start3A_327 : memref<1x64xf32, #tpu.memory_space<hbm>> -> memref<64xf32, #tpu.memory_space<hbm>>
        tpu.enqueue_dma source(%dma_start3A_328 : memref<64xf32, #tpu.memory_space<hbm>>) target(%dma_start3A_325 : memref<64xf32, #tpu.memory_space<vmem>>) target_semaphore(%arg22 : memref<!tpu.dma_semaphore, #tpu.memory_space<semaphore_mem>>)
        %slice3A_329 = vector.extract_strided_slice %get3A_100 {offsets = [14], sizes = [1], strides = [1]} : vector<16xi32> to vector<1xi32>
        %squeeze3A_330 = vector.extract %slice3A_329[0] : i32 from vector<1xi32>
        %add3A_331 = arith.constant 14 : i32
        %add3A_332 = arith.addi %mul3A_106, %add3A_331 : i32
        %dma_start3A_333 = arith.constant 0 : i32
        %dma_start3A_334 = tpu.memref_slice %arg16[%add3A_332, %dma_start3A_333] : memref<160x64xf32, #tpu.memory_space<vmem>> -> memref<1x64xf32, #tpu.memory_space<vmem>>
        %dma_start3A_335 = tpu.memref_squeeze %dma_start3A_334 : memref<1x64xf32, #tpu.memory_space<vmem>> -> memref<64xf32, #tpu.memory_space<vmem>>
        %dma_start3A_336 = arith.constant 0 : i32
        %dma_start3A_337 = tpu.memref_slice %arg3[%squeeze3A_330, %dma_start3A_336] : memref<1000000x64xf32, #tpu.memory_space<hbm>> -> memref<1x64xf32, #tpu.memory_space<hbm>>
        %dma_start3A_338 = tpu.memref_squeeze %dma_start3A_337 : memref<1x64xf32, #tpu.memory_space<hbm>> -> memref<64xf32, #tpu.memory_space<hbm>>
        %dma_start3A_339 = arith.constant 0 : i32
        %dma_start3A_340 = tpu.memref_slice %arg16[%add3A_332, %dma_start3A_339] : memref<160x64xf32, #tpu.memory_space<vmem>> -> memref<1x64xf32, #tpu.memory_space<vmem>>
        %dma_start3A_341 = tpu.memref_squeeze %dma_start3A_340 : memref<1x64xf32, #tpu.memory_space<vmem>> -> memref<64xf32, #tpu.memory_space<vmem>>
        %dma_start3A_342 = arith.constant 0 : i32
        %dma_start3A_343 = tpu.memref_slice %arg3[%squeeze3A_330, %dma_start3A_342] : memref<1000000x64xf32, #tpu.memory_space<hbm>> -> memref<1x64xf32, #tpu.memory_space<hbm>>
        %dma_start3A_344 = tpu.memref_squeeze %dma_start3A_343 : memref<1x64xf32, #tpu.memory_space<hbm>> -> memref<64xf32, #tpu.memory_space<hbm>>
        tpu.enqueue_dma source(%dma_start3A_344 : memref<64xf32, #tpu.memory_space<hbm>>) target(%dma_start3A_341 : memref<64xf32, #tpu.memory_space<vmem>>) target_semaphore(%arg22 : memref<!tpu.dma_semaphore, #tpu.memory_space<semaphore_mem>>)
        %slice3A_345 = vector.extract_strided_slice %get3A_100 {offsets = [15], sizes = [1], strides = [1]} : vector<16xi32> to vector<1xi32>
        %squeeze3A_346 = vector.extract %slice3A_345[0] : i32 from vector<1xi32>
        %add3A_347 = arith.constant 15 : i32
        %add3A_348 = arith.addi %mul3A_106, %add3A_347 : i32
        %dma_start3A_349 = arith.constant 0 : i32
        %dma_start3A_350 = tpu.memref_slice %arg16[%add3A_348, %dma_start3A_349] : memref<160x64xf32, #tpu.memory_space<vmem>> -> memref<1x64xf32, #tpu.memory_space<vmem>>
        %dma_start3A_351 = tpu.memref_squeeze %dma_start3A_350 : memref<1x64xf32, #tpu.memory_space<vmem>> -> memref<64xf32, #tpu.memory_space<vmem>>
        %dma_start3A_352 = arith.constant 0 : i32
        %dma_start3A_353 = tpu.memref_slice %arg3[%squeeze3A_346, %dma_start3A_352] : memref<1000000x64xf32, #tpu.memory_space<hbm>> -> memref<1x64xf32, #tpu.memory_space<hbm>>
        %dma_start3A_354 = tpu.memref_squeeze %dma_start3A_353 : memref<1x64xf32, #tpu.memory_space<hbm>> -> memref<64xf32, #tpu.memory_space<hbm>>
        %dma_start3A_355 = arith.constant 0 : i32
        %dma_start3A_356 = tpu.memref_slice %arg16[%add3A_348, %dma_start3A_355] : memref<160x64xf32, #tpu.memory_space<vmem>> -> memref<1x64xf32, #tpu.memory_space<vmem>>
        %dma_start3A_357 = tpu.memref_squeeze %dma_start3A_356 : memref<1x64xf32, #tpu.memory_space<vmem>> -> memref<64xf32, #tpu.memory_space<vmem>>
        %dma_start3A_358 = arith.constant 0 : i32
        %dma_start3A_359 = tpu.memref_slice %arg3[%squeeze3A_346, %dma_start3A_358] : memref<1000000x64xf32, #tpu.memory_space<hbm>> -> memref<1x64xf32, #tpu.memory_space<hbm>>
        %dma_start3A_360 = tpu.memref_squeeze %dma_start3A_359 : memref<1x64xf32, #tpu.memory_space<hbm>> -> memref<64xf32, #tpu.memory_space<hbm>>
        tpu.enqueue_dma source(%dma_start3A_360 : memref<64xf32, #tpu.memory_space<hbm>>) target(%dma_start3A_357 : memref<64xf32, #tpu.memory_space<vmem>>) target_semaphore(%arg22 : memref<!tpu.dma_semaphore, #tpu.memory_space<semaphore_mem>>)
        %slice3A_361 = vector.extract_strided_slice %get3A_104 {offsets = [0], sizes = [1], strides = [1]} : vector<16xi32> to vector<1xi32>
        %squeeze3A_362 = vector.extract %slice3A_361[0] : i32 from vector<1xi32>
        %add3A_363 = arith.constant 16 : i32
        %add3A_364 = arith.addi %mul3A_106, %add3A_363 : i32
        %add3A_365 = arith.constant 0 : i32
        %add3A_366 = arith.addi %add3A_364, %add3A_365 : i32
        %dma_start3A_367 = arith.constant 0 : i32
        %dma_start3A_368 = tpu.memref_slice %arg16[%add3A_366, %dma_start3A_367] : memref<160x64xf32, #tpu.memory_space<vmem>> -> memref<1x64xf32, #tpu.memory_space<vmem>>
        %dma_start3A_369 = tpu.memref_squeeze %dma_start3A_368 : memref<1x64xf32, #tpu.memory_space<vmem>> -> memref<64xf32, #tpu.memory_space<vmem>>
        %dma_start3A_370 = arith.constant 0 : i32
        %dma_start3A_371 = tpu.memref_slice %arg3[%squeeze3A_362, %dma_start3A_370] : memref<1000000x64xf32, #tpu.memory_space<hbm>> -> memref<1x64xf32, #tpu.memory_space<hbm>>
        %dma_start3A_372 = tpu.memref_squeeze %dma_start3A_371 : memref<1x64xf32, #tpu.memory_space<hbm>> -> memref<64xf32, #tpu.memory_space<hbm>>
        %dma_start3A_373 = arith.constant 0 : i32
        %dma_start3A_374 = tpu.memref_slice %arg16[%add3A_366, %dma_start3A_373] : memref<160x64xf32, #tpu.memory_space<vmem>> -> memref<1x64xf32, #tpu.memory_space<vmem>>
        %dma_start3A_375 = tpu.memref_squeeze %dma_start3A_374 : memref<1x64xf32, #tpu.memory_space<vmem>> -> memref<64xf32, #tpu.memory_space<vmem>>
        %dma_start3A_376 = arith.constant 0 : i32
        %dma_start3A_377 = tpu.memref_slice %arg3[%squeeze3A_362, %dma_start3A_376] : memref<1000000x64xf32, #tpu.memory_space<hbm>> -> memref<1x64xf32, #tpu.memory_space<hbm>>
        %dma_start3A_378 = tpu.memref_squeeze %dma_start3A_377 : memref<1x64xf32, #tpu.memory_space<hbm>> -> memref<64xf32, #tpu.memory_space<hbm>>
        tpu.enqueue_dma source(%dma_start3A_378 : memref<64xf32, #tpu.memory_space<hbm>>) target(%dma_start3A_375 : memref<64xf32, #tpu.memory_space<vmem>>) target_semaphore(%arg22 : memref<!tpu.dma_semaphore, #tpu.memory_space<semaphore_mem>>)
        %slice3A_379 = vector.extract_strided_slice %get3A_104 {offsets = [1], sizes = [1], strides = [1]} : vector<16xi32> to vector<1xi32>
        %squeeze3A_380 = vector.extract %slice3A_379[0] : i32 from vector<1xi32>
        %add3A_381 = arith.constant 16 : i32
        %add3A_382 = arith.addi %mul3A_106, %add3A_381 : i32
        %add3A_383 = arith.constant 1 : i32
        %add3A_384 = arith.addi %add3A_382, %add3A_383 : i32
        %dma_start3A_385 = arith.constant 0 : i32
        %dma_start3A_386 = tpu.memref_slice %arg16[%add3A_384, %dma_start3A_385] : memref<160x64xf32, #tpu.memory_space<vmem>> -> memref<1x64xf32, #tpu.memory_space<vmem>>
        %dma_start3A_387 = tpu.memref_squeeze %dma_start3A_386 : memref<1x64xf32, #tpu.memory_space<vmem>> -> memref<64xf32, #tpu.memory_space<vmem>>
        %dma_start3A_388 = arith.constant 0 : i32
        %dma_start3A_389 = tpu.memref_slice %arg3[%squeeze3A_380, %dma_start3A_388] : memref<1000000x64xf32, #tpu.memory_space<hbm>> -> memref<1x64xf32, #tpu.memory_space<hbm>>
        %dma_start3A_390 = tpu.memref_squeeze %dma_start3A_389 : memref<1x64xf32, #tpu.memory_space<hbm>> -> memref<64xf32, #tpu.memory_space<hbm>>
        %dma_start3A_391 = arith.constant 0 : i32
        %dma_start3A_392 = tpu.memref_slice %arg16[%add3A_384, %dma_start3A_391] : memref<160x64xf32, #tpu.memory_space<vmem>> -> memref<1x64xf32, #tpu.memory_space<vmem>>
        %dma_start3A_393 = tpu.memref_squeeze %dma_start3A_392 : memref<1x64xf32, #tpu.memory_space<vmem>> -> memref<64xf32, #tpu.memory_space<vmem>>
        %dma_start3A_394 = arith.constant 0 : i32
        %dma_start3A_395 = tpu.memref_slice %arg3[%squeeze3A_380, %dma_start3A_394] : memref<1000000x64xf32, #tpu.memory_space<hbm>> -> memref<1x64xf32, #tpu.memory_space<hbm>>
        %dma_start3A_396 = tpu.memref_squeeze %dma_start3A_395 : memref<1x64xf32, #tpu.memory_space<hbm>> -> memref<64xf32, #tpu.memory_space<hbm>>
        tpu.enqueue_dma source(%dma_start3A_396 : memref<64xf32, #tpu.memory_space<hbm>>) target(%dma_start3A_393 : memref<64xf32, #tpu.memory_space<vmem>>) target_semaphore(%arg22 : memref<!tpu.dma_semaphore, #tpu.memory_space<semaphore_mem>>)
        %slice3A_397 = vector.extract_strided_slice %get3A_104 {offsets = [2], sizes = [1], strides = [1]} : vector<16xi32> to vector<1xi32>
        %squeeze3A_398 = vector.extract %slice3A_397[0] : i32 from vector<1xi32>
        %add3A_399 = arith.constant 16 : i32
        %add3A_400 = arith.addi %mul3A_106, %add3A_399 : i32
        %add3A_401 = arith.constant 2 : i32
        %add3A_402 = arith.addi %add3A_400, %add3A_401 : i32
        %dma_start3A_403 = arith.constant 0 : i32
        %dma_start3A_404 = tpu.memref_slice %arg16[%add3A_402, %dma_start3A_403] : memref<160x64xf32, #tpu.memory_space<vmem>> -> memref<1x64xf32, #tpu.memory_space<vmem>>
        %dma_start3A_405 = tpu.memref_squeeze %dma_start3A_404 : memref<1x64xf32, #tpu.memory_space<vmem>> -> memref<64xf32, #tpu.memory_space<vmem>>
        %dma_start3A_406 = arith.constant 0 : i32
        %dma_start3A_407 = tpu.memref_slice %arg3[%squeeze3A_398, %dma_start3A_406] : memref<1000000x64xf32, #tpu.memory_space<hbm>> -> memref<1x64xf32, #tpu.memory_space<hbm>>
        %dma_start3A_408 = tpu.memref_squeeze %dma_start3A_407 : memref<1x64xf32, #tpu.memory_space<hbm>> -> memref<64xf32, #tpu.memory_space<hbm>>
        %dma_start3A_409 = arith.constant 0 : i32
        %dma_start3A_410 = tpu.memref_slice %arg16[%add3A_402, %dma_start3A_409] : memref<160x64xf32, #tpu.memory_space<vmem>> -> memref<1x64xf32, #tpu.memory_space<vmem>>
        %dma_start3A_411 = tpu.memref_squeeze %dma_start3A_410 : memref<1x64xf32, #tpu.memory_space<vmem>> -> memref<64xf32, #tpu.memory_space<vmem>>
        %dma_start3A_412 = arith.constant 0 : i32
        %dma_start3A_413 = tpu.memref_slice %arg3[%squeeze3A_398, %dma_start3A_412] : memref<1000000x64xf32, #tpu.memory_space<hbm>> -> memref<1x64xf32, #tpu.memory_space<hbm>>
        %dma_start3A_414 = tpu.memref_squeeze %dma_start3A_413 : memref<1x64xf32, #tpu.memory_space<hbm>> -> memref<64xf32, #tpu.memory_space<hbm>>
        tpu.enqueue_dma source(%dma_start3A_414 : memref<64xf32, #tpu.memory_space<hbm>>) target(%dma_start3A_411 : memref<64xf32, #tpu.memory_space<vmem>>) target_semaphore(%arg22 : memref<!tpu.dma_semaphore, #tpu.memory_space<semaphore_mem>>)
        %slice3A_415 = vector.extract_strided_slice %get3A_104 {offsets = [3], sizes = [1], strides = [1]} : vector<16xi32> to vector<1xi32>
        %squeeze3A_416 = vector.extract %slice3A_415[0] : i32 from vector<1xi32>
        %add3A_417 = arith.constant 16 : i32
        %add3A_418 = arith.addi %mul3A_106, %add3A_417 : i32
        %add3A_419 = arith.constant 3 : i32
        %add3A_420 = arith.addi %add3A_418, %add3A_419 : i32
        %dma_start3A_421 = arith.constant 0 : i32
        %dma_start3A_422 = tpu.memref_slice %arg16[%add3A_420, %dma_start3A_421] : memref<160x64xf32, #tpu.memory_space<vmem>> -> memref<1x64xf32, #tpu.memory_space<vmem>>
        %dma_start3A_423 = tpu.memref_squeeze %dma_start3A_422 : memref<1x64xf32, #tpu.memory_space<vmem>> -> memref<64xf32, #tpu.memory_space<vmem>>
        %dma_start3A_424 = arith.constant 0 : i32
        %dma_start3A_425 = tpu.memref_slice %arg3[%squeeze3A_416, %dma_start3A_424] : memref<1000000x64xf32, #tpu.memory_space<hbm>> -> memref<1x64xf32, #tpu.memory_space<hbm>>
        %dma_start3A_426 = tpu.memref_squeeze %dma_start3A_425 : memref<1x64xf32, #tpu.memory_space<hbm>> -> memref<64xf32, #tpu.memory_space<hbm>>
        %dma_start3A_427 = arith.constant 0 : i32
        %dma_start3A_428 = tpu.memref_slice %arg16[%add3A_420, %dma_start3A_427] : memref<160x64xf32, #tpu.memory_space<vmem>> -> memref<1x64xf32, #tpu.memory_space<vmem>>
        %dma_start3A_429 = tpu.memref_squeeze %dma_start3A_428 : memref<1x64xf32, #tpu.memory_space<vmem>> -> memref<64xf32, #tpu.memory_space<vmem>>
        %dma_start3A_430 = arith.constant 0 : i32
        %dma_start3A_431 = tpu.memref_slice %arg3[%squeeze3A_416, %dma_start3A_430] : memref<1000000x64xf32, #tpu.memory_space<hbm>> -> memref<1x64xf32, #tpu.memory_space<hbm>>
        %dma_start3A_432 = tpu.memref_squeeze %dma_start3A_431 : memref<1x64xf32, #tpu.memory_space<hbm>> -> memref<64xf32, #tpu.memory_space<hbm>>
        tpu.enqueue_dma source(%dma_start3A_432 : memref<64xf32, #tpu.memory_space<hbm>>) target(%dma_start3A_429 : memref<64xf32, #tpu.memory_space<vmem>>) target_semaphore(%arg22 : memref<!tpu.dma_semaphore, #tpu.memory_space<semaphore_mem>>)
      }
      %scan3A_67 = arith.constant 8 : i32
      %dma_wait3A_68 = arith.constant 0 : i32
      %dma_wait3A_69 = arith.constant 0 : i32
      %dma_wait3A_70 = tpu.memref_slice %arg2[%dma_wait3A_68, %dma_wait3A_69] : memref<1000000x64xf32, #tpu.memory_space<hbm>> -> memref<160x64xf32, #tpu.memory_space<hbm>>
      %dma_wait3A_71 = arith.constant 0 : i32
      %dma_wait3A_72 = arith.constant 0 : i32
      %dma_wait3A_73 = tpu.memref_slice %arg2[%dma_wait3A_71, %dma_wait3A_72] : memref<1000000x64xf32, #tpu.memory_space<hbm>> -> memref<160x64xf32, #tpu.memory_space<hbm>>
      tpu.wait_dma2 semaphore(%arg22 : memref<!tpu.dma_semaphore, #tpu.memory_space<semaphore_mem>>) src(%dma_wait3A_73 : memref<160x64xf32, #tpu.memory_space<hbm>>) dst(%arg15 : memref<160x64xf32, #tpu.memory_space<vmem>>)
      %dma_wait3A_74 = arith.constant 0 : i32
      %dma_wait3A_75 = arith.constant 0 : i32
      %dma_wait3A_76 = tpu.memref_slice %arg2[%dma_wait3A_74, %dma_wait3A_75] : memref<1000000x64xf32, #tpu.memory_space<hbm>> -> memref<160x64xf32, #tpu.memory_space<hbm>>
      %dma_wait3A_77 = arith.constant 0 : i32
      %dma_wait3A_78 = arith.constant 0 : i32
      %dma_wait3A_79 = tpu.memref_slice %arg2[%dma_wait3A_77, %dma_wait3A_78] : memref<1000000x64xf32, #tpu.memory_space<hbm>> -> memref<160x64xf32, #tpu.memory_space<hbm>>
      tpu.wait_dma2 semaphore(%arg22 : memref<!tpu.dma_semaphore, #tpu.memory_space<semaphore_mem>>) src(%dma_wait3A_79 : memref<160x64xf32, #tpu.memory_space<hbm>>) dst(%arg16 : memref<160x64xf32, #tpu.memory_space<vmem>>)
      %scan3A_80 = arith.constant 0 : i32
      %scan3A_81 = arith.constant 0 : i32
      %scan3A_82 = arith.constant 80 : i32
      %scan3A_83 = arith.addi %scan3A_81, %scan3A_82 : i32
      %scan3A_84 = arith.constant 1 : i32
      scf.for %scan3A_97 = %scan3A_81 to %scan3A_83 step %scan3A_84  : i32 {
        %mul3A_98 = arith.constant 2 : i32
        %mul3A_99 = arith.muli %scan3A_97, %mul3A_98 : i32
        %mul3A_100 = arith.constant 2 : i32
        %mul3A_101 = arith.muli %scan3A_97, %mul3A_100 : i32
        %add3A_102 = arith.constant 1 : i32
        %add3A_103 = arith.addi %mul3A_101, %add3A_102 : i32
        %get3A = arith.index_cast %mul3A_99 : i32 to index
        %get3A_104 = arith.constant 0 : index
        %get3A_105 = tpu.vector_load %arg15[%get3A, %get3A_104] {strides = array<i32>} : memref<160x64xf32, #tpu.memory_space<vmem>>, vector<1x16xf32>,
        %get3A_106 = vector.shape_cast %get3A_105 : vector<1x16xf32> to vector<16xf32>
        %get3A_107 = arith.index_cast %mul3A_99 : i32 to index
        %get3A_108 = arith.constant 16 : index
        %get3A_109 = tpu.vector_load %arg15[%get3A_107, %get3A_108] {strides = array<i32>} : memref<160x64xf32, #tpu.memory_space<vmem>>, vector<1x16xf32>,
        %get3A_110 = vector.shape_cast %get3A_109 : vector<1x16xf32> to vector<16xf32>
        %get3A_111 = arith.index_cast %mul3A_99 : i32 to index
        %get3A_112 = arith.constant 32 : index
        %get3A_113 = tpu.vector_load %arg15[%get3A_111, %get3A_112] {strides = array<i32>} : memref<160x64xf32, #tpu.memory_space<vmem>>, vector<1x16xf32>,
        %get3A_114 = vector.shape_cast %get3A_113 : vector<1x16xf32> to vector<16xf32>
        %get3A_115 = arith.index_cast %mul3A_99 : i32 to index
        %get3A_116 = arith.constant 48 : index
        %get3A_117 = tpu.vector_load %arg15[%get3A_115, %get3A_116] {strides = array<i32>} : memref<160x64xf32, #tpu.memory_space<vmem>>, vector<1x16xf32>,
        %get3A_118 = vector.shape_cast %get3A_117 : vector<1x16xf32> to vector<16xf32>
        %get3A_119 = arith.index_cast %mul3A_99 : i32 to index
        %get3A_120 = arith.constant 0 : index
        %get3A_121 = tpu.vector_load %arg16[%get3A_119, %get3A_120] {strides = array<i32>} : memref<160x64xf32, #tpu.memory_space<vmem>>, vector<1x16xf32>,
        %get3A_122 = vector.shape_cast %get3A_121 : vector<1x16xf32> to vector<16xf32>
        %get3A_123 = arith.index_cast %mul3A_99 : i32 to index
        %get3A_124 = arith.constant 16 : index
        %get3A_125 = tpu.vector_load %arg16[%get3A_123, %get3A_124] {strides = array<i32>} : memref<160x64xf32, #tpu.memory_space<vmem>>, vector<1x16xf32>,
        %get3A_126 = vector.shape_cast %get3A_125 : vector<1x16xf32> to vector<16xf32>
        %get3A_127 = arith.index_cast %mul3A_99 : i32 to index
        %get3A_128 = arith.constant 32 : index
        %get3A_129 = tpu.vector_load %arg16[%get3A_127, %get3A_128] {strides = array<i32>} : memref<160x64xf32, #tpu.memory_space<vmem>>, vector<1x16xf32>,
        %get3A_130 = vector.shape_cast %get3A_129 : vector<1x16xf32> to vector<16xf32>
        %get3A_131 = arith.index_cast %mul3A_99 : i32 to index
        %get3A_132 = arith.constant 48 : index
        %get3A_133 = tpu.vector_load %arg16[%get3A_131, %get3A_132] {strides = array<i32>} : memref<160x64xf32, #tpu.memory_space<vmem>>, vector<1x16xf32>,
        %get3A_134 = vector.shape_cast %get3A_133 : vector<1x16xf32> to vector<16xf32>
        %mul3A_135 = arith.mulf %get3A_106, %get3A_122 : vector<16xf32>
        %mul3A_136 = arith.mulf %get3A_110, %get3A_126 : vector<16xf32>
        %add3A_137 = arith.addf %mul3A_135, %mul3A_136 : vector<16xf32>
        %mul3A_138 = arith.mulf %get3A_114, %get3A_130 : vector<16xf32>
        %add3A_139 = arith.addf %add3A_137, %mul3A_138 : vector<16xf32>
        %mul3A_140 = arith.mulf %get3A_118, %get3A_134 : vector<16xf32>
        %add3A_141 = arith.addf %add3A_139, %mul3A_140 : vector<16xf32>
        %iota3A = tpu.iota {dimensions = array<i32: 0>} : vector<16xi32>
        %xor3A = arith.constant 8 : i32
        %xor3A_142 = vector.broadcast %xor3A : i32 to vector<16xi32>
        %xor3A_143 = arith.xori %iota3A, %xor3A_142 : vector<16xi32>
        %lt3A = arith.constant 0 : i32
        %lt3A_144 = vector.broadcast %lt3A : i32 to vector<16xi32>
        %lt3A_145 = arith.cmpi slt, %xor3A_143, %lt3A_144 : vector<16xi32>
        %add3A_146 = arith.constant 16 : i32
        %add3A_147 = vector.broadcast %add3A_146 : i32 to vector<16xi32>
        %add3A_148 = arith.addi %xor3A_143, %add3A_147 : vector<16xi32>
        %select_n3A = arith.select %lt3A_145, %add3A_148, %xor3A_143 : vector<16xi1>, vector<16xi32>
        %broadcast_in_dim3A = vector.shape_cast %select_n3A : vector<16xi32> to vector<16x1xi32>
        %gather3A = vector.shape_cast %broadcast_in_dim3A : vector<16x1xi32> to vector<16xi32>
        %gather3A_149 = tpu.dynamic_gather %add3A_141[%gather3A] in [0] : vector<16xf32>, vector<16xi32> -> vector<16xf32>
        %add3A_150 = arith.addf %add3A_141, %gather3A_149 : vector<16xf32>
        %iota3A_151 = tpu.iota {dimensions = array<i32: 0>} : vector<16xi32>
        %xor3A_152 = arith.constant 4 : i32
        %xor3A_153 = vector.broadcast %xor3A_152 : i32 to vector<16xi32>
        %xor3A_154 = arith.xori %iota3A_151, %xor3A_153 : vector<16xi32>
        %lt3A_155 = arith.constant 0 : i32
        %lt3A_156 = vector.broadcast %lt3A_155 : i32 to vector<16xi32>
        %lt3A_157 = arith.cmpi slt, %xor3A_154, %lt3A_156 : vector<16xi32>
        %add3A_158 = arith.constant 16 : i32
        %add3A_159 = vector.broadcast %add3A_158 : i32 to vector<16xi32>
        %add3A_160 = arith.addi %xor3A_154, %add3A_159 : vector<16xi32>
        %select_n3A_161 = arith.select %lt3A_157, %add3A_160, %xor3A_154 : vector<16xi1>, vector<16xi32>
        %broadcast_in_dim3A_162 = vector.shape_cast %select_n3A_161 : vector<16xi32> to vector<16x1xi32>
        %gather3A_163 = vector.shape_cast %broadcast_in_dim3A_162 : vector<16x1xi32> to vector<16xi32>
        %gather3A_164 = tpu.dynamic_gather %add3A_150[%gather3A_163] in [0] : vector<16xf32>, vector<16xi32> -> vector<16xf32>
        %add3A_165 = arith.addf %add3A_150, %gather3A_164 : vector<16xf32>
        %iota3A_166 = tpu.iota {dimensions = array<i32: 0>} : vector<16xi32>
        %xor3A_167 = arith.constant 2 : i32
        %xor3A_168 = vector.broadcast %xor3A_167 : i32 to vector<16xi32>
        %xor3A_169 = arith.xori %iota3A_166, %xor3A_168 : vector<16xi32>
        %lt3A_170 = arith.constant 0 : i32
        %lt3A_171 = vector.broadcast %lt3A_170 : i32 to vector<16xi32>
        %lt3A_172 = arith.cmpi slt, %xor3A_169, %lt3A_171 : vector<16xi32>
        %add3A_173 = arith.constant 16 : i32
        %add3A_174 = vector.broadcast %add3A_173 : i32 to vector<16xi32>
        %add3A_175 = arith.addi %xor3A_169, %add3A_174 : vector<16xi32>
        %select_n3A_176 = arith.select %lt3A_172, %add3A_175, %xor3A_169 : vector<16xi1>, vector<16xi32>
        %broadcast_in_dim3A_177 = vector.shape_cast %select_n3A_176 : vector<16xi32> to vector<16x1xi32>
        %gather3A_178 = vector.shape_cast %broadcast_in_dim3A_177 : vector<16x1xi32> to vector<16xi32>
        %gather3A_179 = tpu.dynamic_gather %add3A_165[%gather3A_178] in [0] : vector<16xf32>, vector<16xi32> -> vector<16xf32>
        %add3A_180 = arith.addf %add3A_165, %gather3A_179 : vector<16xf32>
        %iota3A_181 = tpu.iota {dimensions = array<i32: 0>} : vector<16xi32>
        %xor3A_182 = arith.constant 1 : i32
        %xor3A_183 = vector.broadcast %xor3A_182 : i32 to vector<16xi32>
        %xor3A_184 = arith.xori %iota3A_181, %xor3A_183 : vector<16xi32>
        %lt3A_185 = arith.constant 0 : i32
        %lt3A_186 = vector.broadcast %lt3A_185 : i32 to vector<16xi32>
        %lt3A_187 = arith.cmpi slt, %xor3A_184, %lt3A_186 : vector<16xi32>
        %add3A_188 = arith.constant 16 : i32
        %add3A_189 = vector.broadcast %add3A_188 : i32 to vector<16xi32>
        %add3A_190 = arith.addi %xor3A_184, %add3A_189 : vector<16xi32>
        %select_n3A_191 = arith.select %lt3A_187, %add3A_190, %xor3A_184 : vector<16xi1>, vector<16xi32>
        %broadcast_in_dim3A_192 = vector.shape_cast %select_n3A_191 : vector<16xi32> to vector<16x1xi32>
        %gather3A_193 = vector.shape_cast %broadcast_in_dim3A_192 : vector<16x1xi32> to vector<16xi32>
        %gather3A_194 = tpu.dynamic_gather %add3A_180[%gather3A_193] in [0] : vector<16xf32>, vector<16xi32> -> vector<16xf32>
        %add3A_195 = arith.addf %add3A_180, %gather3A_194 : vector<16xf32>
        %slice3A = vector.extract_strided_slice %add3A_195 {offsets = [0], sizes = [1], strides = [1]} : vector<16xf32> to vector<1xf32>
        %squeeze3A = vector.extract %slice3A[0] : f32 from vector<1xf32>
        %max3A = arith.constant -6.000000e+00 : f32
        %max3A_196 = arith.maximumf %squeeze3A, %max3A : f32
        %min3A = arith.constant 6.000000e+00 : f32
        %min3A_197 = arith.minimumf %max3A_196, %min3A : f32
        %add3A_198 = arith.constant 6.010000e+00 : f32
        %add3A_199 = arith.addf %min3A_197, %add3A_198 : f32
        %mul3A_200 = arith.constant 1.000000e+02 : f32
        %mul3A_201 = arith.mulf %add3A_199, %mul3A_200 : f32
        %convert_element_type3A_202 = arith.fptosi %mul3A_201 : f32 to i32
        %get3A_203 = arith.index_cast %convert_element_type3A_202 : i32 to index
        %get3A_204 = tpu.vector_load %arg11[%get3A_203] {strides = array<i32>} : memref<1232xf32, #tpu.memory_space<vmem>>, vector<16xf32>,
        %get3A_205 = vector.shape_cast %get3A_204 : vector<16xf32> to vector<16xf32>
        %slice3A_206 = vector.extract_strided_slice %get3A_205 {offsets = [0], sizes = [1], strides = [1]} : vector<16xf32> to vector<1xf32>
        %squeeze3A_207 = vector.extract %slice3A_206[0] : f32 from vector<1xf32>
        %mul3A_208 = vector.broadcast %squeeze3A_207 : f32 to vector<16xf32>
        %mul3A_209 = arith.mulf %mul3A_208, %get3A_106 : vector<16xf32>
        %swap3A = arith.index_cast %mul3A_99 : i32 to index
        %swap3A_210 = arith.constant 0 : index
        %swap3A_211 = tpu.vector_load %arg18[%swap3A, %swap3A_210] {strides = array<i32>} : memref<160x64xf32, #tpu.memory_space<vmem>>, vector<1x16xf32>,
        %swap3A_212 = vector.shape_cast %swap3A_211 : vector<1x16xf32> to vector<16xf32>
        %swap3A_213 = vector.shape_cast %mul3A_209 : vector<16xf32> to vector<1x16xf32>
        tpu.vector_store %arg18[%swap3A, %swap3A_210], %swap3A_213 {strides = array<i32>} : memref<160x64xf32, #tpu.memory_space<vmem>>, vector<1x16xf32>,
        %mul3A_214 = vector.broadcast %squeeze3A_207 : f32 to vector<16xf32>
        %mul3A_215 = arith.mulf %mul3A_214, %get3A_122 : vector<16xf32>
        %swap3A_216 = arith.index_cast %mul3A_99 : i32 to index
        %swap3A_217 = arith.constant 0 : index
        %swap3A_218 = tpu.vector_load %arg17[%swap3A_216, %swap3A_217] {strides = array<i32>} : memref<160x64xf32, #tpu.memory_space<vmem>>, vector<1x16xf32>,
        %swap3A_219 = vector.shape_cast %swap3A_218 : vector<1x16xf32> to vector<16xf32>
        %swap3A_220 = vector.shape_cast %mul3A_215 : vector<16xf32> to vector<1x16xf32>
        tpu.vector_store %arg17[%swap3A_216, %swap3A_217], %swap3A_220 {strides = array<i32>} : memref<160x64xf32, #tpu.memory_space<vmem>>, vector<1x16xf32>,
        %mul3A_221 = vector.broadcast %squeeze3A_207 : f32 to vector<16xf32>
        %mul3A_222 = arith.mulf %mul3A_221, %get3A_110 : vector<16xf32>
        %swap3A_223 = arith.index_cast %mul3A_99 : i32 to index
        %swap3A_224 = arith.constant 16 : index
        %swap3A_225 = tpu.vector_load %arg18[%swap3A_223, %swap3A_224] {strides = array<i32>} : memref<160x64xf32, #tpu.memory_space<vmem>>, vector<1x16xf32>,
        %swap3A_226 = vector.shape_cast %swap3A_225 : vector<1x16xf32> to vector<16xf32>
        %swap3A_227 = vector.shape_cast %mul3A_222 : vector<16xf32> to vector<1x16xf32>
        tpu.vector_store %arg18[%swap3A_223, %swap3A_224], %swap3A_227 {strides = array<i32>} : memref<160x64xf32, #tpu.memory_space<vmem>>, vector<1x16xf32>,
        %mul3A_228 = vector.broadcast %squeeze3A_207 : f32 to vector<16xf32>
        %mul3A_229 = arith.mulf %mul3A_228, %get3A_126 : vector<16xf32>
        %swap3A_230 = arith.index_cast %mul3A_99 : i32 to index
        %swap3A_231 = arith.constant 16 : index
        %swap3A_232 = tpu.vector_load %arg17[%swap3A_230, %swap3A_231] {strides = array<i32>} : memref<160x64xf32, #tpu.memory_space<vmem>>, vector<1x16xf32>,
        %swap3A_233 = vector.shape_cast %swap3A_232 : vector<1x16xf32> to vector<16xf32>
        %swap3A_234 = vector.shape_cast %mul3A_229 : vector<16xf32> to vector<1x16xf32>
        tpu.vector_store %arg17[%swap3A_230, %swap3A_231], %swap3A_234 {strides = array<i32>} : memref<160x64xf32, #tpu.memory_space<vmem>>, vector<1x16xf32>,
        %mul3A_235 = vector.broadcast %squeeze3A_207 : f32 to vector<16xf32>
        %mul3A_236 = arith.mulf %mul3A_235, %get3A_114 : vector<16xf32>
        %swap3A_237 = arith.index_cast %mul3A_99 : i32 to index
        %swap3A_238 = arith.constant 32 : index
        %swap3A_239 = tpu.vector_load %arg18[%swap3A_237, %swap3A_238] {strides = array<i32>} : memref<160x64xf32, #tpu.memory_space<vmem>>, vector<1x16xf32>,
        %swap3A_240 = vector.shape_cast %swap3A_239 : vector<1x16xf32> to vector<16xf32>
        %swap3A_241 = vector.shape_cast %mul3A_236 : vector<16xf32> to vector<1x16xf32>
        tpu.vector_store %arg18[%swap3A_237, %swap3A_238], %swap3A_241 {strides = array<i32>} : memref<160x64xf32, #tpu.memory_space<vmem>>, vector<1x16xf32>,
        %mul3A_242 = vector.broadcast %squeeze3A_207 : f32 to vector<16xf32>
        %mul3A_243 = arith.mulf %mul3A_242, %get3A_130 : vector<16xf32>
        %swap3A_244 = arith.index_cast %mul3A_99 : i32 to index
        %swap3A_245 = arith.constant 32 : index
        %swap3A_246 = tpu.vector_load %arg17[%swap3A_244, %swap3A_245] {strides = array<i32>} : memref<160x64xf32, #tpu.memory_space<vmem>>, vector<1x16xf32>,
        %swap3A_247 = vector.shape_cast %swap3A_246 : vector<1x16xf32> to vector<16xf32>
        %swap3A_248 = vector.shape_cast %mul3A_243 : vector<16xf32> to vector<1x16xf32>
        tpu.vector_store %arg17[%swap3A_244, %swap3A_245], %swap3A_248 {strides = array<i32>} : memref<160x64xf32, #tpu.memory_space<vmem>>, vector<1x16xf32>,
        %mul3A_249 = vector.broadcast %squeeze3A_207 : f32 to vector<16xf32>
        %mul3A_250 = arith.mulf %mul3A_249, %get3A_118 : vector<16xf32>
        %swap3A_251 = arith.index_cast %mul3A_99 : i32 to index
        %swap3A_252 = arith.constant 48 : index
        %swap3A_253 = tpu.vector_load %arg18[%swap3A_251, %swap3A_252] {strides = array<i32>} : memref<160x64xf32, #tpu.memory_space<vmem>>, vector<1x16xf32>,
        %swap3A_254 = vector.shape_cast %swap3A_253 : vector<1x16xf32> to vector<16xf32>
        %swap3A_255 = vector.shape_cast %mul3A_250 : vector<16xf32> to vector<1x16xf32>
        tpu.vector_store %arg18[%swap3A_251, %swap3A_252], %swap3A_255 {strides = array<i32>} : memref<160x64xf32, #tpu.memory_space<vmem>>, vector<1x16xf32>,
        %mul3A_256 = vector.broadcast %squeeze3A_207 : f32 to vector<16xf32>
        %mul3A_257 = arith.mulf %mul3A_256, %get3A_134 : vector<16xf32>
        %swap3A_258 = arith.index_cast %mul3A_99 : i32 to index
        %swap3A_259 = arith.constant 48 : index
        %swap3A_260 = tpu.vector_load %arg17[%swap3A_258, %swap3A_259] {strides = array<i32>} : memref<160x64xf32, #tpu.memory_space<vmem>>, vector<1x16xf32>,
        %swap3A_261 = vector.shape_cast %swap3A_260 : vector<1x16xf32> to vector<16xf32>
        %swap3A_262 = vector.shape_cast %mul3A_257 : vector<16xf32> to vector<1x16xf32>
        tpu.vector_store %arg17[%swap3A_258, %swap3A_259], %swap3A_262 {strides = array<i32>} : memref<160x64xf32, #tpu.memory_space<vmem>>, vector<1x16xf32>,
        %get3A_263 = arith.index_cast %add3A_103 : i32 to index
        %get3A_264 = arith.constant 0 : index
        %get3A_265 = tpu.vector_load %arg15[%get3A_263, %get3A_264] {strides = array<i32>} : memref<160x64xf32, #tpu.memory_space<vmem>>, vector<1x16xf32>,
        %get3A_266 = vector.shape_cast %get3A_265 : vector<1x16xf32> to vector<16xf32>
        %get3A_267 = arith.index_cast %add3A_103 : i32 to index
        %get3A_268 = arith.constant 16 : index
        %get3A_269 = tpu.vector_load %arg15[%get3A_267, %get3A_268] {strides = array<i32>} : memref<160x64xf32, #tpu.memory_space<vmem>>, vector<1x16xf32>,
        %get3A_270 = vector.shape_cast %get3A_269 : vector<1x16xf32> to vector<16xf32>
        %get3A_271 = arith.index_cast %add3A_103 : i32 to index
        %get3A_272 = arith.constant 32 : index
        %get3A_273 = tpu.vector_load %arg15[%get3A_271, %get3A_272] {strides = array<i32>} : memref<160x64xf32, #tpu.memory_space<vmem>>, vector<1x16xf32>,
        %get3A_274 = vector.shape_cast %get3A_273 : vector<1x16xf32> to vector<16xf32>
        %get3A_275 = arith.index_cast %add3A_103 : i32 to index
        %get3A_276 = arith.constant 48 : index
        %get3A_277 = tpu.vector_load %arg15[%get3A_275, %get3A_276] {strides = array<i32>} : memref<160x64xf32, #tpu.memory_space<vmem>>, vector<1x16xf32>,
        %get3A_278 = vector.shape_cast %get3A_277 : vector<1x16xf32> to vector<16xf32>
        %get3A_279 = arith.index_cast %add3A_103 : i32 to index
        %get3A_280 = arith.constant 0 : index
        %get3A_281 = tpu.vector_load %arg16[%get3A_279, %get3A_280] {strides = array<i32>} : memref<160x64xf32, #tpu.memory_space<vmem>>, vector<1x16xf32>,
        %get3A_282 = vector.shape_cast %get3A_281 : vector<1x16xf32> to vector<16xf32>
        %get3A_283 = arith.index_cast %add3A_103 : i32 to index
        %get3A_284 = arith.constant 16 : index
        %get3A_285 = tpu.vector_load %arg16[%get3A_283, %get3A_284] {strides = array<i32>} : memref<160x64xf32, #tpu.memory_space<vmem>>, vector<1x16xf32>,
        %get3A_286 = vector.shape_cast %get3A_285 : vector<1x16xf32> to vector<16xf32>
        %get3A_287 = arith.index_cast %add3A_103 : i32 to index
        %get3A_288 = arith.constant 32 : index
        %get3A_289 = tpu.vector_load %arg16[%get3A_287, %get3A_288] {strides = array<i32>} : memref<160x64xf32, #tpu.memory_space<vmem>>, vector<1x16xf32>,
        %get3A_290 = vector.shape_cast %get3A_289 : vector<1x16xf32> to vector<16xf32>
        %get3A_291 = arith.index_cast %add3A_103 : i32 to index
        %get3A_292 = arith.constant 48 : index
        %get3A_293 = tpu.vector_load %arg16[%get3A_291, %get3A_292] {strides = array<i32>} : memref<160x64xf32, #tpu.memory_space<vmem>>, vector<1x16xf32>,
        %get3A_294 = vector.shape_cast %get3A_293 : vector<1x16xf32> to vector<16xf32>
        %mul3A_295 = arith.mulf %get3A_266, %get3A_282 : vector<16xf32>
        %mul3A_296 = arith.mulf %get3A_270, %get3A_286 : vector<16xf32>
        %add3A_297 = arith.addf %mul3A_295, %mul3A_296 : vector<16xf32>
        %mul3A_298 = arith.mulf %get3A_274, %get3A_290 : vector<16xf32>
        %add3A_299 = arith.addf %add3A_297, %mul3A_298 : vector<16xf32>
        %mul3A_300 = arith.mulf %get3A_278, %get3A_294 : vector<16xf32>
        %add3A_301 = arith.addf %add3A_299, %mul3A_300 : vector<16xf32>
        %iota3A_302 = tpu.iota {dimensions = array<i32: 0>} : vector<16xi32>
        %xor3A_303 = arith.constant 8 : i32
        %xor3A_304 = vector.broadcast %xor3A_303 : i32 to vector<16xi32>
        %xor3A_305 = arith.xori %iota3A_302, %xor3A_304 : vector<16xi32>
        %lt3A_306 = arith.constant 0 : i32
        %lt3A_307 = vector.broadcast %lt3A_306 : i32 to vector<16xi32>
        %lt3A_308 = arith.cmpi slt, %xor3A_305, %lt3A_307 : vector<16xi32>
        %add3A_309 = arith.constant 16 : i32
        %add3A_310 = vector.broadcast %add3A_309 : i32 to vector<16xi32>
        %add3A_311 = arith.addi %xor3A_305, %add3A_310 : vector<16xi32>
        %select_n3A_312 = arith.select %lt3A_308, %add3A_311, %xor3A_305 : vector<16xi1>, vector<16xi32>
        %broadcast_in_dim3A_313 = vector.shape_cast %select_n3A_312 : vector<16xi32> to vector<16x1xi32>
        %gather3A_314 = vector.shape_cast %broadcast_in_dim3A_313 : vector<16x1xi32> to vector<16xi32>
        %gather3A_315 = tpu.dynamic_gather %add3A_301[%gather3A_314] in [0] : vector<16xf32>, vector<16xi32> -> vector<16xf32>
        %add3A_316 = arith.addf %add3A_301, %gather3A_315 : vector<16xf32>
        %iota3A_317 = tpu.iota {dimensions = array<i32: 0>} : vector<16xi32>
        %xor3A_318 = arith.constant 4 : i32
        %xor3A_319 = vector.broadcast %xor3A_318 : i32 to vector<16xi32>
        %xor3A_320 = arith.xori %iota3A_317, %xor3A_319 : vector<16xi32>
        %lt3A_321 = arith.constant 0 : i32
        %lt3A_322 = vector.broadcast %lt3A_321 : i32 to vector<16xi32>
        %lt3A_323 = arith.cmpi slt, %xor3A_320, %lt3A_322 : vector<16xi32>
        %add3A_324 = arith.constant 16 : i32
        %add3A_325 = vector.broadcast %add3A_324 : i32 to vector<16xi32>
        %add3A_326 = arith.addi %xor3A_320, %add3A_325 : vector<16xi32>
        %select_n3A_327 = arith.select %lt3A_323, %add3A_326, %xor3A_320 : vector<16xi1>, vector<16xi32>
        %broadcast_in_dim3A_328 = vector.shape_cast %select_n3A_327 : vector<16xi32> to vector<16x1xi32>
        %gather3A_329 = vector.shape_cast %broadcast_in_dim3A_328 : vector<16x1xi32> to vector<16xi32>
        %gather3A_330 = tpu.dynamic_gather %add3A_316[%gather3A_329] in [0] : vector<16xf32>, vector<16xi32> -> vector<16xf32>
        %add3A_331 = arith.addf %add3A_316, %gather3A_330 : vector<16xf32>
        %iota3A_332 = tpu.iota {dimensions = array<i32: 0>} : vector<16xi32>
        %xor3A_333 = arith.constant 2 : i32
        %xor3A_334 = vector.broadcast %xor3A_333 : i32 to vector<16xi32>
        %xor3A_335 = arith.xori %iota3A_332, %xor3A_334 : vector<16xi32>
        %lt3A_336 = arith.constant 0 : i32
        %lt3A_337 = vector.broadcast %lt3A_336 : i32 to vector<16xi32>
        %lt3A_338 = arith.cmpi slt, %xor3A_335, %lt3A_337 : vector<16xi32>
        %add3A_339 = arith.constant 16 : i32
        %add3A_340 = vector.broadcast %add3A_339 : i32 to vector<16xi32>
        %add3A_341 = arith.addi %xor3A_335, %add3A_340 : vector<16xi32>
        %select_n3A_342 = arith.select %lt3A_338, %add3A_341, %xor3A_335 : vector<16xi1>, vector<16xi32>
        %broadcast_in_dim3A_343 = vector.shape_cast %select_n3A_342 : vector<16xi32> to vector<16x1xi32>
        %gather3A_344 = vector.shape_cast %broadcast_in_dim3A_343 : vector<16x1xi32> to vector<16xi32>
        %gather3A_345 = tpu.dynamic_gather %add3A_331[%gather3A_344] in [0] : vector<16xf32>, vector<16xi32> -> vector<16xf32>
        %add3A_346 = arith.addf %add3A_331, %gather3A_345 : vector<16xf32>
        %iota3A_347 = tpu.iota {dimensions = array<i32: 0>} : vector<16xi32>
        %xor3A_348 = arith.constant 1 : i32
        %xor3A_349 = vector.broadcast %xor3A_348 : i32 to vector<16xi32>
        %xor3A_350 = arith.xori %iota3A_347, %xor3A_349 : vector<16xi32>
        %lt3A_351 = arith.constant 0 : i32
        %lt3A_352 = vector.broadcast %lt3A_351 : i32 to vector<16xi32>
        %lt3A_353 = arith.cmpi slt, %xor3A_350, %lt3A_352 : vector<16xi32>
        %add3A_354 = arith.constant 16 : i32
        %add3A_355 = vector.broadcast %add3A_354 : i32 to vector<16xi32>
        %add3A_356 = arith.addi %xor3A_350, %add3A_355 : vector<16xi32>
        %select_n3A_357 = arith.select %lt3A_353, %add3A_356, %xor3A_350 : vector<16xi1>, vector<16xi32>
        %broadcast_in_dim3A_358 = vector.shape_cast %select_n3A_357 : vector<16xi32> to vector<16x1xi32>
        %gather3A_359 = vector.shape_cast %broadcast_in_dim3A_358 : vector<16x1xi32> to vector<16xi32>
        %gather3A_360 = tpu.dynamic_gather %add3A_346[%gather3A_359] in [0] : vector<16xf32>, vector<16xi32> -> vector<16xf32>
        %add3A_361 = arith.addf %add3A_346, %gather3A_360 : vector<16xf32>
        %slice3A_362 = vector.extract_strided_slice %add3A_361 {offsets = [0], sizes = [1], strides = [1]} : vector<16xf32> to vector<1xf32>
        %squeeze3A_363 = vector.extract %slice3A_362[0] : f32 from vector<1xf32>
        %max3A_364 = arith.constant -6.000000e+00 : f32
        %max3A_365 = arith.maximumf %squeeze3A_363, %max3A_364 : f32
        %min3A_366 = arith.constant 6.000000e+00 : f32
        %min3A_367 = arith.minimumf %max3A_365, %min3A_366 : f32
        %add3A_368 = arith.constant 6.010000e+00 : f32
        %add3A_369 = arith.addf %min3A_367, %add3A_368 : f32
        %mul3A_370 = arith.constant 1.000000e+02 : f32
        %mul3A_371 = arith.mulf %add3A_369, %mul3A_370 : f32
        %convert_element_type3A_372 = arith.fptosi %mul3A_371 : f32 to i32
        %get3A_373 = arith.index_cast %convert_element_type3A_372 : i32 to index
        %get3A_374 = tpu.vector_load %arg11[%get3A_373] {strides = array<i32>} : memref<1232xf32, #tpu.memory_space<vmem>>, vector<16xf32>,
        %get3A_375 = vector.shape_cast %get3A_374 : vector<16xf32> to vector<16xf32>
        %slice3A_376 = vector.extract_strided_slice %get3A_375 {offsets = [0], sizes = [1], strides = [1]} : vector<16xf32> to vector<1xf32>
        %squeeze3A_377 = vector.extract %slice3A_376[0] : f32 from vector<1xf32>
        %mul3A_378 = vector.broadcast %squeeze3A_377 : f32 to vector<16xf32>
        %mul3A_379 = arith.mulf %mul3A_378, %get3A_266 : vector<16xf32>
        %swap3A_380 = arith.index_cast %add3A_103 : i32 to index
        %swap3A_381 = arith.constant 0 : index
        %swap3A_382 = tpu.vector_load %arg18[%swap3A_380, %swap3A_381] {strides = array<i32>} : memref<160x64xf32, #tpu.memory_space<vmem>>, vector<1x16xf32>,
        %swap3A_383 = vector.shape_cast %swap3A_382 : vector<1x16xf32> to vector<16xf32>
        %swap3A_384 = vector.shape_cast %mul3A_379 : vector<16xf32> to vector<1x16xf32>
        tpu.vector_store %arg18[%swap3A_380, %swap3A_381], %swap3A_384 {strides = array<i32>} : memref<160x64xf32, #tpu.memory_space<vmem>>, vector<1x16xf32>,
        %mul3A_385 = vector.broadcast %squeeze3A_377 : f32 to vector<16xf32>
        %mul3A_386 = arith.mulf %mul3A_385, %get3A_282 : vector<16xf32>
        %swap3A_387 = arith.index_cast %add3A_103 : i32 to index
        %swap3A_388 = arith.constant 0 : index
        %swap3A_389 = tpu.vector_load %arg17[%swap3A_387, %swap3A_388] {strides = array<i32>} : memref<160x64xf32, #tpu.memory_space<vmem>>, vector<1x16xf32>,
        %swap3A_390 = vector.shape_cast %swap3A_389 : vector<1x16xf32> to vector<16xf32>
        %swap3A_391 = vector.shape_cast %mul3A_386 : vector<16xf32> to vector<1x16xf32>
        tpu.vector_store %arg17[%swap3A_387, %swap3A_388], %swap3A_391 {strides = array<i32>} : memref<160x64xf32, #tpu.memory_space<vmem>>, vector<1x16xf32>,
        %mul3A_392 = vector.broadcast %squeeze3A_377 : f32 to vector<16xf32>
        %mul3A_393 = arith.mulf %mul3A_392, %get3A_270 : vector<16xf32>
        %swap3A_394 = arith.index_cast %add3A_103 : i32 to index
        %swap3A_395 = arith.constant 16 : index
        %swap3A_396 = tpu.vector_load %arg18[%swap3A_394, %swap3A_395] {strides = array<i32>} : memref<160x64xf32, #tpu.memory_space<vmem>>, vector<1x16xf32>,
        %swap3A_397 = vector.shape_cast %swap3A_396 : vector<1x16xf32> to vector<16xf32>
        %swap3A_398 = vector.shape_cast %mul3A_393 : vector<16xf32> to vector<1x16xf32>
        tpu.vector_store %arg18[%swap3A_394, %swap3A_395], %swap3A_398 {strides = array<i32>} : memref<160x64xf32, #tpu.memory_space<vmem>>, vector<1x16xf32>,
        %mul3A_399 = vector.broadcast %squeeze3A_377 : f32 to vector<16xf32>
        %mul3A_400 = arith.mulf %mul3A_399, %get3A_286 : vector<16xf32>
        %swap3A_401 = arith.index_cast %add3A_103 : i32 to index
        %swap3A_402 = arith.constant 16 : index
        %swap3A_403 = tpu.vector_load %arg17[%swap3A_401, %swap3A_402] {strides = array<i32>} : memref<160x64xf32, #tpu.memory_space<vmem>>, vector<1x16xf32>,
        %swap3A_404 = vector.shape_cast %swap3A_403 : vector<1x16xf32> to vector<16xf32>
        %swap3A_405 = vector.shape_cast %mul3A_400 : vector<16xf32> to vector<1x16xf32>
        tpu.vector_store %arg17[%swap3A_401, %swap3A_402], %swap3A_405 {strides = array<i32>} : memref<160x64xf32, #tpu.memory_space<vmem>>, vector<1x16xf32>,
        %mul3A_406 = vector.broadcast %squeeze3A_377 : f32 to vector<16xf32>
        %mul3A_407 = arith.mulf %mul3A_406, %get3A_274 : vector<16xf32>
        %swap3A_408 = arith.index_cast %add3A_103 : i32 to index
        %swap3A_409 = arith.constant 32 : index
        %swap3A_410 = tpu.vector_load %arg18[%swap3A_408, %swap3A_409] {strides = array<i32>} : memref<160x64xf32, #tpu.memory_space<vmem>>, vector<1x16xf32>,
        %swap3A_411 = vector.shape_cast %swap3A_410 : vector<1x16xf32> to vector<16xf32>
        %swap3A_412 = vector.shape_cast %mul3A_407 : vector<16xf32> to vector<1x16xf32>
        tpu.vector_store %arg18[%swap3A_408, %swap3A_409], %swap3A_412 {strides = array<i32>} : memref<160x64xf32, #tpu.memory_space<vmem>>, vector<1x16xf32>,
        %mul3A_413 = vector.broadcast %squeeze3A_377 : f32 to vector<16xf32>
        %mul3A_414 = arith.mulf %mul3A_413, %get3A_290 : vector<16xf32>
        %swap3A_415 = arith.index_cast %add3A_103 : i32 to index
        %swap3A_416 = arith.constant 32 : index
        %swap3A_417 = tpu.vector_load %arg17[%swap3A_415, %swap3A_416] {strides = array<i32>} : memref<160x64xf32, #tpu.memory_space<vmem>>, vector<1x16xf32>,
        %swap3A_418 = vector.shape_cast %swap3A_417 : vector<1x16xf32> to vector<16xf32>
        %swap3A_419 = vector.shape_cast %mul3A_414 : vector<16xf32> to vector<1x16xf32>
        tpu.vector_store %arg17[%swap3A_415, %swap3A_416], %swap3A_419 {strides = array<i32>} : memref<160x64xf32, #tpu.memory_space<vmem>>, vector<1x16xf32>,
        %mul3A_420 = vector.broadcast %squeeze3A_377 : f32 to vector<16xf32>
        %mul3A_421 = arith.mulf %mul3A_420, %get3A_278 : vector<16xf32>
        %swap3A_422 = arith.index_cast %add3A_103 : i32 to index
        %swap3A_423 = arith.constant 48 : index
        %swap3A_424 = tpu.vector_load %arg18[%swap3A_422, %swap3A_423] {strides = array<i32>} : memref<160x64xf32, #tpu.memory_space<vmem>>, vector<1x16xf32>,
        %swap3A_425 = vector.shape_cast %swap3A_424 : vector<1x16xf32> to vector<16xf32>
        %swap3A_426 = vector.shape_cast %mul3A_421 : vector<16xf32> to vector<1x16xf32>
        tpu.vector_store %arg18[%swap3A_422, %swap3A_423], %swap3A_426 {strides = array<i32>} : memref<160x64xf32, #tpu.memory_space<vmem>>, vector<1x16xf32>,
        %mul3A_427 = vector.broadcast %squeeze3A_377 : f32 to vector<16xf32>
        %mul3A_428 = arith.mulf %mul3A_427, %get3A_294 : vector<16xf32>
        %swap3A_429 = arith.index_cast %add3A_103 : i32 to index
        %swap3A_430 = arith.constant 48 : index
        %swap3A_431 = tpu.vector_load %arg17[%swap3A_429, %swap3A_430] {strides = array<i32>} : memref<160x64xf32, #tpu.memory_space<vmem>>, vector<1x16xf32>,
        %swap3A_432 = vector.shape_cast %swap3A_431 : vector<1x16xf32> to vector<16xf32>
        %swap3A_433 = vector.shape_cast %mul3A_428 : vector<16xf32> to vector<1x16xf32>
        tpu.vector_store %arg17[%swap3A_429, %swap3A_430], %swap3A_433 {strides = array<i32>} : memref<160x64xf32, #tpu.memory_space<vmem>>, vector<1x16xf32>,
      }
      %scan3A_85 = arith.constant 80 : i32
      %add3A_86 = arith.constant 0 : i32
      %add3A_87 = arith.addi %add3A_86, %add3A_33 : i32
      %dma_start3A = arith.constant 0 : i32
      %dma_start3A_88 = tpu.memref_slice %arg10[%add3A_87, %dma_start3A] : memref<266240x64xf32, #tpu.memory_space<hbm>> -> memref<160x64xf32, #tpu.memory_space<hbm>>
      %dma_start3A_89 = arith.constant 0 : i32
      %dma_start3A_90 = tpu.memref_slice %arg10[%add3A_87, %dma_start3A_89] : memref<266240x64xf32, #tpu.memory_space<hbm>> -> memref<160x64xf32, #tpu.memory_space<hbm>>
      tpu.enqueue_dma source(%arg17 : memref<160x64xf32, #tpu.memory_space<vmem>>) target(%dma_start3A_90 : memref<160x64xf32, #tpu.memory_space<hbm>>) target_semaphore(%arg24 : memref<!tpu.dma_semaphore, #tpu.memory_space<semaphore_mem>>)
      %add3A_91 = arith.constant 81920 : i32
      %add3A_92 = arith.addi %add3A_91, %add3A_33 : i32
      %dma_start3A_93 = arith.constant 0 : i32
      %dma_start3A_94 = tpu.memref_slice %arg10[%add3A_92, %dma_start3A_93] : memref<266240x64xf32, #tpu.memory_space<hbm>> -> memref<160x64xf32, #tpu.memory_space<hbm>>
      %dma_start3A_95 = arith.constant 0 : i32
      %dma_start3A_96 = tpu.memref_slice %arg10[%add3A_92, %dma_start3A_95] : memref<266240x64xf32, #tpu.memory_space<hbm>> -> memref<160x64xf32, #tpu.memory_space<hbm>>
      tpu.enqueue_dma source(%arg18 : memref<160x64xf32, #tpu.memory_space<vmem>>) target(%dma_start3A_96 : memref<160x64xf32, #tpu.memory_space<hbm>>) target_semaphore(%arg24 : memref<!tpu.dma_semaphore, #tpu.memory_space<semaphore_mem>>)
    }
    %scan3A_5 = arith.constant 16 : i32
    %scan3A_6 = arith.constant 0 : i32
    %scan3A_7 = arith.constant 0 : i32
    %scan3A_8 = arith.constant 16 : i32
    %scan3A_9 = arith.addi %scan3A_7, %scan3A_8 : i32
    %scan3A_10 = arith.constant 1 : i32
    scf.for %scan3A_23 = %scan3A_7 to %scan3A_9 step %scan3A_10  : i32 {
      %mul3A_24 = arith.constant 128 : i32
      %mul3A_25 = arith.muli %add3A, %mul3A_24 : i32
      %mul3A_26 = arith.constant 8 : i32
      %mul3A_27 = arith.muli %scan3A_23, %mul3A_26 : i32
      %add3A_28 = arith.addi %mul3A_25, %mul3A_27 : i32
      %mul3A_29 = arith.constant 20 : i32
      %mul3A_30 = arith.muli %add3A_28, %mul3A_29 : i32
      %mul3A_31 = arith.constant 5 : i32
      %mul3A_32 = arith.muli %add3A_28, %mul3A_31 : i32
      %eq3A = arith.constant 0 : i32
      %eq3A_33 = arith.cmpi eq, %scan3A_23, %eq3A : i32
      %convert_element_type3A = arith.extui %eq3A_33 : i1 to i32
      %cond3A = arith.constant 0 : i32
      %cond3A_34 = arith.cmpi ne, %convert_element_type3A, %cond3A : i32
      scf.if %cond3A_34 {
        %dma_wait3A_100 = arith.constant 0 : i32
        %dma_wait3A_101 = arith.constant 0 : i32
        %dma_wait3A_102 = tpu.memref_slice %arg2[%dma_wait3A_100, %dma_wait3A_101] : memref<1000000x64xf32, #tpu.memory_space<hbm>> -> memref<160x64xf32, #tpu.memory_space<hbm>>
        %dma_wait3A_103 = arith.constant 0 : i32
        %dma_wait3A_104 = arith.constant 0 : i32
        %dma_wait3A_105 = tpu.memref_slice %arg2[%dma_wait3A_103, %dma_wait3A_104] : memref<1000000x64xf32, #tpu.memory_space<hbm>> -> memref<160x64xf32, #tpu.memory_space<hbm>>
        tpu.wait_dma2 semaphore(%arg24 : memref<!tpu.dma_semaphore, #tpu.memory_space<semaphore_mem>>) src(%dma_wait3A_105 : memref<160x64xf32, #tpu.memory_space<hbm>>) dst(%arg17 : memref<160x64xf32, #tpu.memory_space<vmem>>)
        %dma_wait3A_106 = arith.constant 0 : i32
        %dma_wait3A_107 = arith.constant 0 : i32
        %dma_wait3A_108 = tpu.memref_slice %arg2[%dma_wait3A_106, %dma_wait3A_107] : memref<1000000x64xf32, #tpu.memory_space<hbm>> -> memref<160x64xf32, #tpu.memory_space<hbm>>
        %dma_wait3A_109 = arith.constant 0 : i32
        %dma_wait3A_110 = arith.constant 0 : i32
        %dma_wait3A_111 = tpu.memref_slice %arg2[%dma_wait3A_109, %dma_wait3A_110] : memref<1000000x64xf32, #tpu.memory_space<hbm>> -> memref<160x64xf32, #tpu.memory_space<hbm>>
        tpu.wait_dma2 semaphore(%arg24 : memref<!tpu.dma_semaphore, #tpu.memory_space<semaphore_mem>>) src(%dma_wait3A_111 : memref<160x64xf32, #tpu.memory_space<hbm>>) dst(%arg17 : memref<160x64xf32, #tpu.memory_space<vmem>>)
      } else {
      }
      %gt3A = arith.constant 0 : i32
      %gt3A_35 = arith.cmpi sgt, %scan3A_23, %gt3A : i32
      %convert_element_type3A_36 = arith.extui %gt3A_35 : i1 to i32
      %cond3A_37 = arith.constant 0 : i32
      %cond3A_38 = arith.cmpi ne, %convert_element_type3A_36, %cond3A_37 : i32
      scf.if %cond3A_38 {
        %dma_wait3A_100 = arith.constant 0 : i32
        %dma_wait3A_101 = arith.constant 0 : i32
        %dma_wait3A_102 = tpu.memref_slice %arg2[%dma_wait3A_100, %dma_wait3A_101] : memref<1000000x64xf32, #tpu.memory_space<hbm>> -> memref<160x64xf32, #tpu.memory_space<hbm>>
        %dma_wait3A_103 = arith.constant 0 : i32
        %dma_wait3A_104 = arith.constant 0 : i32
        %dma_wait3A_105 = tpu.memref_slice %arg2[%dma_wait3A_103, %dma_wait3A_104] : memref<1000000x64xf32, #tpu.memory_space<hbm>> -> memref<160x64xf32, #tpu.memory_space<hbm>>
        tpu.wait_dma2 semaphore(%arg24 : memref<!tpu.dma_semaphore, #tpu.memory_space<semaphore_mem>>) src(%dma_wait3A_105 : memref<160x64xf32, #tpu.memory_space<hbm>>) dst(%arg17 : memref<160x64xf32, #tpu.memory_space<vmem>>)
        %dma_wait3A_106 = arith.constant 0 : i32
        %dma_wait3A_107 = arith.constant 0 : i32
        %dma_wait3A_108 = tpu.memref_slice %arg2[%dma_wait3A_106, %dma_wait3A_107] : memref<1000000x64xf32, #tpu.memory_space<hbm>> -> memref<40x64xf32, #tpu.memory_space<hbm>>
        %dma_wait3A_109 = arith.constant 0 : i32
        %dma_wait3A_110 = arith.constant 0 : i32
        %dma_wait3A_111 = tpu.memref_slice %arg2[%dma_wait3A_109, %dma_wait3A_110] : memref<1000000x64xf32, #tpu.memory_space<hbm>> -> memref<40x64xf32, #tpu.memory_space<hbm>>
        tpu.wait_dma2 semaphore(%arg24 : memref<!tpu.dma_semaphore, #tpu.memory_space<semaphore_mem>>) src(%dma_wait3A_111 : memref<40x64xf32, #tpu.memory_space<hbm>>) dst(%arg21 : memref<40x64xf32, #tpu.memory_space<vmem>>)
      } else {
      }
      %scan3A_39 = arith.constant 0 : i32
      %scan3A_40 = arith.constant 0 : i32
      %scan3A_41 = arith.constant 8 : i32
      %scan3A_42 = arith.addi %scan3A_40, %scan3A_41 : i32
      %scan3A_43 = arith.constant 1 : i32
      scf.for %scan3A_100 = %scan3A_40 to %scan3A_42 step %scan3A_43  : i32 {
        %add3A_101 = arith.addi %add3A_28, %scan3A_100 : i32
        %dma_start3A_102 = arith.constant 0 : i32
        %dma_start3A_103 = tpu.memref_slice %arg13[%scan3A_100, %dma_start3A_102] : memref<8x32xi32, #tpu.memory_space<vmem>> -> memref<1x20xi32, #tpu.memory_space<vmem>>
        %dma_start3A_104 = tpu.memref_squeeze %dma_start3A_103 : memref<1x20xi32, #tpu.memory_space<vmem>> -> memref<20xi32, #tpu.memory_space<vmem>>
        %dma_start3A_105 = arith.constant 0 : i32
        %dma_start3A_106 = tpu.memref_slice %arg8[%add3A_101, %dma_start3A_105] : memref<4096x20xi32, #tpu.memory_space<hbm>> -> memref<1x20xi32, #tpu.memory_space<hbm>>
        %dma_start3A_107 = tpu.memref_squeeze %dma_start3A_106 : memref<1x20xi32, #tpu.memory_space<hbm>> -> memref<20xi32, #tpu.memory_space<hbm>>
        %dma_start3A_108 = arith.constant 0 : i32
        %dma_start3A_109 = tpu.memref_slice %arg13[%scan3A_100, %dma_start3A_108] : memref<8x32xi32, #tpu.memory_space<vmem>> -> memref<1x20xi32, #tpu.memory_space<vmem>>
        %dma_start3A_110 = tpu.memref_squeeze %dma_start3A_109 : memref<1x20xi32, #tpu.memory_space<vmem>> -> memref<20xi32, #tpu.memory_space<vmem>>
        %dma_start3A_111 = arith.constant 0 : i32
        %dma_start3A_112 = tpu.memref_slice %arg8[%add3A_101, %dma_start3A_111] : memref<4096x20xi32, #tpu.memory_space<hbm>> -> memref<1x20xi32, #tpu.memory_space<hbm>>
        %dma_start3A_113 = tpu.memref_squeeze %dma_start3A_112 : memref<1x20xi32, #tpu.memory_space<hbm>> -> memref<20xi32, #tpu.memory_space<hbm>>
        tpu.enqueue_dma source(%dma_start3A_113 : memref<20xi32, #tpu.memory_space<hbm>>) target(%dma_start3A_110 : memref<20xi32, #tpu.memory_space<vmem>>) target_semaphore(%arg23 : memref<!tpu.dma_semaphore, #tpu.memory_space<semaphore_mem>>)
      }
      %scan3A_44 = arith.constant 8 : i32
      %scan3A_45 = arith.constant 0 : i32
      %scan3A_46 = arith.constant 0 : i32
      %scan3A_47 = arith.constant 8 : i32
      %scan3A_48 = arith.addi %scan3A_46, %scan3A_47 : i32
      %scan3A_49 = arith.constant 1 : i32
      scf.for %scan3A_100 = %scan3A_46 to %scan3A_48 step %scan3A_49  : i32 {
        %add3A_101 = arith.addi %add3A_28, %scan3A_100 : i32
        %dma_start3A_102 = arith.constant 0 : i32
        %dma_start3A_103 = tpu.memref_slice %arg19[%scan3A_100, %dma_start3A_102] : memref<8x16xi32, #tpu.memory_space<vmem>> -> memref<1x5xi32, #tpu.memory_space<vmem>>
        %dma_start3A_104 = tpu.memref_squeeze %dma_start3A_103 : memref<1x5xi32, #tpu.memory_space<vmem>> -> memref<5xi32, #tpu.memory_space<vmem>>
        %dma_start3A_105 = arith.constant 0 : i32
        %dma_start3A_106 = tpu.memref_slice %arg9[%add3A_101, %dma_start3A_105] : memref<4096x5xi32, #tpu.memory_space<hbm>> -> memref<1x5xi32, #tpu.memory_space<hbm>>
        %dma_start3A_107 = tpu.memref_squeeze %dma_start3A_106 : memref<1x5xi32, #tpu.memory_space<hbm>> -> memref<5xi32, #tpu.memory_space<hbm>>
        %dma_start3A_108 = arith.constant 0 : i32
        %dma_start3A_109 = tpu.memref_slice %arg19[%scan3A_100, %dma_start3A_108] : memref<8x16xi32, #tpu.memory_space<vmem>> -> memref<1x5xi32, #tpu.memory_space<vmem>>
        %dma_start3A_110 = tpu.memref_squeeze %dma_start3A_109 : memref<1x5xi32, #tpu.memory_space<vmem>> -> memref<5xi32, #tpu.memory_space<vmem>>
        %dma_start3A_111 = arith.constant 0 : i32
        %dma_start3A_112 = tpu.memref_slice %arg9[%add3A_101, %dma_start3A_111] : memref<4096x5xi32, #tpu.memory_space<hbm>> -> memref<1x5xi32, #tpu.memory_space<hbm>>
        %dma_start3A_113 = tpu.memref_squeeze %dma_start3A_112 : memref<1x5xi32, #tpu.memory_space<hbm>> -> memref<5xi32, #tpu.memory_space<hbm>>
        tpu.enqueue_dma source(%dma_start3A_113 : memref<5xi32, #tpu.memory_space<hbm>>) target(%dma_start3A_110 : memref<5xi32, #tpu.memory_space<vmem>>) target_semaphore(%arg23 : memref<!tpu.dma_semaphore, #tpu.memory_space<semaphore_mem>>)
      }
      %scan3A_50 = arith.constant 8 : i32
      %dma_wait3A_51 = arith.constant 0 : i32
      %dma_wait3A_52 = tpu.memref_slice %arg11[%dma_wait3A_51] : memref<1232xf32, #tpu.memory_space<vmem>> -> memref<200xf32, #tpu.memory_space<vmem>>
      %dma_wait3A_53 = arith.constant 0 : i32
      %dma_wait3A_54 = tpu.memref_slice %arg4[%dma_wait3A_53] : memref<1232xf32, #tpu.memory_space<hbm>> -> memref<200xf32, #tpu.memory_space<hbm>>
      %dma_wait3A_55 = arith.constant 0 : i32
      %dma_wait3A_56 = tpu.memref_slice %arg11[%dma_wait3A_55] : memref<1232xf32, #tpu.memory_space<vmem>> -> memref<200xf32, #tpu.memory_space<vmem>>
      %dma_wait3A_57 = arith.constant 0 : i32
      %dma_wait3A_58 = tpu.memref_slice %arg4[%dma_wait3A_57] : memref<1232xf32, #tpu.memory_space<hbm>> -> memref<200xf32, #tpu.memory_space<hbm>>
      tpu.wait_dma2 semaphore(%arg23 : memref<!tpu.dma_semaphore, #tpu.memory_space<semaphore_mem>>) src(%dma_wait3A_58 : memref<200xf32, #tpu.memory_space<hbm>>) dst(%dma_wait3A_56 : memref<200xf32, #tpu.memory_space<vmem>>)
      %scan3A_59 = arith.constant 0 : i32
      %scan3A_60 = arith.constant 0 : i32
      %scan3A_61 = arith.constant 8 : i32
      %scan3A_62 = arith.addi %scan3A_60, %scan3A_61 : i32
      %scan3A_63 = arith.constant 1 : i32
      scf.for %scan3A_100 = %scan3A_60 to %scan3A_62 step %scan3A_63  : i32 {
        %get3A = arith.index_cast %scan3A_100 : i32 to index
        %get3A_101 = arith.constant 0 : index
        %get3A_102 = tpu.vector_load %arg13[%get3A, %get3A_101] {strides = array<i32>} : memref<8x32xi32, #tpu.memory_space<vmem>>, vector<1x16xi32>,
        %get3A_103 = vector.shape_cast %get3A_102 : vector<1x16xi32> to vector<16xi32>
        %get3A_104 = arith.index_cast %scan3A_100 : i32 to index
        %get3A_105 = arith.constant 16 : index
        %get3A_106 = tpu.vector_load %arg13[%get3A_104, %get3A_105] {strides = array<i32>} : memref<8x32xi32, #tpu.memory_space<vmem>>, vector<1x16xi32>,
        %get3A_107 = vector.shape_cast %get3A_106 : vector<1x16xi32> to vector<16xi32>
        %mul3A_108 = arith.constant 20 : i32
        %mul3A_109 = arith.muli %scan3A_100, %mul3A_108 : i32
        %slice3A = vector.extract_strided_slice %get3A_103 {offsets = [0], sizes = [1], strides = [1]} : vector<16xi32> to vector<1xi32>
        %squeeze3A = vector.extract %slice3A[0] : i32 from vector<1xi32>
        %add3A_110 = arith.constant 0 : i32
        %add3A_111 = arith.addi %mul3A_109, %add3A_110 : i32
        %dma_start3A_112 = arith.constant 0 : i32
        %dma_start3A_113 = tpu.memref_slice %arg15[%add3A_111, %dma_start3A_112] : memref<160x64xf32, #tpu.memory_space<vmem>> -> memref<1x64xf32, #tpu.memory_space<vmem>>
        %dma_start3A_114 = tpu.memref_squeeze %dma_start3A_113 : memref<1x64xf32, #tpu.memory_space<vmem>> -> memref<64xf32, #tpu.memory_space<vmem>>
        %dma_start3A_115 = arith.constant 0 : i32
        %dma_start3A_116 = tpu.memref_slice %arg2[%squeeze3A, %dma_start3A_115] : memref<1000000x64xf32, #tpu.memory_space<hbm>> -> memref<1x64xf32, #tpu.memory_space<hbm>>
        %dma_start3A_117 = tpu.memref_squeeze %dma_start3A_116 : memref<1x64xf32, #tpu.memory_space<hbm>> -> memref<64xf32, #tpu.memory_space<hbm>>
        %dma_start3A_118 = arith.constant 0 : i32
        %dma_start3A_119 = tpu.memref_slice %arg15[%add3A_111, %dma_start3A_118] : memref<160x64xf32, #tpu.memory_space<vmem>> -> memref<1x64xf32, #tpu.memory_space<vmem>>
        %dma_start3A_120 = tpu.memref_squeeze %dma_start3A_119 : memref<1x64xf32, #tpu.memory_space<vmem>> -> memref<64xf32, #tpu.memory_space<vmem>>
        %dma_start3A_121 = arith.constant 0 : i32
        %dma_start3A_122 = tpu.memref_slice %arg2[%squeeze3A, %dma_start3A_121] : memref<1000000x64xf32, #tpu.memory_space<hbm>> -> memref<1x64xf32, #tpu.memory_space<hbm>>
        %dma_start3A_123 = tpu.memref_squeeze %dma_start3A_122 : memref<1x64xf32, #tpu.memory_space<hbm>> -> memref<64xf32, #tpu.memory_space<hbm>>
        tpu.enqueue_dma source(%dma_start3A_123 : memref<64xf32, #tpu.memory_space<hbm>>) target(%dma_start3A_120 : memref<64xf32, #tpu.memory_space<vmem>>) target_semaphore(%arg22 : memref<!tpu.dma_semaphore, #tpu.memory_space<semaphore_mem>>)
        %slice3A_124 = vector.extract_strided_slice %get3A_103 {offsets = [1], sizes = [1], strides = [1]} : vector<16xi32> to vector<1xi32>
        %squeeze3A_125 = vector.extract %slice3A_124[0] : i32 from vector<1xi32>
        %add3A_126 = arith.constant 1 : i32
        %add3A_127 = arith.addi %mul3A_109, %add3A_126 : i32
        %dma_start3A_128 = arith.constant 0 : i32
        %dma_start3A_129 = tpu.memref_slice %arg15[%add3A_127, %dma_start3A_128] : memref<160x64xf32, #tpu.memory_space<vmem>> -> memref<1x64xf32, #tpu.memory_space<vmem>>
        %dma_start3A_130 = tpu.memref_squeeze %dma_start3A_129 : memref<1x64xf32, #tpu.memory_space<vmem>> -> memref<64xf32, #tpu.memory_space<vmem>>
        %dma_start3A_131 = arith.constant 0 : i32
        %dma_start3A_132 = tpu.memref_slice %arg2[%squeeze3A_125, %dma_start3A_131] : memref<1000000x64xf32, #tpu.memory_space<hbm>> -> memref<1x64xf32, #tpu.memory_space<hbm>>
        %dma_start3A_133 = tpu.memref_squeeze %dma_start3A_132 : memref<1x64xf32, #tpu.memory_space<hbm>> -> memref<64xf32, #tpu.memory_space<hbm>>
        %dma_start3A_134 = arith.constant 0 : i32
        %dma_start3A_135 = tpu.memref_slice %arg15[%add3A_127, %dma_start3A_134] : memref<160x64xf32, #tpu.memory_space<vmem>> -> memref<1x64xf32, #tpu.memory_space<vmem>>
        %dma_start3A_136 = tpu.memref_squeeze %dma_start3A_135 : memref<1x64xf32, #tpu.memory_space<vmem>> -> memref<64xf32, #tpu.memory_space<vmem>>
        %dma_start3A_137 = arith.constant 0 : i32
        %dma_start3A_138 = tpu.memref_slice %arg2[%squeeze3A_125, %dma_start3A_137] : memref<1000000x64xf32, #tpu.memory_space<hbm>> -> memref<1x64xf32, #tpu.memory_space<hbm>>
        %dma_start3A_139 = tpu.memref_squeeze %dma_start3A_138 : memref<1x64xf32, #tpu.memory_space<hbm>> -> memref<64xf32, #tpu.memory_space<hbm>>
        tpu.enqueue_dma source(%dma_start3A_139 : memref<64xf32, #tpu.memory_space<hbm>>) target(%dma_start3A_136 : memref<64xf32, #tpu.memory_space<vmem>>) target_semaphore(%arg22 : memref<!tpu.dma_semaphore, #tpu.memory_space<semaphore_mem>>)
        %slice3A_140 = vector.extract_strided_slice %get3A_103 {offsets = [2], sizes = [1], strides = [1]} : vector<16xi32> to vector<1xi32>
        %squeeze3A_141 = vector.extract %slice3A_140[0] : i32 from vector<1xi32>
        %add3A_142 = arith.constant 2 : i32
        %add3A_143 = arith.addi %mul3A_109, %add3A_142 : i32
        %dma_start3A_144 = arith.constant 0 : i32
        %dma_start3A_145 = tpu.memref_slice %arg15[%add3A_143, %dma_start3A_144] : memref<160x64xf32, #tpu.memory_space<vmem>> -> memref<1x64xf32, #tpu.memory_space<vmem>>
        %dma_start3A_146 = tpu.memref_squeeze %dma_start3A_145 : memref<1x64xf32, #tpu.memory_space<vmem>> -> memref<64xf32, #tpu.memory_space<vmem>>
        %dma_start3A_147 = arith.constant 0 : i32
        %dma_start3A_148 = tpu.memref_slice %arg2[%squeeze3A_141, %dma_start3A_147] : memref<1000000x64xf32, #tpu.memory_space<hbm>> -> memref<1x64xf32, #tpu.memory_space<hbm>>
        %dma_start3A_149 = tpu.memref_squeeze %dma_start3A_148 : memref<1x64xf32, #tpu.memory_space<hbm>> -> memref<64xf32, #tpu.memory_space<hbm>>
        %dma_start3A_150 = arith.constant 0 : i32
        %dma_start3A_151 = tpu.memref_slice %arg15[%add3A_143, %dma_start3A_150] : memref<160x64xf32, #tpu.memory_space<vmem>> -> memref<1x64xf32, #tpu.memory_space<vmem>>
        %dma_start3A_152 = tpu.memref_squeeze %dma_start3A_151 : memref<1x64xf32, #tpu.memory_space<vmem>> -> memref<64xf32, #tpu.memory_space<vmem>>
        %dma_start3A_153 = arith.constant 0 : i32
        %dma_start3A_154 = tpu.memref_slice %arg2[%squeeze3A_141, %dma_start3A_153] : memref<1000000x64xf32, #tpu.memory_space<hbm>> -> memref<1x64xf32, #tpu.memory_space<hbm>>
        %dma_start3A_155 = tpu.memref_squeeze %dma_start3A_154 : memref<1x64xf32, #tpu.memory_space<hbm>> -> memref<64xf32, #tpu.memory_space<hbm>>
        tpu.enqueue_dma source(%dma_start3A_155 : memref<64xf32, #tpu.memory_space<hbm>>) target(%dma_start3A_152 : memref<64xf32, #tpu.memory_space<vmem>>) target_semaphore(%arg22 : memref<!tpu.dma_semaphore, #tpu.memory_space<semaphore_mem>>)
        %slice3A_156 = vector.extract_strided_slice %get3A_103 {offsets = [3], sizes = [1], strides = [1]} : vector<16xi32> to vector<1xi32>
        %squeeze3A_157 = vector.extract %slice3A_156[0] : i32 from vector<1xi32>
        %add3A_158 = arith.constant 3 : i32
        %add3A_159 = arith.addi %mul3A_109, %add3A_158 : i32
        %dma_start3A_160 = arith.constant 0 : i32
        %dma_start3A_161 = tpu.memref_slice %arg15[%add3A_159, %dma_start3A_160] : memref<160x64xf32, #tpu.memory_space<vmem>> -> memref<1x64xf32, #tpu.memory_space<vmem>>
        %dma_start3A_162 = tpu.memref_squeeze %dma_start3A_161 : memref<1x64xf32, #tpu.memory_space<vmem>> -> memref<64xf32, #tpu.memory_space<vmem>>
        %dma_start3A_163 = arith.constant 0 : i32
        %dma_start3A_164 = tpu.memref_slice %arg2[%squeeze3A_157, %dma_start3A_163] : memref<1000000x64xf32, #tpu.memory_space<hbm>> -> memref<1x64xf32, #tpu.memory_space<hbm>>
        %dma_start3A_165 = tpu.memref_squeeze %dma_start3A_164 : memref<1x64xf32, #tpu.memory_space<hbm>> -> memref<64xf32, #tpu.memory_space<hbm>>
        %dma_start3A_166 = arith.constant 0 : i32
        %dma_start3A_167 = tpu.memref_slice %arg15[%add3A_159, %dma_start3A_166] : memref<160x64xf32, #tpu.memory_space<vmem>> -> memref<1x64xf32, #tpu.memory_space<vmem>>
        %dma_start3A_168 = tpu.memref_squeeze %dma_start3A_167 : memref<1x64xf32, #tpu.memory_space<vmem>> -> memref<64xf32, #tpu.memory_space<vmem>>
        %dma_start3A_169 = arith.constant 0 : i32
        %dma_start3A_170 = tpu.memref_slice %arg2[%squeeze3A_157, %dma_start3A_169] : memref<1000000x64xf32, #tpu.memory_space<hbm>> -> memref<1x64xf32, #tpu.memory_space<hbm>>
        %dma_start3A_171 = tpu.memref_squeeze %dma_start3A_170 : memref<1x64xf32, #tpu.memory_space<hbm>> -> memref<64xf32, #tpu.memory_space<hbm>>
        tpu.enqueue_dma source(%dma_start3A_171 : memref<64xf32, #tpu.memory_space<hbm>>) target(%dma_start3A_168 : memref<64xf32, #tpu.memory_space<vmem>>) target_semaphore(%arg22 : memref<!tpu.dma_semaphore, #tpu.memory_space<semaphore_mem>>)
        %slice3A_172 = vector.extract_strided_slice %get3A_103 {offsets = [4], sizes = [1], strides = [1]} : vector<16xi32> to vector<1xi32>
        %squeeze3A_173 = vector.extract %slice3A_172[0] : i32 from vector<1xi32>
        %add3A_174 = arith.constant 4 : i32
        %add3A_175 = arith.addi %mul3A_109, %add3A_174 : i32
        %dma_start3A_176 = arith.constant 0 : i32
        %dma_start3A_177 = tpu.memref_slice %arg15[%add3A_175, %dma_start3A_176] : memref<160x64xf32, #tpu.memory_space<vmem>> -> memref<1x64xf32, #tpu.memory_space<vmem>>
        %dma_start3A_178 = tpu.memref_squeeze %dma_start3A_177 : memref<1x64xf32, #tpu.memory_space<vmem>> -> memref<64xf32, #tpu.memory_space<vmem>>
        %dma_start3A_179 = arith.constant 0 : i32
        %dma_start3A_180 = tpu.memref_slice %arg2[%squeeze3A_173, %dma_start3A_179] : memref<1000000x64xf32, #tpu.memory_space<hbm>> -> memref<1x64xf32, #tpu.memory_space<hbm>>
        %dma_start3A_181 = tpu.memref_squeeze %dma_start3A_180 : memref<1x64xf32, #tpu.memory_space<hbm>> -> memref<64xf32, #tpu.memory_space<hbm>>
        %dma_start3A_182 = arith.constant 0 : i32
        %dma_start3A_183 = tpu.memref_slice %arg15[%add3A_175, %dma_start3A_182] : memref<160x64xf32, #tpu.memory_space<vmem>> -> memref<1x64xf32, #tpu.memory_space<vmem>>
        %dma_start3A_184 = tpu.memref_squeeze %dma_start3A_183 : memref<1x64xf32, #tpu.memory_space<vmem>> -> memref<64xf32, #tpu.memory_space<vmem>>
        %dma_start3A_185 = arith.constant 0 : i32
        %dma_start3A_186 = tpu.memref_slice %arg2[%squeeze3A_173, %dma_start3A_185] : memref<1000000x64xf32, #tpu.memory_space<hbm>> -> memref<1x64xf32, #tpu.memory_space<hbm>>
        %dma_start3A_187 = tpu.memref_squeeze %dma_start3A_186 : memref<1x64xf32, #tpu.memory_space<hbm>> -> memref<64xf32, #tpu.memory_space<hbm>>
        tpu.enqueue_dma source(%dma_start3A_187 : memref<64xf32, #tpu.memory_space<hbm>>) target(%dma_start3A_184 : memref<64xf32, #tpu.memory_space<vmem>>) target_semaphore(%arg22 : memref<!tpu.dma_semaphore, #tpu.memory_space<semaphore_mem>>)
        %slice3A_188 = vector.extract_strided_slice %get3A_103 {offsets = [5], sizes = [1], strides = [1]} : vector<16xi32> to vector<1xi32>
        %squeeze3A_189 = vector.extract %slice3A_188[0] : i32 from vector<1xi32>
        %add3A_190 = arith.constant 5 : i32
        %add3A_191 = arith.addi %mul3A_109, %add3A_190 : i32
        %dma_start3A_192 = arith.constant 0 : i32
        %dma_start3A_193 = tpu.memref_slice %arg15[%add3A_191, %dma_start3A_192] : memref<160x64xf32, #tpu.memory_space<vmem>> -> memref<1x64xf32, #tpu.memory_space<vmem>>
        %dma_start3A_194 = tpu.memref_squeeze %dma_start3A_193 : memref<1x64xf32, #tpu.memory_space<vmem>> -> memref<64xf32, #tpu.memory_space<vmem>>
        %dma_start3A_195 = arith.constant 0 : i32
        %dma_start3A_196 = tpu.memref_slice %arg2[%squeeze3A_189, %dma_start3A_195] : memref<1000000x64xf32, #tpu.memory_space<hbm>> -> memref<1x64xf32, #tpu.memory_space<hbm>>
        %dma_start3A_197 = tpu.memref_squeeze %dma_start3A_196 : memref<1x64xf32, #tpu.memory_space<hbm>> -> memref<64xf32, #tpu.memory_space<hbm>>
        %dma_start3A_198 = arith.constant 0 : i32
        %dma_start3A_199 = tpu.memref_slice %arg15[%add3A_191, %dma_start3A_198] : memref<160x64xf32, #tpu.memory_space<vmem>> -> memref<1x64xf32, #tpu.memory_space<vmem>>
        %dma_start3A_200 = tpu.memref_squeeze %dma_start3A_199 : memref<1x64xf32, #tpu.memory_space<vmem>> -> memref<64xf32, #tpu.memory_space<vmem>>
        %dma_start3A_201 = arith.constant 0 : i32
        %dma_start3A_202 = tpu.memref_slice %arg2[%squeeze3A_189, %dma_start3A_201] : memref<1000000x64xf32, #tpu.memory_space<hbm>> -> memref<1x64xf32, #tpu.memory_space<hbm>>
        %dma_start3A_203 = tpu.memref_squeeze %dma_start3A_202 : memref<1x64xf32, #tpu.memory_space<hbm>> -> memref<64xf32, #tpu.memory_space<hbm>>
        tpu.enqueue_dma source(%dma_start3A_203 : memref<64xf32, #tpu.memory_space<hbm>>) target(%dma_start3A_200 : memref<64xf32, #tpu.memory_space<vmem>>) target_semaphore(%arg22 : memref<!tpu.dma_semaphore, #tpu.memory_space<semaphore_mem>>)
        %slice3A_204 = vector.extract_strided_slice %get3A_103 {offsets = [6], sizes = [1], strides = [1]} : vector<16xi32> to vector<1xi32>
        %squeeze3A_205 = vector.extract %slice3A_204[0] : i32 from vector<1xi32>
        %add3A_206 = arith.constant 6 : i32
        %add3A_207 = arith.addi %mul3A_109, %add3A_206 : i32
        %dma_start3A_208 = arith.constant 0 : i32
        %dma_start3A_209 = tpu.memref_slice %arg15[%add3A_207, %dma_start3A_208] : memref<160x64xf32, #tpu.memory_space<vmem>> -> memref<1x64xf32, #tpu.memory_space<vmem>>
        %dma_start3A_210 = tpu.memref_squeeze %dma_start3A_209 : memref<1x64xf32, #tpu.memory_space<vmem>> -> memref<64xf32, #tpu.memory_space<vmem>>
        %dma_start3A_211 = arith.constant 0 : i32
        %dma_start3A_212 = tpu.memref_slice %arg2[%squeeze3A_205, %dma_start3A_211] : memref<1000000x64xf32, #tpu.memory_space<hbm>> -> memref<1x64xf32, #tpu.memory_space<hbm>>
        %dma_start3A_213 = tpu.memref_squeeze %dma_start3A_212 : memref<1x64xf32, #tpu.memory_space<hbm>> -> memref<64xf32, #tpu.memory_space<hbm>>
        %dma_start3A_214 = arith.constant 0 : i32
        %dma_start3A_215 = tpu.memref_slice %arg15[%add3A_207, %dma_start3A_214] : memref<160x64xf32, #tpu.memory_space<vmem>> -> memref<1x64xf32, #tpu.memory_space<vmem>>
        %dma_start3A_216 = tpu.memref_squeeze %dma_start3A_215 : memref<1x64xf32, #tpu.memory_space<vmem>> -> memref<64xf32, #tpu.memory_space<vmem>>
        %dma_start3A_217 = arith.constant 0 : i32
        %dma_start3A_218 = tpu.memref_slice %arg2[%squeeze3A_205, %dma_start3A_217] : memref<1000000x64xf32, #tpu.memory_space<hbm>> -> memref<1x64xf32, #tpu.memory_space<hbm>>
        %dma_start3A_219 = tpu.memref_squeeze %dma_start3A_218 : memref<1x64xf32, #tpu.memory_space<hbm>> -> memref<64xf32, #tpu.memory_space<hbm>>
        tpu.enqueue_dma source(%dma_start3A_219 : memref<64xf32, #tpu.memory_space<hbm>>) target(%dma_start3A_216 : memref<64xf32, #tpu.memory_space<vmem>>) target_semaphore(%arg22 : memref<!tpu.dma_semaphore, #tpu.memory_space<semaphore_mem>>)
        %slice3A_220 = vector.extract_strided_slice %get3A_103 {offsets = [7], sizes = [1], strides = [1]} : vector<16xi32> to vector<1xi32>
        %squeeze3A_221 = vector.extract %slice3A_220[0] : i32 from vector<1xi32>
        %add3A_222 = arith.constant 7 : i32
        %add3A_223 = arith.addi %mul3A_109, %add3A_222 : i32
        %dma_start3A_224 = arith.constant 0 : i32
        %dma_start3A_225 = tpu.memref_slice %arg15[%add3A_223, %dma_start3A_224] : memref<160x64xf32, #tpu.memory_space<vmem>> -> memref<1x64xf32, #tpu.memory_space<vmem>>
        %dma_start3A_226 = tpu.memref_squeeze %dma_start3A_225 : memref<1x64xf32, #tpu.memory_space<vmem>> -> memref<64xf32, #tpu.memory_space<vmem>>
        %dma_start3A_227 = arith.constant 0 : i32
        %dma_start3A_228 = tpu.memref_slice %arg2[%squeeze3A_221, %dma_start3A_227] : memref<1000000x64xf32, #tpu.memory_space<hbm>> -> memref<1x64xf32, #tpu.memory_space<hbm>>
        %dma_start3A_229 = tpu.memref_squeeze %dma_start3A_228 : memref<1x64xf32, #tpu.memory_space<hbm>> -> memref<64xf32, #tpu.memory_space<hbm>>
        %dma_start3A_230 = arith.constant 0 : i32
        %dma_start3A_231 = tpu.memref_slice %arg15[%add3A_223, %dma_start3A_230] : memref<160x64xf32, #tpu.memory_space<vmem>> -> memref<1x64xf32, #tpu.memory_space<vmem>>
        %dma_start3A_232 = tpu.memref_squeeze %dma_start3A_231 : memref<1x64xf32, #tpu.memory_space<vmem>> -> memref<64xf32, #tpu.memory_space<vmem>>
        %dma_start3A_233 = arith.constant 0 : i32
        %dma_start3A_234 = tpu.memref_slice %arg2[%squeeze3A_221, %dma_start3A_233] : memref<1000000x64xf32, #tpu.memory_space<hbm>> -> memref<1x64xf32, #tpu.memory_space<hbm>>
        %dma_start3A_235 = tpu.memref_squeeze %dma_start3A_234 : memref<1x64xf32, #tpu.memory_space<hbm>> -> memref<64xf32, #tpu.memory_space<hbm>>
        tpu.enqueue_dma source(%dma_start3A_235 : memref<64xf32, #tpu.memory_space<hbm>>) target(%dma_start3A_232 : memref<64xf32, #tpu.memory_space<vmem>>) target_semaphore(%arg22 : memref<!tpu.dma_semaphore, #tpu.memory_space<semaphore_mem>>)
        %slice3A_236 = vector.extract_strided_slice %get3A_103 {offsets = [8], sizes = [1], strides = [1]} : vector<16xi32> to vector<1xi32>
        %squeeze3A_237 = vector.extract %slice3A_236[0] : i32 from vector<1xi32>
        %add3A_238 = arith.constant 8 : i32
        %add3A_239 = arith.addi %mul3A_109, %add3A_238 : i32
        %dma_start3A_240 = arith.constant 0 : i32
        %dma_start3A_241 = tpu.memref_slice %arg15[%add3A_239, %dma_start3A_240] : memref<160x64xf32, #tpu.memory_space<vmem>> -> memref<1x64xf32, #tpu.memory_space<vmem>>
        %dma_start3A_242 = tpu.memref_squeeze %dma_start3A_241 : memref<1x64xf32, #tpu.memory_space<vmem>> -> memref<64xf32, #tpu.memory_space<vmem>>
        %dma_start3A_243 = arith.constant 0 : i32
        %dma_start3A_244 = tpu.memref_slice %arg2[%squeeze3A_237, %dma_start3A_243] : memref<1000000x64xf32, #tpu.memory_space<hbm>> -> memref<1x64xf32, #tpu.memory_space<hbm>>
        %dma_start3A_245 = tpu.memref_squeeze %dma_start3A_244 : memref<1x64xf32, #tpu.memory_space<hbm>> -> memref<64xf32, #tpu.memory_space<hbm>>
        %dma_start3A_246 = arith.constant 0 : i32
        %dma_start3A_247 = tpu.memref_slice %arg15[%add3A_239, %dma_start3A_246] : memref<160x64xf32, #tpu.memory_space<vmem>> -> memref<1x64xf32, #tpu.memory_space<vmem>>
        %dma_start3A_248 = tpu.memref_squeeze %dma_start3A_247 : memref<1x64xf32, #tpu.memory_space<vmem>> -> memref<64xf32, #tpu.memory_space<vmem>>
        %dma_start3A_249 = arith.constant 0 : i32
        %dma_start3A_250 = tpu.memref_slice %arg2[%squeeze3A_237, %dma_start3A_249] : memref<1000000x64xf32, #tpu.memory_space<hbm>> -> memref<1x64xf32, #tpu.memory_space<hbm>>
        %dma_start3A_251 = tpu.memref_squeeze %dma_start3A_250 : memref<1x64xf32, #tpu.memory_space<hbm>> -> memref<64xf32, #tpu.memory_space<hbm>>
        tpu.enqueue_dma source(%dma_start3A_251 : memref<64xf32, #tpu.memory_space<hbm>>) target(%dma_start3A_248 : memref<64xf32, #tpu.memory_space<vmem>>) target_semaphore(%arg22 : memref<!tpu.dma_semaphore, #tpu.memory_space<semaphore_mem>>)
        %slice3A_252 = vector.extract_strided_slice %get3A_103 {offsets = [9], sizes = [1], strides = [1]} : vector<16xi32> to vector<1xi32>
        %squeeze3A_253 = vector.extract %slice3A_252[0] : i32 from vector<1xi32>
        %add3A_254 = arith.constant 9 : i32
        %add3A_255 = arith.addi %mul3A_109, %add3A_254 : i32
        %dma_start3A_256 = arith.constant 0 : i32
        %dma_start3A_257 = tpu.memref_slice %arg15[%add3A_255, %dma_start3A_256] : memref<160x64xf32, #tpu.memory_space<vmem>> -> memref<1x64xf32, #tpu.memory_space<vmem>>
        %dma_start3A_258 = tpu.memref_squeeze %dma_start3A_257 : memref<1x64xf32, #tpu.memory_space<vmem>> -> memref<64xf32, #tpu.memory_space<vmem>>
        %dma_start3A_259 = arith.constant 0 : i32
        %dma_start3A_260 = tpu.memref_slice %arg2[%squeeze3A_253, %dma_start3A_259] : memref<1000000x64xf32, #tpu.memory_space<hbm>> -> memref<1x64xf32, #tpu.memory_space<hbm>>
        %dma_start3A_261 = tpu.memref_squeeze %dma_start3A_260 : memref<1x64xf32, #tpu.memory_space<hbm>> -> memref<64xf32, #tpu.memory_space<hbm>>
        %dma_start3A_262 = arith.constant 0 : i32
        %dma_start3A_263 = tpu.memref_slice %arg15[%add3A_255, %dma_start3A_262] : memref<160x64xf32, #tpu.memory_space<vmem>> -> memref<1x64xf32, #tpu.memory_space<vmem>>
        %dma_start3A_264 = tpu.memref_squeeze %dma_start3A_263 : memref<1x64xf32, #tpu.memory_space<vmem>> -> memref<64xf32, #tpu.memory_space<vmem>>
        %dma_start3A_265 = arith.constant 0 : i32
        %dma_start3A_266 = tpu.memref_slice %arg2[%squeeze3A_253, %dma_start3A_265] : memref<1000000x64xf32, #tpu.memory_space<hbm>> -> memref<1x64xf32, #tpu.memory_space<hbm>>
        %dma_start3A_267 = tpu.memref_squeeze %dma_start3A_266 : memref<1x64xf32, #tpu.memory_space<hbm>> -> memref<64xf32, #tpu.memory_space<hbm>>
        tpu.enqueue_dma source(%dma_start3A_267 : memref<64xf32, #tpu.memory_space<hbm>>) target(%dma_start3A_264 : memref<64xf32, #tpu.memory_space<vmem>>) target_semaphore(%arg22 : memref<!tpu.dma_semaphore, #tpu.memory_space<semaphore_mem>>)
        %slice3A_268 = vector.extract_strided_slice %get3A_103 {offsets = [10], sizes = [1], strides = [1]} : vector<16xi32> to vector<1xi32>
        %squeeze3A_269 = vector.extract %slice3A_268[0] : i32 from vector<1xi32>
        %add3A_270 = arith.constant 10 : i32
        %add3A_271 = arith.addi %mul3A_109, %add3A_270 : i32
        %dma_start3A_272 = arith.constant 0 : i32
        %dma_start3A_273 = tpu.memref_slice %arg15[%add3A_271, %dma_start3A_272] : memref<160x64xf32, #tpu.memory_space<vmem>> -> memref<1x64xf32, #tpu.memory_space<vmem>>
        %dma_start3A_274 = tpu.memref_squeeze %dma_start3A_273 : memref<1x64xf32, #tpu.memory_space<vmem>> -> memref<64xf32, #tpu.memory_space<vmem>>
        %dma_start3A_275 = arith.constant 0 : i32
        %dma_start3A_276 = tpu.memref_slice %arg2[%squeeze3A_269, %dma_start3A_275] : memref<1000000x64xf32, #tpu.memory_space<hbm>> -> memref<1x64xf32, #tpu.memory_space<hbm>>
        %dma_start3A_277 = tpu.memref_squeeze %dma_start3A_276 : memref<1x64xf32, #tpu.memory_space<hbm>> -> memref<64xf32, #tpu.memory_space<hbm>>
        %dma_start3A_278 = arith.constant 0 : i32
        %dma_start3A_279 = tpu.memref_slice %arg15[%add3A_271, %dma_start3A_278] : memref<160x64xf32, #tpu.memory_space<vmem>> -> memref<1x64xf32, #tpu.memory_space<vmem>>
        %dma_start3A_280 = tpu.memref_squeeze %dma_start3A_279 : memref<1x64xf32, #tpu.memory_space<vmem>> -> memref<64xf32, #tpu.memory_space<vmem>>
        %dma_start3A_281 = arith.constant 0 : i32
        %dma_start3A_282 = tpu.memref_slice %arg2[%squeeze3A_269, %dma_start3A_281] : memref<1000000x64xf32, #tpu.memory_space<hbm>> -> memref<1x64xf32, #tpu.memory_space<hbm>>
        %dma_start3A_283 = tpu.memref_squeeze %dma_start3A_282 : memref<1x64xf32, #tpu.memory_space<hbm>> -> memref<64xf32, #tpu.memory_space<hbm>>
        tpu.enqueue_dma source(%dma_start3A_283 : memref<64xf32, #tpu.memory_space<hbm>>) target(%dma_start3A_280 : memref<64xf32, #tpu.memory_space<vmem>>) target_semaphore(%arg22 : memref<!tpu.dma_semaphore, #tpu.memory_space<semaphore_mem>>)
        %slice3A_284 = vector.extract_strided_slice %get3A_103 {offsets = [11], sizes = [1], strides = [1]} : vector<16xi32> to vector<1xi32>
        %squeeze3A_285 = vector.extract %slice3A_284[0] : i32 from vector<1xi32>
        %add3A_286 = arith.constant 11 : i32
        %add3A_287 = arith.addi %mul3A_109, %add3A_286 : i32
        %dma_start3A_288 = arith.constant 0 : i32
        %dma_start3A_289 = tpu.memref_slice %arg15[%add3A_287, %dma_start3A_288] : memref<160x64xf32, #tpu.memory_space<vmem>> -> memref<1x64xf32, #tpu.memory_space<vmem>>
        %dma_start3A_290 = tpu.memref_squeeze %dma_start3A_289 : memref<1x64xf32, #tpu.memory_space<vmem>> -> memref<64xf32, #tpu.memory_space<vmem>>
        %dma_start3A_291 = arith.constant 0 : i32
        %dma_start3A_292 = tpu.memref_slice %arg2[%squeeze3A_285, %dma_start3A_291] : memref<1000000x64xf32, #tpu.memory_space<hbm>> -> memref<1x64xf32, #tpu.memory_space<hbm>>
        %dma_start3A_293 = tpu.memref_squeeze %dma_start3A_292 : memref<1x64xf32, #tpu.memory_space<hbm>> -> memref<64xf32, #tpu.memory_space<hbm>>
        %dma_start3A_294 = arith.constant 0 : i32
        %dma_start3A_295 = tpu.memref_slice %arg15[%add3A_287, %dma_start3A_294] : memref<160x64xf32, #tpu.memory_space<vmem>> -> memref<1x64xf32, #tpu.memory_space<vmem>>
        %dma_start3A_296 = tpu.memref_squeeze %dma_start3A_295 : memref<1x64xf32, #tpu.memory_space<vmem>> -> memref<64xf32, #tpu.memory_space<vmem>>
        %dma_start3A_297 = arith.constant 0 : i32
        %dma_start3A_298 = tpu.memref_slice %arg2[%squeeze3A_285, %dma_start3A_297] : memref<1000000x64xf32, #tpu.memory_space<hbm>> -> memref<1x64xf32, #tpu.memory_space<hbm>>
        %dma_start3A_299 = tpu.memref_squeeze %dma_start3A_298 : memref<1x64xf32, #tpu.memory_space<hbm>> -> memref<64xf32, #tpu.memory_space<hbm>>
        tpu.enqueue_dma source(%dma_start3A_299 : memref<64xf32, #tpu.memory_space<hbm>>) target(%dma_start3A_296 : memref<64xf32, #tpu.memory_space<vmem>>) target_semaphore(%arg22 : memref<!tpu.dma_semaphore, #tpu.memory_space<semaphore_mem>>)
        %slice3A_300 = vector.extract_strided_slice %get3A_103 {offsets = [12], sizes = [1], strides = [1]} : vector<16xi32> to vector<1xi32>
        %squeeze3A_301 = vector.extract %slice3A_300[0] : i32 from vector<1xi32>
        %add3A_302 = arith.constant 12 : i32
        %add3A_303 = arith.addi %mul3A_109, %add3A_302 : i32
        %dma_start3A_304 = arith.constant 0 : i32
        %dma_start3A_305 = tpu.memref_slice %arg15[%add3A_303, %dma_start3A_304] : memref<160x64xf32, #tpu.memory_space<vmem>> -> memref<1x64xf32, #tpu.memory_space<vmem>>
        %dma_start3A_306 = tpu.memref_squeeze %dma_start3A_305 : memref<1x64xf32, #tpu.memory_space<vmem>> -> memref<64xf32, #tpu.memory_space<vmem>>
        %dma_start3A_307 = arith.constant 0 : i32
        %dma_start3A_308 = tpu.memref_slice %arg2[%squeeze3A_301, %dma_start3A_307] : memref<1000000x64xf32, #tpu.memory_space<hbm>> -> memref<1x64xf32, #tpu.memory_space<hbm>>
        %dma_start3A_309 = tpu.memref_squeeze %dma_start3A_308 : memref<1x64xf32, #tpu.memory_space<hbm>> -> memref<64xf32, #tpu.memory_space<hbm>>
        %dma_start3A_310 = arith.constant 0 : i32
        %dma_start3A_311 = tpu.memref_slice %arg15[%add3A_303, %dma_start3A_310] : memref<160x64xf32, #tpu.memory_space<vmem>> -> memref<1x64xf32, #tpu.memory_space<vmem>>
        %dma_start3A_312 = tpu.memref_squeeze %dma_start3A_311 : memref<1x64xf32, #tpu.memory_space<vmem>> -> memref<64xf32, #tpu.memory_space<vmem>>
        %dma_start3A_313 = arith.constant 0 : i32
        %dma_start3A_314 = tpu.memref_slice %arg2[%squeeze3A_301, %dma_start3A_313] : memref<1000000x64xf32, #tpu.memory_space<hbm>> -> memref<1x64xf32, #tpu.memory_space<hbm>>
        %dma_start3A_315 = tpu.memref_squeeze %dma_start3A_314 : memref<1x64xf32, #tpu.memory_space<hbm>> -> memref<64xf32, #tpu.memory_space<hbm>>
        tpu.enqueue_dma source(%dma_start3A_315 : memref<64xf32, #tpu.memory_space<hbm>>) target(%dma_start3A_312 : memref<64xf32, #tpu.memory_space<vmem>>) target_semaphore(%arg22 : memref<!tpu.dma_semaphore, #tpu.memory_space<semaphore_mem>>)
        %slice3A_316 = vector.extract_strided_slice %get3A_103 {offsets = [13], sizes = [1], strides = [1]} : vector<16xi32> to vector<1xi32>
        %squeeze3A_317 = vector.extract %slice3A_316[0] : i32 from vector<1xi32>
        %add3A_318 = arith.constant 13 : i32
        %add3A_319 = arith.addi %mul3A_109, %add3A_318 : i32
        %dma_start3A_320 = arith.constant 0 : i32
        %dma_start3A_321 = tpu.memref_slice %arg15[%add3A_319, %dma_start3A_320] : memref<160x64xf32, #tpu.memory_space<vmem>> -> memref<1x64xf32, #tpu.memory_space<vmem>>
        %dma_start3A_322 = tpu.memref_squeeze %dma_start3A_321 : memref<1x64xf32, #tpu.memory_space<vmem>> -> memref<64xf32, #tpu.memory_space<vmem>>
        %dma_start3A_323 = arith.constant 0 : i32
        %dma_start3A_324 = tpu.memref_slice %arg2[%squeeze3A_317, %dma_start3A_323] : memref<1000000x64xf32, #tpu.memory_space<hbm>> -> memref<1x64xf32, #tpu.memory_space<hbm>>
        %dma_start3A_325 = tpu.memref_squeeze %dma_start3A_324 : memref<1x64xf32, #tpu.memory_space<hbm>> -> memref<64xf32, #tpu.memory_space<hbm>>
        %dma_start3A_326 = arith.constant 0 : i32
        %dma_start3A_327 = tpu.memref_slice %arg15[%add3A_319, %dma_start3A_326] : memref<160x64xf32, #tpu.memory_space<vmem>> -> memref<1x64xf32, #tpu.memory_space<vmem>>
        %dma_start3A_328 = tpu.memref_squeeze %dma_start3A_327 : memref<1x64xf32, #tpu.memory_space<vmem>> -> memref<64xf32, #tpu.memory_space<vmem>>
        %dma_start3A_329 = arith.constant 0 : i32
        %dma_start3A_330 = tpu.memref_slice %arg2[%squeeze3A_317, %dma_start3A_329] : memref<1000000x64xf32, #tpu.memory_space<hbm>> -> memref<1x64xf32, #tpu.memory_space<hbm>>
        %dma_start3A_331 = tpu.memref_squeeze %dma_start3A_330 : memref<1x64xf32, #tpu.memory_space<hbm>> -> memref<64xf32, #tpu.memory_space<hbm>>
        tpu.enqueue_dma source(%dma_start3A_331 : memref<64xf32, #tpu.memory_space<hbm>>) target(%dma_start3A_328 : memref<64xf32, #tpu.memory_space<vmem>>) target_semaphore(%arg22 : memref<!tpu.dma_semaphore, #tpu.memory_space<semaphore_mem>>)
        %slice3A_332 = vector.extract_strided_slice %get3A_103 {offsets = [14], sizes = [1], strides = [1]} : vector<16xi32> to vector<1xi32>
        %squeeze3A_333 = vector.extract %slice3A_332[0] : i32 from vector<1xi32>
        %add3A_334 = arith.constant 14 : i32
        %add3A_335 = arith.addi %mul3A_109, %add3A_334 : i32
        %dma_start3A_336 = arith.constant 0 : i32
        %dma_start3A_337 = tpu.memref_slice %arg15[%add3A_335, %dma_start3A_336] : memref<160x64xf32, #tpu.memory_space<vmem>> -> memref<1x64xf32, #tpu.memory_space<vmem>>
        %dma_start3A_338 = tpu.memref_squeeze %dma_start3A_337 : memref<1x64xf32, #tpu.memory_space<vmem>> -> memref<64xf32, #tpu.memory_space<vmem>>
        %dma_start3A_339 = arith.constant 0 : i32
        %dma_start3A_340 = tpu.memref_slice %arg2[%squeeze3A_333, %dma_start3A_339] : memref<1000000x64xf32, #tpu.memory_space<hbm>> -> memref<1x64xf32, #tpu.memory_space<hbm>>
        %dma_start3A_341 = tpu.memref_squeeze %dma_start3A_340 : memref<1x64xf32, #tpu.memory_space<hbm>> -> memref<64xf32, #tpu.memory_space<hbm>>
        %dma_start3A_342 = arith.constant 0 : i32
        %dma_start3A_343 = tpu.memref_slice %arg15[%add3A_335, %dma_start3A_342] : memref<160x64xf32, #tpu.memory_space<vmem>> -> memref<1x64xf32, #tpu.memory_space<vmem>>
        %dma_start3A_344 = tpu.memref_squeeze %dma_start3A_343 : memref<1x64xf32, #tpu.memory_space<vmem>> -> memref<64xf32, #tpu.memory_space<vmem>>
        %dma_start3A_345 = arith.constant 0 : i32
        %dma_start3A_346 = tpu.memref_slice %arg2[%squeeze3A_333, %dma_start3A_345] : memref<1000000x64xf32, #tpu.memory_space<hbm>> -> memref<1x64xf32, #tpu.memory_space<hbm>>
        %dma_start3A_347 = tpu.memref_squeeze %dma_start3A_346 : memref<1x64xf32, #tpu.memory_space<hbm>> -> memref<64xf32, #tpu.memory_space<hbm>>
        tpu.enqueue_dma source(%dma_start3A_347 : memref<64xf32, #tpu.memory_space<hbm>>) target(%dma_start3A_344 : memref<64xf32, #tpu.memory_space<vmem>>) target_semaphore(%arg22 : memref<!tpu.dma_semaphore, #tpu.memory_space<semaphore_mem>>)
        %slice3A_348 = vector.extract_strided_slice %get3A_103 {offsets = [15], sizes = [1], strides = [1]} : vector<16xi32> to vector<1xi32>
        %squeeze3A_349 = vector.extract %slice3A_348[0] : i32 from vector<1xi32>
        %add3A_350 = arith.constant 15 : i32
        %add3A_351 = arith.addi %mul3A_109, %add3A_350 : i32
        %dma_start3A_352 = arith.constant 0 : i32
        %dma_start3A_353 = tpu.memref_slice %arg15[%add3A_351, %dma_start3A_352] : memref<160x64xf32, #tpu.memory_space<vmem>> -> memref<1x64xf32, #tpu.memory_space<vmem>>
        %dma_start3A_354 = tpu.memref_squeeze %dma_start3A_353 : memref<1x64xf32, #tpu.memory_space<vmem>> -> memref<64xf32, #tpu.memory_space<vmem>>
        %dma_start3A_355 = arith.constant 0 : i32
        %dma_start3A_356 = tpu.memref_slice %arg2[%squeeze3A_349, %dma_start3A_355] : memref<1000000x64xf32, #tpu.memory_space<hbm>> -> memref<1x64xf32, #tpu.memory_space<hbm>>
        %dma_start3A_357 = tpu.memref_squeeze %dma_start3A_356 : memref<1x64xf32, #tpu.memory_space<hbm>> -> memref<64xf32, #tpu.memory_space<hbm>>
        %dma_start3A_358 = arith.constant 0 : i32
        %dma_start3A_359 = tpu.memref_slice %arg15[%add3A_351, %dma_start3A_358] : memref<160x64xf32, #tpu.memory_space<vmem>> -> memref<1x64xf32, #tpu.memory_space<vmem>>
        %dma_start3A_360 = tpu.memref_squeeze %dma_start3A_359 : memref<1x64xf32, #tpu.memory_space<vmem>> -> memref<64xf32, #tpu.memory_space<vmem>>
        %dma_start3A_361 = arith.constant 0 : i32
        %dma_start3A_362 = tpu.memref_slice %arg2[%squeeze3A_349, %dma_start3A_361] : memref<1000000x64xf32, #tpu.memory_space<hbm>> -> memref<1x64xf32, #tpu.memory_space<hbm>>
        %dma_start3A_363 = tpu.memref_squeeze %dma_start3A_362 : memref<1x64xf32, #tpu.memory_space<hbm>> -> memref<64xf32, #tpu.memory_space<hbm>>
        tpu.enqueue_dma source(%dma_start3A_363 : memref<64xf32, #tpu.memory_space<hbm>>) target(%dma_start3A_360 : memref<64xf32, #tpu.memory_space<vmem>>) target_semaphore(%arg22 : memref<!tpu.dma_semaphore, #tpu.memory_space<semaphore_mem>>)
        %slice3A_364 = vector.extract_strided_slice %get3A_107 {offsets = [0], sizes = [1], strides = [1]} : vector<16xi32> to vector<1xi32>
        %squeeze3A_365 = vector.extract %slice3A_364[0] : i32 from vector<1xi32>
        %add3A_366 = arith.constant 16 : i32
        %add3A_367 = arith.addi %mul3A_109, %add3A_366 : i32
        %add3A_368 = arith.constant 0 : i32
        %add3A_369 = arith.addi %add3A_367, %add3A_368 : i32
        %dma_start3A_370 = arith.constant 0 : i32
        %dma_start3A_371 = tpu.memref_slice %arg15[%add3A_369, %dma_start3A_370] : memref<160x64xf32, #tpu.memory_space<vmem>> -> memref<1x64xf32, #tpu.memory_space<vmem>>
        %dma_start3A_372 = tpu.memref_squeeze %dma_start3A_371 : memref<1x64xf32, #tpu.memory_space<vmem>> -> memref<64xf32, #tpu.memory_space<vmem>>
        %dma_start3A_373 = arith.constant 0 : i32
        %dma_start3A_374 = tpu.memref_slice %arg2[%squeeze3A_365, %dma_start3A_373] : memref<1000000x64xf32, #tpu.memory_space<hbm>> -> memref<1x64xf32, #tpu.memory_space<hbm>>
        %dma_start3A_375 = tpu.memref_squeeze %dma_start3A_374 : memref<1x64xf32, #tpu.memory_space<hbm>> -> memref<64xf32, #tpu.memory_space<hbm>>
        %dma_start3A_376 = arith.constant 0 : i32
        %dma_start3A_377 = tpu.memref_slice %arg15[%add3A_369, %dma_start3A_376] : memref<160x64xf32, #tpu.memory_space<vmem>> -> memref<1x64xf32, #tpu.memory_space<vmem>>
        %dma_start3A_378 = tpu.memref_squeeze %dma_start3A_377 : memref<1x64xf32, #tpu.memory_space<vmem>> -> memref<64xf32, #tpu.memory_space<vmem>>
        %dma_start3A_379 = arith.constant 0 : i32
        %dma_start3A_380 = tpu.memref_slice %arg2[%squeeze3A_365, %dma_start3A_379] : memref<1000000x64xf32, #tpu.memory_space<hbm>> -> memref<1x64xf32, #tpu.memory_space<hbm>>
        %dma_start3A_381 = tpu.memref_squeeze %dma_start3A_380 : memref<1x64xf32, #tpu.memory_space<hbm>> -> memref<64xf32, #tpu.memory_space<hbm>>
        tpu.enqueue_dma source(%dma_start3A_381 : memref<64xf32, #tpu.memory_space<hbm>>) target(%dma_start3A_378 : memref<64xf32, #tpu.memory_space<vmem>>) target_semaphore(%arg22 : memref<!tpu.dma_semaphore, #tpu.memory_space<semaphore_mem>>)
        %slice3A_382 = vector.extract_strided_slice %get3A_107 {offsets = [1], sizes = [1], strides = [1]} : vector<16xi32> to vector<1xi32>
        %squeeze3A_383 = vector.extract %slice3A_382[0] : i32 from vector<1xi32>
        %add3A_384 = arith.constant 16 : i32
        %add3A_385 = arith.addi %mul3A_109, %add3A_384 : i32
        %add3A_386 = arith.constant 1 : i32
        %add3A_387 = arith.addi %add3A_385, %add3A_386 : i32
        %dma_start3A_388 = arith.constant 0 : i32
        %dma_start3A_389 = tpu.memref_slice %arg15[%add3A_387, %dma_start3A_388] : memref<160x64xf32, #tpu.memory_space<vmem>> -> memref<1x64xf32, #tpu.memory_space<vmem>>
        %dma_start3A_390 = tpu.memref_squeeze %dma_start3A_389 : memref<1x64xf32, #tpu.memory_space<vmem>> -> memref<64xf32, #tpu.memory_space<vmem>>
        %dma_start3A_391 = arith.constant 0 : i32
        %dma_start3A_392 = tpu.memref_slice %arg2[%squeeze3A_383, %dma_start3A_391] : memref<1000000x64xf32, #tpu.memory_space<hbm>> -> memref<1x64xf32, #tpu.memory_space<hbm>>
        %dma_start3A_393 = tpu.memref_squeeze %dma_start3A_392 : memref<1x64xf32, #tpu.memory_space<hbm>> -> memref<64xf32, #tpu.memory_space<hbm>>
        %dma_start3A_394 = arith.constant 0 : i32
        %dma_start3A_395 = tpu.memref_slice %arg15[%add3A_387, %dma_start3A_394] : memref<160x64xf32, #tpu.memory_space<vmem>> -> memref<1x64xf32, #tpu.memory_space<vmem>>
        %dma_start3A_396 = tpu.memref_squeeze %dma_start3A_395 : memref<1x64xf32, #tpu.memory_space<vmem>> -> memref<64xf32, #tpu.memory_space<vmem>>
        %dma_start3A_397 = arith.constant 0 : i32
        %dma_start3A_398 = tpu.memref_slice %arg2[%squeeze3A_383, %dma_start3A_397] : memref<1000000x64xf32, #tpu.memory_space<hbm>> -> memref<1x64xf32, #tpu.memory_space<hbm>>
        %dma_start3A_399 = tpu.memref_squeeze %dma_start3A_398 : memref<1x64xf32, #tpu.memory_space<hbm>> -> memref<64xf32, #tpu.memory_space<hbm>>
        tpu.enqueue_dma source(%dma_start3A_399 : memref<64xf32, #tpu.memory_space<hbm>>) target(%dma_start3A_396 : memref<64xf32, #tpu.memory_space<vmem>>) target_semaphore(%arg22 : memref<!tpu.dma_semaphore, #tpu.memory_space<semaphore_mem>>)
        %slice3A_400 = vector.extract_strided_slice %get3A_107 {offsets = [2], sizes = [1], strides = [1]} : vector<16xi32> to vector<1xi32>
        %squeeze3A_401 = vector.extract %slice3A_400[0] : i32 from vector<1xi32>
        %add3A_402 = arith.constant 16 : i32
        %add3A_403 = arith.addi %mul3A_109, %add3A_402 : i32
        %add3A_404 = arith.constant 2 : i32
        %add3A_405 = arith.addi %add3A_403, %add3A_404 : i32
        %dma_start3A_406 = arith.constant 0 : i32
        %dma_start3A_407 = tpu.memref_slice %arg15[%add3A_405, %dma_start3A_406] : memref<160x64xf32, #tpu.memory_space<vmem>> -> memref<1x64xf32, #tpu.memory_space<vmem>>
        %dma_start3A_408 = tpu.memref_squeeze %dma_start3A_407 : memref<1x64xf32, #tpu.memory_space<vmem>> -> memref<64xf32, #tpu.memory_space<vmem>>
        %dma_start3A_409 = arith.constant 0 : i32
        %dma_start3A_410 = tpu.memref_slice %arg2[%squeeze3A_401, %dma_start3A_409] : memref<1000000x64xf32, #tpu.memory_space<hbm>> -> memref<1x64xf32, #tpu.memory_space<hbm>>
        %dma_start3A_411 = tpu.memref_squeeze %dma_start3A_410 : memref<1x64xf32, #tpu.memory_space<hbm>> -> memref<64xf32, #tpu.memory_space<hbm>>
        %dma_start3A_412 = arith.constant 0 : i32
        %dma_start3A_413 = tpu.memref_slice %arg15[%add3A_405, %dma_start3A_412] : memref<160x64xf32, #tpu.memory_space<vmem>> -> memref<1x64xf32, #tpu.memory_space<vmem>>
        %dma_start3A_414 = tpu.memref_squeeze %dma_start3A_413 : memref<1x64xf32, #tpu.memory_space<vmem>> -> memref<64xf32, #tpu.memory_space<vmem>>
        %dma_start3A_415 = arith.constant 0 : i32
        %dma_start3A_416 = tpu.memref_slice %arg2[%squeeze3A_401, %dma_start3A_415] : memref<1000000x64xf32, #tpu.memory_space<hbm>> -> memref<1x64xf32, #tpu.memory_space<hbm>>
        %dma_start3A_417 = tpu.memref_squeeze %dma_start3A_416 : memref<1x64xf32, #tpu.memory_space<hbm>> -> memref<64xf32, #tpu.memory_space<hbm>>
        tpu.enqueue_dma source(%dma_start3A_417 : memref<64xf32, #tpu.memory_space<hbm>>) target(%dma_start3A_414 : memref<64xf32, #tpu.memory_space<vmem>>) target_semaphore(%arg22 : memref<!tpu.dma_semaphore, #tpu.memory_space<semaphore_mem>>)
        %slice3A_418 = vector.extract_strided_slice %get3A_107 {offsets = [3], sizes = [1], strides = [1]} : vector<16xi32> to vector<1xi32>
        %squeeze3A_419 = vector.extract %slice3A_418[0] : i32 from vector<1xi32>
        %add3A_420 = arith.constant 16 : i32
        %add3A_421 = arith.addi %mul3A_109, %add3A_420 : i32
        %add3A_422 = arith.constant 3 : i32
        %add3A_423 = arith.addi %add3A_421, %add3A_422 : i32
        %dma_start3A_424 = arith.constant 0 : i32
        %dma_start3A_425 = tpu.memref_slice %arg15[%add3A_423, %dma_start3A_424] : memref<160x64xf32, #tpu.memory_space<vmem>> -> memref<1x64xf32, #tpu.memory_space<vmem>>
        %dma_start3A_426 = tpu.memref_squeeze %dma_start3A_425 : memref<1x64xf32, #tpu.memory_space<vmem>> -> memref<64xf32, #tpu.memory_space<vmem>>
        %dma_start3A_427 = arith.constant 0 : i32
        %dma_start3A_428 = tpu.memref_slice %arg2[%squeeze3A_419, %dma_start3A_427] : memref<1000000x64xf32, #tpu.memory_space<hbm>> -> memref<1x64xf32, #tpu.memory_space<hbm>>
        %dma_start3A_429 = tpu.memref_squeeze %dma_start3A_428 : memref<1x64xf32, #tpu.memory_space<hbm>> -> memref<64xf32, #tpu.memory_space<hbm>>
        %dma_start3A_430 = arith.constant 0 : i32
        %dma_start3A_431 = tpu.memref_slice %arg15[%add3A_423, %dma_start3A_430] : memref<160x64xf32, #tpu.memory_space<vmem>> -> memref<1x64xf32, #tpu.memory_space<vmem>>
        %dma_start3A_432 = tpu.memref_squeeze %dma_start3A_431 : memref<1x64xf32, #tpu.memory_space<vmem>> -> memref<64xf32, #tpu.memory_space<vmem>>
        %dma_start3A_433 = arith.constant 0 : i32
        %dma_start3A_434 = tpu.memref_slice %arg2[%squeeze3A_419, %dma_start3A_433] : memref<1000000x64xf32, #tpu.memory_space<hbm>> -> memref<1x64xf32, #tpu.memory_space<hbm>>
        %dma_start3A_435 = tpu.memref_squeeze %dma_start3A_434 : memref<1x64xf32, #tpu.memory_space<hbm>> -> memref<64xf32, #tpu.memory_space<hbm>>
        tpu.enqueue_dma source(%dma_start3A_435 : memref<64xf32, #tpu.memory_space<hbm>>) target(%dma_start3A_432 : memref<64xf32, #tpu.memory_space<vmem>>) target_semaphore(%arg22 : memref<!tpu.dma_semaphore, #tpu.memory_space<semaphore_mem>>)
      }
      %scan3A_64 = arith.constant 8 : i32
      %scan3A_65 = arith.constant 0 : i32
      %scan3A_66 = arith.constant 0 : i32
      %scan3A_67 = arith.constant 8 : i32
      %scan3A_68 = arith.addi %scan3A_66, %scan3A_67 : i32
      %scan3A_69 = arith.constant 1 : i32
      scf.for %scan3A_100 = %scan3A_66 to %scan3A_68 step %scan3A_69  : i32 {
        %get3A = arith.index_cast %scan3A_100 : i32 to index
        %get3A_101 = arith.constant 0 : index
        %get3A_102 = tpu.vector_load %arg19[%get3A, %get3A_101] {strides = array<i32>} : memref<8x16xi32, #tpu.memory_space<vmem>>, vector<1x16xi32>,
        %get3A_103 = vector.shape_cast %get3A_102 : vector<1x16xi32> to vector<16xi32>
        %slice3A = vector.extract_strided_slice %get3A_103 {offsets = [0], sizes = [1], strides = [1]} : vector<16xi32> to vector<1xi32>
        %squeeze3A = vector.extract %slice3A[0] : i32 from vector<1xi32>
        %mul3A_104 = arith.constant 5 : i32
        %mul3A_105 = arith.muli %scan3A_100, %mul3A_104 : i32
        %add3A_106 = arith.constant 0 : i32
        %add3A_107 = arith.addi %mul3A_105, %add3A_106 : i32
        %dma_start3A_108 = arith.constant 0 : i32
        %dma_start3A_109 = tpu.memref_slice %arg20[%add3A_107, %dma_start3A_108] : memref<40x64xf32, #tpu.memory_space<vmem>> -> memref<1x64xf32, #tpu.memory_space<vmem>>
        %dma_start3A_110 = tpu.memref_squeeze %dma_start3A_109 : memref<1x64xf32, #tpu.memory_space<vmem>> -> memref<64xf32, #tpu.memory_space<vmem>>
        %dma_start3A_111 = arith.constant 0 : i32
        %dma_start3A_112 = tpu.memref_slice %arg3[%squeeze3A, %dma_start3A_111] : memref<1000000x64xf32, #tpu.memory_space<hbm>> -> memref<1x64xf32, #tpu.memory_space<hbm>>
        %dma_start3A_113 = tpu.memref_squeeze %dma_start3A_112 : memref<1x64xf32, #tpu.memory_space<hbm>> -> memref<64xf32, #tpu.memory_space<hbm>>
        %dma_start3A_114 = arith.constant 0 : i32
        %dma_start3A_115 = tpu.memref_slice %arg20[%add3A_107, %dma_start3A_114] : memref<40x64xf32, #tpu.memory_space<vmem>> -> memref<1x64xf32, #tpu.memory_space<vmem>>
        %dma_start3A_116 = tpu.memref_squeeze %dma_start3A_115 : memref<1x64xf32, #tpu.memory_space<vmem>> -> memref<64xf32, #tpu.memory_space<vmem>>
        %dma_start3A_117 = arith.constant 0 : i32
        %dma_start3A_118 = tpu.memref_slice %arg3[%squeeze3A, %dma_start3A_117] : memref<1000000x64xf32, #tpu.memory_space<hbm>> -> memref<1x64xf32, #tpu.memory_space<hbm>>
        %dma_start3A_119 = tpu.memref_squeeze %dma_start3A_118 : memref<1x64xf32, #tpu.memory_space<hbm>> -> memref<64xf32, #tpu.memory_space<hbm>>
        tpu.enqueue_dma source(%dma_start3A_119 : memref<64xf32, #tpu.memory_space<hbm>>) target(%dma_start3A_116 : memref<64xf32, #tpu.memory_space<vmem>>) target_semaphore(%arg22 : memref<!tpu.dma_semaphore, #tpu.memory_space<semaphore_mem>>)
        %slice3A_120 = vector.extract_strided_slice %get3A_103 {offsets = [1], sizes = [1], strides = [1]} : vector<16xi32> to vector<1xi32>
        %squeeze3A_121 = vector.extract %slice3A_120[0] : i32 from vector<1xi32>
        %mul3A_122 = arith.constant 5 : i32
        %mul3A_123 = arith.muli %scan3A_100, %mul3A_122 : i32
        %add3A_124 = arith.constant 1 : i32
        %add3A_125 = arith.addi %mul3A_123, %add3A_124 : i32
        %dma_start3A_126 = arith.constant 0 : i32
        %dma_start3A_127 = tpu.memref_slice %arg20[%add3A_125, %dma_start3A_126] : memref<40x64xf32, #tpu.memory_space<vmem>> -> memref<1x64xf32, #tpu.memory_space<vmem>>
        %dma_start3A_128 = tpu.memref_squeeze %dma_start3A_127 : memref<1x64xf32, #tpu.memory_space<vmem>> -> memref<64xf32, #tpu.memory_space<vmem>>
        %dma_start3A_129 = arith.constant 0 : i32
        %dma_start3A_130 = tpu.memref_slice %arg3[%squeeze3A_121, %dma_start3A_129] : memref<1000000x64xf32, #tpu.memory_space<hbm>> -> memref<1x64xf32, #tpu.memory_space<hbm>>
        %dma_start3A_131 = tpu.memref_squeeze %dma_start3A_130 : memref<1x64xf32, #tpu.memory_space<hbm>> -> memref<64xf32, #tpu.memory_space<hbm>>
        %dma_start3A_132 = arith.constant 0 : i32
        %dma_start3A_133 = tpu.memref_slice %arg20[%add3A_125, %dma_start3A_132] : memref<40x64xf32, #tpu.memory_space<vmem>> -> memref<1x64xf32, #tpu.memory_space<vmem>>
        %dma_start3A_134 = tpu.memref_squeeze %dma_start3A_133 : memref<1x64xf32, #tpu.memory_space<vmem>> -> memref<64xf32, #tpu.memory_space<vmem>>
        %dma_start3A_135 = arith.constant 0 : i32
        %dma_start3A_136 = tpu.memref_slice %arg3[%squeeze3A_121, %dma_start3A_135] : memref<1000000x64xf32, #tpu.memory_space<hbm>> -> memref<1x64xf32, #tpu.memory_space<hbm>>
        %dma_start3A_137 = tpu.memref_squeeze %dma_start3A_136 : memref<1x64xf32, #tpu.memory_space<hbm>> -> memref<64xf32, #tpu.memory_space<hbm>>
        tpu.enqueue_dma source(%dma_start3A_137 : memref<64xf32, #tpu.memory_space<hbm>>) target(%dma_start3A_134 : memref<64xf32, #tpu.memory_space<vmem>>) target_semaphore(%arg22 : memref<!tpu.dma_semaphore, #tpu.memory_space<semaphore_mem>>)
        %slice3A_138 = vector.extract_strided_slice %get3A_103 {offsets = [2], sizes = [1], strides = [1]} : vector<16xi32> to vector<1xi32>
        %squeeze3A_139 = vector.extract %slice3A_138[0] : i32 from vector<1xi32>
        %mul3A_140 = arith.constant 5 : i32
        %mul3A_141 = arith.muli %scan3A_100, %mul3A_140 : i32
        %add3A_142 = arith.constant 2 : i32
        %add3A_143 = arith.addi %mul3A_141, %add3A_142 : i32
        %dma_start3A_144 = arith.constant 0 : i32
        %dma_start3A_145 = tpu.memref_slice %arg20[%add3A_143, %dma_start3A_144] : memref<40x64xf32, #tpu.memory_space<vmem>> -> memref<1x64xf32, #tpu.memory_space<vmem>>
        %dma_start3A_146 = tpu.memref_squeeze %dma_start3A_145 : memref<1x64xf32, #tpu.memory_space<vmem>> -> memref<64xf32, #tpu.memory_space<vmem>>
        %dma_start3A_147 = arith.constant 0 : i32
        %dma_start3A_148 = tpu.memref_slice %arg3[%squeeze3A_139, %dma_start3A_147] : memref<1000000x64xf32, #tpu.memory_space<hbm>> -> memref<1x64xf32, #tpu.memory_space<hbm>>
        %dma_start3A_149 = tpu.memref_squeeze %dma_start3A_148 : memref<1x64xf32, #tpu.memory_space<hbm>> -> memref<64xf32, #tpu.memory_space<hbm>>
        %dma_start3A_150 = arith.constant 0 : i32
        %dma_start3A_151 = tpu.memref_slice %arg20[%add3A_143, %dma_start3A_150] : memref<40x64xf32, #tpu.memory_space<vmem>> -> memref<1x64xf32, #tpu.memory_space<vmem>>
        %dma_start3A_152 = tpu.memref_squeeze %dma_start3A_151 : memref<1x64xf32, #tpu.memory_space<vmem>> -> memref<64xf32, #tpu.memory_space<vmem>>
        %dma_start3A_153 = arith.constant 0 : i32
        %dma_start3A_154 = tpu.memref_slice %arg3[%squeeze3A_139, %dma_start3A_153] : memref<1000000x64xf32, #tpu.memory_space<hbm>> -> memref<1x64xf32, #tpu.memory_space<hbm>>
        %dma_start3A_155 = tpu.memref_squeeze %dma_start3A_154 : memref<1x64xf32, #tpu.memory_space<hbm>> -> memref<64xf32, #tpu.memory_space<hbm>>
        tpu.enqueue_dma source(%dma_start3A_155 : memref<64xf32, #tpu.memory_space<hbm>>) target(%dma_start3A_152 : memref<64xf32, #tpu.memory_space<vmem>>) target_semaphore(%arg22 : memref<!tpu.dma_semaphore, #tpu.memory_space<semaphore_mem>>)
        %slice3A_156 = vector.extract_strided_slice %get3A_103 {offsets = [3], sizes = [1], strides = [1]} : vector<16xi32> to vector<1xi32>
        %squeeze3A_157 = vector.extract %slice3A_156[0] : i32 from vector<1xi32>
        %mul3A_158 = arith.constant 5 : i32
        %mul3A_159 = arith.muli %scan3A_100, %mul3A_158 : i32
        %add3A_160 = arith.constant 3 : i32
        %add3A_161 = arith.addi %mul3A_159, %add3A_160 : i32
        %dma_start3A_162 = arith.constant 0 : i32
        %dma_start3A_163 = tpu.memref_slice %arg20[%add3A_161, %dma_start3A_162] : memref<40x64xf32, #tpu.memory_space<vmem>> -> memref<1x64xf32, #tpu.memory_space<vmem>>
        %dma_start3A_164 = tpu.memref_squeeze %dma_start3A_163 : memref<1x64xf32, #tpu.memory_space<vmem>> -> memref<64xf32, #tpu.memory_space<vmem>>
        %dma_start3A_165 = arith.constant 0 : i32
        %dma_start3A_166 = tpu.memref_slice %arg3[%squeeze3A_157, %dma_start3A_165] : memref<1000000x64xf32, #tpu.memory_space<hbm>> -> memref<1x64xf32, #tpu.memory_space<hbm>>
        %dma_start3A_167 = tpu.memref_squeeze %dma_start3A_166 : memref<1x64xf32, #tpu.memory_space<hbm>> -> memref<64xf32, #tpu.memory_space<hbm>>
        %dma_start3A_168 = arith.constant 0 : i32
        %dma_start3A_169 = tpu.memref_slice %arg20[%add3A_161, %dma_start3A_168] : memref<40x64xf32, #tpu.memory_space<vmem>> -> memref<1x64xf32, #tpu.memory_space<vmem>>
        %dma_start3A_170 = tpu.memref_squeeze %dma_start3A_169 : memref<1x64xf32, #tpu.memory_space<vmem>> -> memref<64xf32, #tpu.memory_space<vmem>>
        %dma_start3A_171 = arith.constant 0 : i32
        %dma_start3A_172 = tpu.memref_slice %arg3[%squeeze3A_157, %dma_start3A_171] : memref<1000000x64xf32, #tpu.memory_space<hbm>> -> memref<1x64xf32, #tpu.memory_space<hbm>>
        %dma_start3A_173 = tpu.memref_squeeze %dma_start3A_172 : memref<1x64xf32, #tpu.memory_space<hbm>> -> memref<64xf32, #tpu.memory_space<hbm>>
        tpu.enqueue_dma source(%dma_start3A_173 : memref<64xf32, #tpu.memory_space<hbm>>) target(%dma_start3A_170 : memref<64xf32, #tpu.memory_space<vmem>>) target_semaphore(%arg22 : memref<!tpu.dma_semaphore, #tpu.memory_space<semaphore_mem>>)
        %slice3A_174 = vector.extract_strided_slice %get3A_103 {offsets = [4], sizes = [1], strides = [1]} : vector<16xi32> to vector<1xi32>
        %squeeze3A_175 = vector.extract %slice3A_174[0] : i32 from vector<1xi32>
        %mul3A_176 = arith.constant 5 : i32
        %mul3A_177 = arith.muli %scan3A_100, %mul3A_176 : i32
        %add3A_178 = arith.constant 4 : i32
        %add3A_179 = arith.addi %mul3A_177, %add3A_178 : i32
        %dma_start3A_180 = arith.constant 0 : i32
        %dma_start3A_181 = tpu.memref_slice %arg20[%add3A_179, %dma_start3A_180] : memref<40x64xf32, #tpu.memory_space<vmem>> -> memref<1x64xf32, #tpu.memory_space<vmem>>
        %dma_start3A_182 = tpu.memref_squeeze %dma_start3A_181 : memref<1x64xf32, #tpu.memory_space<vmem>> -> memref<64xf32, #tpu.memory_space<vmem>>
        %dma_start3A_183 = arith.constant 0 : i32
        %dma_start3A_184 = tpu.memref_slice %arg3[%squeeze3A_175, %dma_start3A_183] : memref<1000000x64xf32, #tpu.memory_space<hbm>> -> memref<1x64xf32, #tpu.memory_space<hbm>>
        %dma_start3A_185 = tpu.memref_squeeze %dma_start3A_184 : memref<1x64xf32, #tpu.memory_space<hbm>> -> memref<64xf32, #tpu.memory_space<hbm>>
        %dma_start3A_186 = arith.constant 0 : i32
        %dma_start3A_187 = tpu.memref_slice %arg20[%add3A_179, %dma_start3A_186] : memref<40x64xf32, #tpu.memory_space<vmem>> -> memref<1x64xf32, #tpu.memory_space<vmem>>
        %dma_start3A_188 = tpu.memref_squeeze %dma_start3A_187 : memref<1x64xf32, #tpu.memory_space<vmem>> -> memref<64xf32, #tpu.memory_space<vmem>>
        %dma_start3A_189 = arith.constant 0 : i32
        %dma_start3A_190 = tpu.memref_slice %arg3[%squeeze3A_175, %dma_start3A_189] : memref<1000000x64xf32, #tpu.memory_space<hbm>> -> memref<1x64xf32, #tpu.memory_space<hbm>>
        %dma_start3A_191 = tpu.memref_squeeze %dma_start3A_190 : memref<1x64xf32, #tpu.memory_space<hbm>> -> memref<64xf32, #tpu.memory_space<hbm>>
        tpu.enqueue_dma source(%dma_start3A_191 : memref<64xf32, #tpu.memory_space<hbm>>) target(%dma_start3A_188 : memref<64xf32, #tpu.memory_space<vmem>>) target_semaphore(%arg22 : memref<!tpu.dma_semaphore, #tpu.memory_space<semaphore_mem>>)
      }
      %scan3A_70 = arith.constant 8 : i32
      %dma_wait3A_71 = arith.constant 0 : i32
      %dma_wait3A_72 = arith.constant 0 : i32
      %dma_wait3A_73 = tpu.memref_slice %arg2[%dma_wait3A_71, %dma_wait3A_72] : memref<1000000x64xf32, #tpu.memory_space<hbm>> -> memref<160x64xf32, #tpu.memory_space<hbm>>
      %dma_wait3A_74 = arith.constant 0 : i32
      %dma_wait3A_75 = arith.constant 0 : i32
      %dma_wait3A_76 = tpu.memref_slice %arg2[%dma_wait3A_74, %dma_wait3A_75] : memref<1000000x64xf32, #tpu.memory_space<hbm>> -> memref<160x64xf32, #tpu.memory_space<hbm>>
      tpu.wait_dma2 semaphore(%arg22 : memref<!tpu.dma_semaphore, #tpu.memory_space<semaphore_mem>>) src(%dma_wait3A_76 : memref<160x64xf32, #tpu.memory_space<hbm>>) dst(%arg15 : memref<160x64xf32, #tpu.memory_space<vmem>>)
      %dma_wait3A_77 = arith.constant 0 : i32
      %dma_wait3A_78 = arith.constant 0 : i32
      %dma_wait3A_79 = tpu.memref_slice %arg2[%dma_wait3A_77, %dma_wait3A_78] : memref<1000000x64xf32, #tpu.memory_space<hbm>> -> memref<40x64xf32, #tpu.memory_space<hbm>>
      %dma_wait3A_80 = arith.constant 0 : i32
      %dma_wait3A_81 = arith.constant 0 : i32
      %dma_wait3A_82 = tpu.memref_slice %arg2[%dma_wait3A_80, %dma_wait3A_81] : memref<1000000x64xf32, #tpu.memory_space<hbm>> -> memref<40x64xf32, #tpu.memory_space<hbm>>
      tpu.wait_dma2 semaphore(%arg22 : memref<!tpu.dma_semaphore, #tpu.memory_space<semaphore_mem>>) src(%dma_wait3A_82 : memref<40x64xf32, #tpu.memory_space<hbm>>) dst(%arg20 : memref<40x64xf32, #tpu.memory_space<vmem>>)
      %scan3A_83 = arith.constant 0 : i32
      %scan3A_84 = arith.constant 0 : i32
      %scan3A_85 = arith.constant 8 : i32
      %scan3A_86 = arith.addi %scan3A_84, %scan3A_85 : i32
      %scan3A_87 = arith.constant 1 : i32
      scf.for %scan3A_100 = %scan3A_84 to %scan3A_86 step %scan3A_87  : i32 {
        %mul3A_101 = arith.constant 20 : i32
        %mul3A_102 = arith.muli %scan3A_100, %mul3A_101 : i32
        %mul3A_103 = arith.constant 5 : i32
        %mul3A_104 = arith.muli %scan3A_100, %mul3A_103 : i32
        %add3A_105 = arith.constant 0 : i32
        %add3A_106 = arith.addi %mul3A_104, %add3A_105 : i32
        %get3A = arith.index_cast %add3A_106 : i32 to index
        %get3A_107 = arith.constant 0 : index
        %get3A_108 = tpu.vector_load %arg20[%get3A, %get3A_107] {strides = array<i32>} : memref<40x64xf32, #tpu.memory_space<vmem>>, vector<1x16xf32>,
        %get3A_109 = vector.shape_cast %get3A_108 : vector<1x16xf32> to vector<16xf32>
        %add3A_110 = arith.constant 0 : i32
        %add3A_111 = arith.addi %mul3A_104, %add3A_110 : i32
        %get3A_112 = arith.index_cast %add3A_111 : i32 to index
        %get3A_113 = arith.constant 16 : index
        %get3A_114 = tpu.vector_load %arg20[%get3A_112, %get3A_113] {strides = array<i32>} : memref<40x64xf32, #tpu.memory_space<vmem>>, vector<1x16xf32>,
        %get3A_115 = vector.shape_cast %get3A_114 : vector<1x16xf32> to vector<16xf32>
        %add3A_116 = arith.constant 0 : i32
        %add3A_117 = arith.addi %mul3A_104, %add3A_116 : i32
        %get3A_118 = arith.index_cast %add3A_117 : i32 to index
        %get3A_119 = arith.constant 32 : index
        %get3A_120 = tpu.vector_load %arg20[%get3A_118, %get3A_119] {strides = array<i32>} : memref<40x64xf32, #tpu.memory_space<vmem>>, vector<1x16xf32>,
        %get3A_121 = vector.shape_cast %get3A_120 : vector<1x16xf32> to vector<16xf32>
        %add3A_122 = arith.constant 0 : i32
        %add3A_123 = arith.addi %mul3A_104, %add3A_122 : i32
        %get3A_124 = arith.index_cast %add3A_123 : i32 to index
        %get3A_125 = arith.constant 48 : index
        %get3A_126 = tpu.vector_load %arg20[%get3A_124, %get3A_125] {strides = array<i32>} : memref<40x64xf32, #tpu.memory_space<vmem>>, vector<1x16xf32>,
        %get3A_127 = vector.shape_cast %get3A_126 : vector<1x16xf32> to vector<16xf32>
        %add3A_128 = arith.constant 1 : i32
        %add3A_129 = arith.addi %mul3A_104, %add3A_128 : i32
        %get3A_130 = arith.index_cast %add3A_129 : i32 to index
        %get3A_131 = arith.constant 0 : index
        %get3A_132 = tpu.vector_load %arg20[%get3A_130, %get3A_131] {strides = array<i32>} : memref<40x64xf32, #tpu.memory_space<vmem>>, vector<1x16xf32>,
        %get3A_133 = vector.shape_cast %get3A_132 : vector<1x16xf32> to vector<16xf32>
        %add3A_134 = arith.constant 1 : i32
        %add3A_135 = arith.addi %mul3A_104, %add3A_134 : i32
        %get3A_136 = arith.index_cast %add3A_135 : i32 to index
        %get3A_137 = arith.constant 16 : index
        %get3A_138 = tpu.vector_load %arg20[%get3A_136, %get3A_137] {strides = array<i32>} : memref<40x64xf32, #tpu.memory_space<vmem>>, vector<1x16xf32>,
        %get3A_139 = vector.shape_cast %get3A_138 : vector<1x16xf32> to vector<16xf32>
        %add3A_140 = arith.constant 1 : i32
        %add3A_141 = arith.addi %mul3A_104, %add3A_140 : i32
        %get3A_142 = arith.index_cast %add3A_141 : i32 to index
        %get3A_143 = arith.constant 32 : index
        %get3A_144 = tpu.vector_load %arg20[%get3A_142, %get3A_143] {strides = array<i32>} : memref<40x64xf32, #tpu.memory_space<vmem>>, vector<1x16xf32>,
        %get3A_145 = vector.shape_cast %get3A_144 : vector<1x16xf32> to vector<16xf32>
        %add3A_146 = arith.constant 1 : i32
        %add3A_147 = arith.addi %mul3A_104, %add3A_146 : i32
        %get3A_148 = arith.index_cast %add3A_147 : i32 to index
        %get3A_149 = arith.constant 48 : index
        %get3A_150 = tpu.vector_load %arg20[%get3A_148, %get3A_149] {strides = array<i32>} : memref<40x64xf32, #tpu.memory_space<vmem>>, vector<1x16xf32>,
        %get3A_151 = vector.shape_cast %get3A_150 : vector<1x16xf32> to vector<16xf32>
        %add3A_152 = arith.constant 2 : i32
        %add3A_153 = arith.addi %mul3A_104, %add3A_152 : i32
        %get3A_154 = arith.index_cast %add3A_153 : i32 to index
        %get3A_155 = arith.constant 0 : index
        %get3A_156 = tpu.vector_load %arg20[%get3A_154, %get3A_155] {strides = array<i32>} : memref<40x64xf32, #tpu.memory_space<vmem>>, vector<1x16xf32>,
        %get3A_157 = vector.shape_cast %get3A_156 : vector<1x16xf32> to vector<16xf32>
        %add3A_158 = arith.constant 2 : i32
        %add3A_159 = arith.addi %mul3A_104, %add3A_158 : i32
        %get3A_160 = arith.index_cast %add3A_159 : i32 to index
        %get3A_161 = arith.constant 16 : index
        %get3A_162 = tpu.vector_load %arg20[%get3A_160, %get3A_161] {strides = array<i32>} : memref<40x64xf32, #tpu.memory_space<vmem>>, vector<1x16xf32>,
        %get3A_163 = vector.shape_cast %get3A_162 : vector<1x16xf32> to vector<16xf32>
        %add3A_164 = arith.constant 2 : i32
        %add3A_165 = arith.addi %mul3A_104, %add3A_164 : i32
        %get3A_166 = arith.index_cast %add3A_165 : i32 to index
        %get3A_167 = arith.constant 32 : index
        %get3A_168 = tpu.vector_load %arg20[%get3A_166, %get3A_167] {strides = array<i32>} : memref<40x64xf32, #tpu.memory_space<vmem>>, vector<1x16xf32>,
        %get3A_169 = vector.shape_cast %get3A_168 : vector<1x16xf32> to vector<16xf32>
        %add3A_170 = arith.constant 2 : i32
        %add3A_171 = arith.addi %mul3A_104, %add3A_170 : i32
        %get3A_172 = arith.index_cast %add3A_171 : i32 to index
        %get3A_173 = arith.constant 48 : index
        %get3A_174 = tpu.vector_load %arg20[%get3A_172, %get3A_173] {strides = array<i32>} : memref<40x64xf32, #tpu.memory_space<vmem>>, vector<1x16xf32>,
        %get3A_175 = vector.shape_cast %get3A_174 : vector<1x16xf32> to vector<16xf32>
        %add3A_176 = arith.constant 3 : i32
        %add3A_177 = arith.addi %mul3A_104, %add3A_176 : i32
        %get3A_178 = arith.index_cast %add3A_177 : i32 to index
        %get3A_179 = arith.constant 0 : index
        %get3A_180 = tpu.vector_load %arg20[%get3A_178, %get3A_179] {strides = array<i32>} : memref<40x64xf32, #tpu.memory_space<vmem>>, vector<1x16xf32>,
        %get3A_181 = vector.shape_cast %get3A_180 : vector<1x16xf32> to vector<16xf32>
        %add3A_182 = arith.constant 3 : i32
        %add3A_183 = arith.addi %mul3A_104, %add3A_182 : i32
        %get3A_184 = arith.index_cast %add3A_183 : i32 to index
        %get3A_185 = arith.constant 16 : index
        %get3A_186 = tpu.vector_load %arg20[%get3A_184, %get3A_185] {strides = array<i32>} : memref<40x64xf32, #tpu.memory_space<vmem>>, vector<1x16xf32>,
        %get3A_187 = vector.shape_cast %get3A_186 : vector<1x16xf32> to vector<16xf32>
        %add3A_188 = arith.constant 3 : i32
        %add3A_189 = arith.addi %mul3A_104, %add3A_188 : i32
        %get3A_190 = arith.index_cast %add3A_189 : i32 to index
        %get3A_191 = arith.constant 32 : index
        %get3A_192 = tpu.vector_load %arg20[%get3A_190, %get3A_191] {strides = array<i32>} : memref<40x64xf32, #tpu.memory_space<vmem>>, vector<1x16xf32>,
        %get3A_193 = vector.shape_cast %get3A_192 : vector<1x16xf32> to vector<16xf32>
        %add3A_194 = arith.constant 3 : i32
        %add3A_195 = arith.addi %mul3A_104, %add3A_194 : i32
        %get3A_196 = arith.index_cast %add3A_195 : i32 to index
        %get3A_197 = arith.constant 48 : index
        %get3A_198 = tpu.vector_load %arg20[%get3A_196, %get3A_197] {strides = array<i32>} : memref<40x64xf32, #tpu.memory_space<vmem>>, vector<1x16xf32>,
        %get3A_199 = vector.shape_cast %get3A_198 : vector<1x16xf32> to vector<16xf32>
        %add3A_200 = arith.constant 4 : i32
        %add3A_201 = arith.addi %mul3A_104, %add3A_200 : i32
        %get3A_202 = arith.index_cast %add3A_201 : i32 to index
        %get3A_203 = arith.constant 0 : index
        %get3A_204 = tpu.vector_load %arg20[%get3A_202, %get3A_203] {strides = array<i32>} : memref<40x64xf32, #tpu.memory_space<vmem>>, vector<1x16xf32>,
        %get3A_205 = vector.shape_cast %get3A_204 : vector<1x16xf32> to vector<16xf32>
        %add3A_206 = arith.constant 4 : i32
        %add3A_207 = arith.addi %mul3A_104, %add3A_206 : i32
        %get3A_208 = arith.index_cast %add3A_207 : i32 to index
        %get3A_209 = arith.constant 16 : index
        %get3A_210 = tpu.vector_load %arg20[%get3A_208, %get3A_209] {strides = array<i32>} : memref<40x64xf32, #tpu.memory_space<vmem>>, vector<1x16xf32>,
        %get3A_211 = vector.shape_cast %get3A_210 : vector<1x16xf32> to vector<16xf32>
        %add3A_212 = arith.constant 4 : i32
        %add3A_213 = arith.addi %mul3A_104, %add3A_212 : i32
        %get3A_214 = arith.index_cast %add3A_213 : i32 to index
        %get3A_215 = arith.constant 32 : index
        %get3A_216 = tpu.vector_load %arg20[%get3A_214, %get3A_215] {strides = array<i32>} : memref<40x64xf32, #tpu.memory_space<vmem>>, vector<1x16xf32>,
        %get3A_217 = vector.shape_cast %get3A_216 : vector<1x16xf32> to vector<16xf32>
        %add3A_218 = arith.constant 4 : i32
        %add3A_219 = arith.addi %mul3A_104, %add3A_218 : i32
        %get3A_220 = arith.index_cast %add3A_219 : i32 to index
        %get3A_221 = arith.constant 48 : index
        %get3A_222 = tpu.vector_load %arg20[%get3A_220, %get3A_221] {strides = array<i32>} : memref<40x64xf32, #tpu.memory_space<vmem>>, vector<1x16xf32>,
        %get3A_223 = vector.shape_cast %get3A_222 : vector<1x16xf32> to vector<16xf32>
        %broadcast_in_dim3A = arith.constant 0.000000e+00 : f32
        %broadcast_in_dim3A_224 = vector.broadcast %broadcast_in_dim3A : f32 to vector<16xf32>
        %scan3A_225 = arith.constant 0 : i32
        %scan3A_226 = arith.constant 20 : i32
        %scan3A_227 = arith.addi %scan3A_225, %scan3A_226 : i32
        %scan3A_228 = arith.constant 1 : i32
        %scan3A_229:20 = scf.for %scan3A_370 = %scan3A_225 to %scan3A_227 step %scan3A_228 iter_args(%scan3A_371 = %broadcast_in_dim3A_224, %scan3A_372 = %broadcast_in_dim3A_224, %scan3A_373 = %broadcast_in_dim3A_224, %scan3A_374 = %broadcast_in_dim3A_224, %scan3A_375 = %broadcast_in_dim3A_224, %scan3A_376 = %broadcast_in_dim3A_224, %scan3A_377 = %broadcast_in_dim3A_224, %scan3A_378 = %broadcast_in_dim3A_224, %scan3A_379 = %broadcast_in_dim3A_224, %scan3A_380 = %broadcast_in_dim3A_224, %scan3A_381 = %broadcast_in_dim3A_224, %scan3A_382 = %broadcast_in_dim3A_224, %scan3A_383 = %broadcast_in_dim3A_224, %scan3A_384 = %broadcast_in_dim3A_224, %scan3A_385 = %broadcast_in_dim3A_224, %scan3A_386 = %broadcast_in_dim3A_224, %scan3A_387 = %broadcast_in_dim3A_224, %scan3A_388 = %broadcast_in_dim3A_224, %scan3A_389 = %broadcast_in_dim3A_224, %scan3A_390 = %broadcast_in_dim3A_224) -> (vector<16xf32>, vector<16xf32>, vector<16xf32>, vector<16xf32>, vector<16xf32>, vector<16xf32>, vector<16xf32>, vector<16xf32>, vector<16xf32>, vector<16xf32>, vector<16xf32>, vector<16xf32>, vector<16xf32>, vector<16xf32>, vector<16xf32>, vector<16xf32>, vector<16xf32>, vector<16xf32>, vector<16xf32>, vector<16xf32>)  : i32 {
          %add3A_391 = arith.addi %mul3A_102, %scan3A_370 : i32
          %get3A_392 = arith.index_cast %add3A_391 : i32 to index
          %get3A_393 = arith.constant 0 : index
          %get3A_394 = tpu.vector_load %arg15[%get3A_392, %get3A_393] {strides = array<i32>} : memref<160x64xf32, #tpu.memory_space<vmem>>, vector<1x16xf32>,
          %get3A_395 = vector.shape_cast %get3A_394 : vector<1x16xf32> to vector<16xf32>
          %add3A_396 = arith.addi %mul3A_102, %scan3A_370 : i32
          %get3A_397 = arith.index_cast %add3A_396 : i32 to index
          %get3A_398 = arith.constant 16 : index
          %get3A_399 = tpu.vector_load %arg15[%get3A_397, %get3A_398] {strides = array<i32>} : memref<160x64xf32, #tpu.memory_space<vmem>>, vector<1x16xf32>,
          %get3A_400 = vector.shape_cast %get3A_399 : vector<1x16xf32> to vector<16xf32>
          %add3A_401 = arith.addi %mul3A_102, %scan3A_370 : i32
          %get3A_402 = arith.index_cast %add3A_401 : i32 to index
          %get3A_403 = arith.constant 32 : index
          %get3A_404 = tpu.vector_load %arg15[%get3A_402, %get3A_403] {strides = array<i32>} : memref<160x64xf32, #tpu.memory_space<vmem>>, vector<1x16xf32>,
          %get3A_405 = vector.shape_cast %get3A_404 : vector<1x16xf32> to vector<16xf32>
          %add3A_406 = arith.addi %mul3A_102, %scan3A_370 : i32
          %get3A_407 = arith.index_cast %add3A_406 : i32 to index
          %get3A_408 = arith.constant 48 : index
          %get3A_409 = tpu.vector_load %arg15[%get3A_407, %get3A_408] {strides = array<i32>} : memref<160x64xf32, #tpu.memory_space<vmem>>, vector<1x16xf32>,
          %get3A_410 = vector.shape_cast %get3A_409 : vector<1x16xf32> to vector<16xf32>
          %mul3A_411 = arith.mulf %get3A_395, %get3A_109 : vector<16xf32>
          %mul3A_412 = arith.mulf %get3A_400, %get3A_115 : vector<16xf32>
          %add3A_413 = arith.addf %mul3A_411, %mul3A_412 : vector<16xf32>
          %mul3A_414 = arith.mulf %get3A_405, %get3A_121 : vector<16xf32>
          %add3A_415 = arith.addf %add3A_413, %mul3A_414 : vector<16xf32>
          %mul3A_416 = arith.mulf %get3A_410, %get3A_127 : vector<16xf32>
          %add3A_417 = arith.addf %add3A_415, %mul3A_416 : vector<16xf32>
          %iota3A = tpu.iota {dimensions = array<i32: 0>} : vector<16xi32>
          %xor3A = arith.constant 8 : i32
          %xor3A_418 = vector.broadcast %xor3A : i32 to vector<16xi32>
          %xor3A_419 = arith.xori %iota3A, %xor3A_418 : vector<16xi32>
          %lt3A = arith.constant 0 : i32
          %lt3A_420 = vector.broadcast %lt3A : i32 to vector<16xi32>
          %lt3A_421 = arith.cmpi slt, %xor3A_419, %lt3A_420 : vector<16xi32>
          %add3A_422 = arith.constant 16 : i32
          %add3A_423 = vector.broadcast %add3A_422 : i32 to vector<16xi32>
          %add3A_424 = arith.addi %xor3A_419, %add3A_423 : vector<16xi32>
          %select_n3A = arith.select %lt3A_421, %add3A_424, %xor3A_419 : vector<16xi1>, vector<16xi32>
          %broadcast_in_dim3A_425 = vector.shape_cast %select_n3A : vector<16xi32> to vector<16x1xi32>
          %gather3A = vector.shape_cast %broadcast_in_dim3A_425 : vector<16x1xi32> to vector<16xi32>
          %gather3A_426 = tpu.dynamic_gather %add3A_417[%gather3A] in [0] : vector<16xf32>, vector<16xi32> -> vector<16xf32>
          %add3A_427 = arith.addf %add3A_417, %gather3A_426 : vector<16xf32>
          %iota3A_428 = tpu.iota {dimensions = array<i32: 0>} : vector<16xi32>
          %xor3A_429 = arith.constant 4 : i32
          %xor3A_430 = vector.broadcast %xor3A_429 : i32 to vector<16xi32>
          %xor3A_431 = arith.xori %iota3A_428, %xor3A_430 : vector<16xi32>
          %lt3A_432 = arith.constant 0 : i32
          %lt3A_433 = vector.broadcast %lt3A_432 : i32 to vector<16xi32>
          %lt3A_434 = arith.cmpi slt, %xor3A_431, %lt3A_433 : vector<16xi32>
          %add3A_435 = arith.constant 16 : i32
          %add3A_436 = vector.broadcast %add3A_435 : i32 to vector<16xi32>
          %add3A_437 = arith.addi %xor3A_431, %add3A_436 : vector<16xi32>
          %select_n3A_438 = arith.select %lt3A_434, %add3A_437, %xor3A_431 : vector<16xi1>, vector<16xi32>
          %broadcast_in_dim3A_439 = vector.shape_cast %select_n3A_438 : vector<16xi32> to vector<16x1xi32>
          %gather3A_440 = vector.shape_cast %broadcast_in_dim3A_439 : vector<16x1xi32> to vector<16xi32>
          %gather3A_441 = tpu.dynamic_gather %add3A_427[%gather3A_440] in [0] : vector<16xf32>, vector<16xi32> -> vector<16xf32>
          %add3A_442 = arith.addf %add3A_427, %gather3A_441 : vector<16xf32>
          %iota3A_443 = tpu.iota {dimensions = array<i32: 0>} : vector<16xi32>
          %xor3A_444 = arith.constant 2 : i32
          %xor3A_445 = vector.broadcast %xor3A_444 : i32 to vector<16xi32>
          %xor3A_446 = arith.xori %iota3A_443, %xor3A_445 : vector<16xi32>
          %lt3A_447 = arith.constant 0 : i32
          %lt3A_448 = vector.broadcast %lt3A_447 : i32 to vector<16xi32>
          %lt3A_449 = arith.cmpi slt, %xor3A_446, %lt3A_448 : vector<16xi32>
          %add3A_450 = arith.constant 16 : i32
          %add3A_451 = vector.broadcast %add3A_450 : i32 to vector<16xi32>
          %add3A_452 = arith.addi %xor3A_446, %add3A_451 : vector<16xi32>
          %select_n3A_453 = arith.select %lt3A_449, %add3A_452, %xor3A_446 : vector<16xi1>, vector<16xi32>
          %broadcast_in_dim3A_454 = vector.shape_cast %select_n3A_453 : vector<16xi32> to vector<16x1xi32>
          %gather3A_455 = vector.shape_cast %broadcast_in_dim3A_454 : vector<16x1xi32> to vector<16xi32>
          %gather3A_456 = tpu.dynamic_gather %add3A_442[%gather3A_455] in [0] : vector<16xf32>, vector<16xi32> -> vector<16xf32>
          %add3A_457 = arith.addf %add3A_442, %gather3A_456 : vector<16xf32>
          %iota3A_458 = tpu.iota {dimensions = array<i32: 0>} : vector<16xi32>
          %xor3A_459 = arith.constant 1 : i32
          %xor3A_460 = vector.broadcast %xor3A_459 : i32 to vector<16xi32>
          %xor3A_461 = arith.xori %iota3A_458, %xor3A_460 : vector<16xi32>
          %lt3A_462 = arith.constant 0 : i32
          %lt3A_463 = vector.broadcast %lt3A_462 : i32 to vector<16xi32>
          %lt3A_464 = arith.cmpi slt, %xor3A_461, %lt3A_463 : vector<16xi32>
          %add3A_465 = arith.constant 16 : i32
          %add3A_466 = vector.broadcast %add3A_465 : i32 to vector<16xi32>
          %add3A_467 = arith.addi %xor3A_461, %add3A_466 : vector<16xi32>
          %select_n3A_468 = arith.select %lt3A_464, %add3A_467, %xor3A_461 : vector<16xi1>, vector<16xi32>
          %broadcast_in_dim3A_469 = vector.shape_cast %select_n3A_468 : vector<16xi32> to vector<16x1xi32>
          %gather3A_470 = vector.shape_cast %broadcast_in_dim3A_469 : vector<16x1xi32> to vector<16xi32>
          %gather3A_471 = tpu.dynamic_gather %add3A_457[%gather3A_470] in [0] : vector<16xf32>, vector<16xi32> -> vector<16xf32>
          %add3A_472 = arith.addf %add3A_457, %gather3A_471 : vector<16xf32>
          %slice3A = vector.extract_strided_slice %add3A_472 {offsets = [0], sizes = [1], strides = [1]} : vector<16xf32> to vector<1xf32>
          %squeeze3A = vector.extract %slice3A[0] : f32 from vector<1xf32>
          %max3A = arith.constant -6.000000e+00 : f32
          %max3A_473 = arith.maximumf %squeeze3A, %max3A : f32
          %min3A = arith.constant 6.000000e+00 : f32
          %min3A_474 = arith.minimumf %max3A_473, %min3A : f32
          %add3A_475 = arith.constant 6.010000e+00 : f32
          %add3A_476 = arith.addf %min3A_474, %add3A_475 : f32
          %mul3A_477 = arith.constant 1.000000e+02 : f32
          %mul3A_478 = arith.mulf %add3A_476, %mul3A_477 : f32
          %convert_element_type3A_479 = arith.fptosi %mul3A_478 : f32 to i32
          %get3A_480 = arith.index_cast %convert_element_type3A_479 : i32 to index
          %get3A_481 = tpu.vector_load %arg12[%get3A_480] {strides = array<i32>} : memref<1232xf32, #tpu.memory_space<vmem>>, vector<16xf32>,
          %get3A_482 = vector.shape_cast %get3A_481 : vector<16xf32> to vector<16xf32>
          %slice3A_483 = vector.extract_strided_slice %get3A_482 {offsets = [0], sizes = [1], strides = [1]} : vector<16xf32> to vector<1xf32>
          %squeeze3A_484 = vector.extract %slice3A_483[0] : f32 from vector<1xf32>
          %mul3A_485 = vector.broadcast %squeeze3A_484 : f32 to vector<16xf32>
          %mul3A_486 = arith.mulf %mul3A_485, %get3A_109 : vector<16xf32>
          %mul3A_487 = vector.broadcast %squeeze3A_484 : f32 to vector<16xf32>
          %mul3A_488 = arith.mulf %mul3A_487, %get3A_115 : vector<16xf32>
          %mul3A_489 = vector.broadcast %squeeze3A_484 : f32 to vector<16xf32>
          %mul3A_490 = arith.mulf %mul3A_489, %get3A_121 : vector<16xf32>
          %mul3A_491 = vector.broadcast %squeeze3A_484 : f32 to vector<16xf32>
          %mul3A_492 = arith.mulf %mul3A_491, %get3A_127 : vector<16xf32>
          %mul3A_493 = vector.broadcast %squeeze3A_484 : f32 to vector<16xf32>
          %mul3A_494 = arith.mulf %mul3A_493, %get3A_395 : vector<16xf32>
          %add3A_495 = arith.addf %scan3A_371, %mul3A_494 : vector<16xf32>
          %mul3A_496 = vector.broadcast %squeeze3A_484 : f32 to vector<16xf32>
          %mul3A_497 = arith.mulf %mul3A_496, %get3A_400 : vector<16xf32>
          %add3A_498 = arith.addf %scan3A_372, %mul3A_497 : vector<16xf32>
          %mul3A_499 = vector.broadcast %squeeze3A_484 : f32 to vector<16xf32>
          %mul3A_500 = arith.mulf %mul3A_499, %get3A_405 : vector<16xf32>
          %add3A_501 = arith.addf %scan3A_373, %mul3A_500 : vector<16xf32>
          %mul3A_502 = vector.broadcast %squeeze3A_484 : f32 to vector<16xf32>
          %mul3A_503 = arith.mulf %mul3A_502, %get3A_410 : vector<16xf32>
          %add3A_504 = arith.addf %scan3A_374, %mul3A_503 : vector<16xf32>
          %mul3A_505 = arith.mulf %get3A_395, %get3A_133 : vector<16xf32>
          %mul3A_506 = arith.mulf %get3A_400, %get3A_139 : vector<16xf32>
          %add3A_507 = arith.addf %mul3A_505, %mul3A_506 : vector<16xf32>
          %mul3A_508 = arith.mulf %get3A_405, %get3A_145 : vector<16xf32>
          %add3A_509 = arith.addf %add3A_507, %mul3A_508 : vector<16xf32>
          %mul3A_510 = arith.mulf %get3A_410, %get3A_151 : vector<16xf32>
          %add3A_511 = arith.addf %add3A_509, %mul3A_510 : vector<16xf32>
          %iota3A_512 = tpu.iota {dimensions = array<i32: 0>} : vector<16xi32>
          %xor3A_513 = arith.constant 8 : i32
          %xor3A_514 = vector.broadcast %xor3A_513 : i32 to vector<16xi32>
          %xor3A_515 = arith.xori %iota3A_512, %xor3A_514 : vector<16xi32>
          %lt3A_516 = arith.constant 0 : i32
          %lt3A_517 = vector.broadcast %lt3A_516 : i32 to vector<16xi32>
          %lt3A_518 = arith.cmpi slt, %xor3A_515, %lt3A_517 : vector<16xi32>
          %add3A_519 = arith.constant 16 : i32
          %add3A_520 = vector.broadcast %add3A_519 : i32 to vector<16xi32>
          %add3A_521 = arith.addi %xor3A_515, %add3A_520 : vector<16xi32>
          %select_n3A_522 = arith.select %lt3A_518, %add3A_521, %xor3A_515 : vector<16xi1>, vector<16xi32>
          %broadcast_in_dim3A_523 = vector.shape_cast %select_n3A_522 : vector<16xi32> to vector<16x1xi32>
          %gather3A_524 = vector.shape_cast %broadcast_in_dim3A_523 : vector<16x1xi32> to vector<16xi32>
          %gather3A_525 = tpu.dynamic_gather %add3A_511[%gather3A_524] in [0] : vector<16xf32>, vector<16xi32> -> vector<16xf32>
          %add3A_526 = arith.addf %add3A_511, %gather3A_525 : vector<16xf32>
          %iota3A_527 = tpu.iota {dimensions = array<i32: 0>} : vector<16xi32>
          %xor3A_528 = arith.constant 4 : i32
          %xor3A_529 = vector.broadcast %xor3A_528 : i32 to vector<16xi32>
          %xor3A_530 = arith.xori %iota3A_527, %xor3A_529 : vector<16xi32>
          %lt3A_531 = arith.constant 0 : i32
          %lt3A_532 = vector.broadcast %lt3A_531 : i32 to vector<16xi32>
          %lt3A_533 = arith.cmpi slt, %xor3A_530, %lt3A_532 : vector<16xi32>
          %add3A_534 = arith.constant 16 : i32
          %add3A_535 = vector.broadcast %add3A_534 : i32 to vector<16xi32>
          %add3A_536 = arith.addi %xor3A_530, %add3A_535 : vector<16xi32>
          %select_n3A_537 = arith.select %lt3A_533, %add3A_536, %xor3A_530 : vector<16xi1>, vector<16xi32>
          %broadcast_in_dim3A_538 = vector.shape_cast %select_n3A_537 : vector<16xi32> to vector<16x1xi32>
          %gather3A_539 = vector.shape_cast %broadcast_in_dim3A_538 : vector<16x1xi32> to vector<16xi32>
          %gather3A_540 = tpu.dynamic_gather %add3A_526[%gather3A_539] in [0] : vector<16xf32>, vector<16xi32> -> vector<16xf32>
          %add3A_541 = arith.addf %add3A_526, %gather3A_540 : vector<16xf32>
          %iota3A_542 = tpu.iota {dimensions = array<i32: 0>} : vector<16xi32>
          %xor3A_543 = arith.constant 2 : i32
          %xor3A_544 = vector.broadcast %xor3A_543 : i32 to vector<16xi32>
          %xor3A_545 = arith.xori %iota3A_542, %xor3A_544 : vector<16xi32>
          %lt3A_546 = arith.constant 0 : i32
          %lt3A_547 = vector.broadcast %lt3A_546 : i32 to vector<16xi32>
          %lt3A_548 = arith.cmpi slt, %xor3A_545, %lt3A_547 : vector<16xi32>
          %add3A_549 = arith.constant 16 : i32
          %add3A_550 = vector.broadcast %add3A_549 : i32 to vector<16xi32>
          %add3A_551 = arith.addi %xor3A_545, %add3A_550 : vector<16xi32>
          %select_n3A_552 = arith.select %lt3A_548, %add3A_551, %xor3A_545 : vector<16xi1>, vector<16xi32>
          %broadcast_in_dim3A_553 = vector.shape_cast %select_n3A_552 : vector<16xi32> to vector<16x1xi32>
          %gather3A_554 = vector.shape_cast %broadcast_in_dim3A_553 : vector<16x1xi32> to vector<16xi32>
          %gather3A_555 = tpu.dynamic_gather %add3A_541[%gather3A_554] in [0] : vector<16xf32>, vector<16xi32> -> vector<16xf32>
          %add3A_556 = arith.addf %add3A_541, %gather3A_555 : vector<16xf32>
          %iota3A_557 = tpu.iota {dimensions = array<i32: 0>} : vector<16xi32>
          %xor3A_558 = arith.constant 1 : i32
          %xor3A_559 = vector.broadcast %xor3A_558 : i32 to vector<16xi32>
          %xor3A_560 = arith.xori %iota3A_557, %xor3A_559 : vector<16xi32>
          %lt3A_561 = arith.constant 0 : i32
          %lt3A_562 = vector.broadcast %lt3A_561 : i32 to vector<16xi32>
          %lt3A_563 = arith.cmpi slt, %xor3A_560, %lt3A_562 : vector<16xi32>
          %add3A_564 = arith.constant 16 : i32
          %add3A_565 = vector.broadcast %add3A_564 : i32 to vector<16xi32>
          %add3A_566 = arith.addi %xor3A_560, %add3A_565 : vector<16xi32>
          %select_n3A_567 = arith.select %lt3A_563, %add3A_566, %xor3A_560 : vector<16xi1>, vector<16xi32>
          %broadcast_in_dim3A_568 = vector.shape_cast %select_n3A_567 : vector<16xi32> to vector<16x1xi32>
          %gather3A_569 = vector.shape_cast %broadcast_in_dim3A_568 : vector<16x1xi32> to vector<16xi32>
          %gather3A_570 = tpu.dynamic_gather %add3A_556[%gather3A_569] in [0] : vector<16xf32>, vector<16xi32> -> vector<16xf32>
          %add3A_571 = arith.addf %add3A_556, %gather3A_570 : vector<16xf32>
          %slice3A_572 = vector.extract_strided_slice %add3A_571 {offsets = [0], sizes = [1], strides = [1]} : vector<16xf32> to vector<1xf32>
          %squeeze3A_573 = vector.extract %slice3A_572[0] : f32 from vector<1xf32>
          %max3A_574 = arith.constant -6.000000e+00 : f32
          %max3A_575 = arith.maximumf %squeeze3A_573, %max3A_574 : f32
          %min3A_576 = arith.constant 6.000000e+00 : f32
          %min3A_577 = arith.minimumf %max3A_575, %min3A_576 : f32
          %add3A_578 = arith.constant 6.010000e+00 : f32
          %add3A_579 = arith.addf %min3A_577, %add3A_578 : f32
          %mul3A_580 = arith.constant 1.000000e+02 : f32
          %mul3A_581 = arith.mulf %add3A_579, %mul3A_580 : f32
          %convert_element_type3A_582 = arith.fptosi %mul3A_581 : f32 to i32
          %get3A_583 = arith.index_cast %convert_element_type3A_582 : i32 to index
          %get3A_584 = tpu.vector_load %arg12[%get3A_583] {strides = array<i32>} : memref<1232xf32, #tpu.memory_space<vmem>>, vector<16xf32>,
          %get3A_585 = vector.shape_cast %get3A_584 : vector<16xf32> to vector<16xf32>
          %slice3A_586 = vector.extract_strided_slice %get3A_585 {offsets = [0], sizes = [1], strides = [1]} : vector<16xf32> to vector<1xf32>
          %squeeze3A_587 = vector.extract %slice3A_586[0] : f32 from vector<1xf32>
          %mul3A_588 = vector.broadcast %squeeze3A_587 : f32 to vector<16xf32>
          %mul3A_589 = arith.mulf %mul3A_588, %get3A_133 : vector<16xf32>
          %add3A_590 = arith.addf %mul3A_486, %mul3A_589 : vector<16xf32>
          %mul3A_591 = vector.broadcast %squeeze3A_587 : f32 to vector<16xf32>
          %mul3A_592 = arith.mulf %mul3A_591, %get3A_139 : vector<16xf32>
          %add3A_593 = arith.addf %mul3A_488, %mul3A_592 : vector<16xf32>
          %mul3A_594 = vector.broadcast %squeeze3A_587 : f32 to vector<16xf32>
          %mul3A_595 = arith.mulf %mul3A_594, %get3A_145 : vector<16xf32>
          %add3A_596 = arith.addf %mul3A_490, %mul3A_595 : vector<16xf32>
          %mul3A_597 = vector.broadcast %squeeze3A_587 : f32 to vector<16xf32>
          %mul3A_598 = arith.mulf %mul3A_597, %get3A_151 : vector<16xf32>
          %add3A_599 = arith.addf %mul3A_492, %mul3A_598 : vector<16xf32>
          %mul3A_600 = vector.broadcast %squeeze3A_587 : f32 to vector<16xf32>
          %mul3A_601 = arith.mulf %mul3A_600, %get3A_395 : vector<16xf32>
          %add3A_602 = arith.addf %scan3A_375, %mul3A_601 : vector<16xf32>
          %mul3A_603 = vector.broadcast %squeeze3A_587 : f32 to vector<16xf32>
          %mul3A_604 = arith.mulf %mul3A_603, %get3A_400 : vector<16xf32>
          %add3A_605 = arith.addf %scan3A_376, %mul3A_604 : vector<16xf32>
          %mul3A_606 = vector.broadcast %squeeze3A_587 : f32 to vector<16xf32>
          %mul3A_607 = arith.mulf %mul3A_606, %get3A_405 : vector<16xf32>
          %add3A_608 = arith.addf %scan3A_377, %mul3A_607 : vector<16xf32>
          %mul3A_609 = vector.broadcast %squeeze3A_587 : f32 to vector<16xf32>
          %mul3A_610 = arith.mulf %mul3A_609, %get3A_410 : vector<16xf32>
          %add3A_611 = arith.addf %scan3A_378, %mul3A_610 : vector<16xf32>
          %mul3A_612 = arith.mulf %get3A_395, %get3A_157 : vector<16xf32>
          %mul3A_613 = arith.mulf %get3A_400, %get3A_163 : vector<16xf32>
          %add3A_614 = arith.addf %mul3A_612, %mul3A_613 : vector<16xf32>
          %mul3A_615 = arith.mulf %get3A_405, %get3A_169 : vector<16xf32>
          %add3A_616 = arith.addf %add3A_614, %mul3A_615 : vector<16xf32>
          %mul3A_617 = arith.mulf %get3A_410, %get3A_175 : vector<16xf32>
          %add3A_618 = arith.addf %add3A_616, %mul3A_617 : vector<16xf32>
          %iota3A_619 = tpu.iota {dimensions = array<i32: 0>} : vector<16xi32>
          %xor3A_620 = arith.constant 8 : i32
          %xor3A_621 = vector.broadcast %xor3A_620 : i32 to vector<16xi32>
          %xor3A_622 = arith.xori %iota3A_619, %xor3A_621 : vector<16xi32>
          %lt3A_623 = arith.constant 0 : i32
          %lt3A_624 = vector.broadcast %lt3A_623 : i32 to vector<16xi32>
          %lt3A_625 = arith.cmpi slt, %xor3A_622, %lt3A_624 : vector<16xi32>
          %add3A_626 = arith.constant 16 : i32
          %add3A_627 = vector.broadcast %add3A_626 : i32 to vector<16xi32>
          %add3A_628 = arith.addi %xor3A_622, %add3A_627 : vector<16xi32>
          %select_n3A_629 = arith.select %lt3A_625, %add3A_628, %xor3A_622 : vector<16xi1>, vector<16xi32>
          %broadcast_in_dim3A_630 = vector.shape_cast %select_n3A_629 : vector<16xi32> to vector<16x1xi32>
          %gather3A_631 = vector.shape_cast %broadcast_in_dim3A_630 : vector<16x1xi32> to vector<16xi32>
          %gather3A_632 = tpu.dynamic_gather %add3A_618[%gather3A_631] in [0] : vector<16xf32>, vector<16xi32> -> vector<16xf32>
          %add3A_633 = arith.addf %add3A_618, %gather3A_632 : vector<16xf32>
          %iota3A_634 = tpu.iota {dimensions = array<i32: 0>} : vector<16xi32>
          %xor3A_635 = arith.constant 4 : i32
          %xor3A_636 = vector.broadcast %xor3A_635 : i32 to vector<16xi32>
          %xor3A_637 = arith.xori %iota3A_634, %xor3A_636 : vector<16xi32>
          %lt3A_638 = arith.constant 0 : i32
          %lt3A_639 = vector.broadcast %lt3A_638 : i32 to vector<16xi32>
          %lt3A_640 = arith.cmpi slt, %xor3A_637, %lt3A_639 : vector<16xi32>
          %add3A_641 = arith.constant 16 : i32
          %add3A_642 = vector.broadcast %add3A_641 : i32 to vector<16xi32>
          %add3A_643 = arith.addi %xor3A_637, %add3A_642 : vector<16xi32>
          %select_n3A_644 = arith.select %lt3A_640, %add3A_643, %xor3A_637 : vector<16xi1>, vector<16xi32>
          %broadcast_in_dim3A_645 = vector.shape_cast %select_n3A_644 : vector<16xi32> to vector<16x1xi32>
          %gather3A_646 = vector.shape_cast %broadcast_in_dim3A_645 : vector<16x1xi32> to vector<16xi32>
          %gather3A_647 = tpu.dynamic_gather %add3A_633[%gather3A_646] in [0] : vector<16xf32>, vector<16xi32> -> vector<16xf32>
          %add3A_648 = arith.addf %add3A_633, %gather3A_647 : vector<16xf32>
          %iota3A_649 = tpu.iota {dimensions = array<i32: 0>} : vector<16xi32>
          %xor3A_650 = arith.constant 2 : i32
          %xor3A_651 = vector.broadcast %xor3A_650 : i32 to vector<16xi32>
          %xor3A_652 = arith.xori %iota3A_649, %xor3A_651 : vector<16xi32>
          %lt3A_653 = arith.constant 0 : i32
          %lt3A_654 = vector.broadcast %lt3A_653 : i32 to vector<16xi32>
          %lt3A_655 = arith.cmpi slt, %xor3A_652, %lt3A_654 : vector<16xi32>
          %add3A_656 = arith.constant 16 : i32
          %add3A_657 = vector.broadcast %add3A_656 : i32 to vector<16xi32>
          %add3A_658 = arith.addi %xor3A_652, %add3A_657 : vector<16xi32>
          %select_n3A_659 = arith.select %lt3A_655, %add3A_658, %xor3A_652 : vector<16xi1>, vector<16xi32>
          %broadcast_in_dim3A_660 = vector.shape_cast %select_n3A_659 : vector<16xi32> to vector<16x1xi32>
          %gather3A_661 = vector.shape_cast %broadcast_in_dim3A_660 : vector<16x1xi32> to vector<16xi32>
          %gather3A_662 = tpu.dynamic_gather %add3A_648[%gather3A_661] in [0] : vector<16xf32>, vector<16xi32> -> vector<16xf32>
          %add3A_663 = arith.addf %add3A_648, %gather3A_662 : vector<16xf32>
          %iota3A_664 = tpu.iota {dimensions = array<i32: 0>} : vector<16xi32>
          %xor3A_665 = arith.constant 1 : i32
          %xor3A_666 = vector.broadcast %xor3A_665 : i32 to vector<16xi32>
          %xor3A_667 = arith.xori %iota3A_664, %xor3A_666 : vector<16xi32>
          %lt3A_668 = arith.constant 0 : i32
          %lt3A_669 = vector.broadcast %lt3A_668 : i32 to vector<16xi32>
          %lt3A_670 = arith.cmpi slt, %xor3A_667, %lt3A_669 : vector<16xi32>
          %add3A_671 = arith.constant 16 : i32
          %add3A_672 = vector.broadcast %add3A_671 : i32 to vector<16xi32>
          %add3A_673 = arith.addi %xor3A_667, %add3A_672 : vector<16xi32>
          %select_n3A_674 = arith.select %lt3A_670, %add3A_673, %xor3A_667 : vector<16xi1>, vector<16xi32>
          %broadcast_in_dim3A_675 = vector.shape_cast %select_n3A_674 : vector<16xi32> to vector<16x1xi32>
          %gather3A_676 = vector.shape_cast %broadcast_in_dim3A_675 : vector<16x1xi32> to vector<16xi32>
          %gather3A_677 = tpu.dynamic_gather %add3A_663[%gather3A_676] in [0] : vector<16xf32>, vector<16xi32> -> vector<16xf32>
          %add3A_678 = arith.addf %add3A_663, %gather3A_677 : vector<16xf32>
          %slice3A_679 = vector.extract_strided_slice %add3A_678 {offsets = [0], sizes = [1], strides = [1]} : vector<16xf32> to vector<1xf32>
          %squeeze3A_680 = vector.extract %slice3A_679[0] : f32 from vector<1xf32>
          %max3A_681 = arith.constant -6.000000e+00 : f32
          %max3A_682 = arith.maximumf %squeeze3A_680, %max3A_681 : f32
          %min3A_683 = arith.constant 6.000000e+00 : f32
          %min3A_684 = arith.minimumf %max3A_682, %min3A_683 : f32
          %add3A_685 = arith.constant 6.010000e+00 : f32
          %add3A_686 = arith.addf %min3A_684, %add3A_685 : f32
          %mul3A_687 = arith.constant 1.000000e+02 : f32
          %mul3A_688 = arith.mulf %add3A_686, %mul3A_687 : f32
          %convert_element_type3A_689 = arith.fptosi %mul3A_688 : f32 to i32
          %get3A_690 = arith.index_cast %convert_element_type3A_689 : i32 to index
          %get3A_691 = tpu.vector_load %arg12[%get3A_690] {strides = array<i32>} : memref<1232xf32, #tpu.memory_space<vmem>>, vector<16xf32>,
          %get3A_692 = vector.shape_cast %get3A_691 : vector<16xf32> to vector<16xf32>
          %slice3A_693 = vector.extract_strided_slice %get3A_692 {offsets = [0], sizes = [1], strides = [1]} : vector<16xf32> to vector<1xf32>
          %squeeze3A_694 = vector.extract %slice3A_693[0] : f32 from vector<1xf32>
          %mul3A_695 = vector.broadcast %squeeze3A_694 : f32 to vector<16xf32>
          %mul3A_696 = arith.mulf %mul3A_695, %get3A_157 : vector<16xf32>
          %add3A_697 = arith.addf %add3A_590, %mul3A_696 : vector<16xf32>
          %mul3A_698 = vector.broadcast %squeeze3A_694 : f32 to vector<16xf32>
          %mul3A_699 = arith.mulf %mul3A_698, %get3A_163 : vector<16xf32>
          %add3A_700 = arith.addf %add3A_593, %mul3A_699 : vector<16xf32>
          %mul3A_701 = vector.broadcast %squeeze3A_694 : f32 to vector<16xf32>
          %mul3A_702 = arith.mulf %mul3A_701, %get3A_169 : vector<16xf32>
          %add3A_703 = arith.addf %add3A_596, %mul3A_702 : vector<16xf32>
          %mul3A_704 = vector.broadcast %squeeze3A_694 : f32 to vector<16xf32>
          %mul3A_705 = arith.mulf %mul3A_704, %get3A_175 : vector<16xf32>
          %add3A_706 = arith.addf %add3A_599, %mul3A_705 : vector<16xf32>
          %mul3A_707 = vector.broadcast %squeeze3A_694 : f32 to vector<16xf32>
          %mul3A_708 = arith.mulf %mul3A_707, %get3A_395 : vector<16xf32>
          %add3A_709 = arith.addf %scan3A_379, %mul3A_708 : vector<16xf32>
          %mul3A_710 = vector.broadcast %squeeze3A_694 : f32 to vector<16xf32>
          %mul3A_711 = arith.mulf %mul3A_710, %get3A_400 : vector<16xf32>
          %add3A_712 = arith.addf %scan3A_380, %mul3A_711 : vector<16xf32>
          %mul3A_713 = vector.broadcast %squeeze3A_694 : f32 to vector<16xf32>
          %mul3A_714 = arith.mulf %mul3A_713, %get3A_405 : vector<16xf32>
          %add3A_715 = arith.addf %scan3A_381, %mul3A_714 : vector<16xf32>
          %mul3A_716 = vector.broadcast %squeeze3A_694 : f32 to vector<16xf32>
          %mul3A_717 = arith.mulf %mul3A_716, %get3A_410 : vector<16xf32>
          %add3A_718 = arith.addf %scan3A_382, %mul3A_717 : vector<16xf32>
          %mul3A_719 = arith.mulf %get3A_395, %get3A_181 : vector<16xf32>
          %mul3A_720 = arith.mulf %get3A_400, %get3A_187 : vector<16xf32>
          %add3A_721 = arith.addf %mul3A_719, %mul3A_720 : vector<16xf32>
          %mul3A_722 = arith.mulf %get3A_405, %get3A_193 : vector<16xf32>
          %add3A_723 = arith.addf %add3A_721, %mul3A_722 : vector<16xf32>
          %mul3A_724 = arith.mulf %get3A_410, %get3A_199 : vector<16xf32>
          %add3A_725 = arith.addf %add3A_723, %mul3A_724 : vector<16xf32>
          %iota3A_726 = tpu.iota {dimensions = array<i32: 0>} : vector<16xi32>
          %xor3A_727 = arith.constant 8 : i32
          %xor3A_728 = vector.broadcast %xor3A_727 : i32 to vector<16xi32>
          %xor3A_729 = arith.xori %iota3A_726, %xor3A_728 : vector<16xi32>
          %lt3A_730 = arith.constant 0 : i32
          %lt3A_731 = vector.broadcast %lt3A_730 : i32 to vector<16xi32>
          %lt3A_732 = arith.cmpi slt, %xor3A_729, %lt3A_731 : vector<16xi32>
          %add3A_733 = arith.constant 16 : i32
          %add3A_734 = vector.broadcast %add3A_733 : i32 to vector<16xi32>
          %add3A_735 = arith.addi %xor3A_729, %add3A_734 : vector<16xi32>
          %select_n3A_736 = arith.select %lt3A_732, %add3A_735, %xor3A_729 : vector<16xi1>, vector<16xi32>
          %broadcast_in_dim3A_737 = vector.shape_cast %select_n3A_736 : vector<16xi32> to vector<16x1xi32>
          %gather3A_738 = vector.shape_cast %broadcast_in_dim3A_737 : vector<16x1xi32> to vector<16xi32>
          %gather3A_739 = tpu.dynamic_gather %add3A_725[%gather3A_738] in [0] : vector<16xf32>, vector<16xi32> -> vector<16xf32>
          %add3A_740 = arith.addf %add3A_725, %gather3A_739 : vector<16xf32>
          %iota3A_741 = tpu.iota {dimensions = array<i32: 0>} : vector<16xi32>
          %xor3A_742 = arith.constant 4 : i32
          %xor3A_743 = vector.broadcast %xor3A_742 : i32 to vector<16xi32>
          %xor3A_744 = arith.xori %iota3A_741, %xor3A_743 : vector<16xi32>
          %lt3A_745 = arith.constant 0 : i32
          %lt3A_746 = vector.broadcast %lt3A_745 : i32 to vector<16xi32>
          %lt3A_747 = arith.cmpi slt, %xor3A_744, %lt3A_746 : vector<16xi32>
          %add3A_748 = arith.constant 16 : i32
          %add3A_749 = vector.broadcast %add3A_748 : i32 to vector<16xi32>
          %add3A_750 = arith.addi %xor3A_744, %add3A_749 : vector<16xi32>
          %select_n3A_751 = arith.select %lt3A_747, %add3A_750, %xor3A_744 : vector<16xi1>, vector<16xi32>
          %broadcast_in_dim3A_752 = vector.shape_cast %select_n3A_751 : vector<16xi32> to vector<16x1xi32>
          %gather3A_753 = vector.shape_cast %broadcast_in_dim3A_752 : vector<16x1xi32> to vector<16xi32>
          %gather3A_754 = tpu.dynamic_gather %add3A_740[%gather3A_753] in [0] : vector<16xf32>, vector<16xi32> -> vector<16xf32>
          %add3A_755 = arith.addf %add3A_740, %gather3A_754 : vector<16xf32>
          %iota3A_756 = tpu.iota {dimensions = array<i32: 0>} : vector<16xi32>
          %xor3A_757 = arith.constant 2 : i32
          %xor3A_758 = vector.broadcast %xor3A_757 : i32 to vector<16xi32>
          %xor3A_759 = arith.xori %iota3A_756, %xor3A_758 : vector<16xi32>
          %lt3A_760 = arith.constant 0 : i32
          %lt3A_761 = vector.broadcast %lt3A_760 : i32 to vector<16xi32>
          %lt3A_762 = arith.cmpi slt, %xor3A_759, %lt3A_761 : vector<16xi32>
          %add3A_763 = arith.constant 16 : i32
          %add3A_764 = vector.broadcast %add3A_763 : i32 to vector<16xi32>
          %add3A_765 = arith.addi %xor3A_759, %add3A_764 : vector<16xi32>
          %select_n3A_766 = arith.select %lt3A_762, %add3A_765, %xor3A_759 : vector<16xi1>, vector<16xi32>
          %broadcast_in_dim3A_767 = vector.shape_cast %select_n3A_766 : vector<16xi32> to vector<16x1xi32>
          %gather3A_768 = vector.shape_cast %broadcast_in_dim3A_767 : vector<16x1xi32> to vector<16xi32>
          %gather3A_769 = tpu.dynamic_gather %add3A_755[%gather3A_768] in [0] : vector<16xf32>, vector<16xi32> -> vector<16xf32>
          %add3A_770 = arith.addf %add3A_755, %gather3A_769 : vector<16xf32>
          %iota3A_771 = tpu.iota {dimensions = array<i32: 0>} : vector<16xi32>
          %xor3A_772 = arith.constant 1 : i32
          %xor3A_773 = vector.broadcast %xor3A_772 : i32 to vector<16xi32>
          %xor3A_774 = arith.xori %iota3A_771, %xor3A_773 : vector<16xi32>
          %lt3A_775 = arith.constant 0 : i32
          %lt3A_776 = vector.broadcast %lt3A_775 : i32 to vector<16xi32>
          %lt3A_777 = arith.cmpi slt, %xor3A_774, %lt3A_776 : vector<16xi32>
          %add3A_778 = arith.constant 16 : i32
          %add3A_779 = vector.broadcast %add3A_778 : i32 to vector<16xi32>
          %add3A_780 = arith.addi %xor3A_774, %add3A_779 : vector<16xi32>
          %select_n3A_781 = arith.select %lt3A_777, %add3A_780, %xor3A_774 : vector<16xi1>, vector<16xi32>
          %broadcast_in_dim3A_782 = vector.shape_cast %select_n3A_781 : vector<16xi32> to vector<16x1xi32>
          %gather3A_783 = vector.shape_cast %broadcast_in_dim3A_782 : vector<16x1xi32> to vector<16xi32>
          %gather3A_784 = tpu.dynamic_gather %add3A_770[%gather3A_783] in [0] : vector<16xf32>, vector<16xi32> -> vector<16xf32>
          %add3A_785 = arith.addf %add3A_770, %gather3A_784 : vector<16xf32>
          %slice3A_786 = vector.extract_strided_slice %add3A_785 {offsets = [0], sizes = [1], strides = [1]} : vector<16xf32> to vector<1xf32>
          %squeeze3A_787 = vector.extract %slice3A_786[0] : f32 from vector<1xf32>
          %max3A_788 = arith.constant -6.000000e+00 : f32
          %max3A_789 = arith.maximumf %squeeze3A_787, %max3A_788 : f32
          %min3A_790 = arith.constant 6.000000e+00 : f32
          %min3A_791 = arith.minimumf %max3A_789, %min3A_790 : f32
          %add3A_792 = arith.constant 6.010000e+00 : f32
          %add3A_793 = arith.addf %min3A_791, %add3A_792 : f32
          %mul3A_794 = arith.constant 1.000000e+02 : f32
          %mul3A_795 = arith.mulf %add3A_793, %mul3A_794 : f32
          %convert_element_type3A_796 = arith.fptosi %mul3A_795 : f32 to i32
          %get3A_797 = arith.index_cast %convert_element_type3A_796 : i32 to index
          %get3A_798 = tpu.vector_load %arg12[%get3A_797] {strides = array<i32>} : memref<1232xf32, #tpu.memory_space<vmem>>, vector<16xf32>,
          %get3A_799 = vector.shape_cast %get3A_798 : vector<16xf32> to vector<16xf32>
          %slice3A_800 = vector.extract_strided_slice %get3A_799 {offsets = [0], sizes = [1], strides = [1]} : vector<16xf32> to vector<1xf32>
          %squeeze3A_801 = vector.extract %slice3A_800[0] : f32 from vector<1xf32>
          %mul3A_802 = vector.broadcast %squeeze3A_801 : f32 to vector<16xf32>
          %mul3A_803 = arith.mulf %mul3A_802, %get3A_181 : vector<16xf32>
          %add3A_804 = arith.addf %add3A_697, %mul3A_803 : vector<16xf32>
          %mul3A_805 = vector.broadcast %squeeze3A_801 : f32 to vector<16xf32>
          %mul3A_806 = arith.mulf %mul3A_805, %get3A_187 : vector<16xf32>
          %add3A_807 = arith.addf %add3A_700, %mul3A_806 : vector<16xf32>
          %mul3A_808 = vector.broadcast %squeeze3A_801 : f32 to vector<16xf32>
          %mul3A_809 = arith.mulf %mul3A_808, %get3A_193 : vector<16xf32>
          %add3A_810 = arith.addf %add3A_703, %mul3A_809 : vector<16xf32>
          %mul3A_811 = vector.broadcast %squeeze3A_801 : f32 to vector<16xf32>
          %mul3A_812 = arith.mulf %mul3A_811, %get3A_199 : vector<16xf32>
          %add3A_813 = arith.addf %add3A_706, %mul3A_812 : vector<16xf32>
          %mul3A_814 = vector.broadcast %squeeze3A_801 : f32 to vector<16xf32>
          %mul3A_815 = arith.mulf %mul3A_814, %get3A_395 : vector<16xf32>
          %add3A_816 = arith.addf %scan3A_383, %mul3A_815 : vector<16xf32>
          %mul3A_817 = vector.broadcast %squeeze3A_801 : f32 to vector<16xf32>
          %mul3A_818 = arith.mulf %mul3A_817, %get3A_400 : vector<16xf32>
          %add3A_819 = arith.addf %scan3A_384, %mul3A_818 : vector<16xf32>
          %mul3A_820 = vector.broadcast %squeeze3A_801 : f32 to vector<16xf32>
          %mul3A_821 = arith.mulf %mul3A_820, %get3A_405 : vector<16xf32>
          %add3A_822 = arith.addf %scan3A_385, %mul3A_821 : vector<16xf32>
          %mul3A_823 = vector.broadcast %squeeze3A_801 : f32 to vector<16xf32>
          %mul3A_824 = arith.mulf %mul3A_823, %get3A_410 : vector<16xf32>
          %add3A_825 = arith.addf %scan3A_386, %mul3A_824 : vector<16xf32>
          %mul3A_826 = arith.mulf %get3A_395, %get3A_205 : vector<16xf32>
          %mul3A_827 = arith.mulf %get3A_400, %get3A_211 : vector<16xf32>
          %add3A_828 = arith.addf %mul3A_826, %mul3A_827 : vector<16xf32>
          %mul3A_829 = arith.mulf %get3A_405, %get3A_217 : vector<16xf32>
          %add3A_830 = arith.addf %add3A_828, %mul3A_829 : vector<16xf32>
          %mul3A_831 = arith.mulf %get3A_410, %get3A_223 : vector<16xf32>
          %add3A_832 = arith.addf %add3A_830, %mul3A_831 : vector<16xf32>
          %iota3A_833 = tpu.iota {dimensions = array<i32: 0>} : vector<16xi32>
          %xor3A_834 = arith.constant 8 : i32
          %xor3A_835 = vector.broadcast %xor3A_834 : i32 to vector<16xi32>
          %xor3A_836 = arith.xori %iota3A_833, %xor3A_835 : vector<16xi32>
          %lt3A_837 = arith.constant 0 : i32
          %lt3A_838 = vector.broadcast %lt3A_837 : i32 to vector<16xi32>
          %lt3A_839 = arith.cmpi slt, %xor3A_836, %lt3A_838 : vector<16xi32>
          %add3A_840 = arith.constant 16 : i32
          %add3A_841 = vector.broadcast %add3A_840 : i32 to vector<16xi32>
          %add3A_842 = arith.addi %xor3A_836, %add3A_841 : vector<16xi32>
          %select_n3A_843 = arith.select %lt3A_839, %add3A_842, %xor3A_836 : vector<16xi1>, vector<16xi32>
          %broadcast_in_dim3A_844 = vector.shape_cast %select_n3A_843 : vector<16xi32> to vector<16x1xi32>
          %gather3A_845 = vector.shape_cast %broadcast_in_dim3A_844 : vector<16x1xi32> to vector<16xi32>
          %gather3A_846 = tpu.dynamic_gather %add3A_832[%gather3A_845] in [0] : vector<16xf32>, vector<16xi32> -> vector<16xf32>
          %add3A_847 = arith.addf %add3A_832, %gather3A_846 : vector<16xf32>
          %iota3A_848 = tpu.iota {dimensions = array<i32: 0>} : vector<16xi32>
          %xor3A_849 = arith.constant 4 : i32
          %xor3A_850 = vector.broadcast %xor3A_849 : i32 to vector<16xi32>
          %xor3A_851 = arith.xori %iota3A_848, %xor3A_850 : vector<16xi32>
          %lt3A_852 = arith.constant 0 : i32
          %lt3A_853 = vector.broadcast %lt3A_852 : i32 to vector<16xi32>
          %lt3A_854 = arith.cmpi slt, %xor3A_851, %lt3A_853 : vector<16xi32>
          %add3A_855 = arith.constant 16 : i32
          %add3A_856 = vector.broadcast %add3A_855 : i32 to vector<16xi32>
          %add3A_857 = arith.addi %xor3A_851, %add3A_856 : vector<16xi32>
          %select_n3A_858 = arith.select %lt3A_854, %add3A_857, %xor3A_851 : vector<16xi1>, vector<16xi32>
          %broadcast_in_dim3A_859 = vector.shape_cast %select_n3A_858 : vector<16xi32> to vector<16x1xi32>
          %gather3A_860 = vector.shape_cast %broadcast_in_dim3A_859 : vector<16x1xi32> to vector<16xi32>
          %gather3A_861 = tpu.dynamic_gather %add3A_847[%gather3A_860] in [0] : vector<16xf32>, vector<16xi32> -> vector<16xf32>
          %add3A_862 = arith.addf %add3A_847, %gather3A_861 : vector<16xf32>
          %iota3A_863 = tpu.iota {dimensions = array<i32: 0>} : vector<16xi32>
          %xor3A_864 = arith.constant 2 : i32
          %xor3A_865 = vector.broadcast %xor3A_864 : i32 to vector<16xi32>
          %xor3A_866 = arith.xori %iota3A_863, %xor3A_865 : vector<16xi32>
          %lt3A_867 = arith.constant 0 : i32
          %lt3A_868 = vector.broadcast %lt3A_867 : i32 to vector<16xi32>
          %lt3A_869 = arith.cmpi slt, %xor3A_866, %lt3A_868 : vector<16xi32>
          %add3A_870 = arith.constant 16 : i32
          %add3A_871 = vector.broadcast %add3A_870 : i32 to vector<16xi32>
          %add3A_872 = arith.addi %xor3A_866, %add3A_871 : vector<16xi32>
          %select_n3A_873 = arith.select %lt3A_869, %add3A_872, %xor3A_866 : vector<16xi1>, vector<16xi32>
          %broadcast_in_dim3A_874 = vector.shape_cast %select_n3A_873 : vector<16xi32> to vector<16x1xi32>
          %gather3A_875 = vector.shape_cast %broadcast_in_dim3A_874 : vector<16x1xi32> to vector<16xi32>
          %gather3A_876 = tpu.dynamic_gather %add3A_862[%gather3A_875] in [0] : vector<16xf32>, vector<16xi32> -> vector<16xf32>
          %add3A_877 = arith.addf %add3A_862, %gather3A_876 : vector<16xf32>
          %iota3A_878 = tpu.iota {dimensions = array<i32: 0>} : vector<16xi32>
          %xor3A_879 = arith.constant 1 : i32
          %xor3A_880 = vector.broadcast %xor3A_879 : i32 to vector<16xi32>
          %xor3A_881 = arith.xori %iota3A_878, %xor3A_880 : vector<16xi32>
          %lt3A_882 = arith.constant 0 : i32
          %lt3A_883 = vector.broadcast %lt3A_882 : i32 to vector<16xi32>
          %lt3A_884 = arith.cmpi slt, %xor3A_881, %lt3A_883 : vector<16xi32>
          %add3A_885 = arith.constant 16 : i32
          %add3A_886 = vector.broadcast %add3A_885 : i32 to vector<16xi32>
          %add3A_887 = arith.addi %xor3A_881, %add3A_886 : vector<16xi32>
          %select_n3A_888 = arith.select %lt3A_884, %add3A_887, %xor3A_881 : vector<16xi1>, vector<16xi32>
          %broadcast_in_dim3A_889 = vector.shape_cast %select_n3A_888 : vector<16xi32> to vector<16x1xi32>
          %gather3A_890 = vector.shape_cast %broadcast_in_dim3A_889 : vector<16x1xi32> to vector<16xi32>
          %gather3A_891 = tpu.dynamic_gather %add3A_877[%gather3A_890] in [0] : vector<16xf32>, vector<16xi32> -> vector<16xf32>
          %add3A_892 = arith.addf %add3A_877, %gather3A_891 : vector<16xf32>
          %slice3A_893 = vector.extract_strided_slice %add3A_892 {offsets = [0], sizes = [1], strides = [1]} : vector<16xf32> to vector<1xf32>
          %squeeze3A_894 = vector.extract %slice3A_893[0] : f32 from vector<1xf32>
          %max3A_895 = arith.constant -6.000000e+00 : f32
          %max3A_896 = arith.maximumf %squeeze3A_894, %max3A_895 : f32
          %min3A_897 = arith.constant 6.000000e+00 : f32
          %min3A_898 = arith.minimumf %max3A_896, %min3A_897 : f32
          %add3A_899 = arith.constant 6.010000e+00 : f32
          %add3A_900 = arith.addf %min3A_898, %add3A_899 : f32
          %mul3A_901 = arith.constant 1.000000e+02 : f32
          %mul3A_902 = arith.mulf %add3A_900, %mul3A_901 : f32
          %convert_element_type3A_903 = arith.fptosi %mul3A_902 : f32 to i32
          %get3A_904 = arith.index_cast %convert_element_type3A_903 : i32 to index
          %get3A_905 = tpu.vector_load %arg12[%get3A_904] {strides = array<i32>} : memref<1232xf32, #tpu.memory_space<vmem>>, vector<16xf32>,
          %get3A_906 = vector.shape_cast %get3A_905 : vector<16xf32> to vector<16xf32>
          %slice3A_907 = vector.extract_strided_slice %get3A_906 {offsets = [0], sizes = [1], strides = [1]} : vector<16xf32> to vector<1xf32>
          %squeeze3A_908 = vector.extract %slice3A_907[0] : f32 from vector<1xf32>
          %mul3A_909 = vector.broadcast %squeeze3A_908 : f32 to vector<16xf32>
          %mul3A_910 = arith.mulf %mul3A_909, %get3A_205 : vector<16xf32>
          %add3A_911 = arith.addf %add3A_804, %mul3A_910 : vector<16xf32>
          %mul3A_912 = vector.broadcast %squeeze3A_908 : f32 to vector<16xf32>
          %mul3A_913 = arith.mulf %mul3A_912, %get3A_211 : vector<16xf32>
          %add3A_914 = arith.addf %add3A_807, %mul3A_913 : vector<16xf32>
          %mul3A_915 = vector.broadcast %squeeze3A_908 : f32 to vector<16xf32>
          %mul3A_916 = arith.mulf %mul3A_915, %get3A_217 : vector<16xf32>
          %add3A_917 = arith.addf %add3A_810, %mul3A_916 : vector<16xf32>
          %mul3A_918 = vector.broadcast %squeeze3A_908 : f32 to vector<16xf32>
          %mul3A_919 = arith.mulf %mul3A_918, %get3A_223 : vector<16xf32>
          %add3A_920 = arith.addf %add3A_813, %mul3A_919 : vector<16xf32>
          %mul3A_921 = vector.broadcast %squeeze3A_908 : f32 to vector<16xf32>
          %mul3A_922 = arith.mulf %mul3A_921, %get3A_395 : vector<16xf32>
          %add3A_923 = arith.addf %scan3A_387, %mul3A_922 : vector<16xf32>
          %mul3A_924 = vector.broadcast %squeeze3A_908 : f32 to vector<16xf32>
          %mul3A_925 = arith.mulf %mul3A_924, %get3A_400 : vector<16xf32>
          %add3A_926 = arith.addf %scan3A_388, %mul3A_925 : vector<16xf32>
          %mul3A_927 = vector.broadcast %squeeze3A_908 : f32 to vector<16xf32>
          %mul3A_928 = arith.mulf %mul3A_927, %get3A_405 : vector<16xf32>
          %add3A_929 = arith.addf %scan3A_389, %mul3A_928 : vector<16xf32>
          %mul3A_930 = vector.broadcast %squeeze3A_908 : f32 to vector<16xf32>
          %mul3A_931 = arith.mulf %mul3A_930, %get3A_410 : vector<16xf32>
          %add3A_932 = arith.addf %scan3A_390, %mul3A_931 : vector<16xf32>
          %add3A_933 = arith.addi %mul3A_102, %scan3A_370 : i32
          %swap3A_934 = arith.index_cast %add3A_933 : i32 to index
          %swap3A_935 = arith.constant 0 : index
          %swap3A_936 = tpu.vector_load %arg17[%swap3A_934, %swap3A_935] {strides = array<i32>} : memref<160x64xf32, #tpu.memory_space<vmem>>, vector<1x16xf32>,
          %swap3A_937 = vector.shape_cast %swap3A_936 : vector<1x16xf32> to vector<16xf32>
          %swap3A_938 = vector.shape_cast %add3A_911 : vector<16xf32> to vector<1x16xf32>
          tpu.vector_store %arg17[%swap3A_934, %swap3A_935], %swap3A_938 {strides = array<i32>} : memref<160x64xf32, #tpu.memory_space<vmem>>, vector<1x16xf32>,
          %add3A_939 = arith.addi %mul3A_102, %scan3A_370 : i32
          %swap3A_940 = arith.index_cast %add3A_939 : i32 to index
          %swap3A_941 = arith.constant 16 : index
          %swap3A_942 = tpu.vector_load %arg17[%swap3A_940, %swap3A_941] {strides = array<i32>} : memref<160x64xf32, #tpu.memory_space<vmem>>, vector<1x16xf32>,
          %swap3A_943 = vector.shape_cast %swap3A_942 : vector<1x16xf32> to vector<16xf32>
          %swap3A_944 = vector.shape_cast %add3A_914 : vector<16xf32> to vector<1x16xf32>
          tpu.vector_store %arg17[%swap3A_940, %swap3A_941], %swap3A_944 {strides = array<i32>} : memref<160x64xf32, #tpu.memory_space<vmem>>, vector<1x16xf32>,
          %add3A_945 = arith.addi %mul3A_102, %scan3A_370 : i32
          %swap3A_946 = arith.index_cast %add3A_945 : i32 to index
          %swap3A_947 = arith.constant 32 : index
          %swap3A_948 = tpu.vector_load %arg17[%swap3A_946, %swap3A_947] {strides = array<i32>} : memref<160x64xf32, #tpu.memory_space<vmem>>, vector<1x16xf32>,
          %swap3A_949 = vector.shape_cast %swap3A_948 : vector<1x16xf32> to vector<16xf32>
          %swap3A_950 = vector.shape_cast %add3A_917 : vector<16xf32> to vector<1x16xf32>
          tpu.vector_store %arg17[%swap3A_946, %swap3A_947], %swap3A_950 {strides = array<i32>} : memref<160x64xf32, #tpu.memory_space<vmem>>, vector<1x16xf32>,
          %add3A_951 = arith.addi %mul3A_102, %scan3A_370 : i32
          %swap3A_952 = arith.index_cast %add3A_951 : i32 to index
          %swap3A_953 = arith.constant 48 : index
          %swap3A_954 = tpu.vector_load %arg17[%swap3A_952, %swap3A_953] {strides = array<i32>} : memref<160x64xf32, #tpu.memory_space<vmem>>, vector<1x16xf32>,
          %swap3A_955 = vector.shape_cast %swap3A_954 : vector<1x16xf32> to vector<16xf32>
          %swap3A_956 = vector.shape_cast %add3A_920 : vector<16xf32> to vector<1x16xf32>
          tpu.vector_store %arg17[%swap3A_952, %swap3A_953], %swap3A_956 {strides = array<i32>} : memref<160x64xf32, #tpu.memory_space<vmem>>, vector<1x16xf32>,
          scf.yield %add3A_495, %add3A_498, %add3A_501, %add3A_504, %add3A_602, %add3A_605, %add3A_608, %add3A_611, %add3A_709, %add3A_712, %add3A_715, %add3A_718, %add3A_816, %add3A_819, %add3A_822, %add3A_825, %add3A_923, %add3A_926, %add3A_929, %add3A_932 : vector<16xf32>, vector<16xf32>, vector<16xf32>, vector<16xf32>, vector<16xf32>, vector<16xf32>, vector<16xf32>, vector<16xf32>, vector<16xf32>, vector<16xf32>, vector<16xf32>, vector<16xf32>, vector<16xf32>, vector<16xf32>, vector<16xf32>, vector<16xf32>, vector<16xf32>, vector<16xf32>, vector<16xf32>, vector<16xf32>
        }
        %scan3A_230 = arith.constant 20 : i32
        %add3A_231 = arith.constant 0 : i32
        %add3A_232 = arith.addi %mul3A_104, %add3A_231 : i32
        %swap3A = arith.index_cast %add3A_232 : i32 to index
        %swap3A_233 = arith.constant 0 : index
        %swap3A_234 = tpu.vector_load %arg21[%swap3A, %swap3A_233] {strides = array<i32>} : memref<40x64xf32, #tpu.memory_space<vmem>>, vector<1x16xf32>,
        %swap3A_235 = vector.shape_cast %swap3A_234 : vector<1x16xf32> to vector<16xf32>
        %swap3A_236 = vector.shape_cast %scan3A_229#0 : vector<16xf32> to vector<1x16xf32>
        tpu.vector_store %arg21[%swap3A, %swap3A_233], %swap3A_236 {strides = array<i32>} : memref<40x64xf32, #tpu.memory_space<vmem>>, vector<1x16xf32>,
        %add3A_237 = arith.constant 0 : i32
        %add3A_238 = arith.addi %mul3A_104, %add3A_237 : i32
        %swap3A_239 = arith.index_cast %add3A_238 : i32 to index
        %swap3A_240 = arith.constant 16 : index
        %swap3A_241 = tpu.vector_load %arg21[%swap3A_239, %swap3A_240] {strides = array<i32>} : memref<40x64xf32, #tpu.memory_space<vmem>>, vector<1x16xf32>,
        %swap3A_242 = vector.shape_cast %swap3A_241 : vector<1x16xf32> to vector<16xf32>
        %swap3A_243 = vector.shape_cast %scan3A_229#1 : vector<16xf32> to vector<1x16xf32>
        tpu.vector_store %arg21[%swap3A_239, %swap3A_240], %swap3A_243 {strides = array<i32>} : memref<40x64xf32, #tpu.memory_space<vmem>>, vector<1x16xf32>,
        %add3A_244 = arith.constant 0 : i32
        %add3A_245 = arith.addi %mul3A_104, %add3A_244 : i32
        %swap3A_246 = arith.index_cast %add3A_245 : i32 to index
        %swap3A_247 = arith.constant 32 : index
        %swap3A_248 = tpu.vector_load %arg21[%swap3A_246, %swap3A_247] {strides = array<i32>} : memref<40x64xf32, #tpu.memory_space<vmem>>, vector<1x16xf32>,
        %swap3A_249 = vector.shape_cast %swap3A_248 : vector<1x16xf32> to vector<16xf32>
        %swap3A_250 = vector.shape_cast %scan3A_229#2 : vector<16xf32> to vector<1x16xf32>
        tpu.vector_store %arg21[%swap3A_246, %swap3A_247], %swap3A_250 {strides = array<i32>} : memref<40x64xf32, #tpu.memory_space<vmem>>, vector<1x16xf32>,
        %add3A_251 = arith.constant 0 : i32
        %add3A_252 = arith.addi %mul3A_104, %add3A_251 : i32
        %swap3A_253 = arith.index_cast %add3A_252 : i32 to index
        %swap3A_254 = arith.constant 48 : index
        %swap3A_255 = tpu.vector_load %arg21[%swap3A_253, %swap3A_254] {strides = array<i32>} : memref<40x64xf32, #tpu.memory_space<vmem>>, vector<1x16xf32>,
        %swap3A_256 = vector.shape_cast %swap3A_255 : vector<1x16xf32> to vector<16xf32>
        %swap3A_257 = vector.shape_cast %scan3A_229#3 : vector<16xf32> to vector<1x16xf32>
        tpu.vector_store %arg21[%swap3A_253, %swap3A_254], %swap3A_257 {strides = array<i32>} : memref<40x64xf32, #tpu.memory_space<vmem>>, vector<1x16xf32>,
        %add3A_258 = arith.constant 1 : i32
        %add3A_259 = arith.addi %mul3A_104, %add3A_258 : i32
        %swap3A_260 = arith.index_cast %add3A_259 : i32 to index
        %swap3A_261 = arith.constant 0 : index
        %swap3A_262 = tpu.vector_load %arg21[%swap3A_260, %swap3A_261] {strides = array<i32>} : memref<40x64xf32, #tpu.memory_space<vmem>>, vector<1x16xf32>,
        %swap3A_263 = vector.shape_cast %swap3A_262 : vector<1x16xf32> to vector<16xf32>
        %swap3A_264 = vector.shape_cast %scan3A_229#4 : vector<16xf32> to vector<1x16xf32>
        tpu.vector_store %arg21[%swap3A_260, %swap3A_261], %swap3A_264 {strides = array<i32>} : memref<40x64xf32, #tpu.memory_space<vmem>>, vector<1x16xf32>,
        %add3A_265 = arith.constant 1 : i32
        %add3A_266 = arith.addi %mul3A_104, %add3A_265 : i32
        %swap3A_267 = arith.index_cast %add3A_266 : i32 to index
        %swap3A_268 = arith.constant 16 : index
        %swap3A_269 = tpu.vector_load %arg21[%swap3A_267, %swap3A_268] {strides = array<i32>} : memref<40x64xf32, #tpu.memory_space<vmem>>, vector<1x16xf32>,
        %swap3A_270 = vector.shape_cast %swap3A_269 : vector<1x16xf32> to vector<16xf32>
        %swap3A_271 = vector.shape_cast %scan3A_229#5 : vector<16xf32> to vector<1x16xf32>
        tpu.vector_store %arg21[%swap3A_267, %swap3A_268], %swap3A_271 {strides = array<i32>} : memref<40x64xf32, #tpu.memory_space<vmem>>, vector<1x16xf32>,
        %add3A_272 = arith.constant 1 : i32
        %add3A_273 = arith.addi %mul3A_104, %add3A_272 : i32
        %swap3A_274 = arith.index_cast %add3A_273 : i32 to index
        %swap3A_275 = arith.constant 32 : index
        %swap3A_276 = tpu.vector_load %arg21[%swap3A_274, %swap3A_275] {strides = array<i32>} : memref<40x64xf32, #tpu.memory_space<vmem>>, vector<1x16xf32>,
        %swap3A_277 = vector.shape_cast %swap3A_276 : vector<1x16xf32> to vector<16xf32>
        %swap3A_278 = vector.shape_cast %scan3A_229#6 : vector<16xf32> to vector<1x16xf32>
        tpu.vector_store %arg21[%swap3A_274, %swap3A_275], %swap3A_278 {strides = array<i32>} : memref<40x64xf32, #tpu.memory_space<vmem>>, vector<1x16xf32>,
        %add3A_279 = arith.constant 1 : i32
        %add3A_280 = arith.addi %mul3A_104, %add3A_279 : i32
        %swap3A_281 = arith.index_cast %add3A_280 : i32 to index
        %swap3A_282 = arith.constant 48 : index
        %swap3A_283 = tpu.vector_load %arg21[%swap3A_281, %swap3A_282] {strides = array<i32>} : memref<40x64xf32, #tpu.memory_space<vmem>>, vector<1x16xf32>,
        %swap3A_284 = vector.shape_cast %swap3A_283 : vector<1x16xf32> to vector<16xf32>
        %swap3A_285 = vector.shape_cast %scan3A_229#7 : vector<16xf32> to vector<1x16xf32>
        tpu.vector_store %arg21[%swap3A_281, %swap3A_282], %swap3A_285 {strides = array<i32>} : memref<40x64xf32, #tpu.memory_space<vmem>>, vector<1x16xf32>,
        %add3A_286 = arith.constant 2 : i32
        %add3A_287 = arith.addi %mul3A_104, %add3A_286 : i32
        %swap3A_288 = arith.index_cast %add3A_287 : i32 to index
        %swap3A_289 = arith.constant 0 : index
        %swap3A_290 = tpu.vector_load %arg21[%swap3A_288, %swap3A_289] {strides = array<i32>} : memref<40x64xf32, #tpu.memory_space<vmem>>, vector<1x16xf32>,
        %swap3A_291 = vector.shape_cast %swap3A_290 : vector<1x16xf32> to vector<16xf32>
        %swap3A_292 = vector.shape_cast %scan3A_229#8 : vector<16xf32> to vector<1x16xf32>
        tpu.vector_store %arg21[%swap3A_288, %swap3A_289], %swap3A_292 {strides = array<i32>} : memref<40x64xf32, #tpu.memory_space<vmem>>, vector<1x16xf32>,
        %add3A_293 = arith.constant 2 : i32
        %add3A_294 = arith.addi %mul3A_104, %add3A_293 : i32
        %swap3A_295 = arith.index_cast %add3A_294 : i32 to index
        %swap3A_296 = arith.constant 16 : index
        %swap3A_297 = tpu.vector_load %arg21[%swap3A_295, %swap3A_296] {strides = array<i32>} : memref<40x64xf32, #tpu.memory_space<vmem>>, vector<1x16xf32>,
        %swap3A_298 = vector.shape_cast %swap3A_297 : vector<1x16xf32> to vector<16xf32>
        %swap3A_299 = vector.shape_cast %scan3A_229#9 : vector<16xf32> to vector<1x16xf32>
        tpu.vector_store %arg21[%swap3A_295, %swap3A_296], %swap3A_299 {strides = array<i32>} : memref<40x64xf32, #tpu.memory_space<vmem>>, vector<1x16xf32>,
        %add3A_300 = arith.constant 2 : i32
        %add3A_301 = arith.addi %mul3A_104, %add3A_300 : i32
        %swap3A_302 = arith.index_cast %add3A_301 : i32 to index
        %swap3A_303 = arith.constant 32 : index
        %swap3A_304 = tpu.vector_load %arg21[%swap3A_302, %swap3A_303] {strides = array<i32>} : memref<40x64xf32, #tpu.memory_space<vmem>>, vector<1x16xf32>,
        %swap3A_305 = vector.shape_cast %swap3A_304 : vector<1x16xf32> to vector<16xf32>
        %swap3A_306 = vector.shape_cast %scan3A_229#10 : vector<16xf32> to vector<1x16xf32>
        tpu.vector_store %arg21[%swap3A_302, %swap3A_303], %swap3A_306 {strides = array<i32>} : memref<40x64xf32, #tpu.memory_space<vmem>>, vector<1x16xf32>,
        %add3A_307 = arith.constant 2 : i32
        %add3A_308 = arith.addi %mul3A_104, %add3A_307 : i32
        %swap3A_309 = arith.index_cast %add3A_308 : i32 to index
        %swap3A_310 = arith.constant 48 : index
        %swap3A_311 = tpu.vector_load %arg21[%swap3A_309, %swap3A_310] {strides = array<i32>} : memref<40x64xf32, #tpu.memory_space<vmem>>, vector<1x16xf32>,
        %swap3A_312 = vector.shape_cast %swap3A_311 : vector<1x16xf32> to vector<16xf32>
        %swap3A_313 = vector.shape_cast %scan3A_229#11 : vector<16xf32> to vector<1x16xf32>
        tpu.vector_store %arg21[%swap3A_309, %swap3A_310], %swap3A_313 {strides = array<i32>} : memref<40x64xf32, #tpu.memory_space<vmem>>, vector<1x16xf32>,
        %add3A_314 = arith.constant 3 : i32
        %add3A_315 = arith.addi %mul3A_104, %add3A_314 : i32
        %swap3A_316 = arith.index_cast %add3A_315 : i32 to index
        %swap3A_317 = arith.constant 0 : index
        %swap3A_318 = tpu.vector_load %arg21[%swap3A_316, %swap3A_317] {strides = array<i32>} : memref<40x64xf32, #tpu.memory_space<vmem>>, vector<1x16xf32>,
        %swap3A_319 = vector.shape_cast %swap3A_318 : vector<1x16xf32> to vector<16xf32>
        %swap3A_320 = vector.shape_cast %scan3A_229#12 : vector<16xf32> to vector<1x16xf32>
        tpu.vector_store %arg21[%swap3A_316, %swap3A_317], %swap3A_320 {strides = array<i32>} : memref<40x64xf32, #tpu.memory_space<vmem>>, vector<1x16xf32>,
        %add3A_321 = arith.constant 3 : i32
        %add3A_322 = arith.addi %mul3A_104, %add3A_321 : i32
        %swap3A_323 = arith.index_cast %add3A_322 : i32 to index
        %swap3A_324 = arith.constant 16 : index
        %swap3A_325 = tpu.vector_load %arg21[%swap3A_323, %swap3A_324] {strides = array<i32>} : memref<40x64xf32, #tpu.memory_space<vmem>>, vector<1x16xf32>,
        %swap3A_326 = vector.shape_cast %swap3A_325 : vector<1x16xf32> to vector<16xf32>
        %swap3A_327 = vector.shape_cast %scan3A_229#13 : vector<16xf32> to vector<1x16xf32>
        tpu.vector_store %arg21[%swap3A_323, %swap3A_324], %swap3A_327 {strides = array<i32>} : memref<40x64xf32, #tpu.memory_space<vmem>>, vector<1x16xf32>,
        %add3A_328 = arith.constant 3 : i32
        %add3A_329 = arith.addi %mul3A_104, %add3A_328 : i32
        %swap3A_330 = arith.index_cast %add3A_329 : i32 to index
        %swap3A_331 = arith.constant 32 : index
        %swap3A_332 = tpu.vector_load %arg21[%swap3A_330, %swap3A_331] {strides = array<i32>} : memref<40x64xf32, #tpu.memory_space<vmem>>, vector<1x16xf32>,
        %swap3A_333 = vector.shape_cast %swap3A_332 : vector<1x16xf32> to vector<16xf32>
        %swap3A_334 = vector.shape_cast %scan3A_229#14 : vector<16xf32> to vector<1x16xf32>
        tpu.vector_store %arg21[%swap3A_330, %swap3A_331], %swap3A_334 {strides = array<i32>} : memref<40x64xf32, #tpu.memory_space<vmem>>, vector<1x16xf32>,
        %add3A_335 = arith.constant 3 : i32
        %add3A_336 = arith.addi %mul3A_104, %add3A_335 : i32
        %swap3A_337 = arith.index_cast %add3A_336 : i32 to index
        %swap3A_338 = arith.constant 48 : index
        %swap3A_339 = tpu.vector_load %arg21[%swap3A_337, %swap3A_338] {strides = array<i32>} : memref<40x64xf32, #tpu.memory_space<vmem>>, vector<1x16xf32>,
        %swap3A_340 = vector.shape_cast %swap3A_339 : vector<1x16xf32> to vector<16xf32>
        %swap3A_341 = vector.shape_cast %scan3A_229#15 : vector<16xf32> to vector<1x16xf32>
        tpu.vector_store %arg21[%swap3A_337, %swap3A_338], %swap3A_341 {strides = array<i32>} : memref<40x64xf32, #tpu.memory_space<vmem>>, vector<1x16xf32>,
        %add3A_342 = arith.constant 4 : i32
        %add3A_343 = arith.addi %mul3A_104, %add3A_342 : i32
        %swap3A_344 = arith.index_cast %add3A_343 : i32 to index
        %swap3A_345 = arith.constant 0 : index
        %swap3A_346 = tpu.vector_load %arg21[%swap3A_344, %swap3A_345] {strides = array<i32>} : memref<40x64xf32, #tpu.memory_space<vmem>>, vector<1x16xf32>,
        %swap3A_347 = vector.shape_cast %swap3A_346 : vector<1x16xf32> to vector<16xf32>
        %swap3A_348 = vector.shape_cast %scan3A_229#16 : vector<16xf32> to vector<1x16xf32>
        tpu.vector_store %arg21[%swap3A_344, %swap3A_345], %swap3A_348 {strides = array<i32>} : memref<40x64xf32, #tpu.memory_space<vmem>>, vector<1x16xf32>,
        %add3A_349 = arith.constant 4 : i32
        %add3A_350 = arith.addi %mul3A_104, %add3A_349 : i32
        %swap3A_351 = arith.index_cast %add3A_350 : i32 to index
        %swap3A_352 = arith.constant 16 : index
        %swap3A_353 = tpu.vector_load %arg21[%swap3A_351, %swap3A_352] {strides = array<i32>} : memref<40x64xf32, #tpu.memory_space<vmem>>, vector<1x16xf32>,
        %swap3A_354 = vector.shape_cast %swap3A_353 : vector<1x16xf32> to vector<16xf32>
        %swap3A_355 = vector.shape_cast %scan3A_229#17 : vector<16xf32> to vector<1x16xf32>
        tpu.vector_store %arg21[%swap3A_351, %swap3A_352], %swap3A_355 {strides = array<i32>} : memref<40x64xf32, #tpu.memory_space<vmem>>, vector<1x16xf32>,
        %add3A_356 = arith.constant 4 : i32
        %add3A_357 = arith.addi %mul3A_104, %add3A_356 : i32
        %swap3A_358 = arith.index_cast %add3A_357 : i32 to index
        %swap3A_359 = arith.constant 32 : index
        %swap3A_360 = tpu.vector_load %arg21[%swap3A_358, %swap3A_359] {strides = array<i32>} : memref<40x64xf32, #tpu.memory_space<vmem>>, vector<1x16xf32>,
        %swap3A_361 = vector.shape_cast %swap3A_360 : vector<1x16xf32> to vector<16xf32>
        %swap3A_362 = vector.shape_cast %scan3A_229#18 : vector<16xf32> to vector<1x16xf32>
        tpu.vector_store %arg21[%swap3A_358, %swap3A_359], %swap3A_362 {strides = array<i32>} : memref<40x64xf32, #tpu.memory_space<vmem>>, vector<1x16xf32>,
        %add3A_363 = arith.constant 4 : i32
        %add3A_364 = arith.addi %mul3A_104, %add3A_363 : i32
        %swap3A_365 = arith.index_cast %add3A_364 : i32 to index
        %swap3A_366 = arith.constant 48 : index
        %swap3A_367 = tpu.vector_load %arg21[%swap3A_365, %swap3A_366] {strides = array<i32>} : memref<40x64xf32, #tpu.memory_space<vmem>>, vector<1x16xf32>,
        %swap3A_368 = vector.shape_cast %swap3A_367 : vector<1x16xf32> to vector<16xf32>
        %swap3A_369 = vector.shape_cast %scan3A_229#19 : vector<16xf32> to vector<1x16xf32>
        tpu.vector_store %arg21[%swap3A_365, %swap3A_366], %swap3A_369 {strides = array<i32>} : memref<40x64xf32, #tpu.memory_space<vmem>>, vector<1x16xf32>,
      }
      %scan3A_88 = arith.constant 8 : i32
      %add3A_89 = arith.constant 163840 : i32
      %add3A_90 = arith.addi %add3A_89, %mul3A_30 : i32
      %dma_start3A = arith.constant 0 : i32
      %dma_start3A_91 = tpu.memref_slice %arg10[%add3A_90, %dma_start3A] : memref<266240x64xf32, #tpu.memory_space<hbm>> -> memref<160x64xf32, #tpu.memory_space<hbm>>
      %dma_start3A_92 = arith.constant 0 : i32
      %dma_start3A_93 = tpu.memref_slice %arg10[%add3A_90, %dma_start3A_92] : memref<266240x64xf32, #tpu.memory_space<hbm>> -> memref<160x64xf32, #tpu.memory_space<hbm>>
      tpu.enqueue_dma source(%arg17 : memref<160x64xf32, #tpu.memory_space<vmem>>) target(%dma_start3A_93 : memref<160x64xf32, #tpu.memory_space<hbm>>) target_semaphore(%arg24 : memref<!tpu.dma_semaphore, #tpu.memory_space<semaphore_mem>>)
      %add3A_94 = arith.constant 245760 : i32
      %add3A_95 = arith.addi %add3A_94, %mul3A_32 : i32
      %dma_start3A_96 = arith.constant 0 : i32
      %dma_start3A_97 = tpu.memref_slice %arg10[%add3A_95, %dma_start3A_96] : memref<266240x64xf32, #tpu.memory_space<hbm>> -> memref<40x64xf32, #tpu.memory_space<hbm>>
      %dma_start3A_98 = arith.constant 0 : i32
      %dma_start3A_99 = tpu.memref_slice %arg10[%add3A_95, %dma_start3A_98] : memref<266240x64xf32, #tpu.memory_space<hbm>> -> memref<40x64xf32, #tpu.memory_space<hbm>>
      tpu.enqueue_dma source(%arg21 : memref<40x64xf32, #tpu.memory_space<vmem>>) target(%dma_start3A_99 : memref<40x64xf32, #tpu.memory_space<hbm>>) target_semaphore(%arg24 : memref<!tpu.dma_semaphore, #tpu.memory_space<semaphore_mem>>)
    }
    %scan3A_11 = arith.constant 16 : i32
    %dma_wait3A = arith.constant 0 : i32
    %dma_wait3A_12 = arith.constant 0 : i32
    %dma_wait3A_13 = tpu.memref_slice %arg2[%dma_wait3A, %dma_wait3A_12] : memref<1000000x64xf32, #tpu.memory_space<hbm>> -> memref<160x64xf32, #tpu.memory_space<hbm>>
    %dma_wait3A_14 = arith.constant 0 : i32
    %dma_wait3A_15 = arith.constant 0 : i32
    %dma_wait3A_16 = tpu.memref_slice %arg2[%dma_wait3A_14, %dma_wait3A_15] : memref<1000000x64xf32, #tpu.memory_space<hbm>> -> memref<160x64xf32, #tpu.memory_space<hbm>>
    tpu.wait_dma2 semaphore(%arg24 : memref<!tpu.dma_semaphore, #tpu.memory_space<semaphore_mem>>) src(%dma_wait3A_16 : memref<160x64xf32, #tpu.memory_space<hbm>>) dst(%arg17 : memref<160x64xf32, #tpu.memory_space<vmem>>)
    %dma_wait3A_17 = arith.constant 0 : i32
    %dma_wait3A_18 = arith.constant 0 : i32
    %dma_wait3A_19 = tpu.memref_slice %arg2[%dma_wait3A_17, %dma_wait3A_18] : memref<1000000x64xf32, #tpu.memory_space<hbm>> -> memref<40x64xf32, #tpu.memory_space<hbm>>
    %dma_wait3A_20 = arith.constant 0 : i32
    %dma_wait3A_21 = arith.constant 0 : i32
    %dma_wait3A_22 = tpu.memref_slice %arg2[%dma_wait3A_20, %dma_wait3A_21] : memref<1000000x64xf32, #tpu.memory_space<hbm>> -> memref<40x64xf32, #tpu.memory_space<hbm>>
    tpu.wait_dma2 semaphore(%arg24 : memref<!tpu.dma_semaphore, #tpu.memory_space<semaphore_mem>>) src(%dma_wait3A_22 : memref<40x64xf32, #tpu.memory_space<hbm>>) dst(%arg21 : memref<40x64xf32, #tpu.memory_space<vmem>>)
    return
  }
}

</mosaic_0001>

<sc_bundles>
// kernel: _run.3.cloned.1.call-start
scs
__scs_entry_jumppad:
0x0: {  	(pc) =	sbr.rel $0x88, $3  }
0x1: {  	(tag) =	ssettag $0x0;
	lr =	simm.s32 $0x1  }
0x2: {  	[smem:$0x3F99] =	sst lr;
	_ =	strace $0xD0000000  }
0x3: {  	_ = 	snop  }
0x4: {  	_ = 	snop  }
0x5: {  	_ = 	snop  }
0x6: {  	_ = 	snop  }
0x7: {  	_ = 	snop  }
__scs_overlays_trampoline_lowered:
0x8: {  	[smem:$0x3FA8] =	sst s0  }
0x9: {  	[smem:$0x3FA9] =	sst s1  }
0xa: {  	[smem:$0x3FAA] =	sst s2  }
0xb: {  	[smem:$0x3FAB] =	sst s3  }
0xc: {  	[smem:$0x3FAC] =	sst s4  }
0xd: {  	[smem:$0x3FAD] =	sst s5  }
0xe: {  	[smem:$0x3FAE] =	sst s6  }
0xf: {  	[smem:$0x3FAF] =	sst s7  }
0x10: {  	[smem:$0x3FB0] =	sst s8  }
0x11: {  	[smem:$0x3FB1] =	sst s9;
	s0 =	simm.s32 @!p0 $0x0  }
0x12: {  	s1 =	sld [smem:$0x3F97];
	s0 =	simm.s32 @p0 $0x1  }
0x13: {  	[smem:$0x3FB2] =	sst s0;
	s0 =	simm.s32 @!p1 $0x0  }
0x14: {  	s2 =	sld [smem:$0x3F96];
	s0 =	simm.s32 @p1 $0x1  }
0x15: {  	[smem:$0x3FB3] =	sst s0;
	s0 =	simm.s32 @!p2 $0x0  }
0x16: {  	s3 =	sld [smem:$0x3FDB];
	s0 =	simm.s32 @p2 $0x1  }
0x17: {  	s4 =	simm.s32 $0x1BF5;
	[smem:$0x3FB5] =	sst s0  }
0x18: {  	s0 =	sld [smem:$0x3F98];
	_ =	swait.ge [sflag:s4], $0x0  }
0x19: {  	s7 =	sld [smem:$0x3F99]  }
0x1a: {  	s8 =	sadd.s32 $0xFFFFE003, lr  }
0x1b: {  	s9 =	sadd.s32 $0xFFFFFEF7, lr;
	s5 =	simm.s32 $0xFFFFFFFF;
	p2 =	slt.u32 s8, $0xFFFFF086  }
0x1c: {  	p1 =	slt.u32 s9, $0xF7A;
	s5 =	simm.s32 @!p2 $0x0  }
0x1d: {  	s5 =	simm.s32 @p1 $0x1;
	p0 =	seq.s32 s7, s2  }
0x1e: {  	s7 =	smul.u32 @!p0 $0xF7A, s2;
	p2 =	seq.s32 @!p0 s5, $0x0  }
0x1f: {  	s9 =	smul.u32 $0xF7A, s1;
	s8 =	simm.s32 @!p0 $0x1BF5;
	p2 =	por !p2, p0  }
0x20: {  	[sflag:s8] =	ssyncset.s32 @!p0 $0xFFFFF086;
	s6 =	sadd.s32 @!p0 s3, s7;
	s7 =	simm.s32 @!p0 $0x108  }
0x21: {  	s3 =	sadd.s32 s3, s9;
	s6 =	sadd.s32 @!p0 $0x88, s6;
	s7 =	simm.s32 @p2 $0x1082  }
0x22: {  	[simem:s7], [sflag:s8] =	dma.local @!p0 [hbm:s6], $0xF7A  }
0x23: {  	s9 =	sor.u32 $0xD0000000, s2;
	s6 =	simm.s32 $0x108;
	_ =	swait.ge @!p0 [sflag:s8], $0x0  }
0x24: {  	s3 =	sadd.s32 $0x88, s3;
	s6 =	simm.s32 @!p1 $0x1082;
	[sflag:s4] =	ssyncset.s32 $0xFFFFF086  }
0x25: {  	[simem:s6], [sflag:s4] =	dma.local [hbm:s3], $0xF7A  }
0x26: {  	[smem:$0x3F99] =	sst s1;
	(tag) =	ssettag s2;
	_ =	strace s9  }
0x27: {  	s1 =	sld [smem:$0x3FA9]  }
0x28: {  	s2 =	sld [smem:$0x3FAA]  }
0x29: {  	s4 =	sld [smem:$0x3FAC]  }
0x2a: {  	p0 =	seq.s32 s5, $0x0;
	s5 =	sld [smem:$0x3FAD]  }
0x2b: {  	s6 =	sld [smem:$0x3FAE]  }
0x2c: {  	s7 =	sld [smem:$0x3FAF]  }
0x2d: {  	s3 =	simm.s32 $0x108;
	s8 =	sld [smem:$0x3FB0]  }
0x2e: {  	s3 =	simm.s32 @!p0 $0x1082;
	s9 =	sld [smem:$0x3FB1]  }
0x2f: {  	lr =	sadd.s32 s0, s3;
	s0 =	sld [smem:$0x3FA8]  }
0x30: {  	s3 =	sld [smem:$0x3FAB]  }
0x31: {  	[smem:$0x3FB4] =	sst s10  }
0x32: {  	s10 =	sld [smem:$0x3FB2];
	_ =	sdelay $0x3  }
0x33: {  	p0 =	seq.s32 s10, $0x1;
	s10 =	sld [smem:$0x3FB4];
	_ =	sdelay $0x3  }
0x34: {  	[smem:$0x3FB4] =	sst s10  }
0x35: {  	s10 =	sld [smem:$0x3FB3];
	_ =	sdelay $0x3  }
0x36: {  	p1 =	seq.s32 s10, $0x1;
	s10 =	sld [smem:$0x3FB4];
	_ =	sdelay $0x3  }
0x37: {  	[smem:$0x3FB4] =	sst s10  }
0x38: {  	s10 =	sld [smem:$0x3FB5]  }
0x39: {  	_ = 	snop;
	(pc) =	sbr.ind lr, $3  }
0x3a: {  	_ = 	snop  }
0x3b: {  	_ = 	snop  }
0x3c: {  	p2 =	seq.s32 s10, $0x1;
	s10 =	sld [smem:$0x3FB4]  }
0x3d: {  	_ =	shalt  }
0x3e: {  	_ =	shalt  }
0x3f: {  	_ =	shalt  }
0x40: {  	_ =	shalt  }
0x41: {  	_ =	shalt  }
0x42: {  	_ =	shalt  }
0x43: {  	_ =	shalt  }
0x44: {  	_ =	shalt  }
0x45: {  	_ =	shalt  }
0x46: {  	_ =	shalt  }
0x47: {  	_ =	shalt  }
0x48: {  	_ =	shalt  }
0x49: {  	_ =	shalt  }
0x4a: {  	_ =	shalt  }
0x4b: {  	_ =	shalt  }
0x4c: {  	_ =	shalt  }
0x4d: {  	_ =	shalt  }
0x4e: {  	_ =	shalt  }
0x4f: {  	_ =	shalt  }
0x50: {  	_ =	shalt  }
0x51: {  	_ =	shalt  }
0x52: {  	_ =	shalt  }
0x53: {  	_ =	shalt  }
0x54: {  	_ =	shalt  }
0x55: {  	_ =	shalt  }
0x56: {  	_ =	shalt  }
0x57: {  	_ =	shalt  }
0x58: {  	_ =	shalt  }
0x59: {  	_ =	shalt  }
0x5a: {  	_ =	shalt  }
0x5b: {  	_ =	shalt  }
0x5c: {  	_ =	shalt  }
0x5d: {  	_ =	shalt  }
0x5e: {  	_ =	shalt  }
0x5f: {  	_ =	shalt  }
0x60: {  	_ =	shalt  }
0x61: {  	_ =	shalt  }
0x62: {  	_ =	shalt  }
0x63: {  	_ =	shalt  }
0x64: {  	_ =	shalt  }
0x65: {  	_ =	shalt  }
0x66: {  	_ =	shalt  }
0x67: {  	_ =	shalt  }
0x68: {  	_ =	shalt  }
0x69: {  	_ =	shalt  }
0x6a: {  	_ =	shalt  }
0x6b: {  	_ =	shalt  }
0x6c: {  	_ =	shalt  }
0x6d: {  	_ =	shalt  }
0x6e: {  	_ =	shalt  }
0x6f: {  	_ =	shalt  }
0x70: {  	_ =	shalt  }
0x71: {  	_ =	shalt  }
0x72: {  	_ =	shalt  }
0x73: {  	_ =	shalt  }
0x74: {  	_ =	shalt  }
0x75: {  	_ =	shalt  }
0x76: {  	_ =	shalt  }
0x77: {  	_ =	shalt  }
0x78: {  	_ =	shalt  }
0x79: {  	_ =	shalt  }
0x7a: {  	_ =	shalt  }
0x7b: {  	_ =	shalt  }
0x7c: {  	_ =	shalt  }
0x7d: {  	_ =	shalt  }
0x7e: {  	_ =	shalt  }
0x7f: {  	_ =	shalt  }
0x80: {  	_ =	shalt  }
0x81: {  	_ =	shalt  }
0x82: {  	_ =	shalt  }
0x83: {  	_ =	shalt  }
0x84: {  	_ =	shalt  }
0x85: {  	_ =	shalt  }
0x86: {  	_ =	shalt  }
0x87: {  	_ =	shalt  }
.Lfunc_end0:
.L_simem_size_0:
called_computation_lowered:
.L_overlay_start_0:
0x88: {  	s2 =	sld [smem:$0x3FD9]  }
0x89: {  	s3 =	sld [smem:$0x3FFE];
	_ =	sdelay $0x1  }
0x8a: {  	s1 =	srdreg.scid  }
0x8b: {  	s0 =	sand.u32 $0x1, s1  }
0x8c: {  	s17 =	sshll.u32 s0, $0xA;
	s2 =	sadd.s32 s3, s2  }
0x8d: {  	s2 =	sadd.s32 s2, s17  }
0x8e: {  	[smem:$0x3FC0] =	sst s2  }
0x8f: {  	_ = 	snop  }
0x90: {  	s2 =	sld [smem:$0x3FC7]  }
0x91: {  	s18 =	sld [smem:$0x3FC6]  }
0x92: {  	s4 =	sld [smem:$0x3FD0];
	(tm) =	ssettm $0x1  }
0x93: {  	s5 =	sld [smem:$0x3FFB];
	_ =	sdelay $0x3  }
0x94: {  	_ =	strace s5  }
0x95: {  	s5 =	sld [smem:$0x3FFC];
	_ =	sdelay $0x3  }
0x96: {  	_ =	strace s5  }
0x97: {  	s5 =	sld [smem:$0x3FFD];
	_ =	sdelay $0x3  }
0x98: {  	_ =	strace s5  }
0x99: {  	_ =	strace $0x8FFFFFFF  }
0x9a: {  	s19 =	sld [smem:$0x3FDB];
	_ =	sdelay $0x1  }
0x9b: {  	s6 =	simm.s32 $_scs_section_size  }
0x9c: {  	s7 =	simm.s32 $_size__tile_overlayer_lowered;
	s8 =	simm.s32 $_tile_overlayer_lowered  }
0x9d: {  	s22 =	simm.s32 $0x1BFF;
	s21 =	sshll.u32 s8, $0x1;
	s5 =	sadd.s32 s6, s19  }
0x9e: {  	s9 =	simm.s32 $0x0;
	s20 =	sshll.u32 s7, $0x1;
	s7 =	sadd.s32 s21, s5  }
0x9f: {  	[timem:s9], [sflag:s22] =	dma.local [hbm:s7], s20  }
0xa0: {  	_ =	swait.ge [sflag:s22], s20  }
0xa1: {  	s6 =	ssub.s32 $0x0, s20;
	[sflag:s22] =	ssyncset.done $0x0  }
0xa2: {  	[sflag:s22] =	ssyncadd.s32 s6;
	_ =	sdelay $0x1  }
0xa3: {  	s23 =	simm.s32 $0x1B8B  }
0xa4: {  	_ =	swait.ge [sflag:s23], $0x1  }
0xa5: {  	[sflag:s23] =	ssyncset.done $0x0  }
0xa6: {  	s25 =	simm.s32 $0x1B8E;
	s24 =	sld [smem:$0x3FFE];
	[sflag:s23] =	ssyncadd.s32 $0xFFFFFFFF  }
0xa7: {  	s26 =	simm.s32 $execute0_lowered;
	[smem:$0x3FD2] =	sst s25  }
0xa8: {  	s7 =	sshll.u32 s26, $0x1;
	_ =	strace $0x80000046;
	[dreg:$0x1] =	wrdreg $0xFFFFFFFF  }
0xa9: {  	s28 =	simm.s32 $_size_execute0_lowered;
	s5 =	sadd.s32 s5, s7;
	[dreg:$0x0] =	wrdreg $0x0  }
0xaa: {  	s7 =	sshll.u32 s28, $0x1;
	[dreg:$0x2] =	wrdreg s5  }
0xab: {  	[dreg:$0x3] =	wrdreg s7  }
0xac: {  	[dreg:$0x4] =	wrdreg $0xC0  }
0xad: {  	_ =	task [dreg:s9], $0x5FFFF  }
0xae: {  	[dreg:$0x1] =	wrdreg $0xFFFFFFFF  }
0xaf: {  	[dreg:$0x0] =	wrdreg $0x60  }
0xb0: {  	[dreg:$0x2] =	wrdreg s24  }
0xb1: {  	[dreg:$0x3] =	wrdreg s2  }
0xb2: {  	[dreg:$0x4] =	wrdreg s18  }
0xb3: {  	[dreg:$0x5] =	wrdreg s4  }
0xb4: {  	[dreg:$0x6] =	wrdreg $0x9  }
0xb5: {  	_ =	task.clear_ibuf [dreg:s9], $0x7FFFF;
	_ =	strace $0x90000046  }
0xb6: {  	s29 =	simm.s32 $0x9;
	_ =	strace $0x80000048  }
0xb7: {  	_ =	swait.ge [sflag:s29], $0x1  }
0xb8: {  	[sflag:s29] =	ssyncadd.s32 $0xFFFFFFFF  }
0xb9: {  	_ =	strace $0x90000048  }
0xba: {  	_ =	sfence  }
0xbb: {  	s30 =	sld [smem:$0x0];
	_ =	sdelay $0x2  }
0xbc: {  	s31 =	sshll.u32 s1, $0xD;
	s1 =	sshrl.u32 s1, $0x2  }
0xbd: {  	s3 =	sand.u32 $0x4000, s31;
	s1 =	sadd.s32 s1, s30  }
0xbe: {  	s0 =	sor.u32 s3, s0;
	s1 =	sshll.u32 s1, $0x11  }
0xbf: {  	s0 =	sor.u32 s1, s0  }
0xc0: {  	s0 =	sadd.s32 $0x8F2B, s0  }
0xc1: {  	[sflag:s0] =	ssyncadd.remote.s32 $0x1  }
0xc2: {  	_ =	sfence.sel $0xFFFF  }
0xc3: {  	[dreg:$0x0] =	wrdreg $0xFFFFFFFF;
	(pc) =	sbr.abs _section_cstart, $3  }
0xc4: {  	[dreg:$0x1] =	wrdreg $0xFFFFFFFF  }
0xc5: {  	_ =	task.clear_ibuf [dreg:s9], $0x2FFFF;
	_ =	strace $0x9FFFFFFF  }
0xc6: {  	(tm) =	ssettm $0x7FFFFFFF  }
0xc7: {  	_ =	shalt  }
tec
execute0_lowered:
.L_overlay_start_1:
0x0: {  	(tag) =	ssettag $0x1  }
0x1: {  	v0 =	vimm.s32 $0xFEDCBA98;
	s28 =	simm.s32 $0x400;
	v1 =	vimm.s32 $0x76543210  }
0x2: {  	s0 =	rddreg [dreg:$0x0];
	s4 =	simm.s32 $0x0;
	s1 =	srdreg.scid;
	v2 =	vimm.s32 $0xBA98FEDC;
	v3 =	vimm.s32 $0x32107654;
	v4 =	vimm.s32 $0xDCFE98BA  }
0x3: {  	s3 =	stileid.u32;
	v5 =	vimm.s32 $0x54761032;
	v6 =	vimm.s32 $0xEFCDAB89;
	[smem:$0x7FF] =	sst s4;
	s6 =	sadd.s32 $0x30400, s0  }
0x4: {  	v7 =	vimm.s32 $0x67452301;
	s7 =	sadd.s32 $0xF72800, s0;
	s2 =	sadd.s32 $0x400, s0;
	s1 =	sand.u32 $0x1, s1  }
0x5: {  	s20 =	sadd.s32 $0x10400, s0;
	v0 =	vunpack.c.l.s4.s8 v0;
	v1 =	vunpack.c.l.s4.s8 v1;
	v2 =	vunpack.c.l.s4.s8 v2;
	_ =	strace $0x80000047;
	[dreg:$0x5] =	wrdreg s2  }
0x6: {  	s3 =	sshll.u32 s3, $0x1;
	s5 =	sadd.s32 $0x20400, s0;
	v3 =	vunpack.c.l.s4.s8 v3;
	v4 =	vunpack.c.l.s4.s8 v4;
	v5 =	vunpack.c.l.s4.s8 v5;
	[dreg:$0x6] =	wrdreg s20  }
0x7: {  	s26 =	sadd.s32 $0x1EB4C00, s0;
	s0 =	sadd.s32 $0x1FF4C00, s0;
	v6 =	vunpack.c.l.s4.s8 v6;
	v7 =	vunpack.c.l.s4.s8 v7;
	[dreg:$0x7] =	wrdreg s5;
	v0 =	vunpack.c.0.s8.s32 v0  }
0x8: {  	s21 =	ssub.s32 $0x2, s1;
	s1 =	sor.u32 s1, s3;
	[dreg:$0xa] =	wrdreg s0;
	v2 =	vunpack.c.0.s8.s32 v2;
	v3 =	vunpack.c.0.s8.s32 v3;
	v4 =	vunpack.c.0.s8.s32 v4  }
0x9: {  	[dreg:$0x8] =	wrdreg s26;
	s22 =	sshrl.u32 s21, $0x1;
	s23 =	sshll.u32 s1, $0xB;
	v5 =	vunpack.c.0.s8.s32 v5;
	v6 =	vunpack.c.0.s8.s32 v6;
	v7 =	vunpack.c.0.s8.s32 v7  }
0xa: {  	s3 =	smul.u32 $0xA00, s1;
	s24 =	sshll.u32 s1, $0x7;
	v1 =	vunpack.c.0.s8.s32 v1;
	[dreg:$0xb] =	wrdreg s23;
	v2 =	vcombine.low v3, v2  }
0xb: {  	s29 =	simm.s32 $0xA00;
	s2 =	ssub.s32 s21, s22;
	[dreg:$0xc] =	wrdreg s24;
	v3 =	vcombine.low v5, v4;
	v4 =	vcombine.low v7, v6;
	v0 =	vand.u32 $0xF, v0  }
0xc: {  	s30 =	simm.s32 $0xA80;
	[dreg:$0x9] =	wrdreg s3;
	s25 =	smax.u32 s2, $0x1;
	v0 =	vcombine.low v0, v1  }
0xd: {  	s31 =	simm.s32 $0xB00;
	s2 =	simm.s32 $0x0;
	[dreg:$0xd] =	wrdreg s25;
	v1 =	vand.u32 $0xF, v2;
	v2 =	vand.u32 $0xF, v3;
	v3 =	vand.u32 $0xF, v4  }
.LBB2_1:
0xe: {  	[dreg:$0xe] =	wrdreg s2  }
0xf: {  	s0 =	rddreg [dreg:$0x1];
	s24 =	simm.s32 $0x4  }
0x10: {  	[tilespmem:s4], [sflag:$0x4] =	stream.linear.gather [hbm4b:s0+s4], $0x500, $0x38;
	[tilespmem:$0x17E00] =	vst v63  }
0x11: {  	_ =	swait.ge [sflag:s24], $0x500  }
0x12: {  	[sflag:s24] =	ssyncset.done $0x0  }
0x13: {  	[sflag:s24] =	ssyncadd.s32 $0xFFFFFB00  }
0x14: {  	s1 =	simm.s32 $0x500;
	s25 =	rddreg [dreg:$0x2]  }
0x15: {  	[tilespmem:s1], [sflag:$0x4] =	stream.linear.gather [hbm4b:s25+s4], $0x500, $0x38;
	[tilespmem:$0x17E00] =	vst v63  }
0x16: {  	_ =	swait.ge [sflag:s24], $0x500  }
0x17: {  	[sflag:s24] =	ssyncset.done $0x0  }
0x18: {  	s23 =	simm.s32 $0x0;
	[sflag:s24] =	ssyncadd.s32 $0xFFFFFB00  }
.LBB2_2:
0x19: {  	p0 =	seq.s32 s23, $0x0  }
0x1a: {  	s0 =	simm.s32 @!p0 $0x3  }
0x1b: {  	_ =	swait.ge @!p0 [sflag:s0], $0x5000  }
0x1c: {  	[sflag:s0] =	ssyncset.done @!p0 $0x0  }
0x1d: {  	[sflag:s0] =	ssyncadd.s32 @!p0 $0xFFFFB000  }
0x1e: {  	_ =	swait.ge @!p0 [sflag:s0], $0x5000  }
0x1f: {  	[sflag:s0] =	ssyncset.done @!p0 $0x0  }
0x20: {  	s1 =	sshll.u32 s23, $0x7;
	s2 =	rddreg [dreg:$0xb];
	[sflag:s0] =	ssyncadd.s32 @!p0 $0xFFFFB000  }
0x21: {  	s1 =	sadd.s32 s2, s1;
	s12 =	rddreg [dreg:$0x3]  }
0x22: {  	s13 =	simm.s32 $0x80;
	s2 =	sadd.s32 s12, s1  }
0x23: {  	[tilespmem:s29], [sflag:$0x2] =	stream.strided.gather [hbm4b:s2+s13], $0x0, s28, s13, $0x38;
	[tilespmem:$0x17E00] =	vst v63  }
0x24: {  	s0 =	simm.s32 $0x0;
	s20 =	sor.u32 $0x10, s1  }
0x25: {  	[tilespmem:s29], [sflag:$0x2] =	stream.linear.gather [hbm4b:s2+s0], $0x14, $0x38;
	[tilespmem:$0x17E00] =	vst v63  }
0x26: {  	s3 =	sadd.s32 s12, s20  }
0x27: {  	[tilespmem:s30], [sflag:$0x2] =	stream.strided.gather [hbm4b:s3+s13], $0x0, s28, s13, $0x38;
	[tilespmem:$0x17E00] =	vst v63  }
0x28: {  	s21 =	sor.u32 $0x20, s1  }
0x29: {  	[tilespmem:s30], [sflag:$0x2] =	stream.linear.gather [hbm4b:s3+s0], $0x14, $0x38;
	[tilespmem:$0x17E00] =	vst v63  }
0x2a: {  	s5 =	sadd.s32 s12, s21  }
0x2b: {  	[tilespmem:s31], [sflag:$0x2] =	stream.strided.gather [hbm4b:s5+s13], $0x0, s28, s13, $0x38;
	[tilespmem:$0x17E00] =	vst v63  }
0x2c: {  	_ = 	snop  }
0x2d: {  	[tilespmem:s31], [sflag:$0x2] =	stream.linear.gather [hbm4b:s5+s0], $0x14, $0x38;
	[tilespmem:$0x17E00] =	vst v63  }
0x2e: {  	s5 =	sor.u32 $0x30, s1  }
0x2f: {  	s9 =	simm.s32 $0xB80;
	s8 =	sadd.s32 s12, s5  }
0x30: {  	[tilespmem:s9], [sflag:$0x2] =	stream.strided.gather [hbm4b:s8+s13], $0x0, s28, s13, $0x38;
	[tilespmem:$0x17E00] =	vst v63  }
0x31: {  	_ = 	snop  }
0x32: {  	[tilespmem:s9], [sflag:$0x2] =	stream.linear.gather [hbm4b:s8+s0], $0x14, $0x38;
	[tilespmem:$0x17E00] =	vst v63  }
0x33: {  	s8 =	sor.u32 $0x40, s1  }
0x34: {  	s10 =	simm.s32 $0xC00;
	s22 =	sadd.s32 s12, s8  }
0x35: {  	[tilespmem:s10], [sflag:$0x2] =	stream.strided.gather [hbm4b:s22+s13], $0x0, s28, s13, $0x38;
	[tilespmem:$0x17E00] =	vst v63  }
0x36: {  	s9 =	sor.u32 $0x50, s1  }
0x37: {  	[tilespmem:s10], [sflag:$0x2] =	stream.linear.gather [hbm4b:s22+s0], $0x14, $0x38;
	[tilespmem:$0x17E00] =	vst v63  }
0x38: {  	s11 =	simm.s32 $0xC80;
	s24 =	sadd.s32 s12, s9  }
0x39: {  	[tilespmem:s11], [sflag:$0x2] =	stream.strided.gather [hbm4b:s24+s13], $0x0, s28, s13, $0x38;
	[tilespmem:$0x17E00] =	vst v63  }
0x3a: {  	s10 =	sor.u32 $0x60, s1  }
0x3b: {  	[tilespmem:s11], [sflag:$0x2] =	stream.linear.gather [hbm4b:s24+s0], $0x14, $0x38;
	[tilespmem:$0x17E00] =	vst v63  }
0x3c: {  	s14 =	simm.s32 $0xD00;
	s25 =	sadd.s32 s12, s10  }
0x3d: {  	[tilespmem:s14], [sflag:$0x2] =	stream.strided.gather [hbm4b:s25+s13], $0x0, s28, s13, $0x38;
	[tilespmem:$0x17E00] =	vst v63  }
0x3e: {  	s15 =	sor.u32 $0x70, s1  }
0x3f: {  	[tilespmem:s14], [sflag:$0x2] =	stream.linear.gather [hbm4b:s25+s0], $0x14, $0x38;
	[tilespmem:$0x17E00] =	vst v63  }
0x40: {  	s16 =	simm.s32 $0xD80;
	s12 =	sadd.s32 s12, s15  }
0x41: {  	[tilespmem:s16], [sflag:$0x2] =	stream.strided.gather [hbm4b:s12+s13], $0x0, s28, s13, $0x38;
	[tilespmem:$0x17E00] =	vst v63  }
0x42: {  	s17 =	rddreg [dreg:$0x5]  }
0x43: {  	[tilespmem:s16], [sflag:$0x2] =	stream.linear.gather [hbm4b:s12+s0], $0x14, $0x38;
	[tilespmem:$0x17E00] =	vst v63  }
0x44: {  	s18 =	simm.s32 $0xE00;
	s1 =	sadd.s32 s17, s1  }
0x45: {  	[tilespmem:s18], [sflag:$0x2] =	stream.strided.gather [hbm4b:s1+s13], $0x0, s28, s13, $0x38;
	[tilespmem:$0x17E00] =	vst v63  }
0x46: {  	_ = 	snop  }
0x47: {  	[tilespmem:s18], [sflag:$0x2] =	stream.linear.gather [hbm4b:s1+s0], $0x14, $0x38;
	[tilespmem:$0x17E00] =	vst v63  }
0x48: {  	s19 =	sadd.s32 s17, s20;
	s20 =	simm.s32 $0xE80  }
0x49: {  	[tilespmem:s20], [sflag:$0x2] =	stream.strided.gather [hbm4b:s19+s13], $0x0, s28, s13, $0x38;
	[tilespmem:$0x17E00] =	vst v63  }
0x4a: {  	_ = 	snop  }
0x4b: {  	[tilespmem:s20], [sflag:$0x2] =	stream.linear.gather [hbm4b:s19+s0], $0x14, $0x38;
	[tilespmem:$0x17E00] =	vst v63  }
0x4c: {  	s21 =	sadd.s32 s17, s21;
	s22 =	simm.s32 $0xF00  }
0x4d: {  	[tilespmem:s22], [sflag:$0x2] =	stream.strided.gather [hbm4b:s21+s13], $0x0, s28, s13, $0x38;
	[tilespmem:$0x17E00] =	vst v63  }
0x4e: {  	_ = 	snop  }
0x4f: {  	[tilespmem:s22], [sflag:$0x2] =	stream.linear.gather [hbm4b:s21+s0], $0x14, $0x38;
	[tilespmem:$0x17E00] =	vst v63  }
0x50: {  	s24 =	sadd.s32 s17, s5;
	s25 =	simm.s32 $0xF80  }
0x51: {  	[tilespmem:s25], [sflag:$0x2] =	stream.strided.gather [hbm4b:s24+s13], $0x0, s28, s13, $0x38;
	[tilespmem:$0x17E00] =	vst v63  }
0x52: {  	_ = 	snop  }
0x53: {  	[tilespmem:s25], [sflag:$0x2] =	stream.linear.gather [hbm4b:s24+s0], $0x14, $0x38;
	[tilespmem:$0x17E00] =	vst v63  }
0x54: {  	s3 =	sadd.s32 s17, s8;
	s5 =	simm.s32 $0x1000  }
0x55: {  	[tilespmem:s5], [sflag:$0x2] =	stream.strided.gather [hbm4b:s3+s13], $0x0, s28, s13, $0x38;
	[tilespmem:$0x17E00] =	vst v63  }
0x56: {  	_ = 	snop  }
0x57: {  	[tilespmem:s5], [sflag:$0x2] =	stream.linear.gather [hbm4b:s3+s0], $0x14, $0x38;
	[tilespmem:$0x17E00] =	vst v63  }
0x58: {  	s8 =	sadd.s32 s17, s9;
	s9 =	simm.s32 $0x1080  }
0x59: {  	[tilespmem:s9], [sflag:$0x2] =	stream.strided.gather [hbm4b:s8+s13], $0x0, s28, s13, $0x38;
	[tilespmem:$0x17E00] =	vst v63  }
0x5a: {  	_ = 	snop  }
0x5b: {  	[tilespmem:s9], [sflag:$0x2] =	stream.linear.gather [hbm4b:s8+s0], $0x14, $0x38;
	[tilespmem:$0x17E00] =	vst v63  }
0x5c: {  	s10 =	sadd.s32 s17, s10;
	s14 =	simm.s32 $0x1100  }
0x5d: {  	[tilespmem:s14], [sflag:$0x2] =	stream.strided.gather [hbm4b:s10+s13], $0x0, s28, s13, $0x38;
	[tilespmem:$0x17E00] =	vst v63  }
0x5e: {  	_ = 	snop  }
0x5f: {  	[tilespmem:s14], [sflag:$0x2] =	stream.linear.gather [hbm4b:s10+s0], $0x14, $0x38;
	[tilespmem:$0x17E00] =	vst v63  }
0x60: {  	s15 =	sadd.s32 s17, s15;
	s16 =	simm.s32 $0x1180  }
0x61: {  	[tilespmem:s16], [sflag:$0x2] =	stream.strided.gather [hbm4b:s15+s13], $0x0, s28, s13, $0x38;
	[tilespmem:$0x17E00] =	vst v63  }
0x62: {  	s17 =	simm.s32 $0x2  }
0x63: {  	[tilespmem:s16], [sflag:$0x2] =	stream.linear.gather [hbm4b:s15+s0], $0x14, $0x38;
	[tilespmem:$0x17E00] =	vst v63  }
0x64: {  	_ =	swait.ge [sflag:s17], $0x140  }
0x65: {  	[sflag:s17] =	ssyncset.done $0x0  }
0x66: {  	s18 =	simm.s32 $0xA10;
	[sflag:s17] =	ssyncadd.s32 $0xFFFFFEC0  }
0x67: {  	v4 =	vld [tilespmem:s18+$0xFFFFFFF0];
	_ =	sdelay $0x4  }
0x68: {  	v5 =	vshll.u32 v4, $0x4  }
0x69: {  	(v2sf) =	vpush v5, $0x2  }
0x6a: {  	(v2sf) =	vpush v5, $0x0  }
0x6b: {  	(v2sf) =	vpush v5, $0x1;
	_ =	sdelay $0x4  }
0x6c: {  	(v2sf) =	vpush v5, $0x3  }
0x6d: {  	(v2sf) =	vpush v5, $0x4;
	_ =	sdelay $0x3  }
0x6e: {  	(v2sf) =	vpush v5, $0x5;
	_ =	sdelay $0x1  }
0x6f: {  	(v2sf) =	vpush v5, $0x6  }
0x70: {  	s24 =	spop (v2sf)  }
0x71: {  	s19 =	smul.u32 $0xA0, s23;
	s25 =	spop (v2sf)  }
0x72: {  	s21 =	simm.s32 $0x1200;
	s16 =	sand.u32 $0x1FFFFFF0, s25;
	s17 =	spop (v2sf)  }
0x73: {  	s22 =	simm.s32 $0x1280;
	v4 =	vld [tilespmem:s18+$0x0];
	s16 =	sadd.s32 s6, s16;
	s18 =	sand.u32 $0x1FFFFFF0, s17  }
0x74: {  	[tilespmem:s21], [sflag:$0x1] =	stream.linear.gather [hbm4b:s16+s0], $0x80, $0x38;
	[tilespmem:$0x17E00] =	vst v63  }
0x75: {  	s9 =	simm.s32 $0x1300;
	s20 =	rddreg [dreg:$0x9];
	(v2sf) =	vpush v5, $0x7;
	s21 =	sadd.s32 s6, s18  }
0x76: {  	[tilespmem:s22], [sflag:$0x1] =	stream.linear.gather [hbm4b:s21+s0], $0x80, $0x38;
	[tilespmem:$0x17E00] =	vst v63  }
0x77: {  	s13 =	sadd.s32 s20, s19;
	(v2sf) =	vpush v5, $0x8;
	s22 =	sand.u32 $0x1FFFFFF0, s24;
	s24 =	spop (v2sf)  }
0x78: {  	s11 =	sand.u32 $0x1FFFFFF0, s24;
	s25 =	spop (v2sf);
	s8 =	sadd.s32 s6, s22  }
0x79: {  	[tilespmem:s9], [sflag:$0x1] =	stream.linear.gather [hbm4b:s8+s0], $0x80, $0x38;
	[tilespmem:$0x17E00] =	vst v63  }
0x7a: {  	s20 =	simm.s32 $0x1380;
	s16 =	sand.u32 $0x1FFFFFF0, s25;
	s11 =	sadd.s32 s6, s11  }
0x7b: {  	[tilespmem:s20], [sflag:$0x1] =	stream.linear.gather [hbm4b:s11+s0], $0x80, $0x38;
	[tilespmem:$0x17E00] =	vst v63  }
0x7c: {  	s19 =	simm.s32 $0x1400;
	(v2sf) =	vpush v5, $0x9;
	s18 =	spop (v2sf);
	s9 =	sadd.s32 s6, s16  }
0x7d: {  	(v2sf) =	vpush v5, $0xA;
	[tilespmem:s19], [sflag:$0x1] =	stream.linear.gather [hbm4b:s9+s0], $0x80, $0x38;
	[tilespmem:$0x17E00] =	vst v63  }
0x7e: {  	s19 =	spop (v2sf);
	(v2sf) =	vpush v5, $0xB;
	_ =	sdelay $0x2  }
0x7f: {  	s2 =	simm.s32 $0x2800;
	s12 =	simm.s32 $0x1580  }
0x80: {  	s1 =	simm.s32 $0x0;
	s3 =	simm.s32 $0xA90;
	s5 =	simm.s32 $0x1A80;
	(v2sf) =	vpush v5, $0xC  }
0x81: {  	s14 =	simm.s32 $0x1500;
	s10 =	simm.s32 $0x1600;
	s11 =	sand.u32 $0x1FFFFFF0, s18  }
0x82: {  	s15 =	simm.s32 $0x1480;
	s11 =	sadd.s32 s6, s11;
	s20 =	spop (v2sf);
	(v2sf) =	vpush v5, $0xD  }
0x83: {  	[tilespmem:s15], [sflag:$0x1] =	stream.linear.gather [hbm4b:s11+s0], $0x80, $0x38;
	[tilespmem:$0x17E00] =	vst v63  }
0x84: {  	s8 =	simm.s32 $0x1A00;
	s16 =	sand.u32 $0x1FFFFFF0, s19;
	s22 =	spop (v2sf);
	(v2sf) =	vpush v5, $0xE  }
0x85: {  	s9 =	simm.s32 $0x1980;
	s21 =	sand.u32 $0x1FFFFFF0, s20;
	s16 =	sadd.s32 s6, s16  }
0x86: {  	[tilespmem:s14], [sflag:$0x1] =	stream.linear.gather [hbm4b:s16+s0], $0x80, $0x38;
	(v2sf) =	vpush v5, $0xF;
	[tilespmem:$0x17E00] =	vst v63  }
0x87: {  	v4 =	vshll.u32 v4, $0x4;
	s11 =	sadd.s32 s6, s21;
	s14 =	simm.s32 $0x1800;
	s24 =	sand.u32 $0x1FFFFFF0, s22  }
0x88: {  	[tilespmem:s12], [sflag:$0x1] =	stream.linear.gather [hbm4b:s11+s0], $0x80, $0x38;
	(v2sf) =	vpush v4, $0x0;
	[tilespmem:$0x17E00] =	vst v63  }
0x89: {  	s25 =	spop (v2sf);
	s11 =	simm.s32 $0x1900;
	s16 =	sadd.s32 s6, s24  }
0x8a: {  	s15 =	sand.u32 $0x1FFFFFF0, s25;
	s12 =	simm.s32 $0x1880;
	s17 =	spop (v2sf);
	(v2sf) =	vpush v4, $0x1  }
.LBB2_3:
0x8b: {  	s18 =	sadd.s32 $0x1680, s1;
	s19 =	sadd.s32 $0x1780, s1;
	s20 =	spop (v2sf)  }
0x8c: {  	[tilespmem:s10], [sflag:$0x1] =	stream.linear.gather [hbm4b:s16+s0], $0x80, $0x38;
	(v2sf) =	vpush v4, $0x2;
	[tilespmem:$0x17E00] =	vst v63  }
0x8d: {  	s10 =	sadd.s32 s6, s15;
	s15 =	sand.u32 $0x1FFFFFF0, s17;
	s16 =	sand.u32 $0x1FFFFFF0, s20  }
0x8e: {  	[tilespmem:s18], [sflag:$0x1] =	stream.linear.gather [hbm4b:s10+s0], $0x80, $0x38;
	(v2sf) =	vpush v4, $0x3;
	[tilespmem:$0x17E00] =	vst v63  }
0x8f: {  	s15 =	sadd.s32 s6, s15;
	s10 =	sadd.s32 $0x1700, s1;
	s17 =	spop (v2sf)  }
0x90: {  	[tilespmem:s10], [sflag:$0x1] =	stream.linear.gather [hbm4b:s15+s0], $0x80, $0x38;
	[tilespmem:$0x17E00] =	vst v63  }
0x91: {  	s10 =	sadd.s32 s6, s16;
	s15 =	sand.u32 $0x1FFFFFF0, s17;
	s16 =	spop (v2sf)  }
0x92: {  	[tilespmem:s19], [sflag:$0x1] =	stream.linear.gather [hbm4b:s10+s0], $0x80, $0x38;
	[tilespmem:$0x17E00] =	vst v63  }
0x93: {  	s10 =	sadd.s32 s6, s15;
	s15 =	sand.u32 $0x1FFFFFF0, s16;
	s16 =	spop (v2sf)  }
0x94: {  	[tilespmem:s14], [sflag:$0x1] =	stream.linear.gather [hbm4b:s10+s0], $0x80, $0x38;
	[tilespmem:$0x17E00] =	vst v63  }
0x95: {  	s10 =	sadd.s32 s6, s15;
	s14 =	sand.u32 $0x1FFFFFF0, s16;
	s15 =	spop (v2sf)  }
0x96: {  	[tilespmem:s12], [sflag:$0x1] =	stream.linear.gather [hbm4b:s10+s0], $0x80, $0x38;
	[tilespmem:$0x17E00] =	vst v63  }
0x97: {  	s10 =	sadd.s32 s6, s14;
	s12 =	sand.u32 $0x1FFFFFF0, s15;
	s14 =	spop (v2sf)  }
0x98: {  	[tilespmem:s11], [sflag:$0x1] =	stream.linear.gather [hbm4b:s10+s0], $0x80, $0x38;
	[tilespmem:$0x17E00] =	vst v63  }
0x99: {  	s10 =	sadd.s32 s6, s12;
	s11 =	sand.u32 $0x1FFFFFF0, s14;
	s12 =	spop (v2sf)  }
0x9a: {  	[tilespmem:s9], [sflag:$0x1] =	stream.linear.gather [hbm4b:s10+s0], $0x80, $0x38;
	[tilespmem:$0x17E00] =	vst v63  }
0x9b: {  	s9 =	sadd.s32 s6, s11;
	s10 =	sand.u32 $0x1FFFFFF0, s12;
	s11 =	spop (v2sf)  }
0x9c: {  	[tilespmem:s8], [sflag:$0x1] =	stream.linear.gather [hbm4b:s9+s0], $0x80, $0x38;
	[tilespmem:$0x17E00] =	vst v63  }
0x9d: {  	s8 =	sadd.s32 s6, s10;
	s9 =	sand.u32 $0x1FFFFFF0, s11;
	s10 =	spop (v2sf)  }
0x9e: {  	[tilespmem:s5], [sflag:$0x1] =	stream.linear.gather [hbm4b:s8+s0], $0x80, $0x38;
	[tilespmem:$0x17E00] =	vst v63  }
0x9f: {  	s5 =	sadd.s32 $0x1B00, s1;
	s8 =	sadd.s32 s6, s9;
	s9 =	sand.u32 $0x1FFFFFF0, s10  }
0xa0: {  	[tilespmem:s5], [sflag:$0x1] =	stream.linear.gather [hbm4b:s8+s0], $0x80, $0x38;
	[tilespmem:$0x17E00] =	vst v63  }
0xa1: {  	p0 =	sne.s32 s2, $0x11800;
	s1 =	sadd.s32 $0x1B80, s1;
	s5 =	sadd.s32 s6, s9  }
0xa2: {  	[tilespmem:s1], [sflag:$0x1] =	stream.linear.gather [hbm4b:s5+s0], $0x80, $0x38;
	[tilespmem:$0x17E00] =	vst v63  }
0xa3: {  	s1 =	smov.u32 s2;
	s2 =	sadd.s32 $0x2800, s2;
	v4 =	vld [tilespmem:s3+$0xFFFFFFF0]  }
0xa4: {  	s1 =	sshra.s32 s1, $0x2  }
0xa5: {  	v5 =	vld [tilespmem:s3+$0x0]  }
0xa6: {  	s19 =	sadd.s32 $0x1200, s1;
	s18 =	sadd.s32 $0x1280, s1;
	_ =	sdelay $0x1  }
0xa7: {  	s16 =	sadd.s32 $0x1300, s1;
	v6 =	vshll.u32 v4, $0x4  }
0xa8: {  	s12 =	sadd.s32 $0x1580, s1;
	(v2sf) =	vpush v6, $0x2  }
0xa9: {  	v4 =	vshll.u32 v5, $0x4;
	(v2sf) =	vpush v6, $0x0  }
0xaa: {  	s14 =	sadd.s32 $0x1500, s1;
	(v2sf) =	vpush v6, $0x1  }
0xab: {  	s15 =	sadd.s32 $0x1480, s1;
	s10 =	sadd.s32 $0x1600, s1;
	(v2sf) =	vpush v6, $0x3  }
0xac: {  	s17 =	sadd.s32 $0x1400, s1  }
0xad: {  	s20 =	sadd.s32 $0x1380, s1;
	(v2sf) =	vpush v6, $0x4;
	_ =	sdelay $0x1  }
0xae: {  	(v2sf) =	vpush v6, $0x5;
	_ =	sdelay $0x1  }
0xaf: {  	(v2sf) =	vpush v6, $0x6;
	_ =	sdelay $0x1  }
0xb0: {  	(v2sf) =	vpush v6, $0x7;
	_ =	sdelay $0x1  }
0xb1: {  	(v2sf) =	vpush v6, $0x8  }
0xb2: {  	s3 =	sadd.s32 $0x80, s3  }
0xb3: {  	s8 =	sadd.s32 $0x1A00, s1;
	s5 =	sadd.s32 $0x1A80, s1;
	s9 =	spop (v2sf);
	(v2sf) =	vpush v6, $0x9  }
0xb4: {  	s21 =	sand.u32 $0x1FFFFFF0, s9;
	s9 =	sadd.s32 $0x1980, s1;
	s11 =	spop (v2sf)  }
0xb5: {  	s22 =	sand.u32 $0x1FFFFFF0, s11;
	s11 =	sadd.s32 $0x1900, s1;
	s24 =	spop (v2sf)  }
0xb6: {  	s22 =	sadd.s32 s6, s22;
	s24 =	sand.u32 $0x1FFFFFF0, s24;
	s25 =	spop (v2sf)  }
0xb7: {  	[tilespmem:s19], [sflag:$0x1] =	stream.linear.gather [hbm4b:s22+s0], $0x80, $0x38;
	(v2sf) =	vpush v6, $0xA;
	[tilespmem:$0x17E00] =	vst v63  }
0xb8: {  	s19 =	sadd.s32 s6, s24;
	s22 =	sand.u32 $0x1FFFFFF0, s25;
	s24 =	spop (v2sf);
	(v2sf) =	vpush v6, $0xB  }
0xb9: {  	[tilespmem:s18], [sflag:$0x1] =	stream.linear.gather [hbm4b:s19+s0], $0x80, $0x38;
	[tilespmem:$0x17E00] =	vst v63  }
0xba: {  	s18 =	sadd.s32 s6, s21;
	s19 =	sand.u32 $0x1FFFFFF0, s24;
	s21 =	spop (v2sf)  }
0xbb: {  	[tilespmem:s16], [sflag:$0x1] =	stream.linear.gather [hbm4b:s18+s0], $0x80, $0x38;
	[tilespmem:$0x17E00] =	vst v63  }
0xbc: {  	s16 =	sadd.s32 s6, s22;
	s18 =	sand.u32 $0x1FFFFFF0, s21;
	s21 =	spop (v2sf);
	(v2sf) =	vpush v6, $0xC  }
0xbd: {  	[tilespmem:s20], [sflag:$0x1] =	stream.linear.gather [hbm4b:s16+s0], $0x80, $0x38;
	[tilespmem:$0x17E00] =	vst v63  }
0xbe: {  	s16 =	sadd.s32 s6, s19;
	s19 =	sand.u32 $0x1FFFFFF0, s21;
	s20 =	spop (v2sf);
	(v2sf) =	vpush v6, $0xD  }
0xbf: {  	[tilespmem:s17], [sflag:$0x1] =	stream.linear.gather [hbm4b:s16+s0], $0x80, $0x38;
	[tilespmem:$0x17E00] =	vst v63  }
0xc0: {  	s16 =	sadd.s32 s6, s18;
	s17 =	sand.u32 $0x1FFFFFF0, s20;
	s18 =	spop (v2sf);
	(v2sf) =	vpush v6, $0xE  }
0xc1: {  	[tilespmem:s15], [sflag:$0x1] =	stream.linear.gather [hbm4b:s16+s0], $0x80, $0x38;
	[tilespmem:$0x17E00] =	vst v63  }
0xc2: {  	s15 =	sadd.s32 s6, s19  }
.Ltmp0:
0xc3: {  	s16 =	sand.u32 $0x1FFFFFF0, s18;
	s18 =	spop (v2sf);
	(v2sf) =	vpush v6, $0xF;
	(pc) =	sbr.rel @p0 .LBB2_3-.Ltmp0, $4  }
0xc4: {  	[tilespmem:s14], [sflag:$0x1] =	stream.linear.gather [hbm4b:s15+s0], $0x80, $0x38;
	[tilespmem:$0x17E00] =	vst v63  }
0xc5: {  	s16 =	sadd.s32 s6, s16;
	s14 =	sadd.s32 s6, s17;
	s15 =	sand.u32 $0x1FFFFFF0, s18;
	(v2sf) =	vpush v4, $0x0  }
0xc6: {  	[tilespmem:s12], [sflag:$0x1] =	stream.linear.gather [hbm4b:s14+s0], $0x80, $0x38;
	[tilespmem:$0x17E00] =	vst v63  }
0xc7: {  	s14 =	sadd.s32 $0x1800, s1;
	s12 =	sadd.s32 $0x1880, s1;
	s17 =	spop (v2sf);
	(v2sf) =	vpush v4, $0x1  }
0xc8: {  	s2 =	sadd.s32 $0x1680, s1;
	s3 =	sadd.s32 $0x1780, s1;
	s18 =	spop (v2sf)  }
0xc9: {  	[tilespmem:s10], [sflag:$0x1] =	stream.linear.gather [hbm4b:s16+s0], $0x80, $0x38;
	(v2sf) =	vpush v4, $0x2;
	[tilespmem:$0x17E00] =	vst v63  }
0xca: {  	s19 =	sadd.s32 s6, s15;
	s20 =	sand.u32 $0x1FFFFFF0, s17;
	s22 =	sadd.s32 $0x1700, s1  }
0xcb: {  	(v2sf) =	vpush v4, $0x3;
	[tilespmem:s2], [sflag:$0x1] =	stream.linear.gather [hbm4b:s19+s0], $0x80, $0x38;
	[tilespmem:$0x17E00] =	vst v63  }
0xcc: {  	s21 =	sand.u32 $0x1FFFFFF0, s18;
	s24 =	sadd.s32 s6, s20;
	s25 =	spop (v2sf)  }
0xcd: {  	[tilespmem:s22], [sflag:$0x1] =	stream.linear.gather [hbm4b:s24+s0], $0x80, $0x38;
	[tilespmem:$0x17E00] =	vst v63  }
0xce: {  	s16 =	sadd.s32 s6, s21;
	s17 =	sand.u32 $0x1FFFFFF0, s25;
	s18 =	spop (v2sf)  }
0xcf: {  	[tilespmem:s3], [sflag:$0x1] =	stream.linear.gather [hbm4b:s16+s0], $0x80, $0x38;
	[tilespmem:$0x17E00] =	vst v63  }
0xd0: {  	s19 =	sadd.s32 s6, s17;
	s20 =	sand.u32 $0x1FFFFFF0, s18;
	s21 =	spop (v2sf)  }
0xd1: {  	[tilespmem:s14], [sflag:$0x1] =	stream.linear.gather [hbm4b:s19+s0], $0x80, $0x38;
	[tilespmem:$0x17E00] =	vst v63  }
0xd2: {  	s22 =	sadd.s32 s6, s20;
	s24 =	sand.u32 $0x1FFFFFF0, s21;
	s25 =	spop (v2sf)  }
0xd3: {  	[tilespmem:s12], [sflag:$0x1] =	stream.linear.gather [hbm4b:s22+s0], $0x80, $0x38;
	[tilespmem:$0x17E00] =	vst v63  }
0xd4: {  	s3 =	sadd.s32 s6, s24;
	s10 =	sand.u32 $0x1FFFFFF0, s25;
	s12 =	spop (v2sf)  }
0xd5: {  	[tilespmem:s11], [sflag:$0x1] =	stream.linear.gather [hbm4b:s3+s0], $0x80, $0x38;
	[tilespmem:$0x17E00] =	vst v63  }
0xd6: {  	s14 =	sadd.s32 s6, s10;
	s15 =	sand.u32 $0x1FFFFFF0, s12;
	s16 =	spop (v2sf)  }
0xd7: {  	[tilespmem:s9], [sflag:$0x1] =	stream.linear.gather [hbm4b:s14+s0], $0x80, $0x38;
	[tilespmem:$0x17E00] =	vst v63  }
0xd8: {  	s17 =	sadd.s32 s6, s15;
	s18 =	sand.u32 $0x1FFFFFF0, s16;
	s19 =	spop (v2sf)  }
0xd9: {  	[tilespmem:s8], [sflag:$0x1] =	stream.linear.gather [hbm4b:s17+s0], $0x80, $0x38;
	[tilespmem:$0x17E00] =	vst v63  }
0xda: {  	s20 =	sadd.s32 s6, s18;
	s21 =	sand.u32 $0x1FFFFFF0, s19;
	s22 =	spop (v2sf)  }
0xdb: {  	[tilespmem:s5], [sflag:$0x1] =	stream.linear.gather [hbm4b:s20+s0], $0x80, $0x38;
	[tilespmem:$0x17E00] =	vst v63  }
0xdc: {  	s24 =	sadd.s32 $0x1B00, s1;
	s3 =	sadd.s32 s6, s21;
	s25 =	sand.u32 $0x1FFFFFF0, s22  }
0xdd: {  	[tilespmem:s24], [sflag:$0x1] =	stream.linear.gather [hbm4b:s3+s0], $0x80, $0x38;
	[tilespmem:$0x17E00] =	vst v63  }
0xde: {  	s10 =	simm.s32 $0xE10;
	s8 =	sadd.s32 $0x1B80, s1;
	s9 =	sadd.s32 s6, s25  }
0xdf: {  	[tilespmem:s8], [sflag:$0x1] =	stream.linear.gather [hbm4b:s9+s0], $0x80, $0x38;
	[tilespmem:$0x17E00] =	vst v63  }
0xe0: {  	v4 =	vld [tilespmem:s10+$0xFFFFFFF0];
	_ =	sdelay $0x4  }
0xe1: {  	v5 =	vshll.u32 v4, $0x4  }
0xe2: {  	(v2sf) =	vpush v5, $0x2  }
0xe3: {  	(v2sf) =	vpush v5, $0x0  }
0xe4: {  	(v2sf) =	vpush v5, $0x1;
	_ =	sdelay $0x2  }
0xe5: {  	(v2sf) =	vpush v5, $0x3;
	_ =	sdelay $0x1  }
0xe6: {  	(v2sf) =	vpush v5, $0x4;
	_ =	sdelay $0x1  }
0xe7: {  	(v2sf) =	vpush v5, $0x5;
	_ =	sdelay $0x1  }
0xe8: {  	(v2sf) =	vpush v5, $0x6;
	_ =	sdelay $0x3  }
0xe9: {  	s19 =	spop (v2sf)  }
0xea: {  	s11 =	simm.s32 $0x6200;
	s20 =	spop (v2sf)  }
0xeb: {  	s12 =	simm.s32 $0x6300;
	(v2sf) =	vpush v5, $0x7;
	s20 =	sand.u32 $0x1FFFFFF0, s20;
	s21 =	spop (v2sf)  }
0xec: {  	s22 =	simm.s32 $0x6280;
	s24 =	sadd.s32 s7, s20;
	s25 =	sand.u32 $0x1FFFFFF0, s21  }
0xed: {  	v4 =	vld [tilespmem:s10+$0x0];
	(v2sf) =	vpush v5, $0x8;
	[tilespmem:s11], [sflag:$0x1] =	stream.linear.gather [hbm4b:s24+s4], $0x80, $0x38  }
0xee: {  	s19 =	sand.u32 $0x1FFFFFF0, s19;
	s21 =	spop (v2sf);
	s20 =	sadd.s32 s7, s25  }
0xef: {  	(v2sf) =	vpush v5, $0x9;
	[tilespmem:s22], [sflag:$0x1] =	stream.linear.gather [hbm4b:s20+s4], $0x80, $0x38;
	[tilespmem:$0x17E00] =	vst v63  }
0xf0: {  	s19 =	sadd.s32 s7, s19;
	s10 =	sand.u32 $0x1FFFFFF0, s21;
	s22 =	spop (v2sf)  }
0xf1: {  	[tilespmem:s12], [sflag:$0x1] =	stream.linear.gather [hbm4b:s19+s4], $0x80, $0x38;
	[tilespmem:$0x17E00] =	vst v63  }
0xf2: {  	s18 =	simm.s32 $0x6380;
	s10 =	sadd.s32 s7, s10;
	s24 =	spop (v2sf)  }
0xf3: {  	(v2sf) =	vpush v5, $0xA;
	[tilespmem:s18], [sflag:$0x1] =	stream.linear.gather [hbm4b:s10+s4], $0x80, $0x38;
	[tilespmem:$0x17E00] =	vst v63  }
0xf4: {  	s18 =	spop (v2sf);
	(v2sf) =	vpush v5, $0xB  }
0xf5: {  	s2 =	simm.s32 $0xE90;
	s14 =	simm.s32 $0x6580  }
0xf6: {  	s15 =	simm.s32 $0x6500;
	s16 =	simm.s32 $0x6480;
	s1 =	simm.s32 $0x2800  }
0xf7: {  	s17 =	simm.s32 $0x6400;
	s5 =	simm.s32 $0x6A00;
	s3 =	simm.s32 $0x6A80  }
0xf8: {  	s0 =	simm.s32 $0x0;
	s9 =	simm.s32 $0x6600;
	s11 =	sand.u32 $0x1FFFFFF0, s22;
	(v2sf) =	vpush v5, $0xC  }
0xf9: {  	s8 =	simm.s32 $0x6980;
	s25 =	sand.u32 $0x1FFFFFF0, s24;
	s11 =	sadd.s32 s7, s11  }
0xfa: {  	s12 =	simm.s32 $0x6800;
	s10 =	sadd.s32 s7, s25;
	s20 =	spop (v2sf);
	(v2sf) =	vpush v5, $0xD  }
0xfb: {  	[tilespmem:s17], [sflag:$0x1] =	stream.linear.gather [hbm4b:s11+s4], $0x80, $0x38;
	[tilespmem:$0x17E00] =	vst v63  }
0xfc: {  	s19 =	sand.u32 $0x1FFFFFF0, s18;
	s21 =	sand.u32 $0x1FFFFFF0, s20;
	s22 =	spop (v2sf);
	(v2sf) =	vpush v5, $0xE  }
0xfd: {  	[tilespmem:s16], [sflag:$0x1] =	stream.linear.gather [hbm4b:s10+s4], $0x80, $0x38;
	[tilespmem:$0x17E00] =	vst v63  }
0xfe: {  	s11 =	sadd.s32 s7, s19;
	s24 =	sand.u32 $0x1FFFFFF0, s22;
	s25 =	spop (v2sf);
	(v2sf) =	vpush v5, $0xF  }
0xff: {  	v4 =	vshll.u32 v4, $0x4;
	[tilespmem:s15], [sflag:$0x1] =	stream.linear.gather [hbm4b:s11+s4], $0x80, $0x38;
	[tilespmem:$0x17E00] =	vst v63  }
0x100: {  	s10 =	sadd.s32 s7, s21;
	(v2sf) =	vpush v4, $0x0;
	s15 =	sadd.s32 s7, s24;
	s11 =	simm.s32 $0x6880  }
0x101: {  	[tilespmem:s14], [sflag:$0x1] =	stream.linear.gather [hbm4b:s10+s4], $0x80, $0x38;
	[tilespmem:$0x17E00] =	vst v63  }
0x102: {  	(v2sf) =	vpush v4, $0x1;
	s10 =	simm.s32 $0x6900;
	s14 =	sand.u32 $0x1FFFFFF0, s25;
	s16 =	spop (v2sf)  }
.LBB2_5:
0x103: {  	s17 =	sadd.s32 $0x6680, s0;
	s18 =	sadd.s32 $0x6780, s0;
	s19 =	spop (v2sf)  }
0x104: {  	[tilespmem:s9], [sflag:$0x1] =	stream.linear.gather [hbm4b:s15+s4], $0x80, $0x38;
	(v2sf) =	vpush v4, $0x2;
	[tilespmem:$0x17E00] =	vst v63  }
0x105: {  	s9 =	sadd.s32 s7, s14;
	s14 =	sand.u32 $0x1FFFFFF0, s16;
	s15 =	sand.u32 $0x1FFFFFF0, s19  }
0x106: {  	[tilespmem:s17], [sflag:$0x1] =	stream.linear.gather [hbm4b:s9+s4], $0x80, $0x38;
	(v2sf) =	vpush v4, $0x3;
	[tilespmem:$0x17E00] =	vst v63  }
0x107: {  	s14 =	sadd.s32 s7, s14;
	s9 =	sadd.s32 $0x6700, s0;
	s16 =	spop (v2sf)  }
0x108: {  	[tilespmem:s9], [sflag:$0x1] =	stream.linear.gather [hbm4b:s14+s4], $0x80, $0x38;
	[tilespmem:$0x17E00] =	vst v63  }
0x109: {  	s9 =	sadd.s32 s7, s15;
	s14 =	sand.u32 $0x1FFFFFF0, s16;
	s15 =	spop (v2sf)  }
0x10a: {  	[tilespmem:s18], [sflag:$0x1] =	stream.linear.gather [hbm4b:s9+s4], $0x80, $0x38;
	[tilespmem:$0x17E00] =	vst v63  }
0x10b: {  	s9 =	sadd.s32 s7, s14;
	s14 =	sand.u32 $0x1FFFFFF0, s15;
	s15 =	spop (v2sf)  }
0x10c: {  	[tilespmem:s12], [sflag:$0x1] =	stream.linear.gather [hbm4b:s9+s4], $0x80, $0x38;
	[tilespmem:$0x17E00] =	vst v63  }
0x10d: {  	s9 =	sadd.s32 s7, s14;
	s12 =	sand.u32 $0x1FFFFFF0, s15;
	s14 =	spop (v2sf)  }
0x10e: {  	[tilespmem:s11], [sflag:$0x1] =	stream.linear.gather [hbm4b:s9+s4], $0x80, $0x38;
	[tilespmem:$0x17E00] =	vst v63  }
0x10f: {  	s9 =	sadd.s32 s7, s12;
	s11 =	sand.u32 $0x1FFFFFF0, s14;
	s12 =	spop (v2sf)  }
0x110: {  	[tilespmem:s10], [sflag:$0x1] =	stream.linear.gather [hbm4b:s9+s4], $0x80, $0x38;
	[tilespmem:$0x17E00] =	vst v63  }
0x111: {  	s9 =	sadd.s32 s7, s11;
	s10 =	sand.u32 $0x1FFFFFF0, s12;
	s11 =	spop (v2sf)  }
0x112: {  	[tilespmem:s8], [sflag:$0x1] =	stream.linear.gather [hbm4b:s9+s4], $0x80, $0x38;
	[tilespmem:$0x17E00] =	vst v63  }
0x113: {  	s8 =	sadd.s32 s7, s10;
	s9 =	sand.u32 $0x1FFFFFF0, s11;
	s10 =	spop (v2sf)  }
0x114: {  	[tilespmem:s5], [sflag:$0x1] =	stream.linear.gather [hbm4b:s8+s4], $0x80, $0x38;
	[tilespmem:$0x17E00] =	vst v63  }
0x115: {  	s5 =	sadd.s32 s7, s9;
	s8 =	sand.u32 $0x1FFFFFF0, s10;
	s9 =	spop (v2sf)  }
0x116: {  	[tilespmem:s3], [sflag:$0x1] =	stream.linear.gather [hbm4b:s5+s4], $0x80, $0x38;
	[tilespmem:$0x17E00] =	vst v63  }
0x117: {  	s3 =	sadd.s32 $0x6B00, s0;
	s5 =	sadd.s32 s7, s8;
	s8 =	sand.u32 $0x1FFFFFF0, s9  }
0x118: {  	[tilespmem:s3], [sflag:$0x1] =	stream.linear.gather [hbm4b:s5+s4], $0x80, $0x38;
	[tilespmem:$0x17E00] =	vst v63  }
0x119: {  	p0 =	sne.s32 s1, $0x11800;
	s0 =	sadd.s32 $0x6B80, s0;
	s3 =	sadd.s32 s7, s8  }
0x11a: {  	[tilespmem:s0], [sflag:$0x1] =	stream.linear.gather [hbm4b:s3+s4], $0x80, $0x38;
	[tilespmem:$0x17E00] =	vst v63  }
0x11b: {  	s0 =	smov.u32 s1;
	s1 =	sadd.s32 $0x2800, s1;
	v4 =	vld [tilespmem:s2+$0xFFFFFFF0]  }
0x11c: {  	s0 =	sshra.s32 s0, $0x2  }
0x11d: {  	v5 =	vld [tilespmem:s2+$0x0]  }
0x11e: {  	s18 =	sadd.s32 $0x6200, s0;
	s17 =	sadd.s32 $0x6280, s0;
	_ =	sdelay $0x1  }
0x11f: {  	s15 =	sadd.s32 $0x6300, s0;
	v6 =	vshll.u32 v4, $0x4  }
0x120: {  	s11 =	sadd.s32 $0x6580, s0;
	(v2sf) =	vpush v6, $0x2  }
0x121: {  	v4 =	vshll.u32 v5, $0x4;
	(v2sf) =	vpush v6, $0x0  }
0x122: {  	s12 =	sadd.s32 $0x6500, s0;
	(v2sf) =	vpush v6, $0x1  }
0x123: {  	s14 =	sadd.s32 $0x6480, s0;
	s9 =	sadd.s32 $0x6600, s0;
	(v2sf) =	vpush v6, $0x3  }
0x124: {  	s16 =	sadd.s32 $0x6400, s0  }
0x125: {  	s19 =	sadd.s32 $0x6380, s0;
	(v2sf) =	vpush v6, $0x4;
	_ =	sdelay $0x1  }
0x126: {  	(v2sf) =	vpush v6, $0x5;
	_ =	sdelay $0x1  }
0x127: {  	(v2sf) =	vpush v6, $0x6;
	_ =	sdelay $0x1  }
0x128: {  	(v2sf) =	vpush v6, $0x7;
	_ =	sdelay $0x1  }
0x129: {  	(v2sf) =	vpush v6, $0x8  }
0x12a: {  	s2 =	sadd.s32 $0x80, s2  }
0x12b: {  	s5 =	sadd.s32 $0x6A00, s0;
	s3 =	sadd.s32 $0x6A80, s0;
	s8 =	spop (v2sf);
	(v2sf) =	vpush v6, $0x9  }
0x12c: {  	s20 =	sand.u32 $0x1FFFFFF0, s8;
	s8 =	sadd.s32 $0x6980, s0;
	s10 =	spop (v2sf)  }
0x12d: {  	s21 =	sand.u32 $0x1FFFFFF0, s10;
	s10 =	sadd.s32 $0x6900, s0;
	s22 =	spop (v2sf)  }
0x12e: {  	s21 =	sadd.s32 s7, s21;
	s22 =	sand.u32 $0x1FFFFFF0, s22;
	s24 =	spop (v2sf)  }
0x12f: {  	[tilespmem:s18], [sflag:$0x1] =	stream.linear.gather [hbm4b:s21+s4], $0x80, $0x38;
	(v2sf) =	vpush v6, $0xA;
	[tilespmem:$0x17E00] =	vst v63  }
0x130: {  	s18 =	sadd.s32 s7, s22;
	s21 =	sand.u32 $0x1FFFFFF0, s24;
	s22 =	spop (v2sf);
	(v2sf) =	vpush v6, $0xB  }
0x131: {  	[tilespmem:s17], [sflag:$0x1] =	stream.linear.gather [hbm4b:s18+s4], $0x80, $0x38;
	[tilespmem:$0x17E00] =	vst v63  }
0x132: {  	s17 =	sadd.s32 s7, s20;
	s18 =	sand.u32 $0x1FFFFFF0, s22;
	s20 =	spop (v2sf)  }
0x133: {  	[tilespmem:s15], [sflag:$0x1] =	stream.linear.gather [hbm4b:s17+s4], $0x80, $0x38;
	[tilespmem:$0x17E00] =	vst v63  }
0x134: {  	s15 =	sadd.s32 s7, s21;
	s17 =	sand.u32 $0x1FFFFFF0, s20;
	s20 =	spop (v2sf);
	(v2sf) =	vpush v6, $0xC  }
0x135: {  	[tilespmem:s19], [sflag:$0x1] =	stream.linear.gather [hbm4b:s15+s4], $0x80, $0x38;
	[tilespmem:$0x17E00] =	vst v63  }
0x136: {  	s15 =	sadd.s32 s7, s18;
	s18 =	sand.u32 $0x1FFFFFF0, s20;
	s19 =	spop (v2sf);
	(v2sf) =	vpush v6, $0xD  }
0x137: {  	[tilespmem:s16], [sflag:$0x1] =	stream.linear.gather [hbm4b:s15+s4], $0x80, $0x38;
	[tilespmem:$0x17E00] =	vst v63  }
0x138: {  	s15 =	sadd.s32 s7, s17;
	s16 =	sand.u32 $0x1FFFFFF0, s19;
	s17 =	spop (v2sf);
	(v2sf) =	vpush v6, $0xE  }
0x139: {  	[tilespmem:s14], [sflag:$0x1] =	stream.linear.gather [hbm4b:s15+s4], $0x80, $0x38;
	[tilespmem:$0x17E00] =	vst v63  }
0x13a: {  	s14 =	sadd.s32 s7, s18  }
.Ltmp1:
0x13b: {  	s15 =	sand.u32 $0x1FFFFFF0, s17;
	s17 =	spop (v2sf);
	(v2sf) =	vpush v6, $0xF;
	(pc) =	sbr.rel @p0 .LBB2_5-.Ltmp1, $4  }
0x13c: {  	[tilespmem:s12], [sflag:$0x1] =	stream.linear.gather [hbm4b:s14+s4], $0x80, $0x38;
	[tilespmem:$0x17E00] =	vst v63  }
0x13d: {  	s15 =	sadd.s32 s7, s15;
	s12 =	sadd.s32 s7, s16;
	s14 =	sand.u32 $0x1FFFFFF0, s17;
	(v2sf) =	vpush v4, $0x0  }
0x13e: {  	[tilespmem:s11], [sflag:$0x1] =	stream.linear.gather [hbm4b:s12+s4], $0x80, $0x38;
	[tilespmem:$0x17E00] =	vst v63  }
0x13f: {  	s12 =	sadd.s32 $0x6800, s0;
	s11 =	sadd.s32 $0x6880, s0;
	s16 =	spop (v2sf);
	(v2sf) =	vpush v4, $0x1  }
0x140: {  	s1 =	sadd.s32 $0x6680, s0;
	s2 =	sadd.s32 $0x6780, s0;
	s17 =	spop (v2sf)  }
0x141: {  	[tilespmem:s9], [sflag:$0x1] =	stream.linear.gather [hbm4b:s15+s4], $0x80, $0x38;
	(v2sf) =	vpush v4, $0x2;
	[tilespmem:$0x17E00] =	vst v63  }
0x142: {  	s15 =	sadd.s32 s7, s14;
	s16 =	sand.u32 $0x1FFFFFF0, s16;
	s19 =	sadd.s32 $0x6700, s0  }
0x143: {  	(v2sf) =	vpush v4, $0x3;
	[tilespmem:s1], [sflag:$0x1] =	stream.linear.gather [hbm4b:s15+s4], $0x80, $0x38;
	[tilespmem:$0x17E00] =	vst v63  }
0x144: {  	s18 =	sand.u32 $0x1FFFFFF0, s17;
	s20 =	sadd.s32 s7, s16;
	s21 =	spop (v2sf)  }
0x145: {  	[tilespmem:s19], [sflag:$0x1] =	stream.linear.gather [hbm4b:s20+s4], $0x80, $0x38;
	[tilespmem:$0x17E00] =	vst v63  }
0x146: {  	s22 =	sadd.s32 s7, s18;
	s24 =	sand.u32 $0x1FFFFFF0, s21;
	s25 =	spop (v2sf)  }
0x147: {  	[tilespmem:s2], [sflag:$0x1] =	stream.linear.gather [hbm4b:s22+s4], $0x80, $0x38;
	[tilespmem:$0x17E00] =	vst v63  }
0x148: {  	s9 =	sadd.s32 s7, s24;
	s14 =	sand.u32 $0x1FFFFFF0, s25;
	s15 =	spop (v2sf)  }
0x149: {  	[tilespmem:s12], [sflag:$0x1] =	stream.linear.gather [hbm4b:s9+s4], $0x80, $0x38;
	[tilespmem:$0x17E00] =	vst v63  }
0x14a: {  	s16 =	sadd.s32 s7, s14;
	s17 =	sand.u32 $0x1FFFFFF0, s15;
	s18 =	spop (v2sf)  }
0x14b: {  	[tilespmem:s11], [sflag:$0x1] =	stream.linear.gather [hbm4b:s16+s4], $0x80, $0x38;
	[tilespmem:$0x17E00] =	vst v63  }
0x14c: {  	s19 =	sadd.s32 s7, s17;
	s20 =	sand.u32 $0x1FFFFFF0, s18;
	s21 =	spop (v2sf)  }
0x14d: {  	[tilespmem:s10], [sflag:$0x1] =	stream.linear.gather [hbm4b:s19+s4], $0x80, $0x38;
	[tilespmem:$0x17E00] =	vst v63  }
0x14e: {  	s22 =	sadd.s32 s7, s20;
	s24 =	sand.u32 $0x1FFFFFF0, s21;
	s25 =	spop (v2sf)  }
0x14f: {  	[tilespmem:s8], [sflag:$0x1] =	stream.linear.gather [hbm4b:s22+s4], $0x80, $0x38;
	[tilespmem:$0x17E00] =	vst v63  }
0x150: {  	s10 =	sadd.s32 s7, s24;
	s11 =	sand.u32 $0x1FFFFFF0, s25;
	s12 =	spop (v2sf)  }
0x151: {  	[tilespmem:s5], [sflag:$0x1] =	stream.linear.gather [hbm4b:s10+s4], $0x80, $0x38;
	[tilespmem:$0x17E00] =	vst v63  }
0x152: {  	s14 =	sadd.s32 s7, s11;
	s15 =	sand.u32 $0x1FFFFFF0, s12;
	s16 =	spop (v2sf)  }
0x153: {  	[tilespmem:s3], [sflag:$0x1] =	stream.linear.gather [hbm4b:s14+s4], $0x80, $0x38;
	[tilespmem:$0x17E00] =	vst v63  }
0x154: {  	s17 =	sadd.s32 $0x6B00, s0;
	s2 =	sadd.s32 s7, s15;
	s18 =	sand.u32 $0x1FFFFFF0, s16  }
0x155: {  	[tilespmem:s17], [sflag:$0x1] =	stream.linear.gather [hbm4b:s2+s4], $0x80, $0x38;
	[tilespmem:$0x17E00] =	vst v63  }
0x156: {  	s19 =	sadd.s32 $0x6B80, s0;
	s21 =	simm.s32 $0x1;
	s20 =	sadd.s32 s7, s18  }
0x157: {  	[tilespmem:s19], [sflag:$0x1] =	stream.linear.gather [hbm4b:s20+s4], $0x80, $0x38;
	[tilespmem:$0x17E00] =	vst v63  }
0x158: {  	_ =	swait.ge [sflag:s21], $0x5000  }
0x159: {  	[sflag:s21] =	ssyncset.done $0x0  }
0x15a: {  	[sflag:s21] =	ssyncadd.s32 $0xFFFFB000  }
0x15b: {  	_ =	swait.ge [sflag:s21], $0x5000  }
0x15c: {  	[sflag:s21] =	ssyncset.done $0x0  }
0x15d: {  	s1 =	simm.s32 $0xB0;
	[sflag:s21] =	ssyncadd.s32 $0xFFFFB000  }
0x15e: {  	v32 =	vld [tilespmem:s1+$0x6160]  }
0x15f: {  	v17 =	vld [tilespmem:s1+$0x1160]  }
0x160: {  	v34 =	vld [tilespmem:s1+$0x6150]  }
0x161: {  	v4 =	vld [tilespmem:s1+$0x1150]  }
0x162: {  	v29 =	vld [tilespmem:s1+$0x6170]  }
0x163: {  	v31 =	vld [tilespmem:s1+$0x1170]  }
0x164: {  	v36 =	vld [tilespmem:s1+$0x6180]  }
0x165: {  	v35 =	vld [tilespmem:s1+$0x1180]  }
0x166: {  	v5 =	vmul.f32 v32, v17;
	v6 =	vmul.f32 v34, v4;
	_ =	sdelay $0x1  }
0x167: {  	v5 =	vadd.f32 v5, v6;
	v6 =	vmul.f32 v29, v31;
	_ =	sdelay $0x1  }
0x168: {  	v5 =	vadd.f32 v6, v5;
	v6 =	vmul.f32 v36, v35;
	_ =	sdelay $0x1  }
0x169: {  	v5 =	vadd.f32 v6, v5;
	_ =	sdelay $0x1  }
0x16a: {  	v6 =	vperm.xlane v5, v0;
	_ =	sdelay $0x1  }
0x16b: {  	v5 =	vadd.f32 v5, v6;
	_ =	sdelay $0x1  }
0x16c: {  	v28 =	vld [tilespmem:s1+$0x61D0];
	v6 =	vperm.xlane v5, v1  }
0x16d: {  	v23 =	vld [tilespmem:s1+$0x61E0]  }
0x16e: {  	v26 =	vld [tilespmem:s1+$0x11E0];
	v5 =	vadd.f32 v5, v6  }
0x16f: {  	v30 =	vld [tilespmem:s1+$0x11D0]  }
0x170: {  	v18 =	vld [tilespmem:s1+$0x61F0];
	v6 =	vperm.xlane v5, v2  }
0x171: {  	v24 =	vld [tilespmem:s1+$0x11F0]  }
0x172: {  	v19 =	vld [tilespmem:s1+$0x6200];
	v5 =	vadd.f32 v5, v6  }
0x173: {  	v25 =	vld [tilespmem:s1+$0x1200];
	v7 =	vmul.f32 v23, v26  }
0x174: {  	v8 =	vmul.f32 v28, v30;
	v6 =	vperm.xlane v5, v3;
	_ =	sdelay $0x1  }
0x175: {  	v5 =	vadd.f32 v5, v6;
	v6 =	vadd.f32 v7, v8;
	v7 =	vmul.f32 v18, v24;
	_ =	sdelay $0x1  }
0x176: {  	(v2sf) =	vpush v5, $0x0;
	v5 =	vadd.f32 v7, v6;
	v6 =	vmul.f32 v19, v25;
	_ =	sdelay $0x1  }
0x177: {  	v5 =	vadd.f32 v6, v5;
	_ =	sdelay $0x1  }
0x178: {  	v6 =	vperm.xlane v5, v0  }
0x179: {  	s0 =	simm.s32 $0x1B0  }
0x17a: {  	v12 =	vld [tilespmem:s0+$0x1160];
	v7 =	vadd.f32 v5, v6  }
0x17b: {  	v16 =	vld [tilespmem:s0+$0x1150]  }
0x17c: {  	v6 =	vld [tilespmem:s0+$0x6160];
	v8 =	vperm.xlane v7, v1  }
0x17d: {  	v5 =	vld [tilespmem:s0+$0x6150]  }
0x17e: {  	v13 =	vld [tilespmem:s0+$0x6170];
	v7 =	vadd.f32 v7, v8  }
0x17f: {  	v11 =	vld [tilespmem:s0+$0x1170]  }
0x180: {  	v14 =	vld [tilespmem:s0+$0x1180];
	v9 =	vperm.xlane v7, v2  }
0x181: {  	v8 =	vld [tilespmem:s0+$0x6180]  }
0x182: {  	v10 =	vmul.f32 v5, v16;
	v7 =	vadd.f32 v7, v9;
	v9 =	vmul.f32 v6, v12;
	_ =	sdelay $0x1  }
0x183: {  	v15 =	vperm.xlane v7, v3;
	v9 =	vadd.f32 v9, v10;
	v10 =	vmul.f32 v13, v11;
	_ =	sdelay $0x1  }
0x184: {  	s22 =	spop (v2sf);
	v7 =	vadd.f32 v7, v15;
	v10 =	vadd.f32 v10, v9;
	v15 =	vmul.f32 v8, v14  }
0x185: {  	s2 =	smax.f32 s22, $-6.000000000e+00  }
0x186: {  	s2 =	smin.f32 s2, $6.000000000e+00;
	v10 =	vadd.f32 v15, v10  }
0x187: {  	v21 =	vld [tilespmem:s0+$0x11E0];
	s2 =	sadd.f32 $6.010000230e+00, s2  }
0x188: {  	v27 =	vld [tilespmem:s0+$0x11D0];
	(v2sf) =	vpush v7, $0x0;
	v20 =	vperm.xlane v10, v0  }
0x189: {  	v22 =	vld [tilespmem:s0+$0x11F0];
	s2 =	smul.f32 $1.000000000e+02, s2  }
0x18a: {  	v9 =	vld [tilespmem:s0+$0x61D0];
	v33 =	vadd.f32 v10, v20  }
0x18b: {  	v7 =	vld [tilespmem:s0+$0x61E0];
	s2 =	scvt.f32.s32 s2  }
0x18c: {  	v15 =	vld [tilespmem:s0+$0x61F0];
	v38 =	vperm.xlane v33, v1  }
0x18d: {  	v37 =	vld.msk [tilespmem:s2+$0x0 ss:$0x0], $0xffff  }
0x18e: {  	v10 =	vld [tilespmem:s0+$0x6200];
	v33 =	vadd.f32 v33, v38  }
0x18f: {  	v40 =	vmul.f32 v9, v27;
	v20 =	vld [tilespmem:s0+$0x1200]  }
0x190: {  	v39 =	vmul.f32 v7, v21;
	v58 =	vperm.xlane v33, v2  }
0x191: {  	v56 =	vmul.f32 v15, v22  }
0x192: {  	v55 =	vadd.f32 v39, v40;
	v41 =	vmul.f32 v37, v4;
	v60 =	vadd.f32 v33, v58  }
0x193: {  	s2 =	simm.s32 $0x2B0  }
0x194: {  	v4 =	vld [tilespmem:s2+$0x6160];
	v38 =	vadd.f32 v56, v55;
	v59 =	vmul.f32 v10, v20;
	[tilespmem:s1+$0x10150] =	vst v41;
	v41 =	vperm.xlane v60, v3;
	_ =	sdelay $0x1  }
0x195: {  	v57 =	vmul.f32 v37, v17;
	v38 =	vadd.f32 v59, v38;
	v62 =	vadd.f32 v60, v41  }
0x196: {  	v29 =	vmul.f32 v37, v29;
	s24 =	spop (v2sf)  }
0x197: {  	v61 =	vmul.f32 v37, v31;
	v17 =	vld [tilespmem:s2+$0x1160];
	[tilespmem:s1+$0x10160] =	vst v57;
	v42 =	vperm.xlane v38, v0;
	s3 =	smax.f32 s24, $-6.000000000e+00;
	(v2sf) =	vpush v62, $0x0  }
0x198: {  	v43 =	vmul.f32 v37, v35;
	v33 =	vld [tilespmem:s2+$0x6150];
	[tilespmem:s1+$0xB170] =	vst v29;
	s3 =	smin.f32 s3, $6.000000000e+00  }
0x199: {  	v63 =	vmul.f32 v37, v32;
	v31 =	vld [tilespmem:s2+$0x1150];
	[tilespmem:s1+$0x10170] =	vst v61;
	v35 =	vadd.f32 v38, v42;
	s25 =	sadd.f32 $6.010000230e+00, s3  }
0x19a: {  	v36 =	vmul.f32 v37, v36;
	v29 =	vld [tilespmem:s2+$0x6170];
	[tilespmem:s1+$0x10180] =	vst v43  }
0x19b: {  	v37 =	vmul.f32 v37, v34;
	v32 =	vld [tilespmem:s2+$0x1170];
	[tilespmem:s1+$0xB160] =	vst v63;
	v38 =	vperm.xlane v35, v1;
	s3 =	simm.s32 $0xEC0;
	s5 =	smul.f32 $1.000000000e+02, s25  }
.LBB2_7:
0x19c: {  	p0 =	sne.s32 s3, $0x13EC0  }
0x19d: {  	v34 =	vld [tilespmem:s2+$0x6180];
	v39 =	vmul.f32 v4, v17;
	v35 =	vadd.f32 v35, v38;
	[tilespmem:s1+$0xB180] =	vst v36;
	s8 =	scvt.f32.s32 s5;
	s5 =	smov.u32 s3;
	s3 =	sadd.s32 $0x400, s3  }
0x19e: {  	v38 =	vld [tilespmem:s2+$0x1180];
	[tilespmem:s1+$0xB150] =	vst v37;
	v40 =	vmov v33  }
0x19f: {  	v33 =	vmul.f32 v40, v31;
	v36 =	vperm.xlane v35, v2;
	v37 =	vld.msk [tilespmem:s8+$0x0 ss:$0x0], $0xffff;
	_ =	sdelay $0x1  }
0x1a0: {  	v33 =	vadd.f32 v39, v33;
	v39 =	vmul.f32 v29, v32;
	v35 =	vadd.f32 v35, v36;
	_ =	sdelay $0x1  }
0x1a1: {  	v33 =	vadd.f32 v39, v33;
	v36 =	vmul.f32 v34, v38;
	v39 =	vperm.xlane v35, v3;
	_ =	sdelay $0x1  }
0x1a2: {  	v33 =	vadd.f32 v36, v33;
	v35 =	vadd.f32 v35, v39;
	v36 =	vmul.f32 v37, v30;
	v30 =	vmovc v27  }
0x1a3: {  	v27 =	vmul.f32 v37, v28;
	v39 =	vmul.f32 v37, v26;
	v28 =	vmovc v9;
	v26 =	vmov v21;
	s8 =	spop (v2sf)  }
0x1a4: {  	v21 =	vperm.xlane v33, v0;
	v9 =	vld [tilespmem:s2+$0x61D0];
	s8 =	smax.f32 s8, $-6.000000000e+00;
	(v2sf) =	vpush v35, $0x0;
	[tilespmem:s1+$0x101D0] =	vst v36;
	v35 =	vmul.f32 v37, v23;
	v23 =	vmovc v7  }
0x1a5: {  	v41 =	vmul.f32 v37, v18;
	v18 =	vmovc v15;
	v36 =	vmul.f32 v37, v24;
	v24 =	vmov v22;
	v7 =	vld [tilespmem:s2+$0x61E0];
	s8 =	smin.f32 s8, $6.000000000e+00;
	[tilespmem:s1+$0xB1D0] =	vst v27  }
0x1a6: {  	v33 =	vadd.f32 v33, v21;
	v21 =	vld [tilespmem:s2+$0x11E0];
	s8 =	sadd.f32 $6.010000230e+00, s8;
	[tilespmem:s1+$0x101E0] =	vst v39;
	v39 =	vmul.f32 v37, v25;
	v37 =	vmul.f32 v37, v19  }
0x1a7: {  	v19 =	vmov v10;
	v25 =	vmov v20;
	v27 =	vld [tilespmem:s2+$0x11D0];
	[tilespmem:s1+$0xB1E0] =	vst v35  }
0x1a8: {  	v10 =	vperm.xlane v33, v1;
	v15 =	vld [tilespmem:s2+$0x61F0];
	s8 =	smul.f32 $1.000000000e+02, s8;
	[tilespmem:s1+$0x101F0] =	vst v36  }
0x1a9: {  	v22 =	vld [tilespmem:s2+$0x11F0];
	[tilespmem:s1+$0x10200] =	vst v39  }
0x1aa: {  	v33 =	vadd.f32 v33, v10;
	v10 =	vld [tilespmem:s2+$0x6200];
	s8 =	scvt.f32.s32 s8;
	[tilespmem:s1+$0xB1F0] =	vst v41  }
0x1ab: {  	v20 =	vld [tilespmem:s2+$0x1200];
	v35 =	vmul.f32 v7, v21;
	[tilespmem:s1+$0xB200] =	vst v37;
	s1 =	smov.u32 s0;
	s0 =	smov.u32 s2  }
0x1ac: {  	v36 =	vperm.xlane v33, v2;
	v37 =	vmul.f32 v9, v27;
	v39 =	vld.msk [tilespmem:s8+$0x0 ss:$0x0], $0xffff;
	_ =	sdelay $0x1  }
0x1ad: {  	v33 =	vadd.f32 v33, v36;
	v35 =	vadd.f32 v35, v37;
	v36 =	vmul.f32 v15, v22;
	_ =	sdelay $0x1  }
0x1ae: {  	v37 =	vperm.xlane v33, v3;
	v35 =	vadd.f32 v36, v35;
	v36 =	vmul.f32 v10, v20;
	_ =	sdelay $0x1  }
0x1af: {  	v33 =	vadd.f32 v33, v37;
	v35 =	vadd.f32 v36, v35;
	v36 =	vmul.f32 v39, v16;
	v16 =	vmovc v31  }
0x1b0: {  	s2 =	sshra.s32 s5, $0x2;
	v41 =	vmul.f32 v39, v11;
	v11 =	vmovc v32;
	v31 =	vmul.f32 v39, v12;
	v12 =	vmov v17;
	s5 =	spop (v2sf)  }
0x1b1: {  	v43 =	vmul.f32 v39, v13;
	v13 =	vmovc v29;
	v42 =	vld [tilespmem:s2+$0x6160];
	v32 =	vperm.xlane v35, v0;
	(v2sf) =	vpush v33, $0x0;
	[tilespmem:s1+$0x10150] =	vst v36;
	s5 =	smax.f32 s5, $-6.000000000e+00  }
.Ltmp2:
0x1b2: {  	v44 =	vmul.f32 v39, v14;
	v14 =	vmovc v38;
	v36 =	vmul.f32 v39, v8;
	v8 =	vmov v34;
	v17 =	vld [tilespmem:s2+$0x1160];
	[tilespmem:s1+$0x10160] =	vst v31;
	s5 =	smin.f32 s5, $6.000000000e+00;
	(pc) =	sbr.rel @p0 .LBB2_7-.Ltmp2, $4  }
0x1b3: {  	v37 =	vmul.f32 v39, v5;
	v34 =	vmul.f32 v39, v6;
	v33 =	vld [tilespmem:s2+$0x6150];
	v35 =	vadd.f32 v35, v32;
	[tilespmem:s1+$0xB170] =	vst v43;
	s5 =	sadd.f32 $6.010000230e+00, s5  }
0x1b4: {  	v5 =	vmov v40;
	v6 =	vmov v4;
	v31 =	vld [tilespmem:s2+$0x1150];
	[tilespmem:s1+$0x10170] =	vst v41  }
0x1b5: {  	v29 =	vld [tilespmem:s2+$0x6170];
	v38 =	vperm.xlane v35, v1;
	[tilespmem:s1+$0x10180] =	vst v44;
	s5 =	smul.f32 $1.000000000e+02, s5  }
0x1b6: {  	v32 =	vld [tilespmem:s2+$0x1170];
	[tilespmem:s1+$0xB160] =	vst v34;
	v4 =	vmov v42  }
0x1b7: {  	v34 =	vld [tilespmem:s2+$0x6180];
	[tilespmem:s1+$0xB180] =	vst v36;
	s3 =	scvt.f32.s32 s5  }
0x1b8: {  	v36 =	vld [tilespmem:s2+$0x1180];
	[tilespmem:s1+$0xB150] =	vst v37  }
0x1b9: {  	v37 =	vld.msk [tilespmem:s3+$0x0 ss:$0x0], $0xffff  }
0x1ba: {  	v35 =	vadd.f32 v35, v38  }
0x1bb: {  	v39 =	vmul.f32 v4, v17;
	v40 =	vmul.f32 v33, v31  }
0x1bc: {  	v41 =	vperm.xlane v35, v2  }
0x1bd: {  	v51 =	vadd.f32 v39, v40;
	v52 =	vmul.f32 v29, v32  }
0x1be: {  	v35 =	vadd.f32 v35, v41;
	v50 =	vmul.f32 v37, v30  }
0x1bf: {  	v38 =	vadd.f32 v52, v51;
	v53 =	vmul.f32 v34, v36;
	v42 =	vmul.f32 v37, v28  }
0x1c0: {  	v54 =	vperm.xlane v35, v3;
	v30 =	vld [tilespmem:s2+$0x61D0];
	v26 =	vmul.f32 v37, v26;
	[tilespmem:s1+$0x101D0] =	vst v50  }
0x1c1: {  	v38 =	vadd.f32 v53, v38;
	v28 =	vld [tilespmem:s2+$0x61E0];
	[tilespmem:s1+$0xB1D0] =	vst v42  }
0x1c2: {  	v40 =	vld [tilespmem:s2+$0x11E0];
	[tilespmem:s1+$0x101E0] =	vst v26;
	v26 =	vadd.f32 v35, v54  }
0x1c3: {  	v23 =	vmul.f32 v37, v23;
	v55 =	vperm.xlane v38, v0  }
0x1c4: {  	v24 =	vmul.f32 v37, v24;
	s16 =	spop (v2sf);
	(v2sf) =	vpush v26, $0x0  }
0x1c5: {  	v25 =	vmul.f32 v37, v25;
	s3 =	smax.f32 s16, $-6.000000000e+00;
	v39 =	vld [tilespmem:s2+$0x11D0];
	[tilespmem:s1+$0xB1E0] =	vst v23;
	v23 =	vadd.f32 v38, v55  }
0x1c6: {  	v18 =	vmul.f32 v37, v18;
	s3 =	smin.f32 s3, $6.000000000e+00;
	v35 =	vld [tilespmem:s2+$0x61F0];
	[tilespmem:s1+$0x101F0] =	vst v24  }
0x1c7: {  	s3 =	sadd.f32 $6.010000230e+00, s3;
	v24 =	vld [tilespmem:s2+$0x11F0];
	[tilespmem:s1+$0x10200] =	vst v25;
	v56 =	vperm.xlane v23, v1  }
0x1c8: {  	v26 =	vld [tilespmem:s2+$0x6200];
	[tilespmem:s1+$0xB1F0] =	vst v18  }
0x1c9: {  	v57 =	vmul.f32 v37, v19;
	s3 =	smul.f32 $1.000000000e+02, s3;
	v58 =	vadd.f32 v23, v56;
	v23 =	vld [tilespmem:s2+$0x1200]  }
0x1ca: {  	v59 =	vmul.f32 v28, v40;
	v60 =	vmul.f32 v30, v39  }
0x1cb: {  	s3 =	scvt.f32.s32 s3;
	v61 =	vperm.xlane v58, v2  }
0x1cc: {  	[tilespmem:s1+$0xB200] =	vst v57;
	v62 =	vadd.f32 v59, v60;
	v63 =	vmul.f32 v35, v24  }
0x1cd: {  	v41 =	vld.msk [tilespmem:s3+$0x0 ss:$0x0], $0xffff;
	v19 =	vadd.f32 v58, v61  }
0x1ce: {  	v18 =	vadd.f32 v63, v62;
	v42 =	vmul.f32 v26, v23  }
0x1cf: {  	v38 =	vperm.xlane v19, v3  }
0x1d0: {  	v18 =	vadd.f32 v42, v18  }
0x1d1: {  	v19 =	vadd.f32 v19, v38  }
0x1d2: {  	v16 =	vmul.f32 v41, v16;
	v25 =	vperm.xlane v18, v0  }
0x1d3: {  	v12 =	vmul.f32 v41, v12;
	s17 =	spop (v2sf);
	(v2sf) =	vpush v19, $0x0  }
0x1d4: {  	v13 =	vmul.f32 v41, v13;
	[tilespmem:s0+$0x10150] =	vst v16;
	v43 =	vadd.f32 v18, v25;
	s1 =	smax.f32 s17, $-6.000000000e+00  }
0x1d5: {  	v11 =	vmul.f32 v41, v11;
	[tilespmem:s0+$0x10160] =	vst v12;
	s1 =	smin.f32 s1, $6.000000000e+00  }
0x1d6: {  	v44 =	vmul.f32 v41, v14;
	[tilespmem:s0+$0xB170] =	vst v13;
	v45 =	vperm.xlane v43, v1;
	s1 =	sadd.f32 $6.010000230e+00, s1  }
0x1d7: {  	v6 =	vmul.f32 v41, v6;
	[tilespmem:s0+$0x10170] =	vst v11  }
0x1d8: {  	v8 =	vmul.f32 v41, v8;
	[tilespmem:s0+$0x10180] =	vst v44;
	v46 =	vadd.f32 v43, v45;
	s1 =	smul.f32 $1.000000000e+02, s1  }
0x1d9: {  	v5 =	vmul.f32 v41, v5;
	[tilespmem:s0+$0xB160] =	vst v6  }
0x1da: {  	[tilespmem:s0+$0xB180] =	vst v8;
	v47 =	vperm.xlane v46, v2;
	s1 =	scvt.f32.s32 s1  }
0x1db: {  	[tilespmem:s0+$0xB150] =	vst v5  }
0x1dc: {  	v6 =	vadd.f32 v46, v47;
	v5 =	vld.msk [tilespmem:s1+$0x0 ss:$0x0], $0xffff;
	_ =	sdelay $0x1  }
0x1dd: {  	v48 =	vperm.xlane v6, v3;
	_ =	sdelay $0x1  }
0x1de: {  	v6 =	vadd.f32 v6, v48  }
0x1df: {  	v49 =	vmul.f32 v5, v27  }
0x1e0: {  	v9 =	vmul.f32 v5, v9;
	s18 =	spop (v2sf);
	(v2sf) =	vpush v6, $0x0  }
0x1e1: {  	v50 =	vmul.f32 v5, v21;
	s1 =	smax.f32 s18, $-6.000000000e+00;
	[tilespmem:s0+$0x101D0] =	vst v49  }
0x1e2: {  	v7 =	vmul.f32 v5, v7;
	[tilespmem:s0+$0xB1D0] =	vst v9;
	s1 =	smin.f32 s1, $6.000000000e+00  }
0x1e3: {  	v51 =	vmul.f32 v5, v22;
	[tilespmem:s0+$0x101E0] =	vst v50;
	s1 =	sadd.f32 $6.010000230e+00, s1  }
0x1e4: {  	v52 =	vmul.f32 v5, v20;
	[tilespmem:s0+$0xB1E0] =	vst v7  }
0x1e5: {  	v53 =	vmul.f32 v5, v15;
	[tilespmem:s0+$0x101F0] =	vst v51;
	s1 =	smul.f32 $1.000000000e+02, s1  }
0x1e6: {  	v5 =	vmul.f32 v5, v10;
	[tilespmem:s0+$0x10200] =	vst v52  }
0x1e7: {  	[tilespmem:s0+$0xB1F0] =	vst v53;
	s1 =	scvt.f32.s32 s1  }
0x1e8: {  	[tilespmem:s0+$0xB200] =	vst v5  }
0x1e9: {  	v5 =	vld.msk [tilespmem:s1+$0x0 ss:$0x0], $0xffff;
	_ =	sdelay $0x4  }
0x1ea: {  	v54 =	vmul.f32 v5, v31  }
0x1eb: {  	v55 =	vmul.f32 v5, v17;
	s19 =	spop (v2sf)  }
0x1ec: {  	v56 =	vmul.f32 v5, v29;
	[tilespmem:s2+$0x10150] =	vst v54;
	s0 =	smax.f32 s19, $-6.000000000e+00  }
0x1ed: {  	v57 =	vmul.f32 v5, v32;
	[tilespmem:s2+$0x10160] =	vst v55;
	s0 =	smin.f32 s0, $6.000000000e+00  }
0x1ee: {  	v58 =	vmul.f32 v5, v36;
	[tilespmem:s2+$0xB170] =	vst v56;
	s0 =	sadd.f32 $6.010000230e+00, s0  }
0x1ef: {  	v4 =	vmul.f32 v5, v4;
	[tilespmem:s2+$0x10170] =	vst v57  }
0x1f0: {  	v59 =	vmul.f32 v5, v34;
	[tilespmem:s2+$0x10180] =	vst v58;
	s0 =	smul.f32 $1.000000000e+02, s0  }
0x1f1: {  	v5 =	vmul.f32 v5, v33;
	[tilespmem:s2+$0xB160] =	vst v4  }
0x1f2: {  	[tilespmem:s2+$0xB180] =	vst v59;
	s0 =	scvt.f32.s32 s0  }
0x1f3: {  	[tilespmem:s2+$0xB150] =	vst v5  }
0x1f4: {  	v4 =	vld.msk [tilespmem:s0+$0x0 ss:$0x0], $0xffff;
	_ =	sdelay $0x4  }
0x1f5: {  	v5 =	vmul.f32 v4, v39  }
0x1f6: {  	v60 =	vmul.f32 v4, v30  }
0x1f7: {  	v61 =	vmul.f32 v4, v40;
	[tilespmem:s2+$0x101D0] =	vst v5  }
0x1f8: {  	v62 =	vmul.f32 v4, v24;
	[tilespmem:s2+$0xB1D0] =	vst v60  }
0x1f9: {  	v5 =	vmul.f32 v4, v28;
	[tilespmem:s2+$0x101E0] =	vst v61  }
0x1fa: {  	v63 =	vmul.f32 v4, v23;
	[tilespmem:s2+$0x101F0] =	vst v62  }
0x1fb: {  	s23 =	sadd.s32 $0x1, s23;
	[tilespmem:s2+$0xB1E0] =	vst v5;
	v5 =	vmul.f32 v4, v35  }
0x1fc: {  	p0 =	sne.s32 s23, $0x10;
	[tilespmem:s2+$0x10200] =	vst v63;
	v4 =	vmul.f32 v4, v26  }
.Ltmp3:
0x1fd: {  	s20 =	sshll.u32 s13, $0x4;
	s22 =	simm.s32 $0xB200;
	[tilespmem:s2+$0xB1F0] =	vst v5;
	(pc) =	sbr.rel @p0 .LBB2_2-.Ltmp3, $4  }
0x1fe: {  	s24 =	rddreg [dreg:$0xa];
	s21 =	sadd.s32 s26, s20;
	s18 =	simm.s32 $0x0;
	[tilespmem:s2+$0xB200] =	vst v4  }
0x1ff: {  	[hbm4b:s21+s18] =	stream.linear.scatter [tilespmem:s22], [sflag:$0x3], $0x5000, $0x38;
	[tilespmem:$0x17E00] =	vst v63  }
0x200: {  	s25 =	simm.s32 $0x10200;
	s0 =	sadd.s32 s20, s24  }
0x201: {  	[hbm4b:s0+s18] =	stream.linear.scatter [tilespmem:s25], [sflag:$0x3], $0x5000, $0x38;
	[tilespmem:$0x17E00] =	vst v63  }
0x202: {  	s1 =	simm.s32 $0x0  }
.LBB2_10:
0x203: {  	s0 =	simm.s32 $0x3  }
0x204: {  	_ =	swait.ge [sflag:s0], $0x5000  }
0x205: {  	p0 =	sne.s32 s1, $0x0;
	[sflag:s0] =	ssyncset.done $0x0  }
0x206: {  	[sflag:s0] =	ssyncadd.s32 $0xFFFFB000;
	s0 =	simm.s32 @p0 $0x3  }
0x207: {  	_ =	swait.ge @p0 [sflag:s0], $0x1400;
	[dreg:$0xf] =	wrdreg s1  }
0x208: {  	s25 =	sshll.u32 s1, $0x3;
	[sflag:s0] =	ssyncset.done @p0 $0x0;
	s2 =	rddreg [dreg:$0xc]  }
0x209: {  	[sflag:s0] =	ssyncadd.s32 @p0 $0xFFFFEC00;
	s0 =	simm.s32 @!p0 $0x3;
	s1 =	sadd.s32 s2, s25  }
0x20a: {  	_ =	swait.ge @!p0 [sflag:s0], $0x5000;
	[dreg:$0x10] =	wrdreg s1  }
0x20b: {  	s1 =	sshll.u32 s1, $0x4;
	[sflag:s0] =	ssyncset.done @!p0 $0x0;
	s11 =	rddreg [dreg:$0x6]  }
0x20c: {  	s12 =	simm.s32 $0x80;
	[sflag:s0] =	ssyncadd.s32 @!p0 $0xFFFFB000;
	s26 =	sadd.s32 s11, s1  }
0x20d: {  	[tilespmem:s29], [sflag:$0x2] =	stream.strided.gather [hbm4b:s26+s12], $0x0, s28, s12, $0x38;
	[tilespmem:$0x17E00] =	vst v63  }
0x20e: {  	_ = 	snop  }
0x20f: {  	[tilespmem:s29], [sflag:$0x2] =	stream.linear.gather [hbm4b:s26+s18], $0x14, $0x38;
	[tilespmem:$0x17E00] =	vst v63  }
0x210: {  	s29 =	sor.u32 $0x10, s1  }
0x211: {  	s13 =	sadd.s32 s11, s29  }
0x212: {  	[tilespmem:s30], [sflag:$0x2] =	stream.strided.gather [hbm4b:s13+s12], $0x0, s28, s12, $0x38;
	[tilespmem:$0x17E00] =	vst v63  }
0x213: {  	s14 =	sor.u32 $0x20, s1  }
0x214: {  	[tilespmem:s30], [sflag:$0x2] =	stream.linear.gather [hbm4b:s13+s18], $0x14, $0x38;
	[tilespmem:$0x17E00] =	vst v63  }
0x215: {  	s3 =	sadd.s32 s11, s14  }
0x216: {  	[tilespmem:s31], [sflag:$0x2] =	stream.strided.gather [hbm4b:s3+s12], $0x0, s28, s12, $0x38;
	[tilespmem:$0x17E00] =	vst v63  }
0x217: {  	s15 =	sor.u32 $0x30, s1  }
0x218: {  	[tilespmem:s31], [sflag:$0x2] =	stream.linear.gather [hbm4b:s3+s18], $0x14, $0x38;
	[tilespmem:$0x17E00] =	vst v63  }
0x219: {  	s8 =	simm.s32 $0xB80;
	s5 =	sadd.s32 s11, s15  }
0x21a: {  	[tilespmem:s8], [sflag:$0x2] =	stream.strided.gather [hbm4b:s5+s12], $0x0, s28, s12, $0x38;
	[tilespmem:$0x17E00] =	vst v63  }
0x21b: {  	s16 =	sor.u32 $0x40, s1  }
0x21c: {  	[tilespmem:s8], [sflag:$0x2] =	stream.linear.gather [hbm4b:s5+s18], $0x14, $0x38;
	[tilespmem:$0x17E00] =	vst v63  }
0x21d: {  	s9 =	simm.s32 $0xC00;
	s17 =	sadd.s32 s11, s16  }
0x21e: {  	[tilespmem:s9], [sflag:$0x2] =	stream.strided.gather [hbm4b:s17+s12], $0x0, s28, s12, $0x38;
	[tilespmem:$0x17E00] =	vst v63  }
0x21f: {  	s19 =	sor.u32 $0x50, s1  }
0x220: {  	[tilespmem:s9], [sflag:$0x2] =	stream.linear.gather [hbm4b:s17+s18], $0x14, $0x38;
	[tilespmem:$0x17E00] =	vst v63  }
0x221: {  	s10 =	simm.s32 $0xC80;
	s20 =	sadd.s32 s11, s19  }
0x222: {  	[tilespmem:s10], [sflag:$0x2] =	stream.strided.gather [hbm4b:s20+s12], $0x0, s28, s12, $0x38;
	[tilespmem:$0x17E00] =	vst v63  }
0x223: {  	s21 =	sor.u32 $0x60, s1  }
0x224: {  	[tilespmem:s10], [sflag:$0x2] =	stream.linear.gather [hbm4b:s20+s18], $0x14, $0x38;
	[tilespmem:$0x17E00] =	vst v63  }
0x225: {  	s22 =	sadd.s32 s11, s21;
	s13 =	simm.s32 $0xD00  }
0x226: {  	[tilespmem:s13], [sflag:$0x2] =	stream.strided.gather [hbm4b:s22+s12], $0x0, s28, s12, $0x38;
	[tilespmem:$0x17E00] =	vst v63  }
0x227: {  	s23 =	sor.u32 $0x70, s1  }
0x228: {  	[tilespmem:s13], [sflag:$0x2] =	stream.linear.gather [hbm4b:s22+s18], $0x14, $0x38;
	[tilespmem:$0x17E00] =	vst v63  }
0x229: {  	s24 =	simm.s32 $0xD80;
	s11 =	sadd.s32 s11, s23  }
0x22a: {  	[tilespmem:s24], [sflag:$0x2] =	stream.strided.gather [hbm4b:s11+s12], $0x0, s28, s12, $0x38;
	[tilespmem:$0x17E00] =	vst v63  }
0x22b: {  	s25 =	rddreg [dreg:$0x7]  }
0x22c: {  	[tilespmem:s24], [sflag:$0x2] =	stream.linear.gather [hbm4b:s11+s18], $0x14, $0x38;
	[tilespmem:$0x17E00] =	vst v63  }
0x22d: {  	s1 =	sadd.s32 s25, s1;
	s26 =	simm.s32 $0x15200  }
0x22e: {  	[tilespmem:s26], [sflag:$0x2] =	stream.strided.gather [hbm4b:s1+s12], $0x0, s28, s12, $0x38;
	[tilespmem:$0x17E00] =	vst v63  }
0x22f: {  	_ = 	snop  }
0x230: {  	[tilespmem:s26], [sflag:$0x2] =	stream.linear.gather [hbm4b:s1+s18], $0x5, $0x38;
	[tilespmem:$0x17E00] =	vst v63  }
0x231: {  	s0 =	sadd.s32 s25, s29;
	s29 =	simm.s32 $0x15280  }
0x232: {  	[tilespmem:s29], [sflag:$0x2] =	stream.strided.gather [hbm4b:s0+s12], $0x0, s28, s12, $0x38;
	[tilespmem:$0x17E00] =	vst v63  }
0x233: {  	_ = 	snop  }
0x234: {  	[tilespmem:s29], [sflag:$0x2] =	stream.linear.gather [hbm4b:s0+s18], $0x5, $0x38;
	[tilespmem:$0x17E00] =	vst v63  }
0x235: {  	s30 =	sadd.s32 s25, s14;
	s31 =	simm.s32 $0x15300  }
0x236: {  	[tilespmem:s31], [sflag:$0x2] =	stream.strided.gather [hbm4b:s30+s12], $0x0, s28, s12, $0x38;
	[tilespmem:$0x17E00] =	vst v63  }
0x237: {  	_ = 	snop  }
0x238: {  	[tilespmem:s31], [sflag:$0x2] =	stream.linear.gather [hbm4b:s30+s18], $0x5, $0x38;
	[tilespmem:$0x17E00] =	vst v63  }
0x239: {  	s2 =	sadd.s32 s25, s15;
	s3 =	simm.s32 $0x15380  }
0x23a: {  	[tilespmem:s3], [sflag:$0x2] =	stream.strided.gather [hbm4b:s2+s12], $0x0, s28, s12, $0x38;
	[tilespmem:$0x17E00] =	vst v63  }
0x23b: {  	_ = 	snop  }
0x23c: {  	[tilespmem:s3], [sflag:$0x2] =	stream.linear.gather [hbm4b:s2+s18], $0x5, $0x38;
	[tilespmem:$0x17E00] =	vst v63  }
0x23d: {  	s14 =	simm.s32 $0x15400;
	s13 =	sadd.s32 s25, s16  }
0x23e: {  	[tilespmem:s14], [sflag:$0x2] =	stream.strided.gather [hbm4b:s13+s12], $0x0, s28, s12, $0x38;
	[tilespmem:$0x17E00] =	vst v63  }
0x23f: {  	_ = 	snop  }
0x240: {  	[tilespmem:s14], [sflag:$0x2] =	stream.linear.gather [hbm4b:s13+s18], $0x5, $0x38;
	[tilespmem:$0x17E00] =	vst v63  }
0x241: {  	s15 =	sadd.s32 s25, s19;
	s16 =	simm.s32 $0x15480  }
0x242: {  	[tilespmem:s16], [sflag:$0x2] =	stream.strided.gather [hbm4b:s15+s12], $0x0, s28, s12, $0x38;
	[tilespmem:$0x17E00] =	vst v63  }
0x243: {  	_ = 	snop  }
0x244: {  	[tilespmem:s16], [sflag:$0x2] =	stream.linear.gather [hbm4b:s15+s18], $0x5, $0x38;
	[tilespmem:$0x17E00] =	vst v63  }
0x245: {  	s19 =	simm.s32 $0x15500;
	s17 =	sadd.s32 s25, s21  }
0x246: {  	[tilespmem:s19], [sflag:$0x2] =	stream.strided.gather [hbm4b:s17+s12], $0x0, s28, s12, $0x38;
	[tilespmem:$0x17E00] =	vst v63  }
0x247: {  	_ = 	snop  }
0x248: {  	[tilespmem:s19], [sflag:$0x2] =	stream.linear.gather [hbm4b:s17+s18], $0x5, $0x38;
	[tilespmem:$0x17E00] =	vst v63  }
0x249: {  	s21 =	simm.s32 $0x15580;
	s20 =	sadd.s32 s25, s23  }
0x24a: {  	[tilespmem:s21], [sflag:$0x2] =	stream.strided.gather [hbm4b:s20+s12], $0x0, s28, s12, $0x38;
	[tilespmem:$0x17E00] =	vst v63  }
0x24b: {  	s22 =	simm.s32 $0x2  }
0x24c: {  	[tilespmem:s21], [sflag:$0x2] =	stream.linear.gather [hbm4b:s20+s18], $0x5, $0x38;
	[tilespmem:$0x17E00] =	vst v63  }
0x24d: {  	_ =	swait.ge [sflag:s22], $0xC8  }
0x24e: {  	[sflag:s22] =	ssyncset.done $0x0  }
0x24f: {  	s23 =	simm.s32 $0xA10;
	[sflag:s22] =	ssyncadd.s32 $0xFFFFFF38  }
0x250: {  	v4 =	vld [tilespmem:s23+$0xFFFFFFF0];
	_ =	sdelay $0x4  }
0x251: {  	v5 =	vshll.u32 v4, $0x4  }
0x252: {  	(v2sf) =	vpush v5, $0x2  }
0x253: {  	(v2sf) =	vpush v5, $0x0  }
0x254: {  	(v2sf) =	vpush v5, $0x1  }
0x255: {  	(v2sf) =	vpush v5, $0x3;
	_ =	sdelay $0x1  }
0x256: {  	(v2sf) =	vpush v5, $0x4  }
0x257: {  	(v2sf) =	vpush v5, $0x5;
	_ =	sdelay $0x1  }
0x258: {  	(v2sf) =	vpush v5, $0x6;
	_ =	sdelay $0x4  }
0x259: {  	s8 =	simm.s32 $0x1980  }
0x25a: {  	s9 =	simm.s32 $0x1580;
	s25 =	simm.s32 $0x1280;
	s24 =	simm.s32 $0x1200;
	(v2sf) =	vpush v5, $0x7  }
0x25b: {  	s11 =	simm.s32 $0x1600;
	s1 =	simm.s32 $0x2800;
	s28 =	spop (v2sf)  }
0x25c: {  	s26 =	simm.s32 $0x1300;
	s0 =	simm.s32 $0x0;
	s15 =	spop (v2sf);
	(v2sf) =	vpush v5, $0x8  }
0x25d: {  	s31 =	simm.s32 $0x1380;
	s15 =	sand.u32 $0x1FFFFFF0, s15;
	s16 =	spop (v2sf)  }
0x25e: {  	s3 =	simm.s32 $0x1A80;
	s29 =	sadd.s32 s6, s15;
	s19 =	spop (v2sf)  }
0x25f: {  	v4 =	vld [tilespmem:s23+$0x0];
	(v2sf) =	vpush v5, $0x9;
	[tilespmem:s24], [sflag:$0x1] =	stream.linear.gather [hbm4b:s29+s18], $0x80, $0x38  }
0x260: {  	s2 =	simm.s32 $0xA90;
	s30 =	sand.u32 $0x1FFFFFF0, s16;
	s20 =	spop (v2sf)  }
0x261: {  	s15 =	sand.u32 $0x1FFFFFF0, s28;
	s13 =	sadd.s32 s6, s30;
	s22 =	spop (v2sf)  }
0x262: {  	(v2sf) =	vpush v5, $0xA;
	[tilespmem:s25], [sflag:$0x1] =	stream.linear.gather [hbm4b:s13+s18], $0x80, $0x38;
	[tilespmem:$0x17E00] =	vst v63  }
0x263: {  	s10 =	sand.u32 $0x1FFFFFF0, s19;
	s5 =	sadd.s32 s6, s15;
	s25 =	spop (v2sf);
	(v2sf) =	vpush v5, $0xB  }
0x264: {  	[tilespmem:s26], [sflag:$0x1] =	stream.linear.gather [hbm4b:s5+s18], $0x80, $0x38;
	[tilespmem:$0x17E00] =	vst v63  }
0x265: {  	s14 =	simm.s32 $0x1480;
	s15 =	sand.u32 $0x1FFFFFF0, s20;
	s21 =	sadd.s32 s6, s10  }
0x266: {  	[tilespmem:s31], [sflag:$0x1] =	stream.linear.gather [hbm4b:s21+s18], $0x80, $0x38;
	[tilespmem:$0x17E00] =	vst v63  }
0x267: {  	s17 =	simm.s32 $0x1400;
	s23 =	sadd.s32 s6, s15;
	s24 =	sand.u32 $0x1FFFFFF0, s22;
	(v2sf) =	vpush v5, $0xC  }
0x268: {  	[tilespmem:s17], [sflag:$0x1] =	stream.linear.gather [hbm4b:s23+s18], $0x80, $0x38;
	[tilespmem:$0x17E00] =	vst v63  }
0x269: {  	s12 =	simm.s32 $0x1500;
	s15 =	sadd.s32 s6, s24;
	s26 =	spop (v2sf);
	(v2sf) =	vpush v5, $0xD  }
0x26a: {  	[tilespmem:s14], [sflag:$0x1] =	stream.linear.gather [hbm4b:s15+s18], $0x80, $0x38;
	[tilespmem:$0x17E00] =	vst v63  }
0x26b: {  	s10 =	simm.s32 $0x1900;
	s16 =	sand.u32 $0x1FFFFFF0, s25;
	s29 =	spop (v2sf);
	(v2sf) =	vpush v5, $0xE  }
0x26c: {  	s5 =	simm.s32 $0x1A00;
	s16 =	sadd.s32 s6, s16;
	s28 =	sand.u32 $0x1FFFFFF0, s26  }
0x26d: {  	[tilespmem:s12], [sflag:$0x1] =	stream.linear.gather [hbm4b:s16+s18], $0x80, $0x38;
	(v2sf) =	vpush v5, $0xF;
	[tilespmem:$0x17E00] =	vst v63  }
0x26e: {  	v4 =	vshll.u32 v4, $0x4;
	s14 =	sadd.s32 s6, s28;
	s30 =	sand.u32 $0x1FFFFFF0, s29;
	s31 =	spop (v2sf)  }
0x26f: {  	[tilespmem:s9], [sflag:$0x1] =	stream.linear.gather [hbm4b:s14+s18], $0x80, $0x38;
	(v2sf) =	vpush v4, $0x0;
	[tilespmem:$0x17E00] =	vst v63  }
0x270: {  	s12 =	simm.s32 $0x1880;
	s16 =	sadd.s32 s6, s30;
	s15 =	sand.u32 $0x1FFFFFF0, s31  }
0x271: {  	s14 =	simm.s32 $0x1800;
	s17 =	spop (v2sf);
	s9 =	simm.s32 $0x0;
	(v2sf) =	vpush v4, $0x1  }
.LBB2_11:
0x272: {  	s18 =	sadd.s32 $0x1680, s0;
	s19 =	sadd.s32 $0x1780, s0;
	s20 =	spop (v2sf)  }
0x273: {  	[tilespmem:s11], [sflag:$0x1] =	stream.linear.gather [hbm4b:s16+s9], $0x80, $0x38;
	(v2sf) =	vpush v4, $0x2;
	[tilespmem:$0x17E00] =	vst v63  }
0x274: {  	s11 =	sadd.s32 s6, s15;
	s15 =	sand.u32 $0x1FFFFFF0, s17;
	s16 =	sand.u32 $0x1FFFFFF0, s20  }
0x275: {  	[tilespmem:s18], [sflag:$0x1] =	stream.linear.gather [hbm4b:s11+s9], $0x80, $0x38;
	(v2sf) =	vpush v4, $0x3;
	[tilespmem:$0x17E00] =	vst v63  }
0x276: {  	s15 =	sadd.s32 s6, s15;
	s11 =	sadd.s32 $0x1700, s0;
	s17 =	spop (v2sf)  }
0x277: {  	[tilespmem:s11], [sflag:$0x1] =	stream.linear.gather [hbm4b:s15+s9], $0x80, $0x38;
	[tilespmem:$0x17E00] =	vst v63  }
0x278: {  	s11 =	sadd.s32 s6, s16;
	s15 =	sand.u32 $0x1FFFFFF0, s17;
	s16 =	spop (v2sf)  }
0x279: {  	[tilespmem:s19], [sflag:$0x1] =	stream.linear.gather [hbm4b:s11+s9], $0x80, $0x38;
	[tilespmem:$0x17E00] =	vst v63  }
0x27a: {  	s11 =	sadd.s32 s6, s15;
	s15 =	sand.u32 $0x1FFFFFF0, s16;
	s16 =	spop (v2sf)  }
0x27b: {  	[tilespmem:s14], [sflag:$0x1] =	stream.linear.gather [hbm4b:s11+s9], $0x80, $0x38;
	[tilespmem:$0x17E00] =	vst v63  }
0x27c: {  	s11 =	sadd.s32 s6, s15;
	s14 =	sand.u32 $0x1FFFFFF0, s16;
	s15 =	spop (v2sf)  }
0x27d: {  	[tilespmem:s12], [sflag:$0x1] =	stream.linear.gather [hbm4b:s11+s9], $0x80, $0x38;
	[tilespmem:$0x17E00] =	vst v63  }
0x27e: {  	s11 =	sadd.s32 s6, s14;
	s12 =	sand.u32 $0x1FFFFFF0, s15;
	s14 =	spop (v2sf)  }
0x27f: {  	[tilespmem:s10], [sflag:$0x1] =	stream.linear.gather [hbm4b:s11+s9], $0x80, $0x38;
	[tilespmem:$0x17E00] =	vst v63  }
0x280: {  	s10 =	sadd.s32 s6, s12;
	s11 =	sand.u32 $0x1FFFFFF0, s14;
	s12 =	spop (v2sf)  }
0x281: {  	[tilespmem:s8], [sflag:$0x1] =	stream.linear.gather [hbm4b:s10+s9], $0x80, $0x38;
	[tilespmem:$0x17E00] =	vst v63  }
0x282: {  	s8 =	sadd.s32 s6, s11;
	s10 =	sand.u32 $0x1FFFFFF0, s12;
	s11 =	spop (v2sf)  }
0x283: {  	[tilespmem:s5], [sflag:$0x1] =	stream.linear.gather [hbm4b:s8+s9], $0x80, $0x38;
	[tilespmem:$0x17E00] =	vst v63  }
0x284: {  	s5 =	sadd.s32 s6, s10;
	s8 =	sand.u32 $0x1FFFFFF0, s11;
	s10 =	spop (v2sf)  }
0x285: {  	[tilespmem:s3], [sflag:$0x1] =	stream.linear.gather [hbm4b:s5+s9], $0x80, $0x38;
	[tilespmem:$0x17E00] =	vst v63  }
0x286: {  	s3 =	sadd.s32 $0x1B00, s0;
	s5 =	sadd.s32 s6, s8;
	s8 =	sand.u32 $0x1FFFFFF0, s10  }
0x287: {  	[tilespmem:s3], [sflag:$0x1] =	stream.linear.gather [hbm4b:s5+s9], $0x80, $0x38;
	[tilespmem:$0x17E00] =	vst v63  }
0x288: {  	p0 =	sne.s32 s1, $0x11800;
	s0 =	sadd.s32 $0x1B80, s0;
	s3 =	sadd.s32 s6, s8  }
0x289: {  	[tilespmem:s0], [sflag:$0x1] =	stream.linear.gather [hbm4b:s3+s9], $0x80, $0x38;
	[tilespmem:$0x17E00] =	vst v63  }
0x28a: {  	s0 =	smov.u32 s1;
	s1 =	sadd.s32 $0x2800, s1;
	v4 =	vld [tilespmem:s2+$0xFFFFFFF0]  }
0x28b: {  	s0 =	sshra.s32 s0, $0x2  }
0x28c: {  	v5 =	vld [tilespmem:s2+$0x0]  }
0x28d: {  	s19 =	sadd.s32 $0x1200, s0;
	s18 =	sadd.s32 $0x1280, s0;
	_ =	sdelay $0x1  }
0x28e: {  	s16 =	sadd.s32 $0x1300, s0;
	v6 =	vshll.u32 v4, $0x4  }
0x28f: {  	s12 =	sadd.s32 $0x1580, s0;
	(v2sf) =	vpush v6, $0x2  }
0x290: {  	v4 =	vshll.u32 v5, $0x4;
	(v2sf) =	vpush v6, $0x0  }
0x291: {  	s14 =	sadd.s32 $0x1500, s0;
	(v2sf) =	vpush v6, $0x1  }
0x292: {  	s15 =	sadd.s32 $0x1480, s0;
	s11 =	sadd.s32 $0x1600, s0;
	(v2sf) =	vpush v6, $0x3  }
0x293: {  	s17 =	sadd.s32 $0x1400, s0  }
0x294: {  	s20 =	sadd.s32 $0x1380, s0;
	(v2sf) =	vpush v6, $0x4;
	_ =	sdelay $0x1  }
0x295: {  	(v2sf) =	vpush v6, $0x5;
	_ =	sdelay $0x1  }
0x296: {  	(v2sf) =	vpush v6, $0x6;
	_ =	sdelay $0x1  }
0x297: {  	(v2sf) =	vpush v6, $0x7;
	_ =	sdelay $0x1  }
0x298: {  	(v2sf) =	vpush v6, $0x8  }
0x299: {  	s3 =	sadd.s32 $0x1A80, s0;
	s2 =	sadd.s32 $0x80, s2  }
0x29a: {  	s8 =	sadd.s32 $0x1980, s0;
	s5 =	sadd.s32 $0x1A00, s0;
	s9 =	spop (v2sf);
	(v2sf) =	vpush v6, $0x9  }
0x29b: {  	s10 =	sadd.s32 $0x1900, s0;
	s21 =	sand.u32 $0x1FFFFFF0, s9;
	s9 =	spop (v2sf)  }
0x29c: {  	s22 =	sand.u32 $0x1FFFFFF0, s9;
	s9 =	simm.s32 $0x0;
	s24 =	spop (v2sf)  }
0x29d: {  	s22 =	sadd.s32 s6, s22;
	s24 =	sand.u32 $0x1FFFFFF0, s24;
	s25 =	spop (v2sf)  }
0x29e: {  	[tilespmem:s19], [sflag:$0x1] =	stream.linear.gather [hbm4b:s22+s9], $0x80, $0x38;
	(v2sf) =	vpush v6, $0xA;
	[tilespmem:$0x17E00] =	vst v63  }
0x29f: {  	s19 =	sadd.s32 s6, s24;
	s22 =	sand.u32 $0x1FFFFFF0, s25;
	s24 =	spop (v2sf);
	(v2sf) =	vpush v6, $0xB  }
0x2a0: {  	[tilespmem:s18], [sflag:$0x1] =	stream.linear.gather [hbm4b:s19+s9], $0x80, $0x38;
	[tilespmem:$0x17E00] =	vst v63  }
0x2a1: {  	s18 =	sadd.s32 s6, s21;
	s19 =	sand.u32 $0x1FFFFFF0, s24;
	s21 =	spop (v2sf)  }
0x2a2: {  	[tilespmem:s16], [sflag:$0x1] =	stream.linear.gather [hbm4b:s18+s9], $0x80, $0x38;
	[tilespmem:$0x17E00] =	vst v63  }
0x2a3: {  	s16 =	sadd.s32 s6, s22;
	s18 =	sand.u32 $0x1FFFFFF0, s21;
	s21 =	spop (v2sf);
	(v2sf) =	vpush v6, $0xC  }
0x2a4: {  	[tilespmem:s20], [sflag:$0x1] =	stream.linear.gather [hbm4b:s16+s9], $0x80, $0x38;
	[tilespmem:$0x17E00] =	vst v63  }
0x2a5: {  	s16 =	sadd.s32 s6, s19;
	s19 =	sand.u32 $0x1FFFFFF0, s21;
	s20 =	spop (v2sf);
	(v2sf) =	vpush v6, $0xD  }
0x2a6: {  	[tilespmem:s17], [sflag:$0x1] =	stream.linear.gather [hbm4b:s16+s9], $0x80, $0x38;
	[tilespmem:$0x17E00] =	vst v63  }
0x2a7: {  	s16 =	sadd.s32 s6, s18;
	s17 =	sand.u32 $0x1FFFFFF0, s20;
	s18 =	spop (v2sf);
	(v2sf) =	vpush v6, $0xE  }
0x2a8: {  	[tilespmem:s15], [sflag:$0x1] =	stream.linear.gather [hbm4b:s16+s9], $0x80, $0x38;
	[tilespmem:$0x17E00] =	vst v63  }
0x2a9: {  	s15 =	sadd.s32 s6, s19  }
.Ltmp4:
0x2aa: {  	s16 =	sand.u32 $0x1FFFFFF0, s18;
	s18 =	spop (v2sf);
	(v2sf) =	vpush v6, $0xF;
	(pc) =	sbr.rel @p0 .LBB2_11-.Ltmp4, $4  }
0x2ab: {  	[tilespmem:s14], [sflag:$0x1] =	stream.linear.gather [hbm4b:s15+s9], $0x80, $0x38;
	[tilespmem:$0x17E00] =	vst v63  }
0x2ac: {  	s16 =	sadd.s32 s6, s16;
	s14 =	sadd.s32 s6, s17;
	s15 =	sand.u32 $0x1FFFFFF0, s18;
	(v2sf) =	vpush v4, $0x0  }
0x2ad: {  	[tilespmem:s12], [sflag:$0x1] =	stream.linear.gather [hbm4b:s14+s9], $0x80, $0x38;
	[tilespmem:$0x17E00] =	vst v63  }
0x2ae: {  	s14 =	sadd.s32 $0x1800, s0;
	s12 =	sadd.s32 $0x1880, s0;
	s17 =	spop (v2sf);
	(v2sf) =	vpush v4, $0x1  }
0x2af: {  	s1 =	sadd.s32 $0x1680, s0;
	s2 =	sadd.s32 $0x1780, s0;
	s18 =	spop (v2sf)  }
0x2b0: {  	[tilespmem:s11], [sflag:$0x1] =	stream.linear.gather [hbm4b:s16+s9], $0x80, $0x38;
	(v2sf) =	vpush v4, $0x2;
	[tilespmem:$0x17E00] =	vst v63  }
0x2b1: {  	s19 =	sadd.s32 s6, s15;
	s20 =	sand.u32 $0x1FFFFFF0, s17;
	s22 =	sadd.s32 $0x1700, s0  }
0x2b2: {  	(v2sf) =	vpush v4, $0x3;
	[tilespmem:s1], [sflag:$0x1] =	stream.linear.gather [hbm4b:s19+s9], $0x80, $0x38;
	[tilespmem:$0x17E00] =	vst v63  }
0x2b3: {  	s21 =	sand.u32 $0x1FFFFFF0, s18;
	s23 =	sadd.s32 s6, s20;
	s24 =	spop (v2sf)  }
0x2b4: {  	[tilespmem:s22], [sflag:$0x1] =	stream.linear.gather [hbm4b:s23+s9], $0x80, $0x38;
	[tilespmem:$0x17E00] =	vst v63  }
0x2b5: {  	s25 =	sadd.s32 s6, s21;
	s26 =	sand.u32 $0x1FFFFFF0, s24;
	s28 =	spop (v2sf)  }
0x2b6: {  	[tilespmem:s2], [sflag:$0x1] =	stream.linear.gather [hbm4b:s25+s9], $0x80, $0x38;
	[tilespmem:$0x17E00] =	vst v63  }
0x2b7: {  	s29 =	sadd.s32 s6, s26;
	s30 =	sand.u32 $0x1FFFFFF0, s28;
	s31 =	spop (v2sf)  }
0x2b8: {  	[tilespmem:s14], [sflag:$0x1] =	stream.linear.gather [hbm4b:s29+s9], $0x80, $0x38;
	[tilespmem:$0x17E00] =	vst v63  }
0x2b9: {  	s2 =	sadd.s32 s6, s30;
	s13 =	sand.u32 $0x1FFFFFF0, s31;
	s14 =	spop (v2sf)  }
0x2ba: {  	[tilespmem:s12], [sflag:$0x1] =	stream.linear.gather [hbm4b:s2+s9], $0x80, $0x38;
	[tilespmem:$0x17E00] =	vst v63  }
0x2bb: {  	s15 =	sadd.s32 s6, s13;
	s16 =	sand.u32 $0x1FFFFFF0, s14;
	s17 =	spop (v2sf)  }
0x2bc: {  	[tilespmem:s10], [sflag:$0x1] =	stream.linear.gather [hbm4b:s15+s9], $0x80, $0x38;
	[tilespmem:$0x17E00] =	vst v63  }
0x2bd: {  	s18 =	sadd.s32 s6, s16;
	s19 =	sand.u32 $0x1FFFFFF0, s17;
	s20 =	spop (v2sf)  }
0x2be: {  	[tilespmem:s8], [sflag:$0x1] =	stream.linear.gather [hbm4b:s18+s9], $0x80, $0x38;
	[tilespmem:$0x17E00] =	vst v63  }
0x2bf: {  	s21 =	sadd.s32 s6, s19;
	s22 =	sand.u32 $0x1FFFFFF0, s20;
	s23 =	spop (v2sf)  }
0x2c0: {  	[tilespmem:s5], [sflag:$0x1] =	stream.linear.gather [hbm4b:s21+s9], $0x80, $0x38;
	[tilespmem:$0x17E00] =	vst v63  }
0x2c1: {  	s24 =	sadd.s32 s6, s22;
	s25 =	sand.u32 $0x1FFFFFF0, s23;
	s26 =	spop (v2sf)  }
0x2c2: {  	[tilespmem:s3], [sflag:$0x1] =	stream.linear.gather [hbm4b:s24+s9], $0x80, $0x38;
	[tilespmem:$0x17E00] =	vst v63  }
0x2c3: {  	s28 =	sadd.s32 $0x1B00, s0;
	s2 =	sadd.s32 s6, s25;
	s29 =	sand.u32 $0x1FFFFFF0, s26  }
0x2c4: {  	[tilespmem:s28], [sflag:$0x1] =	stream.linear.gather [hbm4b:s2+s9], $0x80, $0x38;
	[tilespmem:$0x17E00] =	vst v63  }
0x2c5: {  	s30 =	sadd.s32 $0x1B80, s0;
	s0 =	simm.s32 $0x15200;
	s31 =	sadd.s32 s6, s29  }
0x2c6: {  	[tilespmem:s30], [sflag:$0x1] =	stream.linear.gather [hbm4b:s31+s9], $0x80, $0x38;
	[tilespmem:$0x17E00] =	vst v63  }
0x2c7: {  	v4 =	vld [tilespmem:s0+$0x0];
	_ =	sdelay $0x4  }
0x2c8: {  	v4 =	vshll.u32 v4, $0x4  }
0x2c9: {  	(v2sf) =	vpush v4, $0x1  }
0x2ca: {  	(v2sf) =	vpush v4, $0x0  }
0x2cb: {  	(v2sf) =	vpush v4, $0x2;
	_ =	sdelay $0x2  }
0x2cc: {  	(v2sf) =	vpush v4, $0x3;
	_ =	sdelay $0x1  }
0x2cd: {  	(v2sf) =	vpush v4, $0x4;
	_ =	sdelay $0x6  }
0x2ce: {  	s1 =	simm.s32 $0xA00;
	s5 =	simm.s32 $0x15600  }
0x2cf: {  	s3 =	simm.s32 $0x15680;
	s2 =	simm.s32 $0x0;
	s8 =	spop (v2sf)  }
.LBB2_13:
0x2d0: {  	p0 =	sne.s32 s1, $0x4600;
	s0 =	sadd.s32 $0x80, s0;
	s9 =	spop (v2sf)  }
0x2d1: {  	s10 =	sadd.s32 $0x15800, s2;
	s9 =	sand.u32 $0x1FFFFFF0, s9;
	s11 =	spop (v2sf)  }
0x2d2: {  	s8 =	sand.u32 $0x1FFFFFF0, s8;
	s9 =	sadd.s32 s7, s9;
	s11 =	sand.u32 $0x1FFFFFF0, s11  }
0x2d3: {  	[tilespmem:s5], [sflag:$0x1] =	stream.linear.gather [hbm4b:s9+s4], $0x80, $0x38;
	[tilespmem:$0x17E00] =	vst v63  }
0x2d4: {  	s5 =	sadd.s32 s7, s8;
	s8 =	sadd.s32 s7, s11;
	s9 =	spop (v2sf)  }
0x2d5: {  	[tilespmem:s3], [sflag:$0x1] =	stream.linear.gather [hbm4b:s5+s4], $0x80, $0x38;
	[tilespmem:$0x17E00] =	vst v63  }
0x2d6: {  	s3 =	sadd.s32 $0x15700, s2;
	s5 =	sand.u32 $0x1FFFFFF0, s9;
	s9 =	spop (v2sf)  }
0x2d7: {  	[tilespmem:s3], [sflag:$0x1] =	stream.linear.gather [hbm4b:s8+s4], $0x80, $0x38;
	[tilespmem:$0x17E00] =	vst v63  }
0x2d8: {  	s2 =	sadd.s32 $0x15780, s2;
	s3 =	sadd.s32 s7, s5;
	s5 =	sand.u32 $0x1FFFFFF0, s9  }
0x2d9: {  	[tilespmem:s2], [sflag:$0x1] =	stream.linear.gather [hbm4b:s3+s4], $0x80, $0x38;
	[tilespmem:$0x17E00] =	vst v63  }
0x2da: {  	s2 =	sadd.s32 s7, s5;
	s3 =	smov.u32 s1;
	s1 =	sadd.s32 $0xA00, s1  }
0x2db: {  	[tilespmem:s10], [sflag:$0x1] =	stream.linear.gather [hbm4b:s2+s4], $0x80, $0x38;
	[tilespmem:$0x17E00] =	vst v63  }
0x2dc: {  	v4 =	vld [tilespmem:s0+$0x0];
	_ =	sdelay $0x4  }
0x2dd: {  	v4 =	vshll.u32 v4, $0x4  }
0x2de: {  	(v2sf) =	vpush v4, $0x1  }
0x2df: {  	(v2sf) =	vpush v4, $0x0  }
0x2e0: {  	(v2sf) =	vpush v4, $0x2;
	_ =	sdelay $0x2  }
0x2e1: {  	(v2sf) =	vpush v4, $0x3  }
0x2e2: {  	s2 =	sshra.s32 s3, $0x2  }
0x2e3: {  	(v2sf) =	vpush v4, $0x4  }
0x2e4: {  	s5 =	sadd.s32 $0x15600, s2;
	s3 =	sadd.s32 $0x15680, s2;
	_ =	sdelay $0x2  }
.Ltmp5:
0x2e5: {  	(pc) =	sbr.rel @p0 .LBB2_13-.Ltmp5, $2  }
0x2e6: {  	_ =	sdelay $0x2  }
0x2e7: {  	s8 =	spop (v2sf)  }
0x2e8: {  	s0 =	spop (v2sf)  }
0x2e9: {  	s8 =	sand.u32 $0x1FFFFFF0, s8;
	s0 =	sand.u32 $0x1FFFFFF0, s0  }
0x2ea: {  	s20 =	sadd.s32 $0x15700, s2;
	s1 =	spop (v2sf);
	s0 =	sadd.s32 s7, s0  }
0x2eb: {  	[tilespmem:s5], [sflag:$0x1] =	stream.linear.gather [hbm4b:s0+s4], $0x80, $0x38;
	[tilespmem:$0x17E00] =	vst v63  }
0x2ec: {  	s18 =	sadd.s32 s7, s8;
	s1 =	sand.u32 $0x1FFFFFF0, s1;
	s19 =	spop (v2sf)  }
0x2ed: {  	[tilespmem:s3], [sflag:$0x1] =	stream.linear.gather [hbm4b:s18+s4], $0x80, $0x38;
	[tilespmem:$0x17E00] =	vst v63  }
0x2ee: {  	s1 =	sadd.s32 s7, s1;
	s21 =	sand.u32 $0x1FFFFFF0, s19;
	s22 =	spop (v2sf)  }
0x2ef: {  	[tilespmem:s20], [sflag:$0x1] =	stream.linear.gather [hbm4b:s1+s4], $0x80, $0x38;
	[tilespmem:$0x17E00] =	vst v63  }
0x2f0: {  	s23 =	sadd.s32 $0x15780, s2;
	s24 =	sadd.s32 s7, s21;
	s25 =	sand.u32 $0x1FFFFFF0, s22  }
0x2f1: {  	[tilespmem:s23], [sflag:$0x1] =	stream.linear.gather [hbm4b:s24+s4], $0x80, $0x38;
	[tilespmem:$0x17E00] =	vst v63  }
0x2f2: {  	s26 =	sadd.s32 $0x15800, s2;
	s29 =	simm.s32 $0x1;
	s28 =	sadd.s32 s7, s25  }
0x2f3: {  	[tilespmem:s26], [sflag:$0x1] =	stream.linear.gather [hbm4b:s28+s4], $0x80, $0x38;
	[tilespmem:$0x17E00] =	vst v63  }
0x2f4: {  	_ =	swait.ge [sflag:s29], $0x5000  }
0x2f5: {  	[sflag:s29] =	ssyncset.done $0x0  }
0x2f6: {  	[sflag:s29] =	ssyncadd.s32 $0xFFFFB000  }
0x2f7: {  	_ =	swait.ge [sflag:s29], $0x1400  }
0x2f8: {  	s30 =	simm.s32 $0x0;
	[sflag:s29] =	ssyncset.done $0x0  }
0x2f9: {  	s31 =	simm.s32 $0x1220;
	s0 =	simm.s32 $0xB230;
	[sflag:s29] =	ssyncadd.s32 $0xFFFFEC00  }
.LBB2_15:
0x2fa: {  	s5 =	smul.u32 $0x280, s30;
	_ =	sdelay $0x1  }
0x2fb: {  	v9 =	vld [tilespmem:s5+$0x15600]  }
0x2fc: {  	v10 =	vld [tilespmem:s5+$0x15610]  }
0x2fd: {  	v8 =	vld [tilespmem:s5+$0x15620]  }
0x2fe: {  	v12 =	vld [tilespmem:s5+$0x15630]  }
0x2ff: {  	v13 =	vld [tilespmem:s5+$0x15680]  }
0x300: {  	v19 =	vmov s31;
	v15 =	vld [tilespmem:s5+$0x15690]  }
0x301: {  	v11 =	vld [tilespmem:s5+$0x156A0]  }
0x302: {  	v18 =	vld [tilespmem:s5+$0x15700]  }
0x303: {  	v14 =	vld [tilespmem:s5+$0x15780]  }
0x304: {  	s1 =	simm.s32 $0x0;
	v7 =	vld [tilespmem:s5+$0x157A0]  }
0x305: {  	v5 =	vld.idx.msk [tilespmem:v19+s1+$0x0 ss:$0x1], $0xffff  }
0x306: {  	v6 =	vld.idx.msk [tilespmem:v19+s1+$0xFFFFFFE0 ss:$0x1], $0xffff  }
0x307: {  	v4 =	vld.idx.msk [tilespmem:v19+s1+$0xFFFFFFF0 ss:$0x1], $0xffff  }
0x308: {  	v20 =	vld [tilespmem:s5+$0x15710]  }
0x309: {  	v17 =	vld [tilespmem:s5+$0x15790]  }
0x30a: {  	v16 =	vld [tilespmem:s5+$0x15720]  }
0x30b: {  	[tilespmem:$0x1FEF0] =	vst v7;
	v25 =	vmul.f32 v5, v11;
	v26 =	vmul.f32 v5, v7;
	v7 =	vld.idx.msk [tilespmem:v19+s1+$0x10 ss:$0x1], $0xffff  }
0x30c: {  	v23 =	vld [tilespmem:s5+$0x156B0];
	v27 =	vmul.f32 v6, v9;
	v30 =	vmul.f32 v4, v10  }
0x30d: {  	v36 =	vld [tilespmem:s5+$0x15730];
	v31 =	vmul.f32 v4, v15;
	v32 =	vmul.f32 v6, v13  }
0x30e: {  	[tilespmem:$0x1FF10] =	vst v8;
	v28 =	vmul.f32 v5, v8;
	v29 =	vmul.f32 v6, v14;
	v8 =	vld [tilespmem:s5+$0x157B0];
	v27 =	vadd.f32 v30, v27  }
0x30f: {  	v33 =	vmul.f32 v6, v18;
	v30 =	vmul.f32 v4, v17;
	v31 =	vadd.f32 v31, v32  }
0x310: {  	v37 =	vmul.f32 v4, v20;
	v27 =	vadd.f32 v28, v27;
	v28 =	vmul.f32 v7, v12  }
0x311: {  	v34 =	vmul.f32 v5, v16;
	v29 =	vadd.f32 v30, v29;
	v25 =	vadd.f32 v25, v31  }
0x312: {  	v31 =	vadd.f32 v37, v33;
	v30 =	vmul.f32 v7, v23;
	v27 =	vadd.f32 v28, v27  }
0x313: {  	v38 =	vmul.f32 v7, v8;
	v26 =	vadd.f32 v26, v29;
	v28 =	vmul.f32 v7, v36  }
0x314: {  	v29 =	vadd.f32 v30, v25;
	v25 =	vadd.f32 v34, v31;
	v30 =	vperm.xlane v27, v0  }
0x315: {  	v40 =	vld [tilespmem:s5+$0x15800];
	v31 =	vadd.f32 v38, v26  }
0x316: {  	[tilespmem:$0x1FF60] =	vst v8;
	v8 =	vld [tilespmem:s5+$0x15810];
	v39 =	vperm.xlane v29, v0;
	v28 =	vadd.f32 v28, v25;
	v30 =	vadd.f32 v27, v30  }
0x317: {  	v27 =	vperm.xlane v31, v0  }
0x318: {  	v29 =	vadd.f32 v39, v29;
	v41 =	vperm.xlane v28, v0;
	v42 =	vperm.xlane v30, v1  }
0x319: {  	v31 =	vadd.f32 v27, v31;
	v27 =	vld [tilespmem:s5+$0x15820]  }
0x31a: {  	v43 =	vperm.xlane v29, v1;
	v32 =	vadd.f32 v41, v28;
	v28 =	vld [tilespmem:s5+$0x15830];
	v30 =	vadd.f32 v30, v42  }
0x31b: {  	[tilespmem:$0x1FF70] =	vst v36;
	v35 =	vmul.f32 v6, v40;
	v36 =	vmul.f32 v4, v8  }
0x31c: {  	v29 =	vadd.f32 v43, v29;
	v37 =	vperm.xlane v30, v2  }
0x31d: {  	v47 =	vadd.f32 v36, v35  }
0x31e: {  	v46 =	vperm.xlane v29, v2;
	v49 =	vmul.f32 v5, v27;
	v30 =	vadd.f32 v30, v37  }
0x31f: {  	v44 =	vperm.xlane v31, v1;
	v51 =	vmul.f32 v7, v28  }
0x320: {  	v29 =	vadd.f32 v46, v29;
	v34 =	vadd.f32 v49, v47;
	v38 =	vperm.xlane v30, v3  }
0x321: {  	v45 =	vperm.xlane v32, v1;
	v31 =	vadd.f32 v44, v31  }
0x322: {  	v52 =	vperm.xlane v29, v3;
	v34 =	vadd.f32 v51, v34;
	v30 =	vadd.f32 v30, v38  }
0x323: {  	v32 =	vadd.f32 v45, v32;
	v48 =	vperm.xlane v31, v2  }
0x324: {  	v29 =	vadd.f32 v52, v29;
	(v2sf) =	vpush v30, $0x0;
	v30 =	vperm.xlane v34, v0  }
0x325: {  	v50 =	vperm.xlane v32, v2;
	v31 =	vadd.f32 v48, v31  }
0x326: {  	(v2sf) =	vpush v29, $0x0;
	v29 =	vadd.f32 v30, v34  }
0x327: {  	v32 =	vadd.f32 v50, v32;
	v53 =	vperm.xlane v31, v3  }
0x328: {  	v30 =	vperm.xlane v29, v1  }
0x329: {  	v54 =	vperm.xlane v32, v3;
	v31 =	vadd.f32 v53, v31  }
0x32a: {  	v29 =	vadd.f32 v30, v29  }
0x32b: {  	v32 =	vadd.f32 v54, v32;
	(v2sf) =	vpush v31, $0x0  }
0x32c: {  	v30 =	vperm.xlane v29, v2  }
0x32d: {  	(v2sf) =	vpush v32, $0x0  }
0x32e: {  	v29 =	vadd.f32 v30, v29;
	_ =	sdelay $0x1  }
0x32f: {  	v30 =	vperm.xlane v29, v3;
	_ =	sdelay $0x1  }
0x330: {  	v29 =	vadd.f32 v30, v29;
	_ =	sdelay $0x1  }
0x331: {  	s2 =	spop (v2sf);
	(v2sf) =	vpush v29, $0x0;
	_ =	sdelay $0x3  }
0x332: {  	s3 =	spop (v2sf)  }
0x333: {  	s2 =	smax.f32 s2, $-6.000000000e+00;
	s3 =	smax.f32 s3, $-6.000000000e+00  }
0x334: {  	s8 =	spop (v2sf);
	s2 =	smin.f32 s2, $6.000000000e+00  }
0x335: {  	s3 =	smin.f32 s3, $6.000000000e+00;
	s2 =	sadd.f32 $6.010000230e+00, s2  }
0x336: {  	s9 =	spop (v2sf);
	s3 =	sadd.f32 $6.010000230e+00, s3  }
0x337: {  	[tilespmem:$0x1FEE0] =	vst v11;
	s9 =	smax.f32 s9, $-6.000000000e+00;
	s2 =	smul.f32 $1.000000000e+02, s2  }
0x338: {  	[tilespmem:$0x1FF00] =	vst v9;
	s9 =	smin.f32 s9, $6.000000000e+00;
	s3 =	smul.f32 $1.000000000e+02, s3  }
0x339: {  	[tilespmem:$0x1FF20] =	vst v14;
	s9 =	sadd.f32 $6.010000230e+00, s9;
	s2 =	scvt.f32.s32 s2  }
0x33a: {  	[tilespmem:$0x1FF30] =	vst v17;
	s3 =	scvt.f32.s32 s3  }
0x33b: {  	s21 =	sor.u32 $0x10, s5;
	[tilespmem:$0x1FF40] =	vst v16;
	s9 =	smul.f32 $1.000000000e+02, s9;
	v51 =	vld.msk [tilespmem:s2+$0x500 ss:$0x0], $0xffff  }
0x33c: {  	s22 =	sor.u32 $0x20, s5;
	s15 =	sor.u32 $0x30, s5;
	[tilespmem:$0x1FF80] =	vst v40;
	v40 =	vimm.f32 $0.0e+00;
	v33 =	vimm.f32 $0.0e+00;
	v35 =	vmov s0;
	s23 =	smax.f32 s8, $-6.000000000e+00;
	v57 =	vld.msk [tilespmem:s3+$0x500 ss:$0x0], $0xffff  }
0x33d: {  	s17 =	sadd.s32 $0x80, s5;
	[tilespmem:$0x1FF50] =	vst v23;
	v36 =	vimm.f32 $0.0e+00;
	v41 =	vimm.f32 $0.0e+00;
	v43 =	vimm.f32 $0.0e+00;
	s9 =	scvt.f32.s32 s9;
	s24 =	spop (v2sf)  }
0x33e: {  	s19 =	sadd.s32 $0x90, s5;
	[tilespmem:$0x1FFA0] =	vst v13;
	v42 =	vimm.f32 $0.0e+00;
	v45 =	vimm.f32 $0.0e+00;
	v44 =	vimm.f32 $0.0e+00;
	s3 =	smin.f32 s23, $6.000000000e+00;
	s8 =	smax.f32 s24, $-6.000000000e+00  }
0x33f: {  	s18 =	sadd.s32 $0xA0, s5;
	[tilespmem:$0x1FFB0] =	vst v18;
	v46 =	vimm.f32 $0.0e+00;
	v37 =	vimm.f32 $0.0e+00;
	v49 =	vimm.f32 $0.0e+00;
	s3 =	sadd.f32 $6.010000230e+00, s3;
	v50 =	vld.msk [tilespmem:s9+$0x500 ss:$0x0], $0xffff;
	s8 =	smin.f32 s8, $6.000000000e+00  }
0x340: {  	s20 =	sadd.s32 $0x100, s5;
	s12 =	sadd.s32 $0x130, s5;
	[tilespmem:$0x1FFC0] =	vst v15;
	v47 =	vimm.f32 $0.0e+00;
	v63 =	vmul.f32 v51, v10;
	v62 =	vmul.f32 v51, v12;
	s8 =	sadd.f32 $6.010000230e+00, s8  }
0x341: {  	s26 =	sadd.s32 $0x180, s5;
	s28 =	sadd.s32 $0x1A0, s5;
	[tilespmem:$0x1FFD0] =	vst v20;
	v48 =	vimm.f32 $0.0e+00;
	s25 =	smul.f32 $1.000000000e+02, s3;
	v58 =	vmul.f32 v57, v13;
	v30 =	vmul.f32 v57, v7  }
0x342: {  	s11 =	sadd.s32 $0x200, s5;
	[dreg:$0x11] =	wrdreg s21;
	[tilespmem:$0x1FFE0] =	vst v10;
	v34 =	vimm.f32 $0.0e+00;
	v31 =	vmul.f32 v57, v5;
	v60 =	vmul.f32 v57, v15;
	s10 =	smul.f32 $1.000000000e+02, s8  }
0x343: {  	s29 =	sadd.s32 $0x210, s5;
	[dreg:$0x12] =	wrdreg s22;
	[tilespmem:$0x1FFF0] =	vst v12;
	v29 =	vimm.f32 $0.0e+00;
	v55 =	vmul.f32 v57, v6;
	v59 =	vmul.f32 v57, v4;
	s16 =	scvt.f32.s32 s25  }
0x344: {  	s21 =	sadd.s32 $0x120, s5;
	s22 =	sadd.s32 $0x220, s5;
	v14 =	vmovc v2;
	v56 =	vmul.f32 v50, v18;
	v32 =	vadd.f32 v31, v29;
	v61 =	vmul.f32 v50, v20;
	s25 =	scvt.f32.s32 s10  }
0x345: {  	s9 =	sadd.s32 $0x1B0, s5;
	s3 =	sadd.s32 $0x110, s5;
	v12 =	vmovc v0;
	v38 =	vadd.f32 v55, v29;
	v52 =	vmul.f32 v50, v7;
	s24 =	sadd.s32 $0xB0, s5;
	v39 =	vadd.f32 v30, v29;
	v55 =	vld.msk [tilespmem:s16+$0x500 ss:$0x0], $0xffff  }
0x346: {  	[tilespmem:$0x1FF90] =	vst v8;
	v13 =	vmovc v1;
	v15 =	vmovc v3;
	v53 =	vmul.f32 v50, v5;
	v31 =	vimm.f32 $0.0e+00;
	v30 =	vimm.f32 $0.0e+00;
	s16 =	simm.s32 $0x200;
	s8 =	sadd.s32 $0x190, s5;
	s10 =	sadd.s32 $0x230, s5;
	v54 =	vld.msk [tilespmem:s25+$0x500 ss:$0x0], $0xffff  }
.LBB2_16:
0x347: {  	v26 =	vld [tilespmem:$0x1FF50]  }
0x348: {  	v20 =	vld [tilespmem:$0x1FEE0]  }
0x349: {  	v24 =	vld [tilespmem:$0x1FF30]  }
0x34a: {  	v25 =	vld [tilespmem:$0x1FF70]  }
0x34b: {  	v18 =	vld [tilespmem:$0x1FF00]  }
0x34c: {  	v22 =	vld [tilespmem:$0x1FF60]  }
0x34d: {  	v17 =	vld [tilespmem:$0x1FF10];
	v11 =	vmul.f32 v57, v26  }
0x34e: {  	v60 =	vadd.f32 v60, v63  }
0x34f: {  	v29 =	vadd.f32 v59, v29;
	v63 =	vmul.f32 v50, v25;
	v62 =	vadd.f32 v11, v62  }
0x350: {  	v21 =	vld [tilespmem:$0x1FF20];
	v60 =	vadd.f32 v61, v60;
	v61 =	vmul.f32 v55, v4;
	v23 =	vmul.f32 v55, v24  }
0x351: {  	v16 =	vld [tilespmem:$0x1FEF0];
	v57 =	vmul.f32 v57, v20;
	v62 =	vadd.f32 v63, v62;
	v63 =	vmul.f32 v55, v22  }
0x352: {  	v3 =	vmul.f32 v51, v18;
	v10 =	vmul.f32 v51, v17;
	v60 =	vadd.f32 v23, v60;
	v23 =	vld [tilespmem:$0x1FF40]  }
0x353: {  	v33 =	vadd.f32 v61, v33;
	v61 =	vmul.f32 v54, v28;
	v62 =	vadd.f32 v63, v62  }
0x354: {  	v2 =	vmul.f32 v55, v6;
	v9 =	vmul.f32 v55, v5;
	v3 =	vadd.f32 v58, v3;
	v63 =	vld [tilespmem:$0x1FF80]  }
0x355: {  	v59 =	vmul.f32 v55, v21;
	v10 =	vadd.f32 v57, v10;
	v57 =	vadd.f32 v61, v62;
	v62 =	vld [tilespmem:$0x1FF90]  }
0x356: {  	v58 =	vmul.f32 v55, v16;
	v55 =	vmul.f32 v55, v7  }
0x357: {  	v3 =	vadd.f32 v56, v3;
	v8 =	vmul.f32 v50, v23  }
0x358: {  	v1 =	vmul.f32 v51, v5;
	v5 =	vmul.f32 v54, v5;
	v31 =	vadd.f32 v55, v31  }
0x359: {  	v3 =	vadd.f32 v59, v3;
	v8 =	vadd.f32 v8, v10;
	v55 =	vmul.f32 v54, v63  }
0x35a: {  	v34 =	vadd.f32 v9, v34;
	v30 =	vadd.f32 v5, v30;
	v9 =	vmul.f32 v54, v62  }
0x35b: {  	v5 =	vmul.f32 v54, v27;
	v8 =	vadd.f32 v58, v8;
	v3 =	vadd.f32 v55, v3  }
0x35c: {  	v60 =	vadd.f32 v9, v60  }
0x35d: {  	v59 =	vadd.f32 v5, v8;
	[tilespmem:v35+s1+$0xFFFFFFD0 ss:$0x1] =	vst.idx.msk $0xffff, v3  }
0x35e: {  	[tilespmem:v35+s1+$0xFFFFFFE0 ss:$0x1] =	vst.idx.msk $0xffff, v60  }
0x35f: {  	s25 =	smov.u32 s16;
	[tilespmem:v35+s1+$0xFFFFFFF0 ss:$0x1] =	vst.idx.msk $0xffff, v59  }
0x360: {  	v0 =	vmul.f32 v51, v6;
	[tilespmem:v35+s1+$0x0 ss:$0x1] =	vst.idx.msk $0xffff, v57;
	s1 =	sshra.s32 s25, $0x2  }
0x361: {  	v56 =	vmul.f32 v54, v6;
	v6 =	vmul.f32 v50, v6;
	v5 =	vld.idx.msk [tilespmem:v19+s1+$0x0 ss:$0x1], $0xffff  }
0x362: {  	v11 =	vmul.f32 v51, v4  }
0x363: {  	v44 =	vadd.f32 v6, v44;
	v10 =	vmul.f32 v54, v7;
	v7 =	vmul.f32 v51, v7;
	v6 =	vld.idx.msk [tilespmem:v19+s1+$0xFFFFFFE0 ss:$0x1], $0xffff  }
0x364: {  	v61 =	vmul.f32 v54, v4;
	v60 =	vmul.f32 v50, v4;
	v4 =	vld.idx.msk [tilespmem:v19+s1+$0xFFFFFFF0 ss:$0x1], $0xffff  }
0x365: {  	v45 =	vadd.f32 v7, v45;
	v7 =	vld.idx.msk [tilespmem:v19+s1+$0x10 ss:$0x1], $0xffff  }
0x366: {  	v49 =	vadd.f32 v0, v49;
	v0 =	vmul.f32 v5, v20;
	v20 =	vld [tilespmem:$0x1FFC0]  }
0x367: {  	v43 =	vadd.f32 v1, v43;
	v1 =	vmul.f32 v5, v16;
	v16 =	vld [tilespmem:$0x1FFE0]  }
0x368: {  	v36 =	vadd.f32 v61, v36;
	v61 =	vmul.f32 v6, v18;
	v18 =	vld [tilespmem:$0x1FFA0]  }
0x369: {  	v9 =	vmul.f32 v6, v21;
	v21 =	vld [tilespmem:$0x1FFB0]  }
0x36a: {  	v48 =	vadd.f32 v60, v48;
	v60 =	vmul.f32 v5, v23;
	v23 =	vld [tilespmem:$0x1FFD0]  }
0x36b: {  	v3 =	vmul.f32 v6, v63;
	v8 =	vmul.f32 v5, v17;
	v17 =	vld [tilespmem:$0x1FFF0]  }
0x36c: {  	v40 =	vadd.f32 v56, v40;
	v56 =	vmul.f32 v4, v62;
	v57 =	vmul.f32 v4, v16  }
0x36d: {  	v41 =	vadd.f32 v2, v41;
	v63 =	vmul.f32 v4, v20;
	v59 =	vmul.f32 v6, v18  }
0x36e: {  	v37 =	vadd.f32 v10, v37;
	v62 =	vmul.f32 v4, v24;
	v2 =	vadd.f32 v57, v61  }
0x36f: {  	v3 =	vadd.f32 v56, v3;
	v58 =	vmul.f32 v6, v21;
	v10 =	vadd.f32 v63, v59  }
0x370: {  	v63 =	vmul.f32 v4, v23;
	v2 =	vadd.f32 v8, v2;
	v8 =	vmul.f32 v7, v17  }
0x371: {  	v9 =	vadd.f32 v62, v9;
	v61 =	vmul.f32 v7, v26;
	v0 =	vadd.f32 v0, v10  }
0x372: {  	v22 =	vmul.f32 v7, v22;
	v57 =	vadd.f32 v63, v58;
	v2 =	vadd.f32 v8, v2  }
0x373: {  	v1 =	vadd.f32 v1, v9;
	v8 =	vmul.f32 v5, v27;
	v0 =	vadd.f32 v61, v0  }
0x374: {  	v58 =	vmul.f32 v7, v25;
	v59 =	vadd.f32 v60, v57;
	v61 =	vperm.xlane v2, v12  }
0x375: {  	v1 =	vadd.f32 v22, v1;
	v3 =	vadd.f32 v8, v3;
	v8 =	vperm.xlane v0, v12  }
0x376: {  	v9 =	vadd.f32 v58, v59;
	v2 =	vadd.f32 v2, v61  }
0x377: {  	v42 =	vadd.f32 v52, v42;
	v62 =	vperm.xlane v1, v12;
	v0 =	vadd.f32 v8, v0  }
0x378: {  	v47 =	vadd.f32 v53, v47;
	v8 =	vperm.xlane v9, v12;
	v63 =	vperm.xlane v2, v13  }
0x379: {  	v1 =	vadd.f32 v62, v1;
	v60 =	vmul.f32 v7, v28;
	v52 =	vperm.xlane v0, v13  }
0x37a: {  	v8 =	vadd.f32 v8, v9;
	v2 =	vadd.f32 v2, v63  }
0x37b: {  	v53 =	vperm.xlane v1, v13;
	v3 =	vadd.f32 v60, v3;
	v0 =	vadd.f32 v52, v0  }
0x37c: {  	v54 =	vperm.xlane v8, v13;
	v55 =	vperm.xlane v2, v14  }
0x37d: {  	v1 =	vadd.f32 v53, v1;
	v22 =	vperm.xlane v3, v12;
	v50 =	vperm.xlane v0, v14  }
0x37e: {  	v8 =	vadd.f32 v54, v8;
	v2 =	vadd.f32 v2, v55  }
0x37f: {  	v57 =	vperm.xlane v1, v14;
	v3 =	vadd.f32 v22, v3;
	v0 =	vadd.f32 v50, v0  }
0x380: {  	v46 =	vadd.f32 v11, v46;
	v58 =	vperm.xlane v8, v14;
	v11 =	vperm.xlane v2, v15  }
0x381: {  	v1 =	vadd.f32 v57, v1;
	v56 =	vperm.xlane v3, v13;
	v50 =	vperm.xlane v0, v15  }
0x382: {  	v8 =	vadd.f32 v58, v8;
	v2 =	vadd.f32 v2, v11  }
0x383: {  	v60 =	vperm.xlane v1, v15;
	v3 =	vadd.f32 v56, v3;
	v0 =	vadd.f32 v50, v0  }
0x384: {  	v61 =	vperm.xlane v8, v15;
	(v2sf) =	vpush v2, $0x0  }
0x385: {  	v1 =	vadd.f32 v60, v1;
	v59 =	vperm.xlane v3, v14;
	(v2sf) =	vpush v0, $0x0  }
0x386: {  	v63 =	vadd.f32 v61, v8  }
0x387: {  	v3 =	vadd.f32 v59, v3;
	(v2sf) =	vpush v1, $0x0  }
0x388: {  	(v2sf) =	vpush v63, $0x0  }
0x389: {  	v62 =	vperm.xlane v3, v15;
	_ =	sdelay $0x1  }
0x38a: {  	v10 =	vadd.f32 v62, v3;
	_ =	sdelay $0x1  }
0x38b: {  	(v2sf) =	vpush v10, $0x0;
	_ =	sdelay $0x5  }
0x38c: {  	s23 =	spop (v2sf)  }
0x38d: {  	s25 =	smax.f32 s23, $-6.000000000e+00;
	s23 =	spop (v2sf)  }
0x38e: {  	s25 =	smin.f32 s25, $6.000000000e+00;
	s23 =	smax.f32 s23, $-6.000000000e+00  }
0x38f: {  	s13 =	spop (v2sf);
	s23 =	smin.f32 s23, $6.000000000e+00  }
0x390: {  	s2 =	spop (v2sf);
	s23 =	sadd.f32 $6.010000230e+00, s23  }
0x391: {  	s25 =	sadd.f32 $6.010000230e+00, s25;
	s2 =	smax.f32 s2, $-6.000000000e+00  }
0x392: {  	s2 =	smin.f32 s2, $6.000000000e+00;
	s23 =	smul.f32 $1.000000000e+02, s23  }
0x393: {  	s13 =	smax.f32 s13, $-6.000000000e+00;
	s2 =	sadd.f32 $6.010000230e+00, s2  }
0x394: {  	s13 =	smin.f32 s13, $6.000000000e+00;
	s23 =	scvt.f32.s32 s23  }
0x395: {  	s14 =	spop (v2sf);
	s2 =	smul.f32 $1.000000000e+02, s2  }
0x396: {  	s14 =	smax.f32 s14, $-6.000000000e+00;
	s25 =	smul.f32 $1.000000000e+02, s25;
	v57 =	vld.msk [tilespmem:s23+$0x500 ss:$0x0], $0xffff  }
0x397: {  	s13 =	sadd.f32 $6.010000230e+00, s13;
	s2 =	scvt.f32.s32 s2  }
0x398: {  	s14 =	smin.f32 s14, $6.000000000e+00;
	s23 =	scvt.f32.s32 s25  }
0x399: {  	s25 =	sadd.f32 $6.010000230e+00, s14;
	v50 =	vld.msk [tilespmem:s2+$0x500 ss:$0x0], $0xffff  }
0x39a: {  	s13 =	smul.f32 $1.000000000e+02, s13;
	v51 =	vld.msk [tilespmem:s23+$0x500 ss:$0x0], $0xffff  }
0x39b: {  	p0 =	sne.s32 s16, $0x2600;
	s2 =	smul.f32 $1.000000000e+02, s25;
	v58 =	vmul.f32 v57, v18;
	v11 =	vmul.f32 v57, v7  }
.Ltmp6:
0x39c: {  	v22 =	vmul.f32 v57, v5;
	v60 =	vmul.f32 v57, v20;
	(pc) =	sbr.rel @p0 .LBB2_16-.Ltmp6, $4  }
0x39d: {  	s13 =	scvt.f32.s32 s13;
	v54 =	vmul.f32 v57, v6;
	v59 =	vmul.f32 v57, v4  }
0x39e: {  	s2 =	scvt.f32.s32 s2;
	v56 =	vmul.f32 v50, v21;
	v32 =	vadd.f32 v22, v32;
	v61 =	vmul.f32 v50, v23  }
0x39f: {  	v55 =	vld.msk [tilespmem:s13+$0x500 ss:$0x0], $0xffff;
	v63 =	vmul.f32 v51, v16;
	v38 =	vadd.f32 v54, v38;
	v52 =	vmul.f32 v50, v7  }
0x3a0: {  	s16 =	sadd.s32 $0x200, s16;
	v54 =	vld.msk [tilespmem:s2+$0x500 ss:$0x0], $0xffff;
	v62 =	vmul.f32 v51, v17;
	v39 =	vadd.f32 v11, v39;
	v53 =	vmul.f32 v50, v5  }
0x3a1: {  	v0 =	vld [tilespmem:$0x1FF00]  }
0x3a2: {  	v2 =	vld [tilespmem:$0x1FF50]  }
0x3a3: {  	v3 =	vld [tilespmem:$0x1FF20]  }
0x3a4: {  	v8 =	vld [tilespmem:$0x1FEE0]  }
0x3a5: {  	v9 =	vld [tilespmem:$0x1FF10]  }
0x3a6: {  	v10 =	vld [tilespmem:$0x1FF30];
	v0 =	vmul.f32 v51, v0  }
0x3a7: {  	v11 =	vld [tilespmem:$0x1FF40]  }
0x3a8: {  	v25 =	vld [tilespmem:$0x1FF70];
	v0 =	vadd.f32 v58, v0  }
0x3a9: {  	v26 =	vld [tilespmem:$0x1FEF0]  }
0x3aa: {  	v16 =	vld [tilespmem:$0x1FF80];
	v3 =	vmul.f32 v55, v3;
	v0 =	vadd.f32 v56, v0  }
0x3ab: {  	v1 =	vadd.f32 v60, v63;
	v56 =	vld [tilespmem:$0x1FF90]  }
0x3ac: {  	v8 =	vmul.f32 v57, v8;
	v9 =	vmul.f32 v51, v9;
	v0 =	vadd.f32 v3, v0;
	v3 =	vld [tilespmem:$0x1FF60]  }
0x3ad: {  	v1 =	vadd.f32 v61, v1;
	v2 =	vmul.f32 v57, v2  }
0x3ae: {  	v10 =	vmul.f32 v55, v10;
	v11 =	vmul.f32 v50, v11;
	v8 =	vadd.f32 v8, v9  }
0x3af: {  	v17 =	vmul.f32 v54, v16;
	v2 =	vadd.f32 v2, v62;
	v9 =	vmul.f32 v50, v25  }
0x3b0: {  	v1 =	vadd.f32 v10, v1;
	v10 =	vmul.f32 v55, v26;
	v8 =	vadd.f32 v11, v8  }
0x3b1: {  	v2 =	vadd.f32 v9, v2;
	v9 =	vmul.f32 v54, v56;
	v3 =	vmul.f32 v55, v3  }
0x3b2: {  	v57 =	vmul.f32 v54, v27;
	v8 =	vadd.f32 v10, v8;
	v0 =	vadd.f32 v17, v0  }
0x3b3: {  	v1 =	vadd.f32 v9, v1;
	v2 =	vadd.f32 v3, v2;
	v3 =	vmul.f32 v54, v28  }
0x3b4: {  	v58 =	vmul.f32 v51, v6;
	[tilespmem:v35+s1+$0xFFFFFFD0 ss:$0x1] =	vst.idx.msk $0xffff, v0;
	v0 =	vadd.f32 v57, v8  }
0x3b5: {  	[tilespmem:v35+s1+$0xFFFFFFE0 ss:$0x1] =	vst.idx.msk $0xffff, v1;
	v2 =	vadd.f32 v3, v2  }
0x3b6: {  	v60 =	vmul.f32 v51, v4;
	[tilespmem:v35+s1+$0xFFFFFFF0 ss:$0x1] =	vst.idx.msk $0xffff, v0;
	v3 =	vadd.f32 v58, v49  }
0x3b7: {  	v1 =	vmul.f32 v51, v5;
	[tilespmem:v35+s1+$0x0 ss:$0x1] =	vst.idx.msk $0xffff, v2  }
0x3b8: {  	v61 =	vmul.f32 v51, v7;
	v0 =	vadd.f32 v60, v46;
	[tilespmem:s5+$0x16A00] =	vst v3  }
0x3b9: {  	s23 =	rddreg [dreg:$0x11];
	v1 =	vadd.f32 v1, v43;
	[tilespmem:s17+$0x16A00] =	vst v38  }
0x3ba: {  	s25 =	rddreg [dreg:$0x12];
	v2 =	vadd.f32 v61, v45;
	[tilespmem:s23+$0x16A00] =	vst v0  }
0x3bb: {  	v0 =	vadd.f32 v59, v29;
	[tilespmem:s25+$0x16A00] =	vst v1  }
0x3bc: {  	v1 =	vmul.f32 v50, v6;
	[tilespmem:s15+$0x16A00] =	vst v2  }
0x3bd: {  	v2 =	vmul.f32 v50, v4;
	[tilespmem:s19+$0x16A00] =	vst v0  }
0x3be: {  	v0 =	vadd.f32 v1, v44;
	[tilespmem:s18+$0x16A00] =	vst v32  }
0x3bf: {  	v1 =	vadd.f32 v2, v48;
	[tilespmem:s24+$0x16A00] =	vst v39;
	v2 =	vmul.f32 v55, v6  }
0x3c0: {  	v3 =	vadd.f32 v53, v47;
	[tilespmem:s20+$0x16A00] =	vst v0;
	v0 =	vmul.f32 v55, v4  }
0x3c1: {  	[tilespmem:s3+$0x16A00] =	vst v1;
	v1 =	vmul.f32 v55, v5;
	v2 =	vadd.f32 v2, v41  }
0x3c2: {  	[tilespmem:s21+$0x16A00] =	vst v3;
	v0 =	vadd.f32 v0, v33;
	v3 =	vmul.f32 v55, v7  }
0x3c3: {  	v63 =	vmul.f32 v54, v6;
	v1 =	vadd.f32 v1, v34;
	[tilespmem:s26+$0x16A00] =	vst v2  }
0x3c4: {  	v62 =	vadd.f32 v52, v42;
	v2 =	vadd.f32 v3, v31;
	v3 =	vmul.f32 v54, v4;
	[tilespmem:s8+$0x16A00] =	vst v0  }
0x3c5: {  	s30 =	sadd.s32 $0x1, s30;
	v0 =	vmul.f32 v54, v5;
	[tilespmem:s28+$0x16A00] =	vst v1;
	v1 =	vmul.f32 v54, v7  }
0x3c6: {  	p0 =	sne.s32 s30, $0x8;
	[tilespmem:s12+$0x16A00] =	vst v62;
	v4 =	vadd.f32 v63, v40;
	v3 =	vadd.f32 v3, v36  }
.Ltmp7:
0x3c7: {  	[tilespmem:s9+$0x16A00] =	vst v2;
	v0 =	vadd.f32 v0, v30;
	v1 =	vadd.f32 v1, v37;
	(pc) =	sbr.rel @p0 .LBB2_15-.Ltmp7, $4  }
0x3c8: {  	[tilespmem:s11+$0x16A00] =	vst v4  }
0x3c9: {  	[tilespmem:s29+$0x16A00] =	vst v3  }
0x3ca: {  	[tilespmem:s22+$0x16A00] =	vst v0  }
0x3cb: {  	s31 =	sadd.s32 $0xA00, s31;
	s0 =	sadd.s32 $0xA00, s0;
	v2 =	vmovc v14;
	[tilespmem:s10+$0x16A00] =	vst v1;
	v0 =	vmov v12;
	v3 =	vmov v15;
	v1 =	vmov v13  }
0x3cc: {  	s1 =	rddreg [dreg:$0x10]  }
0x3cd: {  	s0 =	smul.u32 $0xA00, s1  }
0x3ce: {  	s26 =	rddreg [dreg:$0x8];
	s1 =	smul.u32 $0x280, s1  }
0x3cf: {  	s2 =	simm.s32 $0xB200;
	s25 =	rddreg [dreg:$0xf]  }
0x3d0: {  	s0 =	sshrl.u32 s0, $0x3;
	s23 =	sshrl.u32 s1, $0x3;
	s1 =	sadd.s32 $0x1, s25  }
0x3d1: {  	s24 =	simm.s32 $0x16A00;
	s0 =	sadd.s32 s26, s0;
	p0 =	sne.s32 s1, $0x10  }
.Ltmp8:
0x3d2: {  	s28 =	simm.s32 $0x400;
	s0 =	sadd.s32 $0x280000, s0;
	(pc) =	sbr.rel @p0 .LBB2_10-.Ltmp8, $4  }
0x3d3: {  	[hbm4b:s0+s4] =	stream.linear.scatter [tilespmem:s2], [sflag:$0x3], $0x5000, $0x38;
	[tilespmem:$0x17E00] =	vst v63  }
0x3d4: {  	s29 =	simm.s32 $0xA00;
	s30 =	simm.s32 $0xA80;
	s0 =	sadd.s32 s26, s23  }
0x3d5: {  	s31 =	simm.s32 $0xB00;
	s18 =	simm.s32 $0x0;
	s0 =	sadd.s32 $0x3C0000, s0  }
0x3d6: {  	[hbm4b:s0+s4] =	stream.linear.scatter [tilespmem:s24], [sflag:$0x3], $0x1400, $0x38;
	[tilespmem:$0x17E00] =	vst v63  }
0x3d7: {  	s1 =	simm.s32 $0x3  }
0x3d8: {  	_ =	swait.ge [sflag:s1], $0x5000  }
0x3d9: {  	[sflag:s1] =	ssyncset.done $0x0  }
0x3da: {  	[sflag:s1] =	ssyncadd.s32 $0xFFFFB000  }
0x3db: {  	_ =	swait.ge [sflag:s1], $0x1400  }
0x3dc: {  	s2 =	rddreg [dreg:$0xe]  }
0x3dd: {  	s0 =	rddreg [dreg:$0xd];
	s2 =	sadd.s32 $0x1, s2  }
0x3de: {  	p0 =	sne.s32 s2, s0  }
.Ltmp9:
0x3df: {  	_ = 	snop;
	(pc) =	sbr.rel @p0 .LBB2_1-.Ltmp9, $3  }
0x3e0: {  	_ =	sdelay $0x1  }
0x3e1: {  	[sflag:s1] =	ssyncset.done $0x0  }
0x3e2: {  	[sflag:s1] =	ssyncadd.s32 $0xFFFFEC00  }
0x3e3: {  	_ =	sfence.sel $0x180000  }
0x3e4: {  	[bflag:$0x0] =	sbarrier.arrive $0xFFFF  }
0x3e5: {  	_ =	strace $0x90000047  }
0x3e6: {  	s0 =	stileid.u32;
	[bflag:$0x2] =	sbarrier.arrive $0xFFFF  }
0x3e7: {  	p0 =	sne.s32 s0, $0x0;
	s0 =	rddreg [dreg:$0x4]  }
0x3e8: {  	s0 =	sadd.s32 @!p0 $0x100000, s0  }
0x3e9: {  	[sflag:s0] =	ssyncadd.tile.s32 @!p0 $0x1;
	_ =	shalt  }
.Lfunc_end2:
_tile_overlayer_lowered:
.L_overlay_start_2:
0x3ea: {  	(tag) =	ssettag $0x2  }
0x3eb: {  	s0 =	rddreg [dreg:$0x0];
	s2 =	stileid.u32  }
0x3ec: {  	s1 =	rddreg [dreg:$0x1];
	p0 =	sne.s32 s2, $0x0  }
0x3ed: {  	s3 =	rddreg [dreg:$0x2];
	[bflag:$0x3] =	sbarrier.arrive $0xFFFF;
	s2 =	simm.s32 @!p0 $0x1C04  }
0x3ee: {  	[timem:s3], [sflag:s2] =	dma.local @!p0 [hbm:s0], s1  }
0x3ef: {  	s0 =	simm.s32 @!p0 $0x4  }
0x3f0: {  	_ =	swait.ge @!p0 [sflag:s0], s1  }
0x3f1: {  	s1 =	ssub.s32 @!p0 $0x0, s1;
	[sflag:s0] =	ssyncset.done @!p0 $0x0  }
0x3f2: {  	[sflag:s0] =	ssyncadd.s32 @!p0 s1  }
0x3f3: {  	[bflag:$0x3] =	sbarrier.arrive $0xFFFF  }
0x3f4: {  	_ =	shalt  }

</sc_bundles>
